<compile_context>
chip_gen: v7x
topology: tpu7x:2x2x1
jax: 0.10.2.dev20260603
libtpu: 0.0.44.dev20260713+nightly
codegen_flags: <defaults>
</compile_context>

<pallas_src>
import functools

import jax
import jax.numpy as jnp
from jax import lax
from jax.experimental import pallas as pl
from jax.experimental.pallas import tpu as pltpu
from jax.experimental.pallas import tpu_sc as plsc

IMAGE_C = 3
IMAGE_H = 32
IMAGE_W = 32
D_MODEL = 1024

_L = 16
_NCHUNK = D_MODEL // _L
_BLOCK = IMAGE_W * IMAGE_C
_NQ = 6
_QROWS = _BLOCK // _NQ
_NBUF = 3
_RWIN = 16
_T_OUT = 1 + IMAGE_H * IMAGE_W * IMAGE_C


def _quarter_groups(q):
    groups = {}
    for j in range(_QROWS * q, _QROWS * (q + 1)):
        if j == 0:
            continue
        c, k = divmod(j - 1, 3)
        groups.setdefault(c, []).append((j - _QROWS * q, k))
    return groups


def _make_sc_kernel():
    mesh = plsc.VectorSubcoreMesh(core_axis_name="c", subcore_axis_name="s")
    nc = 2

    @functools.partial(
        pl.kernel,
        mesh=mesh,
        out_type=jax.ShapeDtypeStruct((_T_OUT, D_MODEL), jnp.float32),
        scratch_types=[
            pltpu.VMEM((_RWIN, D_MODEL), jnp.float32),
            pltpu.VMEM((IMAGE_W, D_MODEL), jnp.float32),
            pltpu.VMEM((IMAGE_C, D_MODEL), jnp.float32),
            pltpu.VMEM((IMAGE_C, D_MODEL), jnp.float32),
            pltpu.VMEM((1, D_MODEL), jnp.float32),
            pltpu.VMEM((_NBUF, _QROWS, D_MODEL), jnp.float32),
            pltpu.SemaphoreType.DMA,
            [pltpu.SemaphoreType.DMA] * _NBUF,
        ],
    )
    def sc_kernel(row_hbm, col_hbm, chn_hbm, out_hbm,
                  rowt_v, col_v, chn_v, rk_v, last_v, out_v,
                  sem_s, sems_o):
        wid = lax.axis_index("s") * nc + lax.axis_index("c")
        w = wid
        wprev = lax.max(w - 1, 0)
        base = (wprev // 8) * 8
        lw = w - base
        lwprev = wprev - base
        is_first = w == 0

        h1 = pltpu.make_async_copy(row_hbm.at[pl.ds(base, _RWIN)], rowt_v, sem_s)
        h2 = pltpu.make_async_copy(chn_hbm, chn_v, sem_s)
        h3 = pltpu.make_async_copy(col_hbm, col_v, sem_s)
        h1.start()
        h2.start()
        h3.start()
        h1.wait()
        h2.wait()

        @plsc.parallel_loop(0, _NCHUNK, unroll=4)
        def _(i):
            sl = pl.ds(i * _L, _L)
            rv = rowt_v[lw, sl]
            for k in range(IMAGE_C):
                rk_v[k, sl] = chn_v[k, sl] + rv

        h3.wait()

        zeros = jnp.zeros((_L,), jnp.float32)
        handles = [None] * _NBUF
        for q in range(_NQ):
            b = q % _NBUF
            if handles[b] is not None:
                handles[b].wait()
            groups = _quarter_groups(q)

            @plsc.parallel_loop(0, _NCHUNK, unroll=4)
            def _(i, b=b, q=q, groups=groups):
                sl = pl.ds(i * _L, _L)
                rk = [rk_v[0, sl], rk_v[1, sl], rk_v[2, sl]]
                if q == 0:
                    tail = rowt_v[lwprev, sl] + col_v[IMAGE_W - 1, sl]
                    tail = tail + chn_v[IMAGE_C - 1, sl]
                    out_v[b, 0, sl] = jnp.where(is_first, zeros, tail)
                for c, rows in groups.items():
                    cv = col_v[c, sl]
                    for lj, k in rows:
                        out_v[b, lj, sl] = cv + rk[k]
            handles[b] = pltpu.make_async_copy(
                out_v.at[b],
                out_hbm.at[pl.ds(w * _BLOCK + q * _QROWS, _QROWS)],
                sems_o[b],
            )
            handles[b].start()

        @pl.when(wid == IMAGE_H - 1)
        def _():
            @plsc.parallel_loop(0, _NCHUNK, unroll=4)
            def _(i):
                sl = pl.ds(i * _L, _L)
                last_v[0, sl] = col_v[IMAGE_W - 1, sl] + rk_v[IMAGE_C - 1, sl]

            pltpu.sync_copy(last_v, out_hbm.at[pl.ds(_T_OUT - 1, 1)])

        for h in handles:
            if h is not None:
                h.wait()

    return sc_kernel


def kernel(T, row_w, col_w, chn_w):
    return _make_sc_kernel()(row_w, col_w, chn_w)

# --- scband reference (transcript-rebuilt; emitter-appended) ---
"""Pipeline reference for scband-image2-dpositional-3917010173980 (READ-ONLY COPY).

The authoritative reference and input builder live on the scoring server;
editing this copy changes nothing except your own understanding.
"""

import jax, jax.numpy as jnp
import numpy as np

IMAGE_C = 3
IMAGE_H = 32
IMAGE_W = 32
D_MODEL = 1024


def setup_inputs(seed: int = 0) -> dict:
    key = jax.random.key(seed)
    k1, k2, k3 = jax.random.split(key, 3)
    row_w = jax.random.normal(k1, (IMAGE_H, D_MODEL), dtype=jnp.float32)
    col_w = jax.random.normal(k2, (IMAGE_W, D_MODEL), dtype=jnp.float32)
    chn_w = jax.random.normal(k3, (IMAGE_C, D_MODEL), dtype=jnp.float32)
    T = 3073  # scalar python int: SOS + 32*32*3 image tokens
    return {"T": T, "row_w": row_w, "col_w": col_w, "chn_w": chn_w}


def reference(T, row_w, col_w, chn_w):
    # t=0 is SOS, t>=1 are image tokens at positions p=t-1
    T_static = 1 + IMAGE_H * IMAGE_W * IMAGE_C
    t = jnp.arange(T_static) + (T - T_static)
    p = jnp.maximum(t - 1, 0)
    rows = jnp.minimum(p // (IMAGE_W * IMAGE_C), IMAGE_H - 1)
    cols = jnp.minimum((p // IMAGE_C) % IMAGE_W, IMAGE_W - 1)
    chns = jnp.minimum(p % IMAGE_C, IMAGE_C - 1)
    pe = (jnp.take(row_w, rows, axis=0)
          + jnp.take(col_w, cols, axis=0)
          + jnp.take(chn_w, chns, axis=0))
    pe = pe.at[0, :].set(0.0)
    return pe

if __name__ == "__main__":
    import jax
    _d = setup_inputs()
    print(jax.jit(kernel)(*tuple(_d.values())))

</pallas_src>

<mosaic_0001>
#map = affine_map<(d0, d1) -> (0, 0)>
module attributes {stable_mosaic.version = 14 : i64} {
  func.func @sc_kernel(%arg0: i32, %arg1: i32, %arg2: memref<32x1024xf32, #tpu.memory_space<hbm>>, %arg3: memref<32x1024xf32, #tpu.memory_space<hbm>>, %arg4: memref<3x1024xf32, #tpu.memory_space<hbm>>, %arg5: memref<3073x1024xf32, #tpu.memory_space<hbm>>, %arg6: memref<16x1024xf32, #tpu.memory_space<vmem>>, %arg7: memref<32x1024xf32, #tpu.memory_space<vmem>>, %arg8: memref<3x1024xf32, #tpu.memory_space<vmem>>, %arg9: memref<3x1024xf32, #tpu.memory_space<vmem>>, %arg10: memref<1x1024xf32, #tpu.memory_space<vmem>>, %arg11: memref<3x16x1024xf32, #tpu.memory_space<vmem>>, %arg12: memref<!tpu.dma_semaphore, #tpu.memory_space<semaphore_mem>>, %arg13: memref<!tpu.dma_semaphore, #tpu.memory_space<semaphore_mem>>, %arg14: memref<!tpu.dma_semaphore, #tpu.memory_space<semaphore_mem>>, %arg15: memref<!tpu.dma_semaphore, #tpu.memory_space<semaphore_mem>>) attributes {dimension_semantics = [#tpu.dimension_semantics<core_parallel>, #tpu.dimension_semantics<subcore_parallel>], iteration_bounds = array<i64: 2, 16>, scalar_prefetch = 0 : i64, scratch_operands = 10 : i64, tpu.core_type = #tpu.core_type<sc_vector_subcore>, window_params = [{transform_indices = #map}, {transform_indices = #map}, {transform_indices = #map}, {transform_indices = #map}]} {
    %mul3A = arith.constant 2 : i32
    %mul3A_0 = arith.muli %arg1, %mul3A : i32
    %add3A = arith.addi %mul3A_0, %arg0 : i32
    %sub3A = arith.constant 1 : i32
    %sub3A_1 = arith.subi %add3A, %sub3A : i32
    %max3A = arith.constant 0 : i32
    %max3A_2 = arith.maxsi %sub3A_1, %max3A : i32
    %jit3A = arith.constant 8 : i32
    %div3A = arith.divsi %max3A_2, %jit3A : i32
    %sign3A = arith.constant 0 : i32
    %sign3A_3 = arith.cmpi sgt, %max3A_2, %sign3A : i32
    %sign3A_4 = arith.extui %sign3A_3 : i1 to i32
    %sign3A_5 = arith.constant 0 : i32
    %sign3A_6 = arith.cmpi slt, %max3A_2, %sign3A_5 : i32
    %sign3A_7 = arith.extui %sign3A_6 : i1 to i32
    %sign3A_8 = arith.subi %sign3A_4, %sign3A_7 : i32
    %sign3A_9 = arith.constant 0 : i32
    %sign3A_10 = arith.cmpi sgt, %jit3A, %sign3A_9 : i32
    %sign3A_11 = arith.extui %sign3A_10 : i1 to i32
    %sign3A_12 = arith.constant 0 : i32
    %sign3A_13 = arith.cmpi slt, %jit3A, %sign3A_12 : i32
    %sign3A_14 = arith.extui %sign3A_13 : i1 to i32
    %sign3A_15 = arith.subi %sign3A_11, %sign3A_14 : i32
    %ne3A = arith.cmpi ne, %sign3A_8, %sign3A_15 : i32
    %rem3A = arith.remsi %max3A_2, %jit3A : i32
    %ne3A_16 = arith.constant 0 : i32
    %ne3A_17 = arith.cmpi ne, %rem3A, %ne3A_16 : i32
    %and3A = arith.andi %ne3A, %ne3A_17 : i1
    %sub3A_18 = arith.constant 1 : i32
    %sub3A_19 = arith.subi %div3A, %sub3A_18 : i32
    %select_n3A = arith.select %and3A, %sub3A_19, %div3A : i32
    %mul3A_20 = arith.constant 8 : i32
    %mul3A_21 = arith.muli %select_n3A, %mul3A_20 : i32
    %sub3A_22 = arith.subi %add3A, %mul3A_21 : i32
    %sub3A_23 = arith.subi %max3A_2, %mul3A_21 : i32
    %eq3A = arith.constant 0 : i32
    %eq3A_24 = arith.cmpi eq, %add3A, %eq3A : i32
    %dma_start3A = arith.constant 0 : i32
    %dma_start3A_25 = tpu.memref_slice %arg2[%mul3A_21, %dma_start3A] : memref<32x1024xf32, #tpu.memory_space<hbm>> -> memref<16x1024xf32, #tpu.memory_space<hbm>>
    %dma_start3A_26 = arith.constant 0 : i32
    %dma_start3A_27 = tpu.memref_slice %arg2[%mul3A_21, %dma_start3A_26] : memref<32x1024xf32, #tpu.memory_space<hbm>> -> memref<16x1024xf32, #tpu.memory_space<hbm>>
    tpu.enqueue_dma source(%dma_start3A_27 : memref<16x1024xf32, #tpu.memory_space<hbm>>) target(%arg6 : memref<16x1024xf32, #tpu.memory_space<vmem>>) target_semaphore(%arg12 : memref<!tpu.dma_semaphore, #tpu.memory_space<semaphore_mem>>)
    tpu.enqueue_dma source(%arg4 : memref<3x1024xf32, #tpu.memory_space<hbm>>) target(%arg8 : memref<3x1024xf32, #tpu.memory_space<vmem>>) target_semaphore(%arg12 : memref<!tpu.dma_semaphore, #tpu.memory_space<semaphore_mem>>)
    tpu.enqueue_dma source(%arg3 : memref<32x1024xf32, #tpu.memory_space<hbm>>) target(%arg7 : memref<32x1024xf32, #tpu.memory_space<vmem>>) target_semaphore(%arg12 : memref<!tpu.dma_semaphore, #tpu.memory_space<semaphore_mem>>)
    %dma_wait3A = arith.constant 0 : i32
    %dma_wait3A_28 = tpu.memref_slice %arg2[%mul3A_21, %dma_wait3A] : memref<32x1024xf32, #tpu.memory_space<hbm>> -> memref<16x1024xf32, #tpu.memory_space<hbm>>
    %dma_wait3A_29 = arith.constant 0 : i32
    %dma_wait3A_30 = tpu.memref_slice %arg2[%mul3A_21, %dma_wait3A_29] : memref<32x1024xf32, #tpu.memory_space<hbm>> -> memref<16x1024xf32, #tpu.memory_space<hbm>>
    tpu.wait_dma2 semaphore(%arg12 : memref<!tpu.dma_semaphore, #tpu.memory_space<semaphore_mem>>) src(%dma_wait3A_30 : memref<16x1024xf32, #tpu.memory_space<hbm>>) dst(%arg6 : memref<16x1024xf32, #tpu.memory_space<vmem>>)
    tpu.wait_dma2 semaphore(%arg12 : memref<!tpu.dma_semaphore, #tpu.memory_space<semaphore_mem>>) src(%arg4 : memref<3x1024xf32, #tpu.memory_space<hbm>>) dst(%arg8 : memref<3x1024xf32, #tpu.memory_space<vmem>>)
    %parallel_loop3A = arith.constant 0 : i32
    %parallel_loop3A_31 = arith.constant 64 : i32
    %parallel_loop3A_32 = arith.constant 1 : i32
    scf.for %parallel_loop3A_235 = %parallel_loop3A to %parallel_loop3A_31 step %parallel_loop3A_32  : i32 {
      %parallel_loop3A_236 = arith.constant 16 : i32
      %parallel_loop3A_237 = arith.muli %parallel_loop3A_235, %parallel_loop3A_236 : i32
      %parallel_loop3A_238 = arith.index_cast %sub3A_22 : i32 to index
      %parallel_loop3A_239 = arith.index_cast %parallel_loop3A_237 : i32 to index
      %parallel_loop3A_240 = tpu.vector_load %arg6[%parallel_loop3A_238, %parallel_loop3A_239] {strides = array<i32>} : memref<16x1024xf32, #tpu.memory_space<vmem>>, vector<1x16xf32>,
      %parallel_loop3A_241 = vector.shape_cast %parallel_loop3A_240 : vector<1x16xf32> to vector<16xf32>
      %parallel_loop3A_242 = arith.constant 0 : i32
      %parallel_loop3A_243 = arith.index_cast %parallel_loop3A_242 : i32 to index
      %parallel_loop3A_244 = arith.index_cast %parallel_loop3A_237 : i32 to index
      %parallel_loop3A_245 = tpu.vector_load %arg8[%parallel_loop3A_243, %parallel_loop3A_244] {strides = array<i32>} : memref<3x1024xf32, #tpu.memory_space<vmem>>, vector<1x16xf32>,
      %parallel_loop3A_246 = vector.shape_cast %parallel_loop3A_245 : vector<1x16xf32> to vector<16xf32>
      %parallel_loop3A_247 = arith.addf %parallel_loop3A_246, %parallel_loop3A_241 : vector<16xf32>
      %parallel_loop3A_248 = arith.constant 0 : i32
      %parallel_loop3A_249 = arith.index_cast %parallel_loop3A_248 : i32 to index
      %parallel_loop3A_250 = arith.index_cast %parallel_loop3A_237 : i32 to index
      %parallel_loop3A_251 = tpu.vector_load %arg9[%parallel_loop3A_249, %parallel_loop3A_250] {strides = array<i32>} : memref<3x1024xf32, #tpu.memory_space<vmem>>, vector<1x16xf32>,
      %parallel_loop3A_252 = vector.shape_cast %parallel_loop3A_251 : vector<1x16xf32> to vector<16xf32>
      %parallel_loop3A_253 = vector.shape_cast %parallel_loop3A_247 : vector<16xf32> to vector<1x16xf32>
      tpu.vector_store %arg9[%parallel_loop3A_249, %parallel_loop3A_250], %parallel_loop3A_253 {strides = array<i32>} : memref<3x1024xf32, #tpu.memory_space<vmem>>, vector<1x16xf32>,
      %parallel_loop3A_254 = arith.constant 1 : i32
      %parallel_loop3A_255 = arith.index_cast %parallel_loop3A_254 : i32 to index
      %parallel_loop3A_256 = arith.index_cast %parallel_loop3A_237 : i32 to index
      %parallel_loop3A_257 = tpu.vector_load %arg8[%parallel_loop3A_255, %parallel_loop3A_256] {strides = array<i32>} : memref<3x1024xf32, #tpu.memory_space<vmem>>, vector<1x16xf32>,
      %parallel_loop3A_258 = vector.shape_cast %parallel_loop3A_257 : vector<1x16xf32> to vector<16xf32>
      %parallel_loop3A_259 = arith.addf %parallel_loop3A_258, %parallel_loop3A_241 : vector<16xf32>
      %parallel_loop3A_260 = arith.constant 1 : i32
      %parallel_loop3A_261 = arith.index_cast %parallel_loop3A_260 : i32 to index
      %parallel_loop3A_262 = arith.index_cast %parallel_loop3A_237 : i32 to index
      %parallel_loop3A_263 = tpu.vector_load %arg9[%parallel_loop3A_261, %parallel_loop3A_262] {strides = array<i32>} : memref<3x1024xf32, #tpu.memory_space<vmem>>, vector<1x16xf32>,
      %parallel_loop3A_264 = vector.shape_cast %parallel_loop3A_263 : vector<1x16xf32> to vector<16xf32>
      %parallel_loop3A_265 = vector.shape_cast %parallel_loop3A_259 : vector<16xf32> to vector<1x16xf32>
      tpu.vector_store %arg9[%parallel_loop3A_261, %parallel_loop3A_262], %parallel_loop3A_265 {strides = array<i32>} : memref<3x1024xf32, #tpu.memory_space<vmem>>, vector<1x16xf32>,
      %parallel_loop3A_266 = arith.constant 2 : i32
      %parallel_loop3A_267 = arith.index_cast %parallel_loop3A_266 : i32 to index
      %parallel_loop3A_268 = arith.index_cast %parallel_loop3A_237 : i32 to index
      %parallel_loop3A_269 = tpu.vector_load %arg8[%parallel_loop3A_267, %parallel_loop3A_268] {strides = array<i32>} : memref<3x1024xf32, #tpu.memory_space<vmem>>, vector<1x16xf32>,
      %parallel_loop3A_270 = vector.shape_cast %parallel_loop3A_269 : vector<1x16xf32> to vector<16xf32>
      %parallel_loop3A_271 = arith.addf %parallel_loop3A_270, %parallel_loop3A_241 : vector<16xf32>
      %parallel_loop3A_272 = arith.constant 2 : i32
      %parallel_loop3A_273 = arith.index_cast %parallel_loop3A_272 : i32 to index
      %parallel_loop3A_274 = arith.index_cast %parallel_loop3A_237 : i32 to index
      %parallel_loop3A_275 = tpu.vector_load %arg9[%parallel_loop3A_273, %parallel_loop3A_274] {strides = array<i32>} : memref<3x1024xf32, #tpu.memory_space<vmem>>, vector<1x16xf32>,
      %parallel_loop3A_276 = vector.shape_cast %parallel_loop3A_275 : vector<1x16xf32> to vector<16xf32>
      %parallel_loop3A_277 = vector.shape_cast %parallel_loop3A_271 : vector<16xf32> to vector<1x16xf32>
      tpu.vector_store %arg9[%parallel_loop3A_273, %parallel_loop3A_274], %parallel_loop3A_277 {strides = array<i32>} : memref<3x1024xf32, #tpu.memory_space<vmem>>, vector<1x16xf32>,
    } {sc.loop_unroll_factor = 4 : i64, sc.parallel_access}
    tpu.wait_dma2 semaphore(%arg12 : memref<!tpu.dma_semaphore, #tpu.memory_space<semaphore_mem>>) src(%arg3 : memref<32x1024xf32, #tpu.memory_space<hbm>>) dst(%arg7 : memref<32x1024xf32, #tpu.memory_space<vmem>>)
    %broadcast_in_dim3A = arith.constant 0.000000e+00 : f32
    %broadcast_in_dim3A_33 = vector.broadcast %broadcast_in_dim3A : f32 to vector<16xf32>
    %parallel_loop3A_34 = arith.constant 0 : i32
    %parallel_loop3A_35 = arith.constant 64 : i32
    %parallel_loop3A_36 = arith.constant 1 : i32
    scf.for %parallel_loop3A_235 = %parallel_loop3A_34 to %parallel_loop3A_35 step %parallel_loop3A_36  : i32 {
      %parallel_loop3A_236 = arith.constant 16 : i32
      %parallel_loop3A_237 = arith.muli %parallel_loop3A_235, %parallel_loop3A_236 : i32
      %parallel_loop3A_238 = arith.constant 0 : i32
      %parallel_loop3A_239 = arith.index_cast %parallel_loop3A_238 : i32 to index
      %parallel_loop3A_240 = arith.index_cast %parallel_loop3A_237 : i32 to index
      %parallel_loop3A_241 = tpu.vector_load %arg9[%parallel_loop3A_239, %parallel_loop3A_240] {strides = array<i32>} : memref<3x1024xf32, #tpu.memory_space<vmem>>, vector<1x16xf32>,
      %parallel_loop3A_242 = vector.shape_cast %parallel_loop3A_241 : vector<1x16xf32> to vector<16xf32>
      %parallel_loop3A_243 = arith.constant 1 : i32
      %parallel_loop3A_244 = arith.index_cast %parallel_loop3A_243 : i32 to index
      %parallel_loop3A_245 = arith.index_cast %parallel_loop3A_237 : i32 to index
      %parallel_loop3A_246 = tpu.vector_load %arg9[%parallel_loop3A_244, %parallel_loop3A_245] {strides = array<i32>} : memref<3x1024xf32, #tpu.memory_space<vmem>>, vector<1x16xf32>,
      %parallel_loop3A_247 = vector.shape_cast %parallel_loop3A_246 : vector<1x16xf32> to vector<16xf32>
      %parallel_loop3A_248 = arith.constant 2 : i32
      %parallel_loop3A_249 = arith.index_cast %parallel_loop3A_248 : i32 to index
      %parallel_loop3A_250 = arith.index_cast %parallel_loop3A_237 : i32 to index
      %parallel_loop3A_251 = tpu.vector_load %arg9[%parallel_loop3A_249, %parallel_loop3A_250] {strides = array<i32>} : memref<3x1024xf32, #tpu.memory_space<vmem>>, vector<1x16xf32>,
      %parallel_loop3A_252 = vector.shape_cast %parallel_loop3A_251 : vector<1x16xf32> to vector<16xf32>
      %parallel_loop3A_253 = arith.index_cast %sub3A_23 : i32 to index
      %parallel_loop3A_254 = arith.index_cast %parallel_loop3A_237 : i32 to index
      %parallel_loop3A_255 = tpu.vector_load %arg6[%parallel_loop3A_253, %parallel_loop3A_254] {strides = array<i32>} : memref<16x1024xf32, #tpu.memory_space<vmem>>, vector<1x16xf32>,
      %parallel_loop3A_256 = vector.shape_cast %parallel_loop3A_255 : vector<1x16xf32> to vector<16xf32>
      %parallel_loop3A_257 = arith.constant 31 : i32
      %parallel_loop3A_258 = arith.index_cast %parallel_loop3A_257 : i32 to index
      %parallel_loop3A_259 = arith.index_cast %parallel_loop3A_237 : i32 to index
      %parallel_loop3A_260 = tpu.vector_load %arg7[%parallel_loop3A_258, %parallel_loop3A_259] {strides = array<i32>} : memref<32x1024xf32, #tpu.memory_space<vmem>>, vector<1x16xf32>,
      %parallel_loop3A_261 = vector.shape_cast %parallel_loop3A_260 : vector<1x16xf32> to vector<16xf32>
      %parallel_loop3A_262 = arith.addf %parallel_loop3A_256, %parallel_loop3A_261 : vector<16xf32>
      %parallel_loop3A_263 = arith.constant 2 : i32
      %parallel_loop3A_264 = arith.index_cast %parallel_loop3A_263 : i32 to index
      %parallel_loop3A_265 = arith.index_cast %parallel_loop3A_237 : i32 to index
      %parallel_loop3A_266 = tpu.vector_load %arg8[%parallel_loop3A_264, %parallel_loop3A_265] {strides = array<i32>} : memref<3x1024xf32, #tpu.memory_space<vmem>>, vector<1x16xf32>,
      %parallel_loop3A_267 = vector.shape_cast %parallel_loop3A_266 : vector<1x16xf32> to vector<16xf32>
      %parallel_loop3A_268 = arith.addf %parallel_loop3A_262, %parallel_loop3A_267 : vector<16xf32>
      %parallel_loop3A_269 = arith.select %eq3A_24, %broadcast_in_dim3A_33, %parallel_loop3A_268 : vector<16xf32>
      %parallel_loop3A_270 = arith.constant 0 : i32
      %parallel_loop3A_271 = arith.constant 0 : i32
      %parallel_loop3A_272 = arith.index_cast %parallel_loop3A_270 : i32 to index
      %parallel_loop3A_273 = arith.index_cast %parallel_loop3A_271 : i32 to index
      %parallel_loop3A_274 = arith.index_cast %parallel_loop3A_237 : i32 to index
      %parallel_loop3A_275 = tpu.vector_load %arg11[%parallel_loop3A_272, %parallel_loop3A_273, %parallel_loop3A_274] {strides = array<i32>} : memref<3x16x1024xf32, #tpu.memory_space<vmem>>, vector<1x1x16xf32>,
      %parallel_loop3A_276 = vector.shape_cast %parallel_loop3A_275 : vector<1x1x16xf32> to vector<16xf32>
      %parallel_loop3A_277 = vector.shape_cast %parallel_loop3A_269 : vector<16xf32> to vector<1x1x16xf32>
      tpu.vector_store %arg11[%parallel_loop3A_272, %parallel_loop3A_273, %parallel_loop3A_274], %parallel_loop3A_277 {strides = array<i32>} : memref<3x16x1024xf32, #tpu.memory_space<vmem>>, vector<1x1x16xf32>,
      %parallel_loop3A_278 = arith.constant 0 : i32
      %parallel_loop3A_279 = arith.index_cast %parallel_loop3A_278 : i32 to index
      %parallel_loop3A_280 = arith.index_cast %parallel_loop3A_237 : i32 to index
      %parallel_loop3A_281 = tpu.vector_load %arg7[%parallel_loop3A_279, %parallel_loop3A_280] {strides = array<i32>} : memref<32x1024xf32, #tpu.memory_space<vmem>>, vector<1x16xf32>,
      %parallel_loop3A_282 = vector.shape_cast %parallel_loop3A_281 : vector<1x16xf32> to vector<16xf32>
      %parallel_loop3A_283 = arith.addf %parallel_loop3A_282, %parallel_loop3A_242 : vector<16xf32>
      %parallel_loop3A_284 = arith.constant 0 : i32
      %parallel_loop3A_285 = arith.constant 1 : i32
      %parallel_loop3A_286 = arith.index_cast %parallel_loop3A_284 : i32 to index
      %parallel_loop3A_287 = arith.index_cast %parallel_loop3A_285 : i32 to index
      %parallel_loop3A_288 = arith.index_cast %parallel_loop3A_237 : i32 to index
      %parallel_loop3A_289 = tpu.vector_load %arg11[%parallel_loop3A_286, %parallel_loop3A_287, %parallel_loop3A_288] {strides = array<i32>} : memref<3x16x1024xf32, #tpu.memory_space<vmem>>, vector<1x1x16xf32>,
      %parallel_loop3A_290 = vector.shape_cast %parallel_loop3A_289 : vector<1x1x16xf32> to vector<16xf32>
      %parallel_loop3A_291 = vector.shape_cast %parallel_loop3A_283 : vector<16xf32> to vector<1x1x16xf32>
      tpu.vector_store %arg11[%parallel_loop3A_286, %parallel_loop3A_287, %parallel_loop3A_288], %parallel_loop3A_291 {strides = array<i32>} : memref<3x16x1024xf32, #tpu.memory_space<vmem>>, vector<1x1x16xf32>,
      %parallel_loop3A_292 = arith.addf %parallel_loop3A_282, %parallel_loop3A_247 : vector<16xf32>
      %parallel_loop3A_293 = arith.constant 0 : i32
      %parallel_loop3A_294 = arith.constant 2 : i32
      %parallel_loop3A_295 = arith.index_cast %parallel_loop3A_293 : i32 to index
      %parallel_loop3A_296 = arith.index_cast %parallel_loop3A_294 : i32 to index
      %parallel_loop3A_297 = arith.index_cast %parallel_loop3A_237 : i32 to index
      %parallel_loop3A_298 = tpu.vector_load %arg11[%parallel_loop3A_295, %parallel_loop3A_296, %parallel_loop3A_297] {strides = array<i32>} : memref<3x16x1024xf32, #tpu.memory_space<vmem>>, vector<1x1x16xf32>,
      %parallel_loop3A_299 = vector.shape_cast %parallel_loop3A_298 : vector<1x1x16xf32> to vector<16xf32>
      %parallel_loop3A_300 = vector.shape_cast %parallel_loop3A_292 : vector<16xf32> to vector<1x1x16xf32>
      tpu.vector_store %arg11[%parallel_loop3A_295, %parallel_loop3A_296, %parallel_loop3A_297], %parallel_loop3A_300 {strides = array<i32>} : memref<3x16x1024xf32, #tpu.memory_space<vmem>>, vector<1x1x16xf32>,
      %parallel_loop3A_301 = arith.addf %parallel_loop3A_282, %parallel_loop3A_252 : vector<16xf32>
      %parallel_loop3A_302 = arith.constant 0 : i32
      %parallel_loop3A_303 = arith.constant 3 : i32
      %parallel_loop3A_304 = arith.index_cast %parallel_loop3A_302 : i32 to index
      %parallel_loop3A_305 = arith.index_cast %parallel_loop3A_303 : i32 to index
      %parallel_loop3A_306 = arith.index_cast %parallel_loop3A_237 : i32 to index
      %parallel_loop3A_307 = tpu.vector_load %arg11[%parallel_loop3A_304, %parallel_loop3A_305, %parallel_loop3A_306] {strides = array<i32>} : memref<3x16x1024xf32, #tpu.memory_space<vmem>>, vector<1x1x16xf32>,
      %parallel_loop3A_308 = vector.shape_cast %parallel_loop3A_307 : vector<1x1x16xf32> to vector<16xf32>
      %parallel_loop3A_309 = vector.shape_cast %parallel_loop3A_301 : vector<16xf32> to vector<1x1x16xf32>
      tpu.vector_store %arg11[%parallel_loop3A_304, %parallel_loop3A_305, %parallel_loop3A_306], %parallel_loop3A_309 {strides = array<i32>} : memref<3x16x1024xf32, #tpu.memory_space<vmem>>, vector<1x1x16xf32>,
      %parallel_loop3A_310 = arith.constant 1 : i32
      %parallel_loop3A_311 = arith.index_cast %parallel_loop3A_310 : i32 to index
      %parallel_loop3A_312 = arith.index_cast %parallel_loop3A_237 : i32 to index
      %parallel_loop3A_313 = tpu.vector_load %arg7[%parallel_loop3A_311, %parallel_loop3A_312] {strides = array<i32>} : memref<32x1024xf32, #tpu.memory_space<vmem>>, vector<1x16xf32>,
      %parallel_loop3A_314 = vector.shape_cast %parallel_loop3A_313 : vector<1x16xf32> to vector<16xf32>
      %parallel_loop3A_315 = arith.addf %parallel_loop3A_314, %parallel_loop3A_242 : vector<16xf32>
      %parallel_loop3A_316 = arith.constant 0 : i32
      %parallel_loop3A_317 = arith.constant 4 : i32
      %parallel_loop3A_318 = arith.index_cast %parallel_loop3A_316 : i32 to index
      %parallel_loop3A_319 = arith.index_cast %parallel_loop3A_317 : i32 to index
      %parallel_loop3A_320 = arith.index_cast %parallel_loop3A_237 : i32 to index
      %parallel_loop3A_321 = tpu.vector_load %arg11[%parallel_loop3A_318, %parallel_loop3A_319, %parallel_loop3A_320] {strides = array<i32>} : memref<3x16x1024xf32, #tpu.memory_space<vmem>>, vector<1x1x16xf32>,
      %parallel_loop3A_322 = vector.shape_cast %parallel_loop3A_321 : vector<1x1x16xf32> to vector<16xf32>
      %parallel_loop3A_323 = vector.shape_cast %parallel_loop3A_315 : vector<16xf32> to vector<1x1x16xf32>
      tpu.vector_store %arg11[%parallel_loop3A_318, %parallel_loop3A_319, %parallel_loop3A_320], %parallel_loop3A_323 {strides = array<i32>} : memref<3x16x1024xf32, #tpu.memory_space<vmem>>, vector<1x1x16xf32>,
      %parallel_loop3A_324 = arith.addf %parallel_loop3A_314, %parallel_loop3A_247 : vector<16xf32>
      %parallel_loop3A_325 = arith.constant 0 : i32
      %parallel_loop3A_326 = arith.constant 5 : i32
      %parallel_loop3A_327 = arith.index_cast %parallel_loop3A_325 : i32 to index
      %parallel_loop3A_328 = arith.index_cast %parallel_loop3A_326 : i32 to index
      %parallel_loop3A_329 = arith.index_cast %parallel_loop3A_237 : i32 to index
      %parallel_loop3A_330 = tpu.vector_load %arg11[%parallel_loop3A_327, %parallel_loop3A_328, %parallel_loop3A_329] {strides = array<i32>} : memref<3x16x1024xf32, #tpu.memory_space<vmem>>, vector<1x1x16xf32>,
      %parallel_loop3A_331 = vector.shape_cast %parallel_loop3A_330 : vector<1x1x16xf32> to vector<16xf32>
      %parallel_loop3A_332 = vector.shape_cast %parallel_loop3A_324 : vector<16xf32> to vector<1x1x16xf32>
      tpu.vector_store %arg11[%parallel_loop3A_327, %parallel_loop3A_328, %parallel_loop3A_329], %parallel_loop3A_332 {strides = array<i32>} : memref<3x16x1024xf32, #tpu.memory_space<vmem>>, vector<1x1x16xf32>,
      %parallel_loop3A_333 = arith.addf %parallel_loop3A_314, %parallel_loop3A_252 : vector<16xf32>
      %parallel_loop3A_334 = arith.constant 0 : i32
      %parallel_loop3A_335 = arith.constant 6 : i32
      %parallel_loop3A_336 = arith.index_cast %parallel_loop3A_334 : i32 to index
      %parallel_loop3A_337 = arith.index_cast %parallel_loop3A_335 : i32 to index
      %parallel_loop3A_338 = arith.index_cast %parallel_loop3A_237 : i32 to index
      %parallel_loop3A_339 = tpu.vector_load %arg11[%parallel_loop3A_336, %parallel_loop3A_337, %parallel_loop3A_338] {strides = array<i32>} : memref<3x16x1024xf32, #tpu.memory_space<vmem>>, vector<1x1x16xf32>,
      %parallel_loop3A_340 = vector.shape_cast %parallel_loop3A_339 : vector<1x1x16xf32> to vector<16xf32>
      %parallel_loop3A_341 = vector.shape_cast %parallel_loop3A_333 : vector<16xf32> to vector<1x1x16xf32>
      tpu.vector_store %arg11[%parallel_loop3A_336, %parallel_loop3A_337, %parallel_loop3A_338], %parallel_loop3A_341 {strides = array<i32>} : memref<3x16x1024xf32, #tpu.memory_space<vmem>>, vector<1x1x16xf32>,
      %parallel_loop3A_342 = arith.constant 2 : i32
      %parallel_loop3A_343 = arith.index_cast %parallel_loop3A_342 : i32 to index
      %parallel_loop3A_344 = arith.index_cast %parallel_loop3A_237 : i32 to index
      %parallel_loop3A_345 = tpu.vector_load %arg7[%parallel_loop3A_343, %parallel_loop3A_344] {strides = array<i32>} : memref<32x1024xf32, #tpu.memory_space<vmem>>, vector<1x16xf32>,
      %parallel_loop3A_346 = vector.shape_cast %parallel_loop3A_345 : vector<1x16xf32> to vector<16xf32>
      %parallel_loop3A_347 = arith.addf %parallel_loop3A_346, %parallel_loop3A_242 : vector<16xf32>
      %parallel_loop3A_348 = arith.constant 0 : i32
      %parallel_loop3A_349 = arith.constant 7 : i32
      %parallel_loop3A_350 = arith.index_cast %parallel_loop3A_348 : i32 to index
      %parallel_loop3A_351 = arith.index_cast %parallel_loop3A_349 : i32 to index
      %parallel_loop3A_352 = arith.index_cast %parallel_loop3A_237 : i32 to index
      %parallel_loop3A_353 = tpu.vector_load %arg11[%parallel_loop3A_350, %parallel_loop3A_351, %parallel_loop3A_352] {strides = array<i32>} : memref<3x16x1024xf32, #tpu.memory_space<vmem>>, vector<1x1x16xf32>,
      %parallel_loop3A_354 = vector.shape_cast %parallel_loop3A_353 : vector<1x1x16xf32> to vector<16xf32>
      %parallel_loop3A_355 = vector.shape_cast %parallel_loop3A_347 : vector<16xf32> to vector<1x1x16xf32>
      tpu.vector_store %arg11[%parallel_loop3A_350, %parallel_loop3A_351, %parallel_loop3A_352], %parallel_loop3A_355 {strides = array<i32>} : memref<3x16x1024xf32, #tpu.memory_space<vmem>>, vector<1x1x16xf32>,
      %parallel_loop3A_356 = arith.addf %parallel_loop3A_346, %parallel_loop3A_247 : vector<16xf32>
      %parallel_loop3A_357 = arith.constant 0 : i32
      %parallel_loop3A_358 = arith.constant 8 : i32
      %parallel_loop3A_359 = arith.index_cast %parallel_loop3A_357 : i32 to index
      %parallel_loop3A_360 = arith.index_cast %parallel_loop3A_358 : i32 to index
      %parallel_loop3A_361 = arith.index_cast %parallel_loop3A_237 : i32 to index
      %parallel_loop3A_362 = tpu.vector_load %arg11[%parallel_loop3A_359, %parallel_loop3A_360, %parallel_loop3A_361] {strides = array<i32>} : memref<3x16x1024xf32, #tpu.memory_space<vmem>>, vector<1x1x16xf32>,
      %parallel_loop3A_363 = vector.shape_cast %parallel_loop3A_362 : vector<1x1x16xf32> to vector<16xf32>
      %parallel_loop3A_364 = vector.shape_cast %parallel_loop3A_356 : vector<16xf32> to vector<1x1x16xf32>
      tpu.vector_store %arg11[%parallel_loop3A_359, %parallel_loop3A_360, %parallel_loop3A_361], %parallel_loop3A_364 {strides = array<i32>} : memref<3x16x1024xf32, #tpu.memory_space<vmem>>, vector<1x1x16xf32>,
      %parallel_loop3A_365 = arith.addf %parallel_loop3A_346, %parallel_loop3A_252 : vector<16xf32>
      %parallel_loop3A_366 = arith.constant 0 : i32
      %parallel_loop3A_367 = arith.constant 9 : i32
      %parallel_loop3A_368 = arith.index_cast %parallel_loop3A_366 : i32 to index
      %parallel_loop3A_369 = arith.index_cast %parallel_loop3A_367 : i32 to index
      %parallel_loop3A_370 = arith.index_cast %parallel_loop3A_237 : i32 to index
      %parallel_loop3A_371 = tpu.vector_load %arg11[%parallel_loop3A_368, %parallel_loop3A_369, %parallel_loop3A_370] {strides = array<i32>} : memref<3x16x1024xf32, #tpu.memory_space<vmem>>, vector<1x1x16xf32>,
      %parallel_loop3A_372 = vector.shape_cast %parallel_loop3A_371 : vector<1x1x16xf32> to vector<16xf32>
      %parallel_loop3A_373 = vector.shape_cast %parallel_loop3A_365 : vector<16xf32> to vector<1x1x16xf32>
      tpu.vector_store %arg11[%parallel_loop3A_368, %parallel_loop3A_369, %parallel_loop3A_370], %parallel_loop3A_373 {strides = array<i32>} : memref<3x16x1024xf32, #tpu.memory_space<vmem>>, vector<1x1x16xf32>,
      %parallel_loop3A_374 = arith.constant 3 : i32
      %parallel_loop3A_375 = arith.index_cast %parallel_loop3A_374 : i32 to index
      %parallel_loop3A_376 = arith.index_cast %parallel_loop3A_237 : i32 to index
      %parallel_loop3A_377 = tpu.vector_load %arg7[%parallel_loop3A_375, %parallel_loop3A_376] {strides = array<i32>} : memref<32x1024xf32, #tpu.memory_space<vmem>>, vector<1x16xf32>,
      %parallel_loop3A_378 = vector.shape_cast %parallel_loop3A_377 : vector<1x16xf32> to vector<16xf32>
      %parallel_loop3A_379 = arith.addf %parallel_loop3A_378, %parallel_loop3A_242 : vector<16xf32>
      %parallel_loop3A_380 = arith.constant 0 : i32
      %parallel_loop3A_381 = arith.constant 10 : i32
      %parallel_loop3A_382 = arith.index_cast %parallel_loop3A_380 : i32 to index
      %parallel_loop3A_383 = arith.index_cast %parallel_loop3A_381 : i32 to index
      %parallel_loop3A_384 = arith.index_cast %parallel_loop3A_237 : i32 to index
      %parallel_loop3A_385 = tpu.vector_load %arg11[%parallel_loop3A_382, %parallel_loop3A_383, %parallel_loop3A_384] {strides = array<i32>} : memref<3x16x1024xf32, #tpu.memory_space<vmem>>, vector<1x1x16xf32>,
      %parallel_loop3A_386 = vector.shape_cast %parallel_loop3A_385 : vector<1x1x16xf32> to vector<16xf32>
      %parallel_loop3A_387 = vector.shape_cast %parallel_loop3A_379 : vector<16xf32> to vector<1x1x16xf32>
      tpu.vector_store %arg11[%parallel_loop3A_382, %parallel_loop3A_383, %parallel_loop3A_384], %parallel_loop3A_387 {strides = array<i32>} : memref<3x16x1024xf32, #tpu.memory_space<vmem>>, vector<1x1x16xf32>,
      %parallel_loop3A_388 = arith.addf %parallel_loop3A_378, %parallel_loop3A_247 : vector<16xf32>
      %parallel_loop3A_389 = arith.constant 0 : i32
      %parallel_loop3A_390 = arith.constant 11 : i32
      %parallel_loop3A_391 = arith.index_cast %parallel_loop3A_389 : i32 to index
      %parallel_loop3A_392 = arith.index_cast %parallel_loop3A_390 : i32 to index
      %parallel_loop3A_393 = arith.index_cast %parallel_loop3A_237 : i32 to index
      %parallel_loop3A_394 = tpu.vector_load %arg11[%parallel_loop3A_391, %parallel_loop3A_392, %parallel_loop3A_393] {strides = array<i32>} : memref<3x16x1024xf32, #tpu.memory_space<vmem>>, vector<1x1x16xf32>,
      %parallel_loop3A_395 = vector.shape_cast %parallel_loop3A_394 : vector<1x1x16xf32> to vector<16xf32>
      %parallel_loop3A_396 = vector.shape_cast %parallel_loop3A_388 : vector<16xf32> to vector<1x1x16xf32>
      tpu.vector_store %arg11[%parallel_loop3A_391, %parallel_loop3A_392, %parallel_loop3A_393], %parallel_loop3A_396 {strides = array<i32>} : memref<3x16x1024xf32, #tpu.memory_space<vmem>>, vector<1x1x16xf32>,
      %parallel_loop3A_397 = arith.addf %parallel_loop3A_378, %parallel_loop3A_252 : vector<16xf32>
      %parallel_loop3A_398 = arith.constant 0 : i32
      %parallel_loop3A_399 = arith.constant 12 : i32
      %parallel_loop3A_400 = arith.index_cast %parallel_loop3A_398 : i32 to index
      %parallel_loop3A_401 = arith.index_cast %parallel_loop3A_399 : i32 to index
      %parallel_loop3A_402 = arith.index_cast %parallel_loop3A_237 : i32 to index
      %parallel_loop3A_403 = tpu.vector_load %arg11[%parallel_loop3A_400, %parallel_loop3A_401, %parallel_loop3A_402] {strides = array<i32>} : memref<3x16x1024xf32, #tpu.memory_space<vmem>>, vector<1x1x16xf32>,
      %parallel_loop3A_404 = vector.shape_cast %parallel_loop3A_403 : vector<1x1x16xf32> to vector<16xf32>
      %parallel_loop3A_405 = vector.shape_cast %parallel_loop3A_397 : vector<16xf32> to vector<1x1x16xf32>
      tpu.vector_store %arg11[%parallel_loop3A_400, %parallel_loop3A_401, %parallel_loop3A_402], %parallel_loop3A_405 {strides = array<i32>} : memref<3x16x1024xf32, #tpu.memory_space<vmem>>, vector<1x1x16xf32>,
      %parallel_loop3A_406 = arith.constant 4 : i32
      %parallel_loop3A_407 = arith.index_cast %parallel_loop3A_406 : i32 to index
      %parallel_loop3A_408 = arith.index_cast %parallel_loop3A_237 : i32 to index
      %parallel_loop3A_409 = tpu.vector_load %arg7[%parallel_loop3A_407, %parallel_loop3A_408] {strides = array<i32>} : memref<32x1024xf32, #tpu.memory_space<vmem>>, vector<1x16xf32>,
      %parallel_loop3A_410 = vector.shape_cast %parallel_loop3A_409 : vector<1x16xf32> to vector<16xf32>
      %parallel_loop3A_411 = arith.addf %parallel_loop3A_410, %parallel_loop3A_242 : vector<16xf32>
      %parallel_loop3A_412 = arith.constant 0 : i32
      %parallel_loop3A_413 = arith.constant 13 : i32
      %parallel_loop3A_414 = arith.index_cast %parallel_loop3A_412 : i32 to index
      %parallel_loop3A_415 = arith.index_cast %parallel_loop3A_413 : i32 to index
      %parallel_loop3A_416 = arith.index_cast %parallel_loop3A_237 : i32 to index
      %parallel_loop3A_417 = tpu.vector_load %arg11[%parallel_loop3A_414, %parallel_loop3A_415, %parallel_loop3A_416] {strides = array<i32>} : memref<3x16x1024xf32, #tpu.memory_space<vmem>>, vector<1x1x16xf32>,
      %parallel_loop3A_418 = vector.shape_cast %parallel_loop3A_417 : vector<1x1x16xf32> to vector<16xf32>
      %parallel_loop3A_419 = vector.shape_cast %parallel_loop3A_411 : vector<16xf32> to vector<1x1x16xf32>
      tpu.vector_store %arg11[%parallel_loop3A_414, %parallel_loop3A_415, %parallel_loop3A_416], %parallel_loop3A_419 {strides = array<i32>} : memref<3x16x1024xf32, #tpu.memory_space<vmem>>, vector<1x1x16xf32>,
      %parallel_loop3A_420 = arith.addf %parallel_loop3A_410, %parallel_loop3A_247 : vector<16xf32>
      %parallel_loop3A_421 = arith.constant 0 : i32
      %parallel_loop3A_422 = arith.constant 14 : i32
      %parallel_loop3A_423 = arith.index_cast %parallel_loop3A_421 : i32 to index
      %parallel_loop3A_424 = arith.index_cast %parallel_loop3A_422 : i32 to index
      %parallel_loop3A_425 = arith.index_cast %parallel_loop3A_237 : i32 to index
      %parallel_loop3A_426 = tpu.vector_load %arg11[%parallel_loop3A_423, %parallel_loop3A_424, %parallel_loop3A_425] {strides = array<i32>} : memref<3x16x1024xf32, #tpu.memory_space<vmem>>, vector<1x1x16xf32>,
      %parallel_loop3A_427 = vector.shape_cast %parallel_loop3A_426 : vector<1x1x16xf32> to vector<16xf32>
      %parallel_loop3A_428 = vector.shape_cast %parallel_loop3A_420 : vector<16xf32> to vector<1x1x16xf32>
      tpu.vector_store %arg11[%parallel_loop3A_423, %parallel_loop3A_424, %parallel_loop3A_425], %parallel_loop3A_428 {strides = array<i32>} : memref<3x16x1024xf32, #tpu.memory_space<vmem>>, vector<1x1x16xf32>,
      %parallel_loop3A_429 = arith.addf %parallel_loop3A_410, %parallel_loop3A_252 : vector<16xf32>
      %parallel_loop3A_430 = arith.constant 0 : i32
      %parallel_loop3A_431 = arith.constant 15 : i32
      %parallel_loop3A_432 = arith.index_cast %parallel_loop3A_430 : i32 to index
      %parallel_loop3A_433 = arith.index_cast %parallel_loop3A_431 : i32 to index
      %parallel_loop3A_434 = arith.index_cast %parallel_loop3A_237 : i32 to index
      %parallel_loop3A_435 = tpu.vector_load %arg11[%parallel_loop3A_432, %parallel_loop3A_433, %parallel_loop3A_434] {strides = array<i32>} : memref<3x16x1024xf32, #tpu.memory_space<vmem>>, vector<1x1x16xf32>,
      %parallel_loop3A_436 = vector.shape_cast %parallel_loop3A_435 : vector<1x1x16xf32> to vector<16xf32>
      %parallel_loop3A_437 = vector.shape_cast %parallel_loop3A_429 : vector<16xf32> to vector<1x1x16xf32>
      tpu.vector_store %arg11[%parallel_loop3A_432, %parallel_loop3A_433, %parallel_loop3A_434], %parallel_loop3A_437 {strides = array<i32>} : memref<3x16x1024xf32, #tpu.memory_space<vmem>>, vector<1x1x16xf32>,
    } {sc.loop_unroll_factor = 4 : i64, sc.parallel_access}
    %mul3A_37 = arith.constant 96 : i32
    %mul3A_38 = arith.muli %add3A, %mul3A_37 : i32
    %add3A_39 = arith.constant 0 : i32
    %add3A_40 = arith.addi %mul3A_38, %add3A_39 : i32
    %dma_start3A_41 = arith.constant 0 : i32
    %dma_start3A_42 = arith.constant 0 : i32
    %dma_start3A_43 = arith.constant 0 : i32
    %dma_start3A_44 = tpu.memref_slice %arg11[%dma_start3A_41, %dma_start3A_42, %dma_start3A_43] : memref<3x16x1024xf32, #tpu.memory_space<vmem>> -> memref<1x16x1024xf32, #tpu.memory_space<vmem>>
    %dma_start3A_45 = tpu.memref_squeeze %dma_start3A_44 : memref<1x16x1024xf32, #tpu.memory_space<vmem>> -> memref<16x1024xf32, #tpu.memory_space<vmem>>
    %dma_start3A_46 = arith.constant 0 : i32
    %dma_start3A_47 = tpu.memref_slice %arg5[%add3A_40, %dma_start3A_46] : memref<3073x1024xf32, #tpu.memory_space<hbm>> -> memref<16x1024xf32, #tpu.memory_space<hbm>>
    %dma_start3A_48 = arith.constant 0 : i32
    %dma_start3A_49 = tpu.memref_slice %arg5[%add3A_40, %dma_start3A_48] : memref<3073x1024xf32, #tpu.memory_space<hbm>> -> memref<16x1024xf32, #tpu.memory_space<hbm>>
    %dma_start3A_50 = arith.constant 0 : i32
    %dma_start3A_51 = arith.constant 0 : i32
    %dma_start3A_52 = tpu.memref_slice %arg11[%dma_start3A_41, %dma_start3A_50, %dma_start3A_51] : memref<3x16x1024xf32, #tpu.memory_space<vmem>> -> memref<1x16x1024xf32, #tpu.memory_space<vmem>>
    %dma_start3A_53 = tpu.memref_squeeze %dma_start3A_52 : memref<1x16x1024xf32, #tpu.memory_space<vmem>> -> memref<16x1024xf32, #tpu.memory_space<vmem>>
    tpu.enqueue_dma source(%dma_start3A_53 : memref<16x1024xf32, #tpu.memory_space<vmem>>) target(%dma_start3A_49 : memref<16x1024xf32, #tpu.memory_space<hbm>>) target_semaphore(%arg13 : memref<!tpu.dma_semaphore, #tpu.memory_space<semaphore_mem>>)
    %parallel_loop3A_54 = arith.constant 0 : i32
    %parallel_loop3A_55 = arith.constant 64 : i32
    %parallel_loop3A_56 = arith.constant 1 : i32
    scf.for %parallel_loop3A_235 = %parallel_loop3A_54 to %parallel_loop3A_55 step %parallel_loop3A_56  : i32 {
      %parallel_loop3A_236 = arith.constant 16 : i32
      %parallel_loop3A_237 = arith.muli %parallel_loop3A_235, %parallel_loop3A_236 : i32
      %parallel_loop3A_238 = arith.constant 0 : i32
      %parallel_loop3A_239 = arith.index_cast %parallel_loop3A_238 : i32 to index
      %parallel_loop3A_240 = arith.index_cast %parallel_loop3A_237 : i32 to index
      %parallel_loop3A_241 = tpu.vector_load %arg9[%parallel_loop3A_239, %parallel_loop3A_240] {strides = array<i32>} : memref<3x1024xf32, #tpu.memory_space<vmem>>, vector<1x16xf32>,
      %parallel_loop3A_242 = vector.shape_cast %parallel_loop3A_241 : vector<1x16xf32> to vector<16xf32>
      %parallel_loop3A_243 = arith.constant 1 : i32
      %parallel_loop3A_244 = arith.index_cast %parallel_loop3A_243 : i32 to index
      %parallel_loop3A_245 = arith.index_cast %parallel_loop3A_237 : i32 to index
      %parallel_loop3A_246 = tpu.vector_load %arg9[%parallel_loop3A_244, %parallel_loop3A_245] {strides = array<i32>} : memref<3x1024xf32, #tpu.memory_space<vmem>>, vector<1x16xf32>,
      %parallel_loop3A_247 = vector.shape_cast %parallel_loop3A_246 : vector<1x16xf32> to vector<16xf32>
      %parallel_loop3A_248 = arith.constant 2 : i32
      %parallel_loop3A_249 = arith.index_cast %parallel_loop3A_248 : i32 to index
      %parallel_loop3A_250 = arith.index_cast %parallel_loop3A_237 : i32 to index
      %parallel_loop3A_251 = tpu.vector_load %arg9[%parallel_loop3A_249, %parallel_loop3A_250] {strides = array<i32>} : memref<3x1024xf32, #tpu.memory_space<vmem>>, vector<1x16xf32>,
      %parallel_loop3A_252 = vector.shape_cast %parallel_loop3A_251 : vector<1x16xf32> to vector<16xf32>
      %parallel_loop3A_253 = arith.constant 5 : i32
      %parallel_loop3A_254 = arith.index_cast %parallel_loop3A_253 : i32 to index
      %parallel_loop3A_255 = arith.index_cast %parallel_loop3A_237 : i32 to index
      %parallel_loop3A_256 = tpu.vector_load %arg7[%parallel_loop3A_254, %parallel_loop3A_255] {strides = array<i32>} : memref<32x1024xf32, #tpu.memory_space<vmem>>, vector<1x16xf32>,
      %parallel_loop3A_257 = vector.shape_cast %parallel_loop3A_256 : vector<1x16xf32> to vector<16xf32>
      %parallel_loop3A_258 = arith.addf %parallel_loop3A_257, %parallel_loop3A_242 : vector<16xf32>
      %parallel_loop3A_259 = arith.constant 1 : i32
      %parallel_loop3A_260 = arith.constant 0 : i32
      %parallel_loop3A_261 = arith.index_cast %parallel_loop3A_259 : i32 to index
      %parallel_loop3A_262 = arith.index_cast %parallel_loop3A_260 : i32 to index
      %parallel_loop3A_263 = arith.index_cast %parallel_loop3A_237 : i32 to index
      %parallel_loop3A_264 = tpu.vector_load %arg11[%parallel_loop3A_261, %parallel_loop3A_262, %parallel_loop3A_263] {strides = array<i32>} : memref<3x16x1024xf32, #tpu.memory_space<vmem>>, vector<1x1x16xf32>,
      %parallel_loop3A_265 = vector.shape_cast %parallel_loop3A_264 : vector<1x1x16xf32> to vector<16xf32>
      %parallel_loop3A_266 = vector.shape_cast %parallel_loop3A_258 : vector<16xf32> to vector<1x1x16xf32>
      tpu.vector_store %arg11[%parallel_loop3A_261, %parallel_loop3A_262, %parallel_loop3A_263], %parallel_loop3A_266 {strides = array<i32>} : memref<3x16x1024xf32, #tpu.memory_space<vmem>>, vector<1x1x16xf32>,
      %parallel_loop3A_267 = arith.addf %parallel_loop3A_257, %parallel_loop3A_247 : vector<16xf32>
      %parallel_loop3A_268 = arith.constant 1 : i32
      %parallel_loop3A_269 = arith.constant 1 : i32
      %parallel_loop3A_270 = arith.index_cast %parallel_loop3A_268 : i32 to index
      %parallel_loop3A_271 = arith.index_cast %parallel_loop3A_269 : i32 to index
      %parallel_loop3A_272 = arith.index_cast %parallel_loop3A_237 : i32 to index
      %parallel_loop3A_273 = tpu.vector_load %arg11[%parallel_loop3A_270, %parallel_loop3A_271, %parallel_loop3A_272] {strides = array<i32>} : memref<3x16x1024xf32, #tpu.memory_space<vmem>>, vector<1x1x16xf32>,
      %parallel_loop3A_274 = vector.shape_cast %parallel_loop3A_273 : vector<1x1x16xf32> to vector<16xf32>
      %parallel_loop3A_275 = vector.shape_cast %parallel_loop3A_267 : vector<16xf32> to vector<1x1x16xf32>
      tpu.vector_store %arg11[%parallel_loop3A_270, %parallel_loop3A_271, %parallel_loop3A_272], %parallel_loop3A_275 {strides = array<i32>} : memref<3x16x1024xf32, #tpu.memory_space<vmem>>, vector<1x1x16xf32>,
      %parallel_loop3A_276 = arith.addf %parallel_loop3A_257, %parallel_loop3A_252 : vector<16xf32>
      %parallel_loop3A_277 = arith.constant 1 : i32
      %parallel_loop3A_278 = arith.constant 2 : i32
      %parallel_loop3A_279 = arith.index_cast %parallel_loop3A_277 : i32 to index
      %parallel_loop3A_280 = arith.index_cast %parallel_loop3A_278 : i32 to index
      %parallel_loop3A_281 = arith.index_cast %parallel_loop3A_237 : i32 to index
      %parallel_loop3A_282 = tpu.vector_load %arg11[%parallel_loop3A_279, %parallel_loop3A_280, %parallel_loop3A_281] {strides = array<i32>} : memref<3x16x1024xf32, #tpu.memory_space<vmem>>, vector<1x1x16xf32>,
      %parallel_loop3A_283 = vector.shape_cast %parallel_loop3A_282 : vector<1x1x16xf32> to vector<16xf32>
      %parallel_loop3A_284 = vector.shape_cast %parallel_loop3A_276 : vector<16xf32> to vector<1x1x16xf32>
      tpu.vector_store %arg11[%parallel_loop3A_279, %parallel_loop3A_280, %parallel_loop3A_281], %parallel_loop3A_284 {strides = array<i32>} : memref<3x16x1024xf32, #tpu.memory_space<vmem>>, vector<1x1x16xf32>,
      %parallel_loop3A_285 = arith.constant 6 : i32
      %parallel_loop3A_286 = arith.index_cast %parallel_loop3A_285 : i32 to index
      %parallel_loop3A_287 = arith.index_cast %parallel_loop3A_237 : i32 to index
      %parallel_loop3A_288 = tpu.vector_load %arg7[%parallel_loop3A_286, %parallel_loop3A_287] {strides = array<i32>} : memref<32x1024xf32, #tpu.memory_space<vmem>>, vector<1x16xf32>,
      %parallel_loop3A_289 = vector.shape_cast %parallel_loop3A_288 : vector<1x16xf32> to vector<16xf32>
      %parallel_loop3A_290 = arith.addf %parallel_loop3A_289, %parallel_loop3A_242 : vector<16xf32>
      %parallel_loop3A_291 = arith.constant 1 : i32
      %parallel_loop3A_292 = arith.constant 3 : i32
      %parallel_loop3A_293 = arith.index_cast %parallel_loop3A_291 : i32 to index
      %parallel_loop3A_294 = arith.index_cast %parallel_loop3A_292 : i32 to index
      %parallel_loop3A_295 = arith.index_cast %parallel_loop3A_237 : i32 to index
      %parallel_loop3A_296 = tpu.vector_load %arg11[%parallel_loop3A_293, %parallel_loop3A_294, %parallel_loop3A_295] {strides = array<i32>} : memref<3x16x1024xf32, #tpu.memory_space<vmem>>, vector<1x1x16xf32>,
      %parallel_loop3A_297 = vector.shape_cast %parallel_loop3A_296 : vector<1x1x16xf32> to vector<16xf32>
      %parallel_loop3A_298 = vector.shape_cast %parallel_loop3A_290 : vector<16xf32> to vector<1x1x16xf32>
      tpu.vector_store %arg11[%parallel_loop3A_293, %parallel_loop3A_294, %parallel_loop3A_295], %parallel_loop3A_298 {strides = array<i32>} : memref<3x16x1024xf32, #tpu.memory_space<vmem>>, vector<1x1x16xf32>,
      %parallel_loop3A_299 = arith.addf %parallel_loop3A_289, %parallel_loop3A_247 : vector<16xf32>
      %parallel_loop3A_300 = arith.constant 1 : i32
      %parallel_loop3A_301 = arith.constant 4 : i32
      %parallel_loop3A_302 = arith.index_cast %parallel_loop3A_300 : i32 to index
      %parallel_loop3A_303 = arith.index_cast %parallel_loop3A_301 : i32 to index
      %parallel_loop3A_304 = arith.index_cast %parallel_loop3A_237 : i32 to index
      %parallel_loop3A_305 = tpu.vector_load %arg11[%parallel_loop3A_302, %parallel_loop3A_303, %parallel_loop3A_304] {strides = array<i32>} : memref<3x16x1024xf32, #tpu.memory_space<vmem>>, vector<1x1x16xf32>,
      %parallel_loop3A_306 = vector.shape_cast %parallel_loop3A_305 : vector<1x1x16xf32> to vector<16xf32>
      %parallel_loop3A_307 = vector.shape_cast %parallel_loop3A_299 : vector<16xf32> to vector<1x1x16xf32>
      tpu.vector_store %arg11[%parallel_loop3A_302, %parallel_loop3A_303, %parallel_loop3A_304], %parallel_loop3A_307 {strides = array<i32>} : memref<3x16x1024xf32, #tpu.memory_space<vmem>>, vector<1x1x16xf32>,
      %parallel_loop3A_308 = arith.addf %parallel_loop3A_289, %parallel_loop3A_252 : vector<16xf32>
      %parallel_loop3A_309 = arith.constant 1 : i32
      %parallel_loop3A_310 = arith.constant 5 : i32
      %parallel_loop3A_311 = arith.index_cast %parallel_loop3A_309 : i32 to index
      %parallel_loop3A_312 = arith.index_cast %parallel_loop3A_310 : i32 to index
      %parallel_loop3A_313 = arith.index_cast %parallel_loop3A_237 : i32 to index
      %parallel_loop3A_314 = tpu.vector_load %arg11[%parallel_loop3A_311, %parallel_loop3A_312, %parallel_loop3A_313] {strides = array<i32>} : memref<3x16x1024xf32, #tpu.memory_space<vmem>>, vector<1x1x16xf32>,
      %parallel_loop3A_315 = vector.shape_cast %parallel_loop3A_314 : vector<1x1x16xf32> to vector<16xf32>
      %parallel_loop3A_316 = vector.shape_cast %parallel_loop3A_308 : vector<16xf32> to vector<1x1x16xf32>
      tpu.vector_store %arg11[%parallel_loop3A_311, %parallel_loop3A_312, %parallel_loop3A_313], %parallel_loop3A_316 {strides = array<i32>} : memref<3x16x1024xf32, #tpu.memory_space<vmem>>, vector<1x1x16xf32>,
      %parallel_loop3A_317 = arith.constant 7 : i32
      %parallel_loop3A_318 = arith.index_cast %parallel_loop3A_317 : i32 to index
      %parallel_loop3A_319 = arith.index_cast %parallel_loop3A_237 : i32 to index
      %parallel_loop3A_320 = tpu.vector_load %arg7[%parallel_loop3A_318, %parallel_loop3A_319] {strides = array<i32>} : memref<32x1024xf32, #tpu.memory_space<vmem>>, vector<1x16xf32>,
      %parallel_loop3A_321 = vector.shape_cast %parallel_loop3A_320 : vector<1x16xf32> to vector<16xf32>
      %parallel_loop3A_322 = arith.addf %parallel_loop3A_321, %parallel_loop3A_242 : vector<16xf32>
      %parallel_loop3A_323 = arith.constant 1 : i32
      %parallel_loop3A_324 = arith.constant 6 : i32
      %parallel_loop3A_325 = arith.index_cast %parallel_loop3A_323 : i32 to index
      %parallel_loop3A_326 = arith.index_cast %parallel_loop3A_324 : i32 to index
      %parallel_loop3A_327 = arith.index_cast %parallel_loop3A_237 : i32 to index
      %parallel_loop3A_328 = tpu.vector_load %arg11[%parallel_loop3A_325, %parallel_loop3A_326, %parallel_loop3A_327] {strides = array<i32>} : memref<3x16x1024xf32, #tpu.memory_space<vmem>>, vector<1x1x16xf32>,
      %parallel_loop3A_329 = vector.shape_cast %parallel_loop3A_328 : vector<1x1x16xf32> to vector<16xf32>
      %parallel_loop3A_330 = vector.shape_cast %parallel_loop3A_322 : vector<16xf32> to vector<1x1x16xf32>
      tpu.vector_store %arg11[%parallel_loop3A_325, %parallel_loop3A_326, %parallel_loop3A_327], %parallel_loop3A_330 {strides = array<i32>} : memref<3x16x1024xf32, #tpu.memory_space<vmem>>, vector<1x1x16xf32>,
      %parallel_loop3A_331 = arith.addf %parallel_loop3A_321, %parallel_loop3A_247 : vector<16xf32>
      %parallel_loop3A_332 = arith.constant 1 : i32
      %parallel_loop3A_333 = arith.constant 7 : i32
      %parallel_loop3A_334 = arith.index_cast %parallel_loop3A_332 : i32 to index
      %parallel_loop3A_335 = arith.index_cast %parallel_loop3A_333 : i32 to index
      %parallel_loop3A_336 = arith.index_cast %parallel_loop3A_237 : i32 to index
      %parallel_loop3A_337 = tpu.vector_load %arg11[%parallel_loop3A_334, %parallel_loop3A_335, %parallel_loop3A_336] {strides = array<i32>} : memref<3x16x1024xf32, #tpu.memory_space<vmem>>, vector<1x1x16xf32>,
      %parallel_loop3A_338 = vector.shape_cast %parallel_loop3A_337 : vector<1x1x16xf32> to vector<16xf32>
      %parallel_loop3A_339 = vector.shape_cast %parallel_loop3A_331 : vector<16xf32> to vector<1x1x16xf32>
      tpu.vector_store %arg11[%parallel_loop3A_334, %parallel_loop3A_335, %parallel_loop3A_336], %parallel_loop3A_339 {strides = array<i32>} : memref<3x16x1024xf32, #tpu.memory_space<vmem>>, vector<1x1x16xf32>,
      %parallel_loop3A_340 = arith.addf %parallel_loop3A_321, %parallel_loop3A_252 : vector<16xf32>
      %parallel_loop3A_341 = arith.constant 1 : i32
      %parallel_loop3A_342 = arith.constant 8 : i32
      %parallel_loop3A_343 = arith.index_cast %parallel_loop3A_341 : i32 to index
      %parallel_loop3A_344 = arith.index_cast %parallel_loop3A_342 : i32 to index
      %parallel_loop3A_345 = arith.index_cast %parallel_loop3A_237 : i32 to index
      %parallel_loop3A_346 = tpu.vector_load %arg11[%parallel_loop3A_343, %parallel_loop3A_344, %parallel_loop3A_345] {strides = array<i32>} : memref<3x16x1024xf32, #tpu.memory_space<vmem>>, vector<1x1x16xf32>,
      %parallel_loop3A_347 = vector.shape_cast %parallel_loop3A_346 : vector<1x1x16xf32> to vector<16xf32>
      %parallel_loop3A_348 = vector.shape_cast %parallel_loop3A_340 : vector<16xf32> to vector<1x1x16xf32>
      tpu.vector_store %arg11[%parallel_loop3A_343, %parallel_loop3A_344, %parallel_loop3A_345], %parallel_loop3A_348 {strides = array<i32>} : memref<3x16x1024xf32, #tpu.memory_space<vmem>>, vector<1x1x16xf32>,
      %parallel_loop3A_349 = arith.constant 8 : i32
      %parallel_loop3A_350 = arith.index_cast %parallel_loop3A_349 : i32 to index
      %parallel_loop3A_351 = arith.index_cast %parallel_loop3A_237 : i32 to index
      %parallel_loop3A_352 = tpu.vector_load %arg7[%parallel_loop3A_350, %parallel_loop3A_351] {strides = array<i32>} : memref<32x1024xf32, #tpu.memory_space<vmem>>, vector<1x16xf32>,
      %parallel_loop3A_353 = vector.shape_cast %parallel_loop3A_352 : vector<1x16xf32> to vector<16xf32>
      %parallel_loop3A_354 = arith.addf %parallel_loop3A_353, %parallel_loop3A_242 : vector<16xf32>
      %parallel_loop3A_355 = arith.constant 1 : i32
      %parallel_loop3A_356 = arith.constant 9 : i32
      %parallel_loop3A_357 = arith.index_cast %parallel_loop3A_355 : i32 to index
      %parallel_loop3A_358 = arith.index_cast %parallel_loop3A_356 : i32 to index
      %parallel_loop3A_359 = arith.index_cast %parallel_loop3A_237 : i32 to index
      %parallel_loop3A_360 = tpu.vector_load %arg11[%parallel_loop3A_357, %parallel_loop3A_358, %parallel_loop3A_359] {strides = array<i32>} : memref<3x16x1024xf32, #tpu.memory_space<vmem>>, vector<1x1x16xf32>,
      %parallel_loop3A_361 = vector.shape_cast %parallel_loop3A_360 : vector<1x1x16xf32> to vector<16xf32>
      %parallel_loop3A_362 = vector.shape_cast %parallel_loop3A_354 : vector<16xf32> to vector<1x1x16xf32>
      tpu.vector_store %arg11[%parallel_loop3A_357, %parallel_loop3A_358, %parallel_loop3A_359], %parallel_loop3A_362 {strides = array<i32>} : memref<3x16x1024xf32, #tpu.memory_space<vmem>>, vector<1x1x16xf32>,
      %parallel_loop3A_363 = arith.addf %parallel_loop3A_353, %parallel_loop3A_247 : vector<16xf32>
      %parallel_loop3A_364 = arith.constant 1 : i32
      %parallel_loop3A_365 = arith.constant 10 : i32
      %parallel_loop3A_366 = arith.index_cast %parallel_loop3A_364 : i32 to index
      %parallel_loop3A_367 = arith.index_cast %parallel_loop3A_365 : i32 to index
      %parallel_loop3A_368 = arith.index_cast %parallel_loop3A_237 : i32 to index
      %parallel_loop3A_369 = tpu.vector_load %arg11[%parallel_loop3A_366, %parallel_loop3A_367, %parallel_loop3A_368] {strides = array<i32>} : memref<3x16x1024xf32, #tpu.memory_space<vmem>>, vector<1x1x16xf32>,
      %parallel_loop3A_370 = vector.shape_cast %parallel_loop3A_369 : vector<1x1x16xf32> to vector<16xf32>
      %parallel_loop3A_371 = vector.shape_cast %parallel_loop3A_363 : vector<16xf32> to vector<1x1x16xf32>
      tpu.vector_store %arg11[%parallel_loop3A_366, %parallel_loop3A_367, %parallel_loop3A_368], %parallel_loop3A_371 {strides = array<i32>} : memref<3x16x1024xf32, #tpu.memory_space<vmem>>, vector<1x1x16xf32>,
      %parallel_loop3A_372 = arith.addf %parallel_loop3A_353, %parallel_loop3A_252 : vector<16xf32>
      %parallel_loop3A_373 = arith.constant 1 : i32
      %parallel_loop3A_374 = arith.constant 11 : i32
      %parallel_loop3A_375 = arith.index_cast %parallel_loop3A_373 : i32 to index
      %parallel_loop3A_376 = arith.index_cast %parallel_loop3A_374 : i32 to index
      %parallel_loop3A_377 = arith.index_cast %parallel_loop3A_237 : i32 to index
      %parallel_loop3A_378 = tpu.vector_load %arg11[%parallel_loop3A_375, %parallel_loop3A_376, %parallel_loop3A_377] {strides = array<i32>} : memref<3x16x1024xf32, #tpu.memory_space<vmem>>, vector<1x1x16xf32>,
      %parallel_loop3A_379 = vector.shape_cast %parallel_loop3A_378 : vector<1x1x16xf32> to vector<16xf32>
      %parallel_loop3A_380 = vector.shape_cast %parallel_loop3A_372 : vector<16xf32> to vector<1x1x16xf32>
      tpu.vector_store %arg11[%parallel_loop3A_375, %parallel_loop3A_376, %parallel_loop3A_377], %parallel_loop3A_380 {strides = array<i32>} : memref<3x16x1024xf32, #tpu.memory_space<vmem>>, vector<1x1x16xf32>,
      %parallel_loop3A_381 = arith.constant 9 : i32
      %parallel_loop3A_382 = arith.index_cast %parallel_loop3A_381 : i32 to index
      %parallel_loop3A_383 = arith.index_cast %parallel_loop3A_237 : i32 to index
      %parallel_loop3A_384 = tpu.vector_load %arg7[%parallel_loop3A_382, %parallel_loop3A_383] {strides = array<i32>} : memref<32x1024xf32, #tpu.memory_space<vmem>>, vector<1x16xf32>,
      %parallel_loop3A_385 = vector.shape_cast %parallel_loop3A_384 : vector<1x16xf32> to vector<16xf32>
      %parallel_loop3A_386 = arith.addf %parallel_loop3A_385, %parallel_loop3A_242 : vector<16xf32>
      %parallel_loop3A_387 = arith.constant 1 : i32
      %parallel_loop3A_388 = arith.constant 12 : i32
      %parallel_loop3A_389 = arith.index_cast %parallel_loop3A_387 : i32 to index
      %parallel_loop3A_390 = arith.index_cast %parallel_loop3A_388 : i32 to index
      %parallel_loop3A_391 = arith.index_cast %parallel_loop3A_237 : i32 to index
      %parallel_loop3A_392 = tpu.vector_load %arg11[%parallel_loop3A_389, %parallel_loop3A_390, %parallel_loop3A_391] {strides = array<i32>} : memref<3x16x1024xf32, #tpu.memory_space<vmem>>, vector<1x1x16xf32>,
      %parallel_loop3A_393 = vector.shape_cast %parallel_loop3A_392 : vector<1x1x16xf32> to vector<16xf32>
      %parallel_loop3A_394 = vector.shape_cast %parallel_loop3A_386 : vector<16xf32> to vector<1x1x16xf32>
      tpu.vector_store %arg11[%parallel_loop3A_389, %parallel_loop3A_390, %parallel_loop3A_391], %parallel_loop3A_394 {strides = array<i32>} : memref<3x16x1024xf32, #tpu.memory_space<vmem>>, vector<1x1x16xf32>,
      %parallel_loop3A_395 = arith.addf %parallel_loop3A_385, %parallel_loop3A_247 : vector<16xf32>
      %parallel_loop3A_396 = arith.constant 1 : i32
      %parallel_loop3A_397 = arith.constant 13 : i32
      %parallel_loop3A_398 = arith.index_cast %parallel_loop3A_396 : i32 to index
      %parallel_loop3A_399 = arith.index_cast %parallel_loop3A_397 : i32 to index
      %parallel_loop3A_400 = arith.index_cast %parallel_loop3A_237 : i32 to index
      %parallel_loop3A_401 = tpu.vector_load %arg11[%parallel_loop3A_398, %parallel_loop3A_399, %parallel_loop3A_400] {strides = array<i32>} : memref<3x16x1024xf32, #tpu.memory_space<vmem>>, vector<1x1x16xf32>,
      %parallel_loop3A_402 = vector.shape_cast %parallel_loop3A_401 : vector<1x1x16xf32> to vector<16xf32>
      %parallel_loop3A_403 = vector.shape_cast %parallel_loop3A_395 : vector<16xf32> to vector<1x1x16xf32>
      tpu.vector_store %arg11[%parallel_loop3A_398, %parallel_loop3A_399, %parallel_loop3A_400], %parallel_loop3A_403 {strides = array<i32>} : memref<3x16x1024xf32, #tpu.memory_space<vmem>>, vector<1x1x16xf32>,
      %parallel_loop3A_404 = arith.addf %parallel_loop3A_385, %parallel_loop3A_252 : vector<16xf32>
      %parallel_loop3A_405 = arith.constant 1 : i32
      %parallel_loop3A_406 = arith.constant 14 : i32
      %parallel_loop3A_407 = arith.index_cast %parallel_loop3A_405 : i32 to index
      %parallel_loop3A_408 = arith.index_cast %parallel_loop3A_406 : i32 to index
      %parallel_loop3A_409 = arith.index_cast %parallel_loop3A_237 : i32 to index
      %parallel_loop3A_410 = tpu.vector_load %arg11[%parallel_loop3A_407, %parallel_loop3A_408, %parallel_loop3A_409] {strides = array<i32>} : memref<3x16x1024xf32, #tpu.memory_space<vmem>>, vector<1x1x16xf32>,
      %parallel_loop3A_411 = vector.shape_cast %parallel_loop3A_410 : vector<1x1x16xf32> to vector<16xf32>
      %parallel_loop3A_412 = vector.shape_cast %parallel_loop3A_404 : vector<16xf32> to vector<1x1x16xf32>
      tpu.vector_store %arg11[%parallel_loop3A_407, %parallel_loop3A_408, %parallel_loop3A_409], %parallel_loop3A_412 {strides = array<i32>} : memref<3x16x1024xf32, #tpu.memory_space<vmem>>, vector<1x1x16xf32>,
      %parallel_loop3A_413 = arith.constant 10 : i32
      %parallel_loop3A_414 = arith.index_cast %parallel_loop3A_413 : i32 to index
      %parallel_loop3A_415 = arith.index_cast %parallel_loop3A_237 : i32 to index
      %parallel_loop3A_416 = tpu.vector_load %arg7[%parallel_loop3A_414, %parallel_loop3A_415] {strides = array<i32>} : memref<32x1024xf32, #tpu.memory_space<vmem>>, vector<1x16xf32>,
      %parallel_loop3A_417 = vector.shape_cast %parallel_loop3A_416 : vector<1x16xf32> to vector<16xf32>
      %parallel_loop3A_418 = arith.addf %parallel_loop3A_417, %parallel_loop3A_242 : vector<16xf32>
      %parallel_loop3A_419 = arith.constant 1 : i32
      %parallel_loop3A_420 = arith.constant 15 : i32
      %parallel_loop3A_421 = arith.index_cast %parallel_loop3A_419 : i32 to index
      %parallel_loop3A_422 = arith.index_cast %parallel_loop3A_420 : i32 to index
      %parallel_loop3A_423 = arith.index_cast %parallel_loop3A_237 : i32 to index
      %parallel_loop3A_424 = tpu.vector_load %arg11[%parallel_loop3A_421, %parallel_loop3A_422, %parallel_loop3A_423] {strides = array<i32>} : memref<3x16x1024xf32, #tpu.memory_space<vmem>>, vector<1x1x16xf32>,
      %parallel_loop3A_425 = vector.shape_cast %parallel_loop3A_424 : vector<1x1x16xf32> to vector<16xf32>
      %parallel_loop3A_426 = vector.shape_cast %parallel_loop3A_418 : vector<16xf32> to vector<1x1x16xf32>
      tpu.vector_store %arg11[%parallel_loop3A_421, %parallel_loop3A_422, %parallel_loop3A_423], %parallel_loop3A_426 {strides = array<i32>} : memref<3x16x1024xf32, #tpu.memory_space<vmem>>, vector<1x1x16xf32>,
    } {sc.loop_unroll_factor = 4 : i64, sc.parallel_access}
    %mul3A_57 = arith.constant 96 : i32
    %mul3A_58 = arith.muli %add3A, %mul3A_57 : i32
    %add3A_59 = arith.constant 16 : i32
    %add3A_60 = arith.addi %mul3A_58, %add3A_59 : i32
    %dma_start3A_61 = arith.constant 1 : i32
    %dma_start3A_62 = arith.constant 0 : i32
    %dma_start3A_63 = arith.constant 0 : i32
    %dma_start3A_64 = tpu.memref_slice %arg11[%dma_start3A_61, %dma_start3A_62, %dma_start3A_63] : memref<3x16x1024xf32, #tpu.memory_space<vmem>> -> memref<1x16x1024xf32, #tpu.memory_space<vmem>>
    %dma_start3A_65 = tpu.memref_squeeze %dma_start3A_64 : memref<1x16x1024xf32, #tpu.memory_space<vmem>> -> memref<16x1024xf32, #tpu.memory_space<vmem>>
    %dma_start3A_66 = arith.constant 0 : i32
    %dma_start3A_67 = tpu.memref_slice %arg5[%add3A_60, %dma_start3A_66] : memref<3073x1024xf32, #tpu.memory_space<hbm>> -> memref<16x1024xf32, #tpu.memory_space<hbm>>
    %dma_start3A_68 = arith.constant 0 : i32
    %dma_start3A_69 = tpu.memref_slice %arg5[%add3A_60, %dma_start3A_68] : memref<3073x1024xf32, #tpu.memory_space<hbm>> -> memref<16x1024xf32, #tpu.memory_space<hbm>>
    %dma_start3A_70 = arith.constant 0 : i32
    %dma_start3A_71 = arith.constant 0 : i32
    %dma_start3A_72 = tpu.memref_slice %arg11[%dma_start3A_61, %dma_start3A_70, %dma_start3A_71] : memref<3x16x1024xf32, #tpu.memory_space<vmem>> -> memref<1x16x1024xf32, #tpu.memory_space<vmem>>
    %dma_start3A_73 = tpu.memref_squeeze %dma_start3A_72 : memref<1x16x1024xf32, #tpu.memory_space<vmem>> -> memref<16x1024xf32, #tpu.memory_space<vmem>>
    tpu.enqueue_dma source(%dma_start3A_73 : memref<16x1024xf32, #tpu.memory_space<vmem>>) target(%dma_start3A_69 : memref<16x1024xf32, #tpu.memory_space<hbm>>) target_semaphore(%arg14 : memref<!tpu.dma_semaphore, #tpu.memory_space<semaphore_mem>>)
    %parallel_loop3A_74 = arith.constant 0 : i32
    %parallel_loop3A_75 = arith.constant 64 : i32
    %parallel_loop3A_76 = arith.constant 1 : i32
    scf.for %parallel_loop3A_235 = %parallel_loop3A_74 to %parallel_loop3A_75 step %parallel_loop3A_76  : i32 {
      %parallel_loop3A_236 = arith.constant 16 : i32
      %parallel_loop3A_237 = arith.muli %parallel_loop3A_235, %parallel_loop3A_236 : i32
      %parallel_loop3A_238 = arith.constant 0 : i32
      %parallel_loop3A_239 = arith.index_cast %parallel_loop3A_238 : i32 to index
      %parallel_loop3A_240 = arith.index_cast %parallel_loop3A_237 : i32 to index
      %parallel_loop3A_241 = tpu.vector_load %arg9[%parallel_loop3A_239, %parallel_loop3A_240] {strides = array<i32>} : memref<3x1024xf32, #tpu.memory_space<vmem>>, vector<1x16xf32>,
      %parallel_loop3A_242 = vector.shape_cast %parallel_loop3A_241 : vector<1x16xf32> to vector<16xf32>
      %parallel_loop3A_243 = arith.constant 1 : i32
      %parallel_loop3A_244 = arith.index_cast %parallel_loop3A_243 : i32 to index
      %parallel_loop3A_245 = arith.index_cast %parallel_loop3A_237 : i32 to index
      %parallel_loop3A_246 = tpu.vector_load %arg9[%parallel_loop3A_244, %parallel_loop3A_245] {strides = array<i32>} : memref<3x1024xf32, #tpu.memory_space<vmem>>, vector<1x16xf32>,
      %parallel_loop3A_247 = vector.shape_cast %parallel_loop3A_246 : vector<1x16xf32> to vector<16xf32>
      %parallel_loop3A_248 = arith.constant 2 : i32
      %parallel_loop3A_249 = arith.index_cast %parallel_loop3A_248 : i32 to index
      %parallel_loop3A_250 = arith.index_cast %parallel_loop3A_237 : i32 to index
      %parallel_loop3A_251 = tpu.vector_load %arg9[%parallel_loop3A_249, %parallel_loop3A_250] {strides = array<i32>} : memref<3x1024xf32, #tpu.memory_space<vmem>>, vector<1x16xf32>,
      %parallel_loop3A_252 = vector.shape_cast %parallel_loop3A_251 : vector<1x16xf32> to vector<16xf32>
      %parallel_loop3A_253 = arith.constant 10 : i32
      %parallel_loop3A_254 = arith.index_cast %parallel_loop3A_253 : i32 to index
      %parallel_loop3A_255 = arith.index_cast %parallel_loop3A_237 : i32 to index
      %parallel_loop3A_256 = tpu.vector_load %arg7[%parallel_loop3A_254, %parallel_loop3A_255] {strides = array<i32>} : memref<32x1024xf32, #tpu.memory_space<vmem>>, vector<1x16xf32>,
      %parallel_loop3A_257 = vector.shape_cast %parallel_loop3A_256 : vector<1x16xf32> to vector<16xf32>
      %parallel_loop3A_258 = arith.addf %parallel_loop3A_257, %parallel_loop3A_247 : vector<16xf32>
      %parallel_loop3A_259 = arith.constant 2 : i32
      %parallel_loop3A_260 = arith.constant 0 : i32
      %parallel_loop3A_261 = arith.index_cast %parallel_loop3A_259 : i32 to index
      %parallel_loop3A_262 = arith.index_cast %parallel_loop3A_260 : i32 to index
      %parallel_loop3A_263 = arith.index_cast %parallel_loop3A_237 : i32 to index
      %parallel_loop3A_264 = tpu.vector_load %arg11[%parallel_loop3A_261, %parallel_loop3A_262, %parallel_loop3A_263] {strides = array<i32>} : memref<3x16x1024xf32, #tpu.memory_space<vmem>>, vector<1x1x16xf32>,
      %parallel_loop3A_265 = vector.shape_cast %parallel_loop3A_264 : vector<1x1x16xf32> to vector<16xf32>
      %parallel_loop3A_266 = vector.shape_cast %parallel_loop3A_258 : vector<16xf32> to vector<1x1x16xf32>
      tpu.vector_store %arg11[%parallel_loop3A_261, %parallel_loop3A_262, %parallel_loop3A_263], %parallel_loop3A_266 {strides = array<i32>} : memref<3x16x1024xf32, #tpu.memory_space<vmem>>, vector<1x1x16xf32>,
      %parallel_loop3A_267 = arith.addf %parallel_loop3A_257, %parallel_loop3A_252 : vector<16xf32>
      %parallel_loop3A_268 = arith.constant 2 : i32
      %parallel_loop3A_269 = arith.constant 1 : i32
      %parallel_loop3A_270 = arith.index_cast %parallel_loop3A_268 : i32 to index
      %parallel_loop3A_271 = arith.index_cast %parallel_loop3A_269 : i32 to index
      %parallel_loop3A_272 = arith.index_cast %parallel_loop3A_237 : i32 to index
      %parallel_loop3A_273 = tpu.vector_load %arg11[%parallel_loop3A_270, %parallel_loop3A_271, %parallel_loop3A_272] {strides = array<i32>} : memref<3x16x1024xf32, #tpu.memory_space<vmem>>, vector<1x1x16xf32>,
      %parallel_loop3A_274 = vector.shape_cast %parallel_loop3A_273 : vector<1x1x16xf32> to vector<16xf32>
      %parallel_loop3A_275 = vector.shape_cast %parallel_loop3A_267 : vector<16xf32> to vector<1x1x16xf32>
      tpu.vector_store %arg11[%parallel_loop3A_270, %parallel_loop3A_271, %parallel_loop3A_272], %parallel_loop3A_275 {strides = array<i32>} : memref<3x16x1024xf32, #tpu.memory_space<vmem>>, vector<1x1x16xf32>,
      %parallel_loop3A_276 = arith.constant 11 : i32
      %parallel_loop3A_277 = arith.index_cast %parallel_loop3A_276 : i32 to index
      %parallel_loop3A_278 = arith.index_cast %parallel_loop3A_237 : i32 to index
      %parallel_loop3A_279 = tpu.vector_load %arg7[%parallel_loop3A_277, %parallel_loop3A_278] {strides = array<i32>} : memref<32x1024xf32, #tpu.memory_space<vmem>>, vector<1x16xf32>,
      %parallel_loop3A_280 = vector.shape_cast %parallel_loop3A_279 : vector<1x16xf32> to vector<16xf32>
      %parallel_loop3A_281 = arith.addf %parallel_loop3A_280, %parallel_loop3A_242 : vector<16xf32>
      %parallel_loop3A_282 = arith.constant 2 : i32
      %parallel_loop3A_283 = arith.constant 2 : i32
      %parallel_loop3A_284 = arith.index_cast %parallel_loop3A_282 : i32 to index
      %parallel_loop3A_285 = arith.index_cast %parallel_loop3A_283 : i32 to index
      %parallel_loop3A_286 = arith.index_cast %parallel_loop3A_237 : i32 to index
      %parallel_loop3A_287 = tpu.vector_load %arg11[%parallel_loop3A_284, %parallel_loop3A_285, %parallel_loop3A_286] {strides = array<i32>} : memref<3x16x1024xf32, #tpu.memory_space<vmem>>, vector<1x1x16xf32>,
      %parallel_loop3A_288 = vector.shape_cast %parallel_loop3A_287 : vector<1x1x16xf32> to vector<16xf32>
      %parallel_loop3A_289 = vector.shape_cast %parallel_loop3A_281 : vector<16xf32> to vector<1x1x16xf32>
      tpu.vector_store %arg11[%parallel_loop3A_284, %parallel_loop3A_285, %parallel_loop3A_286], %parallel_loop3A_289 {strides = array<i32>} : memref<3x16x1024xf32, #tpu.memory_space<vmem>>, vector<1x1x16xf32>,
      %parallel_loop3A_290 = arith.addf %parallel_loop3A_280, %parallel_loop3A_247 : vector<16xf32>
      %parallel_loop3A_291 = arith.constant 2 : i32
      %parallel_loop3A_292 = arith.constant 3 : i32
      %parallel_loop3A_293 = arith.index_cast %parallel_loop3A_291 : i32 to index
      %parallel_loop3A_294 = arith.index_cast %parallel_loop3A_292 : i32 to index
      %parallel_loop3A_295 = arith.index_cast %parallel_loop3A_237 : i32 to index
      %parallel_loop3A_296 = tpu.vector_load %arg11[%parallel_loop3A_293, %parallel_loop3A_294, %parallel_loop3A_295] {strides = array<i32>} : memref<3x16x1024xf32, #tpu.memory_space<vmem>>, vector<1x1x16xf32>,
      %parallel_loop3A_297 = vector.shape_cast %parallel_loop3A_296 : vector<1x1x16xf32> to vector<16xf32>
      %parallel_loop3A_298 = vector.shape_cast %parallel_loop3A_290 : vector<16xf32> to vector<1x1x16xf32>
      tpu.vector_store %arg11[%parallel_loop3A_293, %parallel_loop3A_294, %parallel_loop3A_295], %parallel_loop3A_298 {strides = array<i32>} : memref<3x16x1024xf32, #tpu.memory_space<vmem>>, vector<1x1x16xf32>,
      %parallel_loop3A_299 = arith.addf %parallel_loop3A_280, %parallel_loop3A_252 : vector<16xf32>
      %parallel_loop3A_300 = arith.constant 2 : i32
      %parallel_loop3A_301 = arith.constant 4 : i32
      %parallel_loop3A_302 = arith.index_cast %parallel_loop3A_300 : i32 to index
      %parallel_loop3A_303 = arith.index_cast %parallel_loop3A_301 : i32 to index
      %parallel_loop3A_304 = arith.index_cast %parallel_loop3A_237 : i32 to index
      %parallel_loop3A_305 = tpu.vector_load %arg11[%parallel_loop3A_302, %parallel_loop3A_303, %parallel_loop3A_304] {strides = array<i32>} : memref<3x16x1024xf32, #tpu.memory_space<vmem>>, vector<1x1x16xf32>,
      %parallel_loop3A_306 = vector.shape_cast %parallel_loop3A_305 : vector<1x1x16xf32> to vector<16xf32>
      %parallel_loop3A_307 = vector.shape_cast %parallel_loop3A_299 : vector<16xf32> to vector<1x1x16xf32>
      tpu.vector_store %arg11[%parallel_loop3A_302, %parallel_loop3A_303, %parallel_loop3A_304], %parallel_loop3A_307 {strides = array<i32>} : memref<3x16x1024xf32, #tpu.memory_space<vmem>>, vector<1x1x16xf32>,
      %parallel_loop3A_308 = arith.constant 12 : i32
      %parallel_loop3A_309 = arith.index_cast %parallel_loop3A_308 : i32 to index
      %parallel_loop3A_310 = arith.index_cast %parallel_loop3A_237 : i32 to index
      %parallel_loop3A_311 = tpu.vector_load %arg7[%parallel_loop3A_309, %parallel_loop3A_310] {strides = array<i32>} : memref<32x1024xf32, #tpu.memory_space<vmem>>, vector<1x16xf32>,
      %parallel_loop3A_312 = vector.shape_cast %parallel_loop3A_311 : vector<1x16xf32> to vector<16xf32>
      %parallel_loop3A_313 = arith.addf %parallel_loop3A_312, %parallel_loop3A_242 : vector<16xf32>
      %parallel_loop3A_314 = arith.constant 2 : i32
      %parallel_loop3A_315 = arith.constant 5 : i32
      %parallel_loop3A_316 = arith.index_cast %parallel_loop3A_314 : i32 to index
      %parallel_loop3A_317 = arith.index_cast %parallel_loop3A_315 : i32 to index
      %parallel_loop3A_318 = arith.index_cast %parallel_loop3A_237 : i32 to index
      %parallel_loop3A_319 = tpu.vector_load %arg11[%parallel_loop3A_316, %parallel_loop3A_317, %parallel_loop3A_318] {strides = array<i32>} : memref<3x16x1024xf32, #tpu.memory_space<vmem>>, vector<1x1x16xf32>,
      %parallel_loop3A_320 = vector.shape_cast %parallel_loop3A_319 : vector<1x1x16xf32> to vector<16xf32>
      %parallel_loop3A_321 = vector.shape_cast %parallel_loop3A_313 : vector<16xf32> to vector<1x1x16xf32>
      tpu.vector_store %arg11[%parallel_loop3A_316, %parallel_loop3A_317, %parallel_loop3A_318], %parallel_loop3A_321 {strides = array<i32>} : memref<3x16x1024xf32, #tpu.memory_space<vmem>>, vector<1x1x16xf32>,
      %parallel_loop3A_322 = arith.addf %parallel_loop3A_312, %parallel_loop3A_247 : vector<16xf32>
      %parallel_loop3A_323 = arith.constant 2 : i32
      %parallel_loop3A_324 = arith.constant 6 : i32
      %parallel_loop3A_325 = arith.index_cast %parallel_loop3A_323 : i32 to index
      %parallel_loop3A_326 = arith.index_cast %parallel_loop3A_324 : i32 to index
      %parallel_loop3A_327 = arith.index_cast %parallel_loop3A_237 : i32 to index
      %parallel_loop3A_328 = tpu.vector_load %arg11[%parallel_loop3A_325, %parallel_loop3A_326, %parallel_loop3A_327] {strides = array<i32>} : memref<3x16x1024xf32, #tpu.memory_space<vmem>>, vector<1x1x16xf32>,
      %parallel_loop3A_329 = vector.shape_cast %parallel_loop3A_328 : vector<1x1x16xf32> to vector<16xf32>
      %parallel_loop3A_330 = vector.shape_cast %parallel_loop3A_322 : vector<16xf32> to vector<1x1x16xf32>
      tpu.vector_store %arg11[%parallel_loop3A_325, %parallel_loop3A_326, %parallel_loop3A_327], %parallel_loop3A_330 {strides = array<i32>} : memref<3x16x1024xf32, #tpu.memory_space<vmem>>, vector<1x1x16xf32>,
      %parallel_loop3A_331 = arith.addf %parallel_loop3A_312, %parallel_loop3A_252 : vector<16xf32>
      %parallel_loop3A_332 = arith.constant 2 : i32
      %parallel_loop3A_333 = arith.constant 7 : i32
      %parallel_loop3A_334 = arith.index_cast %parallel_loop3A_332 : i32 to index
      %parallel_loop3A_335 = arith.index_cast %parallel_loop3A_333 : i32 to index
      %parallel_loop3A_336 = arith.index_cast %parallel_loop3A_237 : i32 to index
      %parallel_loop3A_337 = tpu.vector_load %arg11[%parallel_loop3A_334, %parallel_loop3A_335, %parallel_loop3A_336] {strides = array<i32>} : memref<3x16x1024xf32, #tpu.memory_space<vmem>>, vector<1x1x16xf32>,
      %parallel_loop3A_338 = vector.shape_cast %parallel_loop3A_337 : vector<1x1x16xf32> to vector<16xf32>
      %parallel_loop3A_339 = vector.shape_cast %parallel_loop3A_331 : vector<16xf32> to vector<1x1x16xf32>
      tpu.vector_store %arg11[%parallel_loop3A_334, %parallel_loop3A_335, %parallel_loop3A_336], %parallel_loop3A_339 {strides = array<i32>} : memref<3x16x1024xf32, #tpu.memory_space<vmem>>, vector<1x1x16xf32>,
      %parallel_loop3A_340 = arith.constant 13 : i32
      %parallel_loop3A_341 = arith.index_cast %parallel_loop3A_340 : i32 to index
      %parallel_loop3A_342 = arith.index_cast %parallel_loop3A_237 : i32 to index
      %parallel_loop3A_343 = tpu.vector_load %arg7[%parallel_loop3A_341, %parallel_loop3A_342] {strides = array<i32>} : memref<32x1024xf32, #tpu.memory_space<vmem>>, vector<1x16xf32>,
      %parallel_loop3A_344 = vector.shape_cast %parallel_loop3A_343 : vector<1x16xf32> to vector<16xf32>
      %parallel_loop3A_345 = arith.addf %parallel_loop3A_344, %parallel_loop3A_242 : vector<16xf32>
      %parallel_loop3A_346 = arith.constant 2 : i32
      %parallel_loop3A_347 = arith.constant 8 : i32
      %parallel_loop3A_348 = arith.index_cast %parallel_loop3A_346 : i32 to index
      %parallel_loop3A_349 = arith.index_cast %parallel_loop3A_347 : i32 to index
      %parallel_loop3A_350 = arith.index_cast %parallel_loop3A_237 : i32 to index
      %parallel_loop3A_351 = tpu.vector_load %arg11[%parallel_loop3A_348, %parallel_loop3A_349, %parallel_loop3A_350] {strides = array<i32>} : memref<3x16x1024xf32, #tpu.memory_space<vmem>>, vector<1x1x16xf32>,
      %parallel_loop3A_352 = vector.shape_cast %parallel_loop3A_351 : vector<1x1x16xf32> to vector<16xf32>
      %parallel_loop3A_353 = vector.shape_cast %parallel_loop3A_345 : vector<16xf32> to vector<1x1x16xf32>
      tpu.vector_store %arg11[%parallel_loop3A_348, %parallel_loop3A_349, %parallel_loop3A_350], %parallel_loop3A_353 {strides = array<i32>} : memref<3x16x1024xf32, #tpu.memory_space<vmem>>, vector<1x1x16xf32>,
      %parallel_loop3A_354 = arith.addf %parallel_loop3A_344, %parallel_loop3A_247 : vector<16xf32>
      %parallel_loop3A_355 = arith.constant 2 : i32
      %parallel_loop3A_356 = arith.constant 9 : i32
      %parallel_loop3A_357 = arith.index_cast %parallel_loop3A_355 : i32 to index
      %parallel_loop3A_358 = arith.index_cast %parallel_loop3A_356 : i32 to index
      %parallel_loop3A_359 = arith.index_cast %parallel_loop3A_237 : i32 to index
      %parallel_loop3A_360 = tpu.vector_load %arg11[%parallel_loop3A_357, %parallel_loop3A_358, %parallel_loop3A_359] {strides = array<i32>} : memref<3x16x1024xf32, #tpu.memory_space<vmem>>, vector<1x1x16xf32>,
      %parallel_loop3A_361 = vector.shape_cast %parallel_loop3A_360 : vector<1x1x16xf32> to vector<16xf32>
      %parallel_loop3A_362 = vector.shape_cast %parallel_loop3A_354 : vector<16xf32> to vector<1x1x16xf32>
      tpu.vector_store %arg11[%parallel_loop3A_357, %parallel_loop3A_358, %parallel_loop3A_359], %parallel_loop3A_362 {strides = array<i32>} : memref<3x16x1024xf32, #tpu.memory_space<vmem>>, vector<1x1x16xf32>,
      %parallel_loop3A_363 = arith.addf %parallel_loop3A_344, %parallel_loop3A_252 : vector<16xf32>
      %parallel_loop3A_364 = arith.constant 2 : i32
      %parallel_loop3A_365 = arith.constant 10 : i32
      %parallel_loop3A_366 = arith.index_cast %parallel_loop3A_364 : i32 to index
      %parallel_loop3A_367 = arith.index_cast %parallel_loop3A_365 : i32 to index
      %parallel_loop3A_368 = arith.index_cast %parallel_loop3A_237 : i32 to index
      %parallel_loop3A_369 = tpu.vector_load %arg11[%parallel_loop3A_366, %parallel_loop3A_367, %parallel_loop3A_368] {strides = array<i32>} : memref<3x16x1024xf32, #tpu.memory_space<vmem>>, vector<1x1x16xf32>,
      %parallel_loop3A_370 = vector.shape_cast %parallel_loop3A_369 : vector<1x1x16xf32> to vector<16xf32>
      %parallel_loop3A_371 = vector.shape_cast %parallel_loop3A_363 : vector<16xf32> to vector<1x1x16xf32>
      tpu.vector_store %arg11[%parallel_loop3A_366, %parallel_loop3A_367, %parallel_loop3A_368], %parallel_loop3A_371 {strides = array<i32>} : memref<3x16x1024xf32, #tpu.memory_space<vmem>>, vector<1x1x16xf32>,
      %parallel_loop3A_372 = arith.constant 14 : i32
      %parallel_loop3A_373 = arith.index_cast %parallel_loop3A_372 : i32 to index
      %parallel_loop3A_374 = arith.index_cast %parallel_loop3A_237 : i32 to index
      %parallel_loop3A_375 = tpu.vector_load %arg7[%parallel_loop3A_373, %parallel_loop3A_374] {strides = array<i32>} : memref<32x1024xf32, #tpu.memory_space<vmem>>, vector<1x16xf32>,
      %parallel_loop3A_376 = vector.shape_cast %parallel_loop3A_375 : vector<1x16xf32> to vector<16xf32>
      %parallel_loop3A_377 = arith.addf %parallel_loop3A_376, %parallel_loop3A_242 : vector<16xf32>
      %parallel_loop3A_378 = arith.constant 2 : i32
      %parallel_loop3A_379 = arith.constant 11 : i32
      %parallel_loop3A_380 = arith.index_cast %parallel_loop3A_378 : i32 to index
      %parallel_loop3A_381 = arith.index_cast %parallel_loop3A_379 : i32 to index
      %parallel_loop3A_382 = arith.index_cast %parallel_loop3A_237 : i32 to index
      %parallel_loop3A_383 = tpu.vector_load %arg11[%parallel_loop3A_380, %parallel_loop3A_381, %parallel_loop3A_382] {strides = array<i32>} : memref<3x16x1024xf32, #tpu.memory_space<vmem>>, vector<1x1x16xf32>,
      %parallel_loop3A_384 = vector.shape_cast %parallel_loop3A_383 : vector<1x1x16xf32> to vector<16xf32>
      %parallel_loop3A_385 = vector.shape_cast %parallel_loop3A_377 : vector<16xf32> to vector<1x1x16xf32>
      tpu.vector_store %arg11[%parallel_loop3A_380, %parallel_loop3A_381, %parallel_loop3A_382], %parallel_loop3A_385 {strides = array<i32>} : memref<3x16x1024xf32, #tpu.memory_space<vmem>>, vector<1x1x16xf32>,
      %parallel_loop3A_386 = arith.addf %parallel_loop3A_376, %parallel_loop3A_247 : vector<16xf32>
      %parallel_loop3A_387 = arith.constant 2 : i32
      %parallel_loop3A_388 = arith.constant 12 : i32
      %parallel_loop3A_389 = arith.index_cast %parallel_loop3A_387 : i32 to index
      %parallel_loop3A_390 = arith.index_cast %parallel_loop3A_388 : i32 to index
      %parallel_loop3A_391 = arith.index_cast %parallel_loop3A_237 : i32 to index
      %parallel_loop3A_392 = tpu.vector_load %arg11[%parallel_loop3A_389, %parallel_loop3A_390, %parallel_loop3A_391] {strides = array<i32>} : memref<3x16x1024xf32, #tpu.memory_space<vmem>>, vector<1x1x16xf32>,
      %parallel_loop3A_393 = vector.shape_cast %parallel_loop3A_392 : vector<1x1x16xf32> to vector<16xf32>
      %parallel_loop3A_394 = vector.shape_cast %parallel_loop3A_386 : vector<16xf32> to vector<1x1x16xf32>
      tpu.vector_store %arg11[%parallel_loop3A_389, %parallel_loop3A_390, %parallel_loop3A_391], %parallel_loop3A_394 {strides = array<i32>} : memref<3x16x1024xf32, #tpu.memory_space<vmem>>, vector<1x1x16xf32>,
      %parallel_loop3A_395 = arith.addf %parallel_loop3A_376, %parallel_loop3A_252 : vector<16xf32>
      %parallel_loop3A_396 = arith.constant 2 : i32
      %parallel_loop3A_397 = arith.constant 13 : i32
      %parallel_loop3A_398 = arith.index_cast %parallel_loop3A_396 : i32 to index
      %parallel_loop3A_399 = arith.index_cast %parallel_loop3A_397 : i32 to index
      %parallel_loop3A_400 = arith.index_cast %parallel_loop3A_237 : i32 to index
      %parallel_loop3A_401 = tpu.vector_load %arg11[%parallel_loop3A_398, %parallel_loop3A_399, %parallel_loop3A_400] {strides = array<i32>} : memref<3x16x1024xf32, #tpu.memory_space<vmem>>, vector<1x1x16xf32>,
      %parallel_loop3A_402 = vector.shape_cast %parallel_loop3A_401 : vector<1x1x16xf32> to vector<16xf32>
      %parallel_loop3A_403 = vector.shape_cast %parallel_loop3A_395 : vector<16xf32> to vector<1x1x16xf32>
      tpu.vector_store %arg11[%parallel_loop3A_398, %parallel_loop3A_399, %parallel_loop3A_400], %parallel_loop3A_403 {strides = array<i32>} : memref<3x16x1024xf32, #tpu.memory_space<vmem>>, vector<1x1x16xf32>,
      %parallel_loop3A_404 = arith.constant 15 : i32
      %parallel_loop3A_405 = arith.index_cast %parallel_loop3A_404 : i32 to index
      %parallel_loop3A_406 = arith.index_cast %parallel_loop3A_237 : i32 to index
      %parallel_loop3A_407 = tpu.vector_load %arg7[%parallel_loop3A_405, %parallel_loop3A_406] {strides = array<i32>} : memref<32x1024xf32, #tpu.memory_space<vmem>>, vector<1x16xf32>,
      %parallel_loop3A_408 = vector.shape_cast %parallel_loop3A_407 : vector<1x16xf32> to vector<16xf32>
      %parallel_loop3A_409 = arith.addf %parallel_loop3A_408, %parallel_loop3A_242 : vector<16xf32>
      %parallel_loop3A_410 = arith.constant 2 : i32
      %parallel_loop3A_411 = arith.constant 14 : i32
      %parallel_loop3A_412 = arith.index_cast %parallel_loop3A_410 : i32 to index
      %parallel_loop3A_413 = arith.index_cast %parallel_loop3A_411 : i32 to index
      %parallel_loop3A_414 = arith.index_cast %parallel_loop3A_237 : i32 to index
      %parallel_loop3A_415 = tpu.vector_load %arg11[%parallel_loop3A_412, %parallel_loop3A_413, %parallel_loop3A_414] {strides = array<i32>} : memref<3x16x1024xf32, #tpu.memory_space<vmem>>, vector<1x1x16xf32>,
      %parallel_loop3A_416 = vector.shape_cast %parallel_loop3A_415 : vector<1x1x16xf32> to vector<16xf32>
      %parallel_loop3A_417 = vector.shape_cast %parallel_loop3A_409 : vector<16xf32> to vector<1x1x16xf32>
      tpu.vector_store %arg11[%parallel_loop3A_412, %parallel_loop3A_413, %parallel_loop3A_414], %parallel_loop3A_417 {strides = array<i32>} : memref<3x16x1024xf32, #tpu.memory_space<vmem>>, vector<1x1x16xf32>,
      %parallel_loop3A_418 = arith.addf %parallel_loop3A_408, %parallel_loop3A_247 : vector<16xf32>
      %parallel_loop3A_419 = arith.constant 2 : i32
      %parallel_loop3A_420 = arith.constant 15 : i32
      %parallel_loop3A_421 = arith.index_cast %parallel_loop3A_419 : i32 to index
      %parallel_loop3A_422 = arith.index_cast %parallel_loop3A_420 : i32 to index
      %parallel_loop3A_423 = arith.index_cast %parallel_loop3A_237 : i32 to index
      %parallel_loop3A_424 = tpu.vector_load %arg11[%parallel_loop3A_421, %parallel_loop3A_422, %parallel_loop3A_423] {strides = array<i32>} : memref<3x16x1024xf32, #tpu.memory_space<vmem>>, vector<1x1x16xf32>,
      %parallel_loop3A_425 = vector.shape_cast %parallel_loop3A_424 : vector<1x1x16xf32> to vector<16xf32>
      %parallel_loop3A_426 = vector.shape_cast %parallel_loop3A_418 : vector<16xf32> to vector<1x1x16xf32>
      tpu.vector_store %arg11[%parallel_loop3A_421, %parallel_loop3A_422, %parallel_loop3A_423], %parallel_loop3A_426 {strides = array<i32>} : memref<3x16x1024xf32, #tpu.memory_space<vmem>>, vector<1x1x16xf32>,
    } {sc.loop_unroll_factor = 4 : i64, sc.parallel_access}
    %mul3A_77 = arith.constant 96 : i32
    %mul3A_78 = arith.muli %add3A, %mul3A_77 : i32
    %add3A_79 = arith.constant 32 : i32
    %add3A_80 = arith.addi %mul3A_78, %add3A_79 : i32
    %dma_start3A_81 = arith.constant 2 : i32
    %dma_start3A_82 = arith.constant 0 : i32
    %dma_start3A_83 = arith.constant 0 : i32
    %dma_start3A_84 = tpu.memref_slice %arg11[%dma_start3A_81, %dma_start3A_82, %dma_start3A_83] : memref<3x16x1024xf32, #tpu.memory_space<vmem>> -> memref<1x16x1024xf32, #tpu.memory_space<vmem>>
    %dma_start3A_85 = tpu.memref_squeeze %dma_start3A_84 : memref<1x16x1024xf32, #tpu.memory_space<vmem>> -> memref<16x1024xf32, #tpu.memory_space<vmem>>
    %dma_start3A_86 = arith.constant 0 : i32
    %dma_start3A_87 = tpu.memref_slice %arg5[%add3A_80, %dma_start3A_86] : memref<3073x1024xf32, #tpu.memory_space<hbm>> -> memref<16x1024xf32, #tpu.memory_space<hbm>>
    %dma_start3A_88 = arith.constant 0 : i32
    %dma_start3A_89 = tpu.memref_slice %arg5[%add3A_80, %dma_start3A_88] : memref<3073x1024xf32, #tpu.memory_space<hbm>> -> memref<16x1024xf32, #tpu.memory_space<hbm>>
    %dma_start3A_90 = arith.constant 0 : i32
    %dma_start3A_91 = arith.constant 0 : i32
    %dma_start3A_92 = tpu.memref_slice %arg11[%dma_start3A_81, %dma_start3A_90, %dma_start3A_91] : memref<3x16x1024xf32, #tpu.memory_space<vmem>> -> memref<1x16x1024xf32, #tpu.memory_space<vmem>>
    %dma_start3A_93 = tpu.memref_squeeze %dma_start3A_92 : memref<1x16x1024xf32, #tpu.memory_space<vmem>> -> memref<16x1024xf32, #tpu.memory_space<vmem>>
    tpu.enqueue_dma source(%dma_start3A_93 : memref<16x1024xf32, #tpu.memory_space<vmem>>) target(%dma_start3A_89 : memref<16x1024xf32, #tpu.memory_space<hbm>>) target_semaphore(%arg15 : memref<!tpu.dma_semaphore, #tpu.memory_space<semaphore_mem>>)
    %dma_wait3A_94 = arith.constant 0 : i32
    %dma_wait3A_95 = arith.constant 0 : i32
    %dma_wait3A_96 = arith.constant 0 : i32
    %dma_wait3A_97 = tpu.memref_slice %arg11[%dma_wait3A_94, %dma_wait3A_95, %dma_wait3A_96] : memref<3x16x1024xf32, #tpu.memory_space<vmem>> -> memref<1x16x1024xf32, #tpu.memory_space<vmem>>
    %dma_wait3A_98 = tpu.memref_squeeze %dma_wait3A_97 : memref<1x16x1024xf32, #tpu.memory_space<vmem>> -> memref<16x1024xf32, #tpu.memory_space<vmem>>
    %dma_wait3A_99 = arith.constant 0 : i32
    %dma_wait3A_100 = tpu.memref_slice %arg5[%add3A_40, %dma_wait3A_99] : memref<3073x1024xf32, #tpu.memory_space<hbm>> -> memref<16x1024xf32, #tpu.memory_space<hbm>>
    %dma_wait3A_101 = arith.constant 0 : i32
    %dma_wait3A_102 = tpu.memref_slice %arg5[%add3A_40, %dma_wait3A_101] : memref<3073x1024xf32, #tpu.memory_space<hbm>> -> memref<16x1024xf32, #tpu.memory_space<hbm>>
    %dma_wait3A_103 = arith.constant 0 : i32
    %dma_wait3A_104 = arith.constant 0 : i32
    %dma_wait3A_105 = tpu.memref_slice %arg11[%dma_wait3A_94, %dma_wait3A_103, %dma_wait3A_104] : memref<3x16x1024xf32, #tpu.memory_space<vmem>> -> memref<1x16x1024xf32, #tpu.memory_space<vmem>>
    %dma_wait3A_106 = tpu.memref_squeeze %dma_wait3A_105 : memref<1x16x1024xf32, #tpu.memory_space<vmem>> -> memref<16x1024xf32, #tpu.memory_space<vmem>>
    tpu.wait_dma2 semaphore(%arg13 : memref<!tpu.dma_semaphore, #tpu.memory_space<semaphore_mem>>) src(%dma_wait3A_106 : memref<16x1024xf32, #tpu.memory_space<vmem>>) dst(%dma_wait3A_102 : memref<16x1024xf32, #tpu.memory_space<hbm>>)
    %parallel_loop3A_107 = arith.constant 0 : i32
    %parallel_loop3A_108 = arith.constant 64 : i32
    %parallel_loop3A_109 = arith.constant 1 : i32
    scf.for %parallel_loop3A_235 = %parallel_loop3A_107 to %parallel_loop3A_108 step %parallel_loop3A_109  : i32 {
      %parallel_loop3A_236 = arith.constant 16 : i32
      %parallel_loop3A_237 = arith.muli %parallel_loop3A_235, %parallel_loop3A_236 : i32
      %parallel_loop3A_238 = arith.constant 0 : i32
      %parallel_loop3A_239 = arith.index_cast %parallel_loop3A_238 : i32 to index
      %parallel_loop3A_240 = arith.index_cast %parallel_loop3A_237 : i32 to index
      %parallel_loop3A_241 = tpu.vector_load %arg9[%parallel_loop3A_239, %parallel_loop3A_240] {strides = array<i32>} : memref<3x1024xf32, #tpu.memory_space<vmem>>, vector<1x16xf32>,
      %parallel_loop3A_242 = vector.shape_cast %parallel_loop3A_241 : vector<1x16xf32> to vector<16xf32>
      %parallel_loop3A_243 = arith.constant 1 : i32
      %parallel_loop3A_244 = arith.index_cast %parallel_loop3A_243 : i32 to index
      %parallel_loop3A_245 = arith.index_cast %parallel_loop3A_237 : i32 to index
      %parallel_loop3A_246 = tpu.vector_load %arg9[%parallel_loop3A_244, %parallel_loop3A_245] {strides = array<i32>} : memref<3x1024xf32, #tpu.memory_space<vmem>>, vector<1x16xf32>,
      %parallel_loop3A_247 = vector.shape_cast %parallel_loop3A_246 : vector<1x16xf32> to vector<16xf32>
      %parallel_loop3A_248 = arith.constant 2 : i32
      %parallel_loop3A_249 = arith.index_cast %parallel_loop3A_248 : i32 to index
      %parallel_loop3A_250 = arith.index_cast %parallel_loop3A_237 : i32 to index
      %parallel_loop3A_251 = tpu.vector_load %arg9[%parallel_loop3A_249, %parallel_loop3A_250] {strides = array<i32>} : memref<3x1024xf32, #tpu.memory_space<vmem>>, vector<1x16xf32>,
      %parallel_loop3A_252 = vector.shape_cast %parallel_loop3A_251 : vector<1x16xf32> to vector<16xf32>
      %parallel_loop3A_253 = arith.constant 15 : i32
      %parallel_loop3A_254 = arith.index_cast %parallel_loop3A_253 : i32 to index
      %parallel_loop3A_255 = arith.index_cast %parallel_loop3A_237 : i32 to index
      %parallel_loop3A_256 = tpu.vector_load %arg7[%parallel_loop3A_254, %parallel_loop3A_255] {strides = array<i32>} : memref<32x1024xf32, #tpu.memory_space<vmem>>, vector<1x16xf32>,
      %parallel_loop3A_257 = vector.shape_cast %parallel_loop3A_256 : vector<1x16xf32> to vector<16xf32>
      %parallel_loop3A_258 = arith.addf %parallel_loop3A_257, %parallel_loop3A_252 : vector<16xf32>
      %parallel_loop3A_259 = arith.constant 0 : i32
      %parallel_loop3A_260 = arith.constant 0 : i32
      %parallel_loop3A_261 = arith.index_cast %parallel_loop3A_259 : i32 to index
      %parallel_loop3A_262 = arith.index_cast %parallel_loop3A_260 : i32 to index
      %parallel_loop3A_263 = arith.index_cast %parallel_loop3A_237 : i32 to index
      %parallel_loop3A_264 = tpu.vector_load %arg11[%parallel_loop3A_261, %parallel_loop3A_262, %parallel_loop3A_263] {strides = array<i32>} : memref<3x16x1024xf32, #tpu.memory_space<vmem>>, vector<1x1x16xf32>,
      %parallel_loop3A_265 = vector.shape_cast %parallel_loop3A_264 : vector<1x1x16xf32> to vector<16xf32>
      %parallel_loop3A_266 = vector.shape_cast %parallel_loop3A_258 : vector<16xf32> to vector<1x1x16xf32>
      tpu.vector_store %arg11[%parallel_loop3A_261, %parallel_loop3A_262, %parallel_loop3A_263], %parallel_loop3A_266 {strides = array<i32>} : memref<3x16x1024xf32, #tpu.memory_space<vmem>>, vector<1x1x16xf32>,
      %parallel_loop3A_267 = arith.constant 16 : i32
      %parallel_loop3A_268 = arith.index_cast %parallel_loop3A_267 : i32 to index
      %parallel_loop3A_269 = arith.index_cast %parallel_loop3A_237 : i32 to index
      %parallel_loop3A_270 = tpu.vector_load %arg7[%parallel_loop3A_268, %parallel_loop3A_269] {strides = array<i32>} : memref<32x1024xf32, #tpu.memory_space<vmem>>, vector<1x16xf32>,
      %parallel_loop3A_271 = vector.shape_cast %parallel_loop3A_270 : vector<1x16xf32> to vector<16xf32>
      %parallel_loop3A_272 = arith.addf %parallel_loop3A_271, %parallel_loop3A_242 : vector<16xf32>
      %parallel_loop3A_273 = arith.constant 0 : i32
      %parallel_loop3A_274 = arith.constant 1 : i32
      %parallel_loop3A_275 = arith.index_cast %parallel_loop3A_273 : i32 to index
      %parallel_loop3A_276 = arith.index_cast %parallel_loop3A_274 : i32 to index
      %parallel_loop3A_277 = arith.index_cast %parallel_loop3A_237 : i32 to index
      %parallel_loop3A_278 = tpu.vector_load %arg11[%parallel_loop3A_275, %parallel_loop3A_276, %parallel_loop3A_277] {strides = array<i32>} : memref<3x16x1024xf32, #tpu.memory_space<vmem>>, vector<1x1x16xf32>,
      %parallel_loop3A_279 = vector.shape_cast %parallel_loop3A_278 : vector<1x1x16xf32> to vector<16xf32>
      %parallel_loop3A_280 = vector.shape_cast %parallel_loop3A_272 : vector<16xf32> to vector<1x1x16xf32>
      tpu.vector_store %arg11[%parallel_loop3A_275, %parallel_loop3A_276, %parallel_loop3A_277], %parallel_loop3A_280 {strides = array<i32>} : memref<3x16x1024xf32, #tpu.memory_space<vmem>>, vector<1x1x16xf32>,
      %parallel_loop3A_281 = arith.addf %parallel_loop3A_271, %parallel_loop3A_247 : vector<16xf32>
      %parallel_loop3A_282 = arith.constant 0 : i32
      %parallel_loop3A_283 = arith.constant 2 : i32
      %parallel_loop3A_284 = arith.index_cast %parallel_loop3A_282 : i32 to index
      %parallel_loop3A_285 = arith.index_cast %parallel_loop3A_283 : i32 to index
      %parallel_loop3A_286 = arith.index_cast %parallel_loop3A_237 : i32 to index
      %parallel_loop3A_287 = tpu.vector_load %arg11[%parallel_loop3A_284, %parallel_loop3A_285, %parallel_loop3A_286] {strides = array<i32>} : memref<3x16x1024xf32, #tpu.memory_space<vmem>>, vector<1x1x16xf32>,
      %parallel_loop3A_288 = vector.shape_cast %parallel_loop3A_287 : vector<1x1x16xf32> to vector<16xf32>
      %parallel_loop3A_289 = vector.shape_cast %parallel_loop3A_281 : vector<16xf32> to vector<1x1x16xf32>
      tpu.vector_store %arg11[%parallel_loop3A_284, %parallel_loop3A_285, %parallel_loop3A_286], %parallel_loop3A_289 {strides = array<i32>} : memref<3x16x1024xf32, #tpu.memory_space<vmem>>, vector<1x1x16xf32>,
      %parallel_loop3A_290 = arith.addf %parallel_loop3A_271, %parallel_loop3A_252 : vector<16xf32>
      %parallel_loop3A_291 = arith.constant 0 : i32
      %parallel_loop3A_292 = arith.constant 3 : i32
      %parallel_loop3A_293 = arith.index_cast %parallel_loop3A_291 : i32 to index
      %parallel_loop3A_294 = arith.index_cast %parallel_loop3A_292 : i32 to index
      %parallel_loop3A_295 = arith.index_cast %parallel_loop3A_237 : i32 to index
      %parallel_loop3A_296 = tpu.vector_load %arg11[%parallel_loop3A_293, %parallel_loop3A_294, %parallel_loop3A_295] {strides = array<i32>} : memref<3x16x1024xf32, #tpu.memory_space<vmem>>, vector<1x1x16xf32>,
      %parallel_loop3A_297 = vector.shape_cast %parallel_loop3A_296 : vector<1x1x16xf32> to vector<16xf32>
      %parallel_loop3A_298 = vector.shape_cast %parallel_loop3A_290 : vector<16xf32> to vector<1x1x16xf32>
      tpu.vector_store %arg11[%parallel_loop3A_293, %parallel_loop3A_294, %parallel_loop3A_295], %parallel_loop3A_298 {strides = array<i32>} : memref<3x16x1024xf32, #tpu.memory_space<vmem>>, vector<1x1x16xf32>,
      %parallel_loop3A_299 = arith.constant 17 : i32
      %parallel_loop3A_300 = arith.index_cast %parallel_loop3A_299 : i32 to index
      %parallel_loop3A_301 = arith.index_cast %parallel_loop3A_237 : i32 to index
      %parallel_loop3A_302 = tpu.vector_load %arg7[%parallel_loop3A_300, %parallel_loop3A_301] {strides = array<i32>} : memref<32x1024xf32, #tpu.memory_space<vmem>>, vector<1x16xf32>,
      %parallel_loop3A_303 = vector.shape_cast %parallel_loop3A_302 : vector<1x16xf32> to vector<16xf32>
      %parallel_loop3A_304 = arith.addf %parallel_loop3A_303, %parallel_loop3A_242 : vector<16xf32>
      %parallel_loop3A_305 = arith.constant 0 : i32
      %parallel_loop3A_306 = arith.constant 4 : i32
      %parallel_loop3A_307 = arith.index_cast %parallel_loop3A_305 : i32 to index
      %parallel_loop3A_308 = arith.index_cast %parallel_loop3A_306 : i32 to index
      %parallel_loop3A_309 = arith.index_cast %parallel_loop3A_237 : i32 to index
      %parallel_loop3A_310 = tpu.vector_load %arg11[%parallel_loop3A_307, %parallel_loop3A_308, %parallel_loop3A_309] {strides = array<i32>} : memref<3x16x1024xf32, #tpu.memory_space<vmem>>, vector<1x1x16xf32>,
      %parallel_loop3A_311 = vector.shape_cast %parallel_loop3A_310 : vector<1x1x16xf32> to vector<16xf32>
      %parallel_loop3A_312 = vector.shape_cast %parallel_loop3A_304 : vector<16xf32> to vector<1x1x16xf32>
      tpu.vector_store %arg11[%parallel_loop3A_307, %parallel_loop3A_308, %parallel_loop3A_309], %parallel_loop3A_312 {strides = array<i32>} : memref<3x16x1024xf32, #tpu.memory_space<vmem>>, vector<1x1x16xf32>,
      %parallel_loop3A_313 = arith.addf %parallel_loop3A_303, %parallel_loop3A_247 : vector<16xf32>
      %parallel_loop3A_314 = arith.constant 0 : i32
      %parallel_loop3A_315 = arith.constant 5 : i32
      %parallel_loop3A_316 = arith.index_cast %parallel_loop3A_314 : i32 to index
      %parallel_loop3A_317 = arith.index_cast %parallel_loop3A_315 : i32 to index
      %parallel_loop3A_318 = arith.index_cast %parallel_loop3A_237 : i32 to index
      %parallel_loop3A_319 = tpu.vector_load %arg11[%parallel_loop3A_316, %parallel_loop3A_317, %parallel_loop3A_318] {strides = array<i32>} : memref<3x16x1024xf32, #tpu.memory_space<vmem>>, vector<1x1x16xf32>,
      %parallel_loop3A_320 = vector.shape_cast %parallel_loop3A_319 : vector<1x1x16xf32> to vector<16xf32>
      %parallel_loop3A_321 = vector.shape_cast %parallel_loop3A_313 : vector<16xf32> to vector<1x1x16xf32>
      tpu.vector_store %arg11[%parallel_loop3A_316, %parallel_loop3A_317, %parallel_loop3A_318], %parallel_loop3A_321 {strides = array<i32>} : memref<3x16x1024xf32, #tpu.memory_space<vmem>>, vector<1x1x16xf32>,
      %parallel_loop3A_322 = arith.addf %parallel_loop3A_303, %parallel_loop3A_252 : vector<16xf32>
      %parallel_loop3A_323 = arith.constant 0 : i32
      %parallel_loop3A_324 = arith.constant 6 : i32
      %parallel_loop3A_325 = arith.index_cast %parallel_loop3A_323 : i32 to index
      %parallel_loop3A_326 = arith.index_cast %parallel_loop3A_324 : i32 to index
      %parallel_loop3A_327 = arith.index_cast %parallel_loop3A_237 : i32 to index
      %parallel_loop3A_328 = tpu.vector_load %arg11[%parallel_loop3A_325, %parallel_loop3A_326, %parallel_loop3A_327] {strides = array<i32>} : memref<3x16x1024xf32, #tpu.memory_space<vmem>>, vector<1x1x16xf32>,
      %parallel_loop3A_329 = vector.shape_cast %parallel_loop3A_328 : vector<1x1x16xf32> to vector<16xf32>
      %parallel_loop3A_330 = vector.shape_cast %parallel_loop3A_322 : vector<16xf32> to vector<1x1x16xf32>
      tpu.vector_store %arg11[%parallel_loop3A_325, %parallel_loop3A_326, %parallel_loop3A_327], %parallel_loop3A_330 {strides = array<i32>} : memref<3x16x1024xf32, #tpu.memory_space<vmem>>, vector<1x1x16xf32>,
      %parallel_loop3A_331 = arith.constant 18 : i32
      %parallel_loop3A_332 = arith.index_cast %parallel_loop3A_331 : i32 to index
      %parallel_loop3A_333 = arith.index_cast %parallel_loop3A_237 : i32 to index
      %parallel_loop3A_334 = tpu.vector_load %arg7[%parallel_loop3A_332, %parallel_loop3A_333] {strides = array<i32>} : memref<32x1024xf32, #tpu.memory_space<vmem>>, vector<1x16xf32>,
      %parallel_loop3A_335 = vector.shape_cast %parallel_loop3A_334 : vector<1x16xf32> to vector<16xf32>
      %parallel_loop3A_336 = arith.addf %parallel_loop3A_335, %parallel_loop3A_242 : vector<16xf32>
      %parallel_loop3A_337 = arith.constant 0 : i32
      %parallel_loop3A_338 = arith.constant 7 : i32
      %parallel_loop3A_339 = arith.index_cast %parallel_loop3A_337 : i32 to index
      %parallel_loop3A_340 = arith.index_cast %parallel_loop3A_338 : i32 to index
      %parallel_loop3A_341 = arith.index_cast %parallel_loop3A_237 : i32 to index
      %parallel_loop3A_342 = tpu.vector_load %arg11[%parallel_loop3A_339, %parallel_loop3A_340, %parallel_loop3A_341] {strides = array<i32>} : memref<3x16x1024xf32, #tpu.memory_space<vmem>>, vector<1x1x16xf32>,
      %parallel_loop3A_343 = vector.shape_cast %parallel_loop3A_342 : vector<1x1x16xf32> to vector<16xf32>
      %parallel_loop3A_344 = vector.shape_cast %parallel_loop3A_336 : vector<16xf32> to vector<1x1x16xf32>
      tpu.vector_store %arg11[%parallel_loop3A_339, %parallel_loop3A_340, %parallel_loop3A_341], %parallel_loop3A_344 {strides = array<i32>} : memref<3x16x1024xf32, #tpu.memory_space<vmem>>, vector<1x1x16xf32>,
      %parallel_loop3A_345 = arith.addf %parallel_loop3A_335, %parallel_loop3A_247 : vector<16xf32>
      %parallel_loop3A_346 = arith.constant 0 : i32
      %parallel_loop3A_347 = arith.constant 8 : i32
      %parallel_loop3A_348 = arith.index_cast %parallel_loop3A_346 : i32 to index
      %parallel_loop3A_349 = arith.index_cast %parallel_loop3A_347 : i32 to index
      %parallel_loop3A_350 = arith.index_cast %parallel_loop3A_237 : i32 to index
      %parallel_loop3A_351 = tpu.vector_load %arg11[%parallel_loop3A_348, %parallel_loop3A_349, %parallel_loop3A_350] {strides = array<i32>} : memref<3x16x1024xf32, #tpu.memory_space<vmem>>, vector<1x1x16xf32>,
      %parallel_loop3A_352 = vector.shape_cast %parallel_loop3A_351 : vector<1x1x16xf32> to vector<16xf32>
      %parallel_loop3A_353 = vector.shape_cast %parallel_loop3A_345 : vector<16xf32> to vector<1x1x16xf32>
      tpu.vector_store %arg11[%parallel_loop3A_348, %parallel_loop3A_349, %parallel_loop3A_350], %parallel_loop3A_353 {strides = array<i32>} : memref<3x16x1024xf32, #tpu.memory_space<vmem>>, vector<1x1x16xf32>,
      %parallel_loop3A_354 = arith.addf %parallel_loop3A_335, %parallel_loop3A_252 : vector<16xf32>
      %parallel_loop3A_355 = arith.constant 0 : i32
      %parallel_loop3A_356 = arith.constant 9 : i32
      %parallel_loop3A_357 = arith.index_cast %parallel_loop3A_355 : i32 to index
      %parallel_loop3A_358 = arith.index_cast %parallel_loop3A_356 : i32 to index
      %parallel_loop3A_359 = arith.index_cast %parallel_loop3A_237 : i32 to index
      %parallel_loop3A_360 = tpu.vector_load %arg11[%parallel_loop3A_357, %parallel_loop3A_358, %parallel_loop3A_359] {strides = array<i32>} : memref<3x16x1024xf32, #tpu.memory_space<vmem>>, vector<1x1x16xf32>,
      %parallel_loop3A_361 = vector.shape_cast %parallel_loop3A_360 : vector<1x1x16xf32> to vector<16xf32>
      %parallel_loop3A_362 = vector.shape_cast %parallel_loop3A_354 : vector<16xf32> to vector<1x1x16xf32>
      tpu.vector_store %arg11[%parallel_loop3A_357, %parallel_loop3A_358, %parallel_loop3A_359], %parallel_loop3A_362 {strides = array<i32>} : memref<3x16x1024xf32, #tpu.memory_space<vmem>>, vector<1x1x16xf32>,
      %parallel_loop3A_363 = arith.constant 19 : i32
      %parallel_loop3A_364 = arith.index_cast %parallel_loop3A_363 : i32 to index
      %parallel_loop3A_365 = arith.index_cast %parallel_loop3A_237 : i32 to index
      %parallel_loop3A_366 = tpu.vector_load %arg7[%parallel_loop3A_364, %parallel_loop3A_365] {strides = array<i32>} : memref<32x1024xf32, #tpu.memory_space<vmem>>, vector<1x16xf32>,
      %parallel_loop3A_367 = vector.shape_cast %parallel_loop3A_366 : vector<1x16xf32> to vector<16xf32>
      %parallel_loop3A_368 = arith.addf %parallel_loop3A_367, %parallel_loop3A_242 : vector<16xf32>
      %parallel_loop3A_369 = arith.constant 0 : i32
      %parallel_loop3A_370 = arith.constant 10 : i32
      %parallel_loop3A_371 = arith.index_cast %parallel_loop3A_369 : i32 to index
      %parallel_loop3A_372 = arith.index_cast %parallel_loop3A_370 : i32 to index
      %parallel_loop3A_373 = arith.index_cast %parallel_loop3A_237 : i32 to index
      %parallel_loop3A_374 = tpu.vector_load %arg11[%parallel_loop3A_371, %parallel_loop3A_372, %parallel_loop3A_373] {strides = array<i32>} : memref<3x16x1024xf32, #tpu.memory_space<vmem>>, vector<1x1x16xf32>,
      %parallel_loop3A_375 = vector.shape_cast %parallel_loop3A_374 : vector<1x1x16xf32> to vector<16xf32>
      %parallel_loop3A_376 = vector.shape_cast %parallel_loop3A_368 : vector<16xf32> to vector<1x1x16xf32>
      tpu.vector_store %arg11[%parallel_loop3A_371, %parallel_loop3A_372, %parallel_loop3A_373], %parallel_loop3A_376 {strides = array<i32>} : memref<3x16x1024xf32, #tpu.memory_space<vmem>>, vector<1x1x16xf32>,
      %parallel_loop3A_377 = arith.addf %parallel_loop3A_367, %parallel_loop3A_247 : vector<16xf32>
      %parallel_loop3A_378 = arith.constant 0 : i32
      %parallel_loop3A_379 = arith.constant 11 : i32
      %parallel_loop3A_380 = arith.index_cast %parallel_loop3A_378 : i32 to index
      %parallel_loop3A_381 = arith.index_cast %parallel_loop3A_379 : i32 to index
      %parallel_loop3A_382 = arith.index_cast %parallel_loop3A_237 : i32 to index
      %parallel_loop3A_383 = tpu.vector_load %arg11[%parallel_loop3A_380, %parallel_loop3A_381, %parallel_loop3A_382] {strides = array<i32>} : memref<3x16x1024xf32, #tpu.memory_space<vmem>>, vector<1x1x16xf32>,
      %parallel_loop3A_384 = vector.shape_cast %parallel_loop3A_383 : vector<1x1x16xf32> to vector<16xf32>
      %parallel_loop3A_385 = vector.shape_cast %parallel_loop3A_377 : vector<16xf32> to vector<1x1x16xf32>
      tpu.vector_store %arg11[%parallel_loop3A_380, %parallel_loop3A_381, %parallel_loop3A_382], %parallel_loop3A_385 {strides = array<i32>} : memref<3x16x1024xf32, #tpu.memory_space<vmem>>, vector<1x1x16xf32>,
      %parallel_loop3A_386 = arith.addf %parallel_loop3A_367, %parallel_loop3A_252 : vector<16xf32>
      %parallel_loop3A_387 = arith.constant 0 : i32
      %parallel_loop3A_388 = arith.constant 12 : i32
      %parallel_loop3A_389 = arith.index_cast %parallel_loop3A_387 : i32 to index
      %parallel_loop3A_390 = arith.index_cast %parallel_loop3A_388 : i32 to index
      %parallel_loop3A_391 = arith.index_cast %parallel_loop3A_237 : i32 to index
      %parallel_loop3A_392 = tpu.vector_load %arg11[%parallel_loop3A_389, %parallel_loop3A_390, %parallel_loop3A_391] {strides = array<i32>} : memref<3x16x1024xf32, #tpu.memory_space<vmem>>, vector<1x1x16xf32>,
      %parallel_loop3A_393 = vector.shape_cast %parallel_loop3A_392 : vector<1x1x16xf32> to vector<16xf32>
      %parallel_loop3A_394 = vector.shape_cast %parallel_loop3A_386 : vector<16xf32> to vector<1x1x16xf32>
      tpu.vector_store %arg11[%parallel_loop3A_389, %parallel_loop3A_390, %parallel_loop3A_391], %parallel_loop3A_394 {strides = array<i32>} : memref<3x16x1024xf32, #tpu.memory_space<vmem>>, vector<1x1x16xf32>,
      %parallel_loop3A_395 = arith.constant 20 : i32
      %parallel_loop3A_396 = arith.index_cast %parallel_loop3A_395 : i32 to index
      %parallel_loop3A_397 = arith.index_cast %parallel_loop3A_237 : i32 to index
      %parallel_loop3A_398 = tpu.vector_load %arg7[%parallel_loop3A_396, %parallel_loop3A_397] {strides = array<i32>} : memref<32x1024xf32, #tpu.memory_space<vmem>>, vector<1x16xf32>,
      %parallel_loop3A_399 = vector.shape_cast %parallel_loop3A_398 : vector<1x16xf32> to vector<16xf32>
      %parallel_loop3A_400 = arith.addf %parallel_loop3A_399, %parallel_loop3A_242 : vector<16xf32>
      %parallel_loop3A_401 = arith.constant 0 : i32
      %parallel_loop3A_402 = arith.constant 13 : i32
      %parallel_loop3A_403 = arith.index_cast %parallel_loop3A_401 : i32 to index
      %parallel_loop3A_404 = arith.index_cast %parallel_loop3A_402 : i32 to index
      %parallel_loop3A_405 = arith.index_cast %parallel_loop3A_237 : i32 to index
      %parallel_loop3A_406 = tpu.vector_load %arg11[%parallel_loop3A_403, %parallel_loop3A_404, %parallel_loop3A_405] {strides = array<i32>} : memref<3x16x1024xf32, #tpu.memory_space<vmem>>, vector<1x1x16xf32>,
      %parallel_loop3A_407 = vector.shape_cast %parallel_loop3A_406 : vector<1x1x16xf32> to vector<16xf32>
      %parallel_loop3A_408 = vector.shape_cast %parallel_loop3A_400 : vector<16xf32> to vector<1x1x16xf32>
      tpu.vector_store %arg11[%parallel_loop3A_403, %parallel_loop3A_404, %parallel_loop3A_405], %parallel_loop3A_408 {strides = array<i32>} : memref<3x16x1024xf32, #tpu.memory_space<vmem>>, vector<1x1x16xf32>,
      %parallel_loop3A_409 = arith.addf %parallel_loop3A_399, %parallel_loop3A_247 : vector<16xf32>
      %parallel_loop3A_410 = arith.constant 0 : i32
      %parallel_loop3A_411 = arith.constant 14 : i32
      %parallel_loop3A_412 = arith.index_cast %parallel_loop3A_410 : i32 to index
      %parallel_loop3A_413 = arith.index_cast %parallel_loop3A_411 : i32 to index
      %parallel_loop3A_414 = arith.index_cast %parallel_loop3A_237 : i32 to index
      %parallel_loop3A_415 = tpu.vector_load %arg11[%parallel_loop3A_412, %parallel_loop3A_413, %parallel_loop3A_414] {strides = array<i32>} : memref<3x16x1024xf32, #tpu.memory_space<vmem>>, vector<1x1x16xf32>,
      %parallel_loop3A_416 = vector.shape_cast %parallel_loop3A_415 : vector<1x1x16xf32> to vector<16xf32>
      %parallel_loop3A_417 = vector.shape_cast %parallel_loop3A_409 : vector<16xf32> to vector<1x1x16xf32>
      tpu.vector_store %arg11[%parallel_loop3A_412, %parallel_loop3A_413, %parallel_loop3A_414], %parallel_loop3A_417 {strides = array<i32>} : memref<3x16x1024xf32, #tpu.memory_space<vmem>>, vector<1x1x16xf32>,
      %parallel_loop3A_418 = arith.addf %parallel_loop3A_399, %parallel_loop3A_252 : vector<16xf32>
      %parallel_loop3A_419 = arith.constant 0 : i32
      %parallel_loop3A_420 = arith.constant 15 : i32
      %parallel_loop3A_421 = arith.index_cast %parallel_loop3A_419 : i32 to index
      %parallel_loop3A_422 = arith.index_cast %parallel_loop3A_420 : i32 to index
      %parallel_loop3A_423 = arith.index_cast %parallel_loop3A_237 : i32 to index
      %parallel_loop3A_424 = tpu.vector_load %arg11[%parallel_loop3A_421, %parallel_loop3A_422, %parallel_loop3A_423] {strides = array<i32>} : memref<3x16x1024xf32, #tpu.memory_space<vmem>>, vector<1x1x16xf32>,
      %parallel_loop3A_425 = vector.shape_cast %parallel_loop3A_424 : vector<1x1x16xf32> to vector<16xf32>
      %parallel_loop3A_426 = vector.shape_cast %parallel_loop3A_418 : vector<16xf32> to vector<1x1x16xf32>
      tpu.vector_store %arg11[%parallel_loop3A_421, %parallel_loop3A_422, %parallel_loop3A_423], %parallel_loop3A_426 {strides = array<i32>} : memref<3x16x1024xf32, #tpu.memory_space<vmem>>, vector<1x1x16xf32>,
    } {sc.loop_unroll_factor = 4 : i64, sc.parallel_access}
    %mul3A_110 = arith.constant 96 : i32
    %mul3A_111 = arith.muli %add3A, %mul3A_110 : i32
    %add3A_112 = arith.constant 48 : i32
    %add3A_113 = arith.addi %mul3A_111, %add3A_112 : i32
    %dma_start3A_114 = arith.constant 0 : i32
    %dma_start3A_115 = arith.constant 0 : i32
    %dma_start3A_116 = arith.constant 0 : i32
    %dma_start3A_117 = tpu.memref_slice %arg11[%dma_start3A_114, %dma_start3A_115, %dma_start3A_116] : memref<3x16x1024xf32, #tpu.memory_space<vmem>> -> memref<1x16x1024xf32, #tpu.memory_space<vmem>>
    %dma_start3A_118 = tpu.memref_squeeze %dma_start3A_117 : memref<1x16x1024xf32, #tpu.memory_space<vmem>> -> memref<16x1024xf32, #tpu.memory_space<vmem>>
    %dma_start3A_119 = arith.constant 0 : i32
    %dma_start3A_120 = tpu.memref_slice %arg5[%add3A_113, %dma_start3A_119] : memref<3073x1024xf32, #tpu.memory_space<hbm>> -> memref<16x1024xf32, #tpu.memory_space<hbm>>
    %dma_start3A_121 = arith.constant 0 : i32
    %dma_start3A_122 = tpu.memref_slice %arg5[%add3A_113, %dma_start3A_121] : memref<3073x1024xf32, #tpu.memory_space<hbm>> -> memref<16x1024xf32, #tpu.memory_space<hbm>>
    %dma_start3A_123 = arith.constant 0 : i32
    %dma_start3A_124 = arith.constant 0 : i32
    %dma_start3A_125 = tpu.memref_slice %arg11[%dma_start3A_114, %dma_start3A_123, %dma_start3A_124] : memref<3x16x1024xf32, #tpu.memory_space<vmem>> -> memref<1x16x1024xf32, #tpu.memory_space<vmem>>
    %dma_start3A_126 = tpu.memref_squeeze %dma_start3A_125 : memref<1x16x1024xf32, #tpu.memory_space<vmem>> -> memref<16x1024xf32, #tpu.memory_space<vmem>>
    tpu.enqueue_dma source(%dma_start3A_126 : memref<16x1024xf32, #tpu.memory_space<vmem>>) target(%dma_start3A_122 : memref<16x1024xf32, #tpu.memory_space<hbm>>) target_semaphore(%arg13 : memref<!tpu.dma_semaphore, #tpu.memory_space<semaphore_mem>>)
    %dma_wait3A_127 = arith.constant 1 : i32
    %dma_wait3A_128 = arith.constant 0 : i32
    %dma_wait3A_129 = arith.constant 0 : i32
    %dma_wait3A_130 = tpu.memref_slice %arg11[%dma_wait3A_127, %dma_wait3A_128, %dma_wait3A_129] : memref<3x16x1024xf32, #tpu.memory_space<vmem>> -> memref<1x16x1024xf32, #tpu.memory_space<vmem>>
    %dma_wait3A_131 = tpu.memref_squeeze %dma_wait3A_130 : memref<1x16x1024xf32, #tpu.memory_space<vmem>> -> memref<16x1024xf32, #tpu.memory_space<vmem>>
    %dma_wait3A_132 = arith.constant 0 : i32
    %dma_wait3A_133 = tpu.memref_slice %arg5[%add3A_60, %dma_wait3A_132] : memref<3073x1024xf32, #tpu.memory_space<hbm>> -> memref<16x1024xf32, #tpu.memory_space<hbm>>
    %dma_wait3A_134 = arith.constant 0 : i32
    %dma_wait3A_135 = tpu.memref_slice %arg5[%add3A_60, %dma_wait3A_134] : memref<3073x1024xf32, #tpu.memory_space<hbm>> -> memref<16x1024xf32, #tpu.memory_space<hbm>>
    %dma_wait3A_136 = arith.constant 0 : i32
    %dma_wait3A_137 = arith.constant 0 : i32
    %dma_wait3A_138 = tpu.memref_slice %arg11[%dma_wait3A_127, %dma_wait3A_136, %dma_wait3A_137] : memref<3x16x1024xf32, #tpu.memory_space<vmem>> -> memref<1x16x1024xf32, #tpu.memory_space<vmem>>
    %dma_wait3A_139 = tpu.memref_squeeze %dma_wait3A_138 : memref<1x16x1024xf32, #tpu.memory_space<vmem>> -> memref<16x1024xf32, #tpu.memory_space<vmem>>
    tpu.wait_dma2 semaphore(%arg14 : memref<!tpu.dma_semaphore, #tpu.memory_space<semaphore_mem>>) src(%dma_wait3A_139 : memref<16x1024xf32, #tpu.memory_space<vmem>>) dst(%dma_wait3A_135 : memref<16x1024xf32, #tpu.memory_space<hbm>>)
    %parallel_loop3A_140 = arith.constant 0 : i32
    %parallel_loop3A_141 = arith.constant 64 : i32
    %parallel_loop3A_142 = arith.constant 1 : i32
    scf.for %parallel_loop3A_235 = %parallel_loop3A_140 to %parallel_loop3A_141 step %parallel_loop3A_142  : i32 {
      %parallel_loop3A_236 = arith.constant 16 : i32
      %parallel_loop3A_237 = arith.muli %parallel_loop3A_235, %parallel_loop3A_236 : i32
      %parallel_loop3A_238 = arith.constant 0 : i32
      %parallel_loop3A_239 = arith.index_cast %parallel_loop3A_238 : i32 to index
      %parallel_loop3A_240 = arith.index_cast %parallel_loop3A_237 : i32 to index
      %parallel_loop3A_241 = tpu.vector_load %arg9[%parallel_loop3A_239, %parallel_loop3A_240] {strides = array<i32>} : memref<3x1024xf32, #tpu.memory_space<vmem>>, vector<1x16xf32>,
      %parallel_loop3A_242 = vector.shape_cast %parallel_loop3A_241 : vector<1x16xf32> to vector<16xf32>
      %parallel_loop3A_243 = arith.constant 1 : i32
      %parallel_loop3A_244 = arith.index_cast %parallel_loop3A_243 : i32 to index
      %parallel_loop3A_245 = arith.index_cast %parallel_loop3A_237 : i32 to index
      %parallel_loop3A_246 = tpu.vector_load %arg9[%parallel_loop3A_244, %parallel_loop3A_245] {strides = array<i32>} : memref<3x1024xf32, #tpu.memory_space<vmem>>, vector<1x16xf32>,
      %parallel_loop3A_247 = vector.shape_cast %parallel_loop3A_246 : vector<1x16xf32> to vector<16xf32>
      %parallel_loop3A_248 = arith.constant 2 : i32
      %parallel_loop3A_249 = arith.index_cast %parallel_loop3A_248 : i32 to index
      %parallel_loop3A_250 = arith.index_cast %parallel_loop3A_237 : i32 to index
      %parallel_loop3A_251 = tpu.vector_load %arg9[%parallel_loop3A_249, %parallel_loop3A_250] {strides = array<i32>} : memref<3x1024xf32, #tpu.memory_space<vmem>>, vector<1x16xf32>,
      %parallel_loop3A_252 = vector.shape_cast %parallel_loop3A_251 : vector<1x16xf32> to vector<16xf32>
      %parallel_loop3A_253 = arith.constant 21 : i32
      %parallel_loop3A_254 = arith.index_cast %parallel_loop3A_253 : i32 to index
      %parallel_loop3A_255 = arith.index_cast %parallel_loop3A_237 : i32 to index
      %parallel_loop3A_256 = tpu.vector_load %arg7[%parallel_loop3A_254, %parallel_loop3A_255] {strides = array<i32>} : memref<32x1024xf32, #tpu.memory_space<vmem>>, vector<1x16xf32>,
      %parallel_loop3A_257 = vector.shape_cast %parallel_loop3A_256 : vector<1x16xf32> to vector<16xf32>
      %parallel_loop3A_258 = arith.addf %parallel_loop3A_257, %parallel_loop3A_242 : vector<16xf32>
      %parallel_loop3A_259 = arith.constant 1 : i32
      %parallel_loop3A_260 = arith.constant 0 : i32
      %parallel_loop3A_261 = arith.index_cast %parallel_loop3A_259 : i32 to index
      %parallel_loop3A_262 = arith.index_cast %parallel_loop3A_260 : i32 to index
      %parallel_loop3A_263 = arith.index_cast %parallel_loop3A_237 : i32 to index
      %parallel_loop3A_264 = tpu.vector_load %arg11[%parallel_loop3A_261, %parallel_loop3A_262, %parallel_loop3A_263] {strides = array<i32>} : memref<3x16x1024xf32, #tpu.memory_space<vmem>>, vector<1x1x16xf32>,
      %parallel_loop3A_265 = vector.shape_cast %parallel_loop3A_264 : vector<1x1x16xf32> to vector<16xf32>
      %parallel_loop3A_266 = vector.shape_cast %parallel_loop3A_258 : vector<16xf32> to vector<1x1x16xf32>
      tpu.vector_store %arg11[%parallel_loop3A_261, %parallel_loop3A_262, %parallel_loop3A_263], %parallel_loop3A_266 {strides = array<i32>} : memref<3x16x1024xf32, #tpu.memory_space<vmem>>, vector<1x1x16xf32>,
      %parallel_loop3A_267 = arith.addf %parallel_loop3A_257, %parallel_loop3A_247 : vector<16xf32>
      %parallel_loop3A_268 = arith.constant 1 : i32
      %parallel_loop3A_269 = arith.constant 1 : i32
      %parallel_loop3A_270 = arith.index_cast %parallel_loop3A_268 : i32 to index
      %parallel_loop3A_271 = arith.index_cast %parallel_loop3A_269 : i32 to index
      %parallel_loop3A_272 = arith.index_cast %parallel_loop3A_237 : i32 to index
      %parallel_loop3A_273 = tpu.vector_load %arg11[%parallel_loop3A_270, %parallel_loop3A_271, %parallel_loop3A_272] {strides = array<i32>} : memref<3x16x1024xf32, #tpu.memory_space<vmem>>, vector<1x1x16xf32>,
      %parallel_loop3A_274 = vector.shape_cast %parallel_loop3A_273 : vector<1x1x16xf32> to vector<16xf32>
      %parallel_loop3A_275 = vector.shape_cast %parallel_loop3A_267 : vector<16xf32> to vector<1x1x16xf32>
      tpu.vector_store %arg11[%parallel_loop3A_270, %parallel_loop3A_271, %parallel_loop3A_272], %parallel_loop3A_275 {strides = array<i32>} : memref<3x16x1024xf32, #tpu.memory_space<vmem>>, vector<1x1x16xf32>,
      %parallel_loop3A_276 = arith.addf %parallel_loop3A_257, %parallel_loop3A_252 : vector<16xf32>
      %parallel_loop3A_277 = arith.constant 1 : i32
      %parallel_loop3A_278 = arith.constant 2 : i32
      %parallel_loop3A_279 = arith.index_cast %parallel_loop3A_277 : i32 to index
      %parallel_loop3A_280 = arith.index_cast %parallel_loop3A_278 : i32 to index
      %parallel_loop3A_281 = arith.index_cast %parallel_loop3A_237 : i32 to index
      %parallel_loop3A_282 = tpu.vector_load %arg11[%parallel_loop3A_279, %parallel_loop3A_280, %parallel_loop3A_281] {strides = array<i32>} : memref<3x16x1024xf32, #tpu.memory_space<vmem>>, vector<1x1x16xf32>,
      %parallel_loop3A_283 = vector.shape_cast %parallel_loop3A_282 : vector<1x1x16xf32> to vector<16xf32>
      %parallel_loop3A_284 = vector.shape_cast %parallel_loop3A_276 : vector<16xf32> to vector<1x1x16xf32>
      tpu.vector_store %arg11[%parallel_loop3A_279, %parallel_loop3A_280, %parallel_loop3A_281], %parallel_loop3A_284 {strides = array<i32>} : memref<3x16x1024xf32, #tpu.memory_space<vmem>>, vector<1x1x16xf32>,
      %parallel_loop3A_285 = arith.constant 22 : i32
      %parallel_loop3A_286 = arith.index_cast %parallel_loop3A_285 : i32 to index
      %parallel_loop3A_287 = arith.index_cast %parallel_loop3A_237 : i32 to index
      %parallel_loop3A_288 = tpu.vector_load %arg7[%parallel_loop3A_286, %parallel_loop3A_287] {strides = array<i32>} : memref<32x1024xf32, #tpu.memory_space<vmem>>, vector<1x16xf32>,
      %parallel_loop3A_289 = vector.shape_cast %parallel_loop3A_288 : vector<1x16xf32> to vector<16xf32>
      %parallel_loop3A_290 = arith.addf %parallel_loop3A_289, %parallel_loop3A_242 : vector<16xf32>
      %parallel_loop3A_291 = arith.constant 1 : i32
      %parallel_loop3A_292 = arith.constant 3 : i32
      %parallel_loop3A_293 = arith.index_cast %parallel_loop3A_291 : i32 to index
      %parallel_loop3A_294 = arith.index_cast %parallel_loop3A_292 : i32 to index
      %parallel_loop3A_295 = arith.index_cast %parallel_loop3A_237 : i32 to index
      %parallel_loop3A_296 = tpu.vector_load %arg11[%parallel_loop3A_293, %parallel_loop3A_294, %parallel_loop3A_295] {strides = array<i32>} : memref<3x16x1024xf32, #tpu.memory_space<vmem>>, vector<1x1x16xf32>,
      %parallel_loop3A_297 = vector.shape_cast %parallel_loop3A_296 : vector<1x1x16xf32> to vector<16xf32>
      %parallel_loop3A_298 = vector.shape_cast %parallel_loop3A_290 : vector<16xf32> to vector<1x1x16xf32>
      tpu.vector_store %arg11[%parallel_loop3A_293, %parallel_loop3A_294, %parallel_loop3A_295], %parallel_loop3A_298 {strides = array<i32>} : memref<3x16x1024xf32, #tpu.memory_space<vmem>>, vector<1x1x16xf32>,
      %parallel_loop3A_299 = arith.addf %parallel_loop3A_289, %parallel_loop3A_247 : vector<16xf32>
      %parallel_loop3A_300 = arith.constant 1 : i32
      %parallel_loop3A_301 = arith.constant 4 : i32
      %parallel_loop3A_302 = arith.index_cast %parallel_loop3A_300 : i32 to index
      %parallel_loop3A_303 = arith.index_cast %parallel_loop3A_301 : i32 to index
      %parallel_loop3A_304 = arith.index_cast %parallel_loop3A_237 : i32 to index
      %parallel_loop3A_305 = tpu.vector_load %arg11[%parallel_loop3A_302, %parallel_loop3A_303, %parallel_loop3A_304] {strides = array<i32>} : memref<3x16x1024xf32, #tpu.memory_space<vmem>>, vector<1x1x16xf32>,
      %parallel_loop3A_306 = vector.shape_cast %parallel_loop3A_305 : vector<1x1x16xf32> to vector<16xf32>
      %parallel_loop3A_307 = vector.shape_cast %parallel_loop3A_299 : vector<16xf32> to vector<1x1x16xf32>
      tpu.vector_store %arg11[%parallel_loop3A_302, %parallel_loop3A_303, %parallel_loop3A_304], %parallel_loop3A_307 {strides = array<i32>} : memref<3x16x1024xf32, #tpu.memory_space<vmem>>, vector<1x1x16xf32>,
      %parallel_loop3A_308 = arith.addf %parallel_loop3A_289, %parallel_loop3A_252 : vector<16xf32>
      %parallel_loop3A_309 = arith.constant 1 : i32
      %parallel_loop3A_310 = arith.constant 5 : i32
      %parallel_loop3A_311 = arith.index_cast %parallel_loop3A_309 : i32 to index
      %parallel_loop3A_312 = arith.index_cast %parallel_loop3A_310 : i32 to index
      %parallel_loop3A_313 = arith.index_cast %parallel_loop3A_237 : i32 to index
      %parallel_loop3A_314 = tpu.vector_load %arg11[%parallel_loop3A_311, %parallel_loop3A_312, %parallel_loop3A_313] {strides = array<i32>} : memref<3x16x1024xf32, #tpu.memory_space<vmem>>, vector<1x1x16xf32>,
      %parallel_loop3A_315 = vector.shape_cast %parallel_loop3A_314 : vector<1x1x16xf32> to vector<16xf32>
      %parallel_loop3A_316 = vector.shape_cast %parallel_loop3A_308 : vector<16xf32> to vector<1x1x16xf32>
      tpu.vector_store %arg11[%parallel_loop3A_311, %parallel_loop3A_312, %parallel_loop3A_313], %parallel_loop3A_316 {strides = array<i32>} : memref<3x16x1024xf32, #tpu.memory_space<vmem>>, vector<1x1x16xf32>,
      %parallel_loop3A_317 = arith.constant 23 : i32
      %parallel_loop3A_318 = arith.index_cast %parallel_loop3A_317 : i32 to index
      %parallel_loop3A_319 = arith.index_cast %parallel_loop3A_237 : i32 to index
      %parallel_loop3A_320 = tpu.vector_load %arg7[%parallel_loop3A_318, %parallel_loop3A_319] {strides = array<i32>} : memref<32x1024xf32, #tpu.memory_space<vmem>>, vector<1x16xf32>,
      %parallel_loop3A_321 = vector.shape_cast %parallel_loop3A_320 : vector<1x16xf32> to vector<16xf32>
      %parallel_loop3A_322 = arith.addf %parallel_loop3A_321, %parallel_loop3A_242 : vector<16xf32>
      %parallel_loop3A_323 = arith.constant 1 : i32
      %parallel_loop3A_324 = arith.constant 6 : i32
      %parallel_loop3A_325 = arith.index_cast %parallel_loop3A_323 : i32 to index
      %parallel_loop3A_326 = arith.index_cast %parallel_loop3A_324 : i32 to index
      %parallel_loop3A_327 = arith.index_cast %parallel_loop3A_237 : i32 to index
      %parallel_loop3A_328 = tpu.vector_load %arg11[%parallel_loop3A_325, %parallel_loop3A_326, %parallel_loop3A_327] {strides = array<i32>} : memref<3x16x1024xf32, #tpu.memory_space<vmem>>, vector<1x1x16xf32>,
      %parallel_loop3A_329 = vector.shape_cast %parallel_loop3A_328 : vector<1x1x16xf32> to vector<16xf32>
      %parallel_loop3A_330 = vector.shape_cast %parallel_loop3A_322 : vector<16xf32> to vector<1x1x16xf32>
      tpu.vector_store %arg11[%parallel_loop3A_325, %parallel_loop3A_326, %parallel_loop3A_327], %parallel_loop3A_330 {strides = array<i32>} : memref<3x16x1024xf32, #tpu.memory_space<vmem>>, vector<1x1x16xf32>,
      %parallel_loop3A_331 = arith.addf %parallel_loop3A_321, %parallel_loop3A_247 : vector<16xf32>
      %parallel_loop3A_332 = arith.constant 1 : i32
      %parallel_loop3A_333 = arith.constant 7 : i32
      %parallel_loop3A_334 = arith.index_cast %parallel_loop3A_332 : i32 to index
      %parallel_loop3A_335 = arith.index_cast %parallel_loop3A_333 : i32 to index
      %parallel_loop3A_336 = arith.index_cast %parallel_loop3A_237 : i32 to index
      %parallel_loop3A_337 = tpu.vector_load %arg11[%parallel_loop3A_334, %parallel_loop3A_335, %parallel_loop3A_336] {strides = array<i32>} : memref<3x16x1024xf32, #tpu.memory_space<vmem>>, vector<1x1x16xf32>,
      %parallel_loop3A_338 = vector.shape_cast %parallel_loop3A_337 : vector<1x1x16xf32> to vector<16xf32>
      %parallel_loop3A_339 = vector.shape_cast %parallel_loop3A_331 : vector<16xf32> to vector<1x1x16xf32>
      tpu.vector_store %arg11[%parallel_loop3A_334, %parallel_loop3A_335, %parallel_loop3A_336], %parallel_loop3A_339 {strides = array<i32>} : memref<3x16x1024xf32, #tpu.memory_space<vmem>>, vector<1x1x16xf32>,
      %parallel_loop3A_340 = arith.addf %parallel_loop3A_321, %parallel_loop3A_252 : vector<16xf32>
      %parallel_loop3A_341 = arith.constant 1 : i32
      %parallel_loop3A_342 = arith.constant 8 : i32
      %parallel_loop3A_343 = arith.index_cast %parallel_loop3A_341 : i32 to index
      %parallel_loop3A_344 = arith.index_cast %parallel_loop3A_342 : i32 to index
      %parallel_loop3A_345 = arith.index_cast %parallel_loop3A_237 : i32 to index
      %parallel_loop3A_346 = tpu.vector_load %arg11[%parallel_loop3A_343, %parallel_loop3A_344, %parallel_loop3A_345] {strides = array<i32>} : memref<3x16x1024xf32, #tpu.memory_space<vmem>>, vector<1x1x16xf32>,
      %parallel_loop3A_347 = vector.shape_cast %parallel_loop3A_346 : vector<1x1x16xf32> to vector<16xf32>
      %parallel_loop3A_348 = vector.shape_cast %parallel_loop3A_340 : vector<16xf32> to vector<1x1x16xf32>
      tpu.vector_store %arg11[%parallel_loop3A_343, %parallel_loop3A_344, %parallel_loop3A_345], %parallel_loop3A_348 {strides = array<i32>} : memref<3x16x1024xf32, #tpu.memory_space<vmem>>, vector<1x1x16xf32>,
      %parallel_loop3A_349 = arith.constant 24 : i32
      %parallel_loop3A_350 = arith.index_cast %parallel_loop3A_349 : i32 to index
      %parallel_loop3A_351 = arith.index_cast %parallel_loop3A_237 : i32 to index
      %parallel_loop3A_352 = tpu.vector_load %arg7[%parallel_loop3A_350, %parallel_loop3A_351] {strides = array<i32>} : memref<32x1024xf32, #tpu.memory_space<vmem>>, vector<1x16xf32>,
      %parallel_loop3A_353 = vector.shape_cast %parallel_loop3A_352 : vector<1x16xf32> to vector<16xf32>
      %parallel_loop3A_354 = arith.addf %parallel_loop3A_353, %parallel_loop3A_242 : vector<16xf32>
      %parallel_loop3A_355 = arith.constant 1 : i32
      %parallel_loop3A_356 = arith.constant 9 : i32
      %parallel_loop3A_357 = arith.index_cast %parallel_loop3A_355 : i32 to index
      %parallel_loop3A_358 = arith.index_cast %parallel_loop3A_356 : i32 to index
      %parallel_loop3A_359 = arith.index_cast %parallel_loop3A_237 : i32 to index
      %parallel_loop3A_360 = tpu.vector_load %arg11[%parallel_loop3A_357, %parallel_loop3A_358, %parallel_loop3A_359] {strides = array<i32>} : memref<3x16x1024xf32, #tpu.memory_space<vmem>>, vector<1x1x16xf32>,
      %parallel_loop3A_361 = vector.shape_cast %parallel_loop3A_360 : vector<1x1x16xf32> to vector<16xf32>
      %parallel_loop3A_362 = vector.shape_cast %parallel_loop3A_354 : vector<16xf32> to vector<1x1x16xf32>
      tpu.vector_store %arg11[%parallel_loop3A_357, %parallel_loop3A_358, %parallel_loop3A_359], %parallel_loop3A_362 {strides = array<i32>} : memref<3x16x1024xf32, #tpu.memory_space<vmem>>, vector<1x1x16xf32>,
      %parallel_loop3A_363 = arith.addf %parallel_loop3A_353, %parallel_loop3A_247 : vector<16xf32>
      %parallel_loop3A_364 = arith.constant 1 : i32
      %parallel_loop3A_365 = arith.constant 10 : i32
      %parallel_loop3A_366 = arith.index_cast %parallel_loop3A_364 : i32 to index
      %parallel_loop3A_367 = arith.index_cast %parallel_loop3A_365 : i32 to index
      %parallel_loop3A_368 = arith.index_cast %parallel_loop3A_237 : i32 to index
      %parallel_loop3A_369 = tpu.vector_load %arg11[%parallel_loop3A_366, %parallel_loop3A_367, %parallel_loop3A_368] {strides = array<i32>} : memref<3x16x1024xf32, #tpu.memory_space<vmem>>, vector<1x1x16xf32>,
      %parallel_loop3A_370 = vector.shape_cast %parallel_loop3A_369 : vector<1x1x16xf32> to vector<16xf32>
      %parallel_loop3A_371 = vector.shape_cast %parallel_loop3A_363 : vector<16xf32> to vector<1x1x16xf32>
      tpu.vector_store %arg11[%parallel_loop3A_366, %parallel_loop3A_367, %parallel_loop3A_368], %parallel_loop3A_371 {strides = array<i32>} : memref<3x16x1024xf32, #tpu.memory_space<vmem>>, vector<1x1x16xf32>,
      %parallel_loop3A_372 = arith.addf %parallel_loop3A_353, %parallel_loop3A_252 : vector<16xf32>
      %parallel_loop3A_373 = arith.constant 1 : i32
      %parallel_loop3A_374 = arith.constant 11 : i32
      %parallel_loop3A_375 = arith.index_cast %parallel_loop3A_373 : i32 to index
      %parallel_loop3A_376 = arith.index_cast %parallel_loop3A_374 : i32 to index
      %parallel_loop3A_377 = arith.index_cast %parallel_loop3A_237 : i32 to index
      %parallel_loop3A_378 = tpu.vector_load %arg11[%parallel_loop3A_375, %parallel_loop3A_376, %parallel_loop3A_377] {strides = array<i32>} : memref<3x16x1024xf32, #tpu.memory_space<vmem>>, vector<1x1x16xf32>,
      %parallel_loop3A_379 = vector.shape_cast %parallel_loop3A_378 : vector<1x1x16xf32> to vector<16xf32>
      %parallel_loop3A_380 = vector.shape_cast %parallel_loop3A_372 : vector<16xf32> to vector<1x1x16xf32>
      tpu.vector_store %arg11[%parallel_loop3A_375, %parallel_loop3A_376, %parallel_loop3A_377], %parallel_loop3A_380 {strides = array<i32>} : memref<3x16x1024xf32, #tpu.memory_space<vmem>>, vector<1x1x16xf32>,
      %parallel_loop3A_381 = arith.constant 25 : i32
      %parallel_loop3A_382 = arith.index_cast %parallel_loop3A_381 : i32 to index
      %parallel_loop3A_383 = arith.index_cast %parallel_loop3A_237 : i32 to index
      %parallel_loop3A_384 = tpu.vector_load %arg7[%parallel_loop3A_382, %parallel_loop3A_383] {strides = array<i32>} : memref<32x1024xf32, #tpu.memory_space<vmem>>, vector<1x16xf32>,
      %parallel_loop3A_385 = vector.shape_cast %parallel_loop3A_384 : vector<1x16xf32> to vector<16xf32>
      %parallel_loop3A_386 = arith.addf %parallel_loop3A_385, %parallel_loop3A_242 : vector<16xf32>
      %parallel_loop3A_387 = arith.constant 1 : i32
      %parallel_loop3A_388 = arith.constant 12 : i32
      %parallel_loop3A_389 = arith.index_cast %parallel_loop3A_387 : i32 to index
      %parallel_loop3A_390 = arith.index_cast %parallel_loop3A_388 : i32 to index
      %parallel_loop3A_391 = arith.index_cast %parallel_loop3A_237 : i32 to index
      %parallel_loop3A_392 = tpu.vector_load %arg11[%parallel_loop3A_389, %parallel_loop3A_390, %parallel_loop3A_391] {strides = array<i32>} : memref<3x16x1024xf32, #tpu.memory_space<vmem>>, vector<1x1x16xf32>,
      %parallel_loop3A_393 = vector.shape_cast %parallel_loop3A_392 : vector<1x1x16xf32> to vector<16xf32>
      %parallel_loop3A_394 = vector.shape_cast %parallel_loop3A_386 : vector<16xf32> to vector<1x1x16xf32>
      tpu.vector_store %arg11[%parallel_loop3A_389, %parallel_loop3A_390, %parallel_loop3A_391], %parallel_loop3A_394 {strides = array<i32>} : memref<3x16x1024xf32, #tpu.memory_space<vmem>>, vector<1x1x16xf32>,
      %parallel_loop3A_395 = arith.addf %parallel_loop3A_385, %parallel_loop3A_247 : vector<16xf32>
      %parallel_loop3A_396 = arith.constant 1 : i32
      %parallel_loop3A_397 = arith.constant 13 : i32
      %parallel_loop3A_398 = arith.index_cast %parallel_loop3A_396 : i32 to index
      %parallel_loop3A_399 = arith.index_cast %parallel_loop3A_397 : i32 to index
      %parallel_loop3A_400 = arith.index_cast %parallel_loop3A_237 : i32 to index
      %parallel_loop3A_401 = tpu.vector_load %arg11[%parallel_loop3A_398, %parallel_loop3A_399, %parallel_loop3A_400] {strides = array<i32>} : memref<3x16x1024xf32, #tpu.memory_space<vmem>>, vector<1x1x16xf32>,
      %parallel_loop3A_402 = vector.shape_cast %parallel_loop3A_401 : vector<1x1x16xf32> to vector<16xf32>
      %parallel_loop3A_403 = vector.shape_cast %parallel_loop3A_395 : vector<16xf32> to vector<1x1x16xf32>
      tpu.vector_store %arg11[%parallel_loop3A_398, %parallel_loop3A_399, %parallel_loop3A_400], %parallel_loop3A_403 {strides = array<i32>} : memref<3x16x1024xf32, #tpu.memory_space<vmem>>, vector<1x1x16xf32>,
      %parallel_loop3A_404 = arith.addf %parallel_loop3A_385, %parallel_loop3A_252 : vector<16xf32>
      %parallel_loop3A_405 = arith.constant 1 : i32
      %parallel_loop3A_406 = arith.constant 14 : i32
      %parallel_loop3A_407 = arith.index_cast %parallel_loop3A_405 : i32 to index
      %parallel_loop3A_408 = arith.index_cast %parallel_loop3A_406 : i32 to index
      %parallel_loop3A_409 = arith.index_cast %parallel_loop3A_237 : i32 to index
      %parallel_loop3A_410 = tpu.vector_load %arg11[%parallel_loop3A_407, %parallel_loop3A_408, %parallel_loop3A_409] {strides = array<i32>} : memref<3x16x1024xf32, #tpu.memory_space<vmem>>, vector<1x1x16xf32>,
      %parallel_loop3A_411 = vector.shape_cast %parallel_loop3A_410 : vector<1x1x16xf32> to vector<16xf32>
      %parallel_loop3A_412 = vector.shape_cast %parallel_loop3A_404 : vector<16xf32> to vector<1x1x16xf32>
      tpu.vector_store %arg11[%parallel_loop3A_407, %parallel_loop3A_408, %parallel_loop3A_409], %parallel_loop3A_412 {strides = array<i32>} : memref<3x16x1024xf32, #tpu.memory_space<vmem>>, vector<1x1x16xf32>,
      %parallel_loop3A_413 = arith.constant 26 : i32
      %parallel_loop3A_414 = arith.index_cast %parallel_loop3A_413 : i32 to index
      %parallel_loop3A_415 = arith.index_cast %parallel_loop3A_237 : i32 to index
      %parallel_loop3A_416 = tpu.vector_load %arg7[%parallel_loop3A_414, %parallel_loop3A_415] {strides = array<i32>} : memref<32x1024xf32, #tpu.memory_space<vmem>>, vector<1x16xf32>,
      %parallel_loop3A_417 = vector.shape_cast %parallel_loop3A_416 : vector<1x16xf32> to vector<16xf32>
      %parallel_loop3A_418 = arith.addf %parallel_loop3A_417, %parallel_loop3A_242 : vector<16xf32>
      %parallel_loop3A_419 = arith.constant 1 : i32
      %parallel_loop3A_420 = arith.constant 15 : i32
      %parallel_loop3A_421 = arith.index_cast %parallel_loop3A_419 : i32 to index
      %parallel_loop3A_422 = arith.index_cast %parallel_loop3A_420 : i32 to index
      %parallel_loop3A_423 = arith.index_cast %parallel_loop3A_237 : i32 to index
      %parallel_loop3A_424 = tpu.vector_load %arg11[%parallel_loop3A_421, %parallel_loop3A_422, %parallel_loop3A_423] {strides = array<i32>} : memref<3x16x1024xf32, #tpu.memory_space<vmem>>, vector<1x1x16xf32>,
      %parallel_loop3A_425 = vector.shape_cast %parallel_loop3A_424 : vector<1x1x16xf32> to vector<16xf32>
      %parallel_loop3A_426 = vector.shape_cast %parallel_loop3A_418 : vector<16xf32> to vector<1x1x16xf32>
      tpu.vector_store %arg11[%parallel_loop3A_421, %parallel_loop3A_422, %parallel_loop3A_423], %parallel_loop3A_426 {strides = array<i32>} : memref<3x16x1024xf32, #tpu.memory_space<vmem>>, vector<1x1x16xf32>,
    } {sc.loop_unroll_factor = 4 : i64, sc.parallel_access}
    %mul3A_143 = arith.constant 96 : i32
    %mul3A_144 = arith.muli %add3A, %mul3A_143 : i32
    %add3A_145 = arith.constant 64 : i32
    %add3A_146 = arith.addi %mul3A_144, %add3A_145 : i32
    %dma_start3A_147 = arith.constant 1 : i32
    %dma_start3A_148 = arith.constant 0 : i32
    %dma_start3A_149 = arith.constant 0 : i32
    %dma_start3A_150 = tpu.memref_slice %arg11[%dma_start3A_147, %dma_start3A_148, %dma_start3A_149] : memref<3x16x1024xf32, #tpu.memory_space<vmem>> -> memref<1x16x1024xf32, #tpu.memory_space<vmem>>
    %dma_start3A_151 = tpu.memref_squeeze %dma_start3A_150 : memref<1x16x1024xf32, #tpu.memory_space<vmem>> -> memref<16x1024xf32, #tpu.memory_space<vmem>>
    %dma_start3A_152 = arith.constant 0 : i32
    %dma_start3A_153 = tpu.memref_slice %arg5[%add3A_146, %dma_start3A_152] : memref<3073x1024xf32, #tpu.memory_space<hbm>> -> memref<16x1024xf32, #tpu.memory_space<hbm>>
    %dma_start3A_154 = arith.constant 0 : i32
    %dma_start3A_155 = tpu.memref_slice %arg5[%add3A_146, %dma_start3A_154] : memref<3073x1024xf32, #tpu.memory_space<hbm>> -> memref<16x1024xf32, #tpu.memory_space<hbm>>
    %dma_start3A_156 = arith.constant 0 : i32
    %dma_start3A_157 = arith.constant 0 : i32
    %dma_start3A_158 = tpu.memref_slice %arg11[%dma_start3A_147, %dma_start3A_156, %dma_start3A_157] : memref<3x16x1024xf32, #tpu.memory_space<vmem>> -> memref<1x16x1024xf32, #tpu.memory_space<vmem>>
    %dma_start3A_159 = tpu.memref_squeeze %dma_start3A_158 : memref<1x16x1024xf32, #tpu.memory_space<vmem>> -> memref<16x1024xf32, #tpu.memory_space<vmem>>
    tpu.enqueue_dma source(%dma_start3A_159 : memref<16x1024xf32, #tpu.memory_space<vmem>>) target(%dma_start3A_155 : memref<16x1024xf32, #tpu.memory_space<hbm>>) target_semaphore(%arg14 : memref<!tpu.dma_semaphore, #tpu.memory_space<semaphore_mem>>)
    %dma_wait3A_160 = arith.constant 2 : i32
    %dma_wait3A_161 = arith.constant 0 : i32
    %dma_wait3A_162 = arith.constant 0 : i32
    %dma_wait3A_163 = tpu.memref_slice %arg11[%dma_wait3A_160, %dma_wait3A_161, %dma_wait3A_162] : memref<3x16x1024xf32, #tpu.memory_space<vmem>> -> memref<1x16x1024xf32, #tpu.memory_space<vmem>>
    %dma_wait3A_164 = tpu.memref_squeeze %dma_wait3A_163 : memref<1x16x1024xf32, #tpu.memory_space<vmem>> -> memref<16x1024xf32, #tpu.memory_space<vmem>>
    %dma_wait3A_165 = arith.constant 0 : i32
    %dma_wait3A_166 = tpu.memref_slice %arg5[%add3A_80, %dma_wait3A_165] : memref<3073x1024xf32, #tpu.memory_space<hbm>> -> memref<16x1024xf32, #tpu.memory_space<hbm>>
    %dma_wait3A_167 = arith.constant 0 : i32
    %dma_wait3A_168 = tpu.memref_slice %arg5[%add3A_80, %dma_wait3A_167] : memref<3073x1024xf32, #tpu.memory_space<hbm>> -> memref<16x1024xf32, #tpu.memory_space<hbm>>
    %dma_wait3A_169 = arith.constant 0 : i32
    %dma_wait3A_170 = arith.constant 0 : i32
    %dma_wait3A_171 = tpu.memref_slice %arg11[%dma_wait3A_160, %dma_wait3A_169, %dma_wait3A_170] : memref<3x16x1024xf32, #tpu.memory_space<vmem>> -> memref<1x16x1024xf32, #tpu.memory_space<vmem>>
    %dma_wait3A_172 = tpu.memref_squeeze %dma_wait3A_171 : memref<1x16x1024xf32, #tpu.memory_space<vmem>> -> memref<16x1024xf32, #tpu.memory_space<vmem>>
    tpu.wait_dma2 semaphore(%arg15 : memref<!tpu.dma_semaphore, #tpu.memory_space<semaphore_mem>>) src(%dma_wait3A_172 : memref<16x1024xf32, #tpu.memory_space<vmem>>) dst(%dma_wait3A_168 : memref<16x1024xf32, #tpu.memory_space<hbm>>)
    %parallel_loop3A_173 = arith.constant 0 : i32
    %parallel_loop3A_174 = arith.constant 64 : i32
    %parallel_loop3A_175 = arith.constant 1 : i32
    scf.for %parallel_loop3A_235 = %parallel_loop3A_173 to %parallel_loop3A_174 step %parallel_loop3A_175  : i32 {
      %parallel_loop3A_236 = arith.constant 16 : i32
      %parallel_loop3A_237 = arith.muli %parallel_loop3A_235, %parallel_loop3A_236 : i32
      %parallel_loop3A_238 = arith.constant 0 : i32
      %parallel_loop3A_239 = arith.index_cast %parallel_loop3A_238 : i32 to index
      %parallel_loop3A_240 = arith.index_cast %parallel_loop3A_237 : i32 to index
      %parallel_loop3A_241 = tpu.vector_load %arg9[%parallel_loop3A_239, %parallel_loop3A_240] {strides = array<i32>} : memref<3x1024xf32, #tpu.memory_space<vmem>>, vector<1x16xf32>,
      %parallel_loop3A_242 = vector.shape_cast %parallel_loop3A_241 : vector<1x16xf32> to vector<16xf32>
      %parallel_loop3A_243 = arith.constant 1 : i32
      %parallel_loop3A_244 = arith.index_cast %parallel_loop3A_243 : i32 to index
      %parallel_loop3A_245 = arith.index_cast %parallel_loop3A_237 : i32 to index
      %parallel_loop3A_246 = tpu.vector_load %arg9[%parallel_loop3A_244, %parallel_loop3A_245] {strides = array<i32>} : memref<3x1024xf32, #tpu.memory_space<vmem>>, vector<1x16xf32>,
      %parallel_loop3A_247 = vector.shape_cast %parallel_loop3A_246 : vector<1x16xf32> to vector<16xf32>
      %parallel_loop3A_248 = arith.constant 2 : i32
      %parallel_loop3A_249 = arith.index_cast %parallel_loop3A_248 : i32 to index
      %parallel_loop3A_250 = arith.index_cast %parallel_loop3A_237 : i32 to index
      %parallel_loop3A_251 = tpu.vector_load %arg9[%parallel_loop3A_249, %parallel_loop3A_250] {strides = array<i32>} : memref<3x1024xf32, #tpu.memory_space<vmem>>, vector<1x16xf32>,
      %parallel_loop3A_252 = vector.shape_cast %parallel_loop3A_251 : vector<1x16xf32> to vector<16xf32>
      %parallel_loop3A_253 = arith.constant 26 : i32
      %parallel_loop3A_254 = arith.index_cast %parallel_loop3A_253 : i32 to index
      %parallel_loop3A_255 = arith.index_cast %parallel_loop3A_237 : i32 to index
      %parallel_loop3A_256 = tpu.vector_load %arg7[%parallel_loop3A_254, %parallel_loop3A_255] {strides = array<i32>} : memref<32x1024xf32, #tpu.memory_space<vmem>>, vector<1x16xf32>,
      %parallel_loop3A_257 = vector.shape_cast %parallel_loop3A_256 : vector<1x16xf32> to vector<16xf32>
      %parallel_loop3A_258 = arith.addf %parallel_loop3A_257, %parallel_loop3A_247 : vector<16xf32>
      %parallel_loop3A_259 = arith.constant 2 : i32
      %parallel_loop3A_260 = arith.constant 0 : i32
      %parallel_loop3A_261 = arith.index_cast %parallel_loop3A_259 : i32 to index
      %parallel_loop3A_262 = arith.index_cast %parallel_loop3A_260 : i32 to index
      %parallel_loop3A_263 = arith.index_cast %parallel_loop3A_237 : i32 to index
      %parallel_loop3A_264 = tpu.vector_load %arg11[%parallel_loop3A_261, %parallel_loop3A_262, %parallel_loop3A_263] {strides = array<i32>} : memref<3x16x1024xf32, #tpu.memory_space<vmem>>, vector<1x1x16xf32>,
      %parallel_loop3A_265 = vector.shape_cast %parallel_loop3A_264 : vector<1x1x16xf32> to vector<16xf32>
      %parallel_loop3A_266 = vector.shape_cast %parallel_loop3A_258 : vector<16xf32> to vector<1x1x16xf32>
      tpu.vector_store %arg11[%parallel_loop3A_261, %parallel_loop3A_262, %parallel_loop3A_263], %parallel_loop3A_266 {strides = array<i32>} : memref<3x16x1024xf32, #tpu.memory_space<vmem>>, vector<1x1x16xf32>,
      %parallel_loop3A_267 = arith.addf %parallel_loop3A_257, %parallel_loop3A_252 : vector<16xf32>
      %parallel_loop3A_268 = arith.constant 2 : i32
      %parallel_loop3A_269 = arith.constant 1 : i32
      %parallel_loop3A_270 = arith.index_cast %parallel_loop3A_268 : i32 to index
      %parallel_loop3A_271 = arith.index_cast %parallel_loop3A_269 : i32 to index
      %parallel_loop3A_272 = arith.index_cast %parallel_loop3A_237 : i32 to index
      %parallel_loop3A_273 = tpu.vector_load %arg11[%parallel_loop3A_270, %parallel_loop3A_271, %parallel_loop3A_272] {strides = array<i32>} : memref<3x16x1024xf32, #tpu.memory_space<vmem>>, vector<1x1x16xf32>,
      %parallel_loop3A_274 = vector.shape_cast %parallel_loop3A_273 : vector<1x1x16xf32> to vector<16xf32>
      %parallel_loop3A_275 = vector.shape_cast %parallel_loop3A_267 : vector<16xf32> to vector<1x1x16xf32>
      tpu.vector_store %arg11[%parallel_loop3A_270, %parallel_loop3A_271, %parallel_loop3A_272], %parallel_loop3A_275 {strides = array<i32>} : memref<3x16x1024xf32, #tpu.memory_space<vmem>>, vector<1x1x16xf32>,
      %parallel_loop3A_276 = arith.constant 27 : i32
      %parallel_loop3A_277 = arith.index_cast %parallel_loop3A_276 : i32 to index
      %parallel_loop3A_278 = arith.index_cast %parallel_loop3A_237 : i32 to index
      %parallel_loop3A_279 = tpu.vector_load %arg7[%parallel_loop3A_277, %parallel_loop3A_278] {strides = array<i32>} : memref<32x1024xf32, #tpu.memory_space<vmem>>, vector<1x16xf32>,
      %parallel_loop3A_280 = vector.shape_cast %parallel_loop3A_279 : vector<1x16xf32> to vector<16xf32>
      %parallel_loop3A_281 = arith.addf %parallel_loop3A_280, %parallel_loop3A_242 : vector<16xf32>
      %parallel_loop3A_282 = arith.constant 2 : i32
      %parallel_loop3A_283 = arith.constant 2 : i32
      %parallel_loop3A_284 = arith.index_cast %parallel_loop3A_282 : i32 to index
      %parallel_loop3A_285 = arith.index_cast %parallel_loop3A_283 : i32 to index
      %parallel_loop3A_286 = arith.index_cast %parallel_loop3A_237 : i32 to index
      %parallel_loop3A_287 = tpu.vector_load %arg11[%parallel_loop3A_284, %parallel_loop3A_285, %parallel_loop3A_286] {strides = array<i32>} : memref<3x16x1024xf32, #tpu.memory_space<vmem>>, vector<1x1x16xf32>,
      %parallel_loop3A_288 = vector.shape_cast %parallel_loop3A_287 : vector<1x1x16xf32> to vector<16xf32>
      %parallel_loop3A_289 = vector.shape_cast %parallel_loop3A_281 : vector<16xf32> to vector<1x1x16xf32>
      tpu.vector_store %arg11[%parallel_loop3A_284, %parallel_loop3A_285, %parallel_loop3A_286], %parallel_loop3A_289 {strides = array<i32>} : memref<3x16x1024xf32, #tpu.memory_space<vmem>>, vector<1x1x16xf32>,
      %parallel_loop3A_290 = arith.addf %parallel_loop3A_280, %parallel_loop3A_247 : vector<16xf32>
      %parallel_loop3A_291 = arith.constant 2 : i32
      %parallel_loop3A_292 = arith.constant 3 : i32
      %parallel_loop3A_293 = arith.index_cast %parallel_loop3A_291 : i32 to index
      %parallel_loop3A_294 = arith.index_cast %parallel_loop3A_292 : i32 to index
      %parallel_loop3A_295 = arith.index_cast %parallel_loop3A_237 : i32 to index
      %parallel_loop3A_296 = tpu.vector_load %arg11[%parallel_loop3A_293, %parallel_loop3A_294, %parallel_loop3A_295] {strides = array<i32>} : memref<3x16x1024xf32, #tpu.memory_space<vmem>>, vector<1x1x16xf32>,
      %parallel_loop3A_297 = vector.shape_cast %parallel_loop3A_296 : vector<1x1x16xf32> to vector<16xf32>
      %parallel_loop3A_298 = vector.shape_cast %parallel_loop3A_290 : vector<16xf32> to vector<1x1x16xf32>
      tpu.vector_store %arg11[%parallel_loop3A_293, %parallel_loop3A_294, %parallel_loop3A_295], %parallel_loop3A_298 {strides = array<i32>} : memref<3x16x1024xf32, #tpu.memory_space<vmem>>, vector<1x1x16xf32>,
      %parallel_loop3A_299 = arith.addf %parallel_loop3A_280, %parallel_loop3A_252 : vector<16xf32>
      %parallel_loop3A_300 = arith.constant 2 : i32
      %parallel_loop3A_301 = arith.constant 4 : i32
      %parallel_loop3A_302 = arith.index_cast %parallel_loop3A_300 : i32 to index
      %parallel_loop3A_303 = arith.index_cast %parallel_loop3A_301 : i32 to index
      %parallel_loop3A_304 = arith.index_cast %parallel_loop3A_237 : i32 to index
      %parallel_loop3A_305 = tpu.vector_load %arg11[%parallel_loop3A_302, %parallel_loop3A_303, %parallel_loop3A_304] {strides = array<i32>} : memref<3x16x1024xf32, #tpu.memory_space<vmem>>, vector<1x1x16xf32>,
      %parallel_loop3A_306 = vector.shape_cast %parallel_loop3A_305 : vector<1x1x16xf32> to vector<16xf32>
      %parallel_loop3A_307 = vector.shape_cast %parallel_loop3A_299 : vector<16xf32> to vector<1x1x16xf32>
      tpu.vector_store %arg11[%parallel_loop3A_302, %parallel_loop3A_303, %parallel_loop3A_304], %parallel_loop3A_307 {strides = array<i32>} : memref<3x16x1024xf32, #tpu.memory_space<vmem>>, vector<1x1x16xf32>,
      %parallel_loop3A_308 = arith.constant 28 : i32
      %parallel_loop3A_309 = arith.index_cast %parallel_loop3A_308 : i32 to index
      %parallel_loop3A_310 = arith.index_cast %parallel_loop3A_237 : i32 to index
      %parallel_loop3A_311 = tpu.vector_load %arg7[%parallel_loop3A_309, %parallel_loop3A_310] {strides = array<i32>} : memref<32x1024xf32, #tpu.memory_space<vmem>>, vector<1x16xf32>,
      %parallel_loop3A_312 = vector.shape_cast %parallel_loop3A_311 : vector<1x16xf32> to vector<16xf32>
      %parallel_loop3A_313 = arith.addf %parallel_loop3A_312, %parallel_loop3A_242 : vector<16xf32>
      %parallel_loop3A_314 = arith.constant 2 : i32
      %parallel_loop3A_315 = arith.constant 5 : i32
      %parallel_loop3A_316 = arith.index_cast %parallel_loop3A_314 : i32 to index
      %parallel_loop3A_317 = arith.index_cast %parallel_loop3A_315 : i32 to index
      %parallel_loop3A_318 = arith.index_cast %parallel_loop3A_237 : i32 to index
      %parallel_loop3A_319 = tpu.vector_load %arg11[%parallel_loop3A_316, %parallel_loop3A_317, %parallel_loop3A_318] {strides = array<i32>} : memref<3x16x1024xf32, #tpu.memory_space<vmem>>, vector<1x1x16xf32>,
      %parallel_loop3A_320 = vector.shape_cast %parallel_loop3A_319 : vector<1x1x16xf32> to vector<16xf32>
      %parallel_loop3A_321 = vector.shape_cast %parallel_loop3A_313 : vector<16xf32> to vector<1x1x16xf32>
      tpu.vector_store %arg11[%parallel_loop3A_316, %parallel_loop3A_317, %parallel_loop3A_318], %parallel_loop3A_321 {strides = array<i32>} : memref<3x16x1024xf32, #tpu.memory_space<vmem>>, vector<1x1x16xf32>,
      %parallel_loop3A_322 = arith.addf %parallel_loop3A_312, %parallel_loop3A_247 : vector<16xf32>
      %parallel_loop3A_323 = arith.constant 2 : i32
      %parallel_loop3A_324 = arith.constant 6 : i32
      %parallel_loop3A_325 = arith.index_cast %parallel_loop3A_323 : i32 to index
      %parallel_loop3A_326 = arith.index_cast %parallel_loop3A_324 : i32 to index
      %parallel_loop3A_327 = arith.index_cast %parallel_loop3A_237 : i32 to index
      %parallel_loop3A_328 = tpu.vector_load %arg11[%parallel_loop3A_325, %parallel_loop3A_326, %parallel_loop3A_327] {strides = array<i32>} : memref<3x16x1024xf32, #tpu.memory_space<vmem>>, vector<1x1x16xf32>,
      %parallel_loop3A_329 = vector.shape_cast %parallel_loop3A_328 : vector<1x1x16xf32> to vector<16xf32>
      %parallel_loop3A_330 = vector.shape_cast %parallel_loop3A_322 : vector<16xf32> to vector<1x1x16xf32>
      tpu.vector_store %arg11[%parallel_loop3A_325, %parallel_loop3A_326, %parallel_loop3A_327], %parallel_loop3A_330 {strides = array<i32>} : memref<3x16x1024xf32, #tpu.memory_space<vmem>>, vector<1x1x16xf32>,
      %parallel_loop3A_331 = arith.addf %parallel_loop3A_312, %parallel_loop3A_252 : vector<16xf32>
      %parallel_loop3A_332 = arith.constant 2 : i32
      %parallel_loop3A_333 = arith.constant 7 : i32
      %parallel_loop3A_334 = arith.index_cast %parallel_loop3A_332 : i32 to index
      %parallel_loop3A_335 = arith.index_cast %parallel_loop3A_333 : i32 to index
      %parallel_loop3A_336 = arith.index_cast %parallel_loop3A_237 : i32 to index
      %parallel_loop3A_337 = tpu.vector_load %arg11[%parallel_loop3A_334, %parallel_loop3A_335, %parallel_loop3A_336] {strides = array<i32>} : memref<3x16x1024xf32, #tpu.memory_space<vmem>>, vector<1x1x16xf32>,
      %parallel_loop3A_338 = vector.shape_cast %parallel_loop3A_337 : vector<1x1x16xf32> to vector<16xf32>
      %parallel_loop3A_339 = vector.shape_cast %parallel_loop3A_331 : vector<16xf32> to vector<1x1x16xf32>
      tpu.vector_store %arg11[%parallel_loop3A_334, %parallel_loop3A_335, %parallel_loop3A_336], %parallel_loop3A_339 {strides = array<i32>} : memref<3x16x1024xf32, #tpu.memory_space<vmem>>, vector<1x1x16xf32>,
      %parallel_loop3A_340 = arith.constant 29 : i32
      %parallel_loop3A_341 = arith.index_cast %parallel_loop3A_340 : i32 to index
      %parallel_loop3A_342 = arith.index_cast %parallel_loop3A_237 : i32 to index
      %parallel_loop3A_343 = tpu.vector_load %arg7[%parallel_loop3A_341, %parallel_loop3A_342] {strides = array<i32>} : memref<32x1024xf32, #tpu.memory_space<vmem>>, vector<1x16xf32>,
      %parallel_loop3A_344 = vector.shape_cast %parallel_loop3A_343 : vector<1x16xf32> to vector<16xf32>
      %parallel_loop3A_345 = arith.addf %parallel_loop3A_344, %parallel_loop3A_242 : vector<16xf32>
      %parallel_loop3A_346 = arith.constant 2 : i32
      %parallel_loop3A_347 = arith.constant 8 : i32
      %parallel_loop3A_348 = arith.index_cast %parallel_loop3A_346 : i32 to index
      %parallel_loop3A_349 = arith.index_cast %parallel_loop3A_347 : i32 to index
      %parallel_loop3A_350 = arith.index_cast %parallel_loop3A_237 : i32 to index
      %parallel_loop3A_351 = tpu.vector_load %arg11[%parallel_loop3A_348, %parallel_loop3A_349, %parallel_loop3A_350] {strides = array<i32>} : memref<3x16x1024xf32, #tpu.memory_space<vmem>>, vector<1x1x16xf32>,
      %parallel_loop3A_352 = vector.shape_cast %parallel_loop3A_351 : vector<1x1x16xf32> to vector<16xf32>
      %parallel_loop3A_353 = vector.shape_cast %parallel_loop3A_345 : vector<16xf32> to vector<1x1x16xf32>
      tpu.vector_store %arg11[%parallel_loop3A_348, %parallel_loop3A_349, %parallel_loop3A_350], %parallel_loop3A_353 {strides = array<i32>} : memref<3x16x1024xf32, #tpu.memory_space<vmem>>, vector<1x1x16xf32>,
      %parallel_loop3A_354 = arith.addf %parallel_loop3A_344, %parallel_loop3A_247 : vector<16xf32>
      %parallel_loop3A_355 = arith.constant 2 : i32
      %parallel_loop3A_356 = arith.constant 9 : i32
      %parallel_loop3A_357 = arith.index_cast %parallel_loop3A_355 : i32 to index
      %parallel_loop3A_358 = arith.index_cast %parallel_loop3A_356 : i32 to index
      %parallel_loop3A_359 = arith.index_cast %parallel_loop3A_237 : i32 to index
      %parallel_loop3A_360 = tpu.vector_load %arg11[%parallel_loop3A_357, %parallel_loop3A_358, %parallel_loop3A_359] {strides = array<i32>} : memref<3x16x1024xf32, #tpu.memory_space<vmem>>, vector<1x1x16xf32>,
      %parallel_loop3A_361 = vector.shape_cast %parallel_loop3A_360 : vector<1x1x16xf32> to vector<16xf32>
      %parallel_loop3A_362 = vector.shape_cast %parallel_loop3A_354 : vector<16xf32> to vector<1x1x16xf32>
      tpu.vector_store %arg11[%parallel_loop3A_357, %parallel_loop3A_358, %parallel_loop3A_359], %parallel_loop3A_362 {strides = array<i32>} : memref<3x16x1024xf32, #tpu.memory_space<vmem>>, vector<1x1x16xf32>,
      %parallel_loop3A_363 = arith.addf %parallel_loop3A_344, %parallel_loop3A_252 : vector<16xf32>
      %parallel_loop3A_364 = arith.constant 2 : i32
      %parallel_loop3A_365 = arith.constant 10 : i32
      %parallel_loop3A_366 = arith.index_cast %parallel_loop3A_364 : i32 to index
      %parallel_loop3A_367 = arith.index_cast %parallel_loop3A_365 : i32 to index
      %parallel_loop3A_368 = arith.index_cast %parallel_loop3A_237 : i32 to index
      %parallel_loop3A_369 = tpu.vector_load %arg11[%parallel_loop3A_366, %parallel_loop3A_367, %parallel_loop3A_368] {strides = array<i32>} : memref<3x16x1024xf32, #tpu.memory_space<vmem>>, vector<1x1x16xf32>,
      %parallel_loop3A_370 = vector.shape_cast %parallel_loop3A_369 : vector<1x1x16xf32> to vector<16xf32>
      %parallel_loop3A_371 = vector.shape_cast %parallel_loop3A_363 : vector<16xf32> to vector<1x1x16xf32>
      tpu.vector_store %arg11[%parallel_loop3A_366, %parallel_loop3A_367, %parallel_loop3A_368], %parallel_loop3A_371 {strides = array<i32>} : memref<3x16x1024xf32, #tpu.memory_space<vmem>>, vector<1x1x16xf32>,
      %parallel_loop3A_372 = arith.constant 30 : i32
      %parallel_loop3A_373 = arith.index_cast %parallel_loop3A_372 : i32 to index
      %parallel_loop3A_374 = arith.index_cast %parallel_loop3A_237 : i32 to index
      %parallel_loop3A_375 = tpu.vector_load %arg7[%parallel_loop3A_373, %parallel_loop3A_374] {strides = array<i32>} : memref<32x1024xf32, #tpu.memory_space<vmem>>, vector<1x16xf32>,
      %parallel_loop3A_376 = vector.shape_cast %parallel_loop3A_375 : vector<1x16xf32> to vector<16xf32>
      %parallel_loop3A_377 = arith.addf %parallel_loop3A_376, %parallel_loop3A_242 : vector<16xf32>
      %parallel_loop3A_378 = arith.constant 2 : i32
      %parallel_loop3A_379 = arith.constant 11 : i32
      %parallel_loop3A_380 = arith.index_cast %parallel_loop3A_378 : i32 to index
      %parallel_loop3A_381 = arith.index_cast %parallel_loop3A_379 : i32 to index
      %parallel_loop3A_382 = arith.index_cast %parallel_loop3A_237 : i32 to index
      %parallel_loop3A_383 = tpu.vector_load %arg11[%parallel_loop3A_380, %parallel_loop3A_381, %parallel_loop3A_382] {strides = array<i32>} : memref<3x16x1024xf32, #tpu.memory_space<vmem>>, vector<1x1x16xf32>,
      %parallel_loop3A_384 = vector.shape_cast %parallel_loop3A_383 : vector<1x1x16xf32> to vector<16xf32>
      %parallel_loop3A_385 = vector.shape_cast %parallel_loop3A_377 : vector<16xf32> to vector<1x1x16xf32>
      tpu.vector_store %arg11[%parallel_loop3A_380, %parallel_loop3A_381, %parallel_loop3A_382], %parallel_loop3A_385 {strides = array<i32>} : memref<3x16x1024xf32, #tpu.memory_space<vmem>>, vector<1x1x16xf32>,
      %parallel_loop3A_386 = arith.addf %parallel_loop3A_376, %parallel_loop3A_247 : vector<16xf32>
      %parallel_loop3A_387 = arith.constant 2 : i32
      %parallel_loop3A_388 = arith.constant 12 : i32
      %parallel_loop3A_389 = arith.index_cast %parallel_loop3A_387 : i32 to index
      %parallel_loop3A_390 = arith.index_cast %parallel_loop3A_388 : i32 to index
      %parallel_loop3A_391 = arith.index_cast %parallel_loop3A_237 : i32 to index
      %parallel_loop3A_392 = tpu.vector_load %arg11[%parallel_loop3A_389, %parallel_loop3A_390, %parallel_loop3A_391] {strides = array<i32>} : memref<3x16x1024xf32, #tpu.memory_space<vmem>>, vector<1x1x16xf32>,
      %parallel_loop3A_393 = vector.shape_cast %parallel_loop3A_392 : vector<1x1x16xf32> to vector<16xf32>
      %parallel_loop3A_394 = vector.shape_cast %parallel_loop3A_386 : vector<16xf32> to vector<1x1x16xf32>
      tpu.vector_store %arg11[%parallel_loop3A_389, %parallel_loop3A_390, %parallel_loop3A_391], %parallel_loop3A_394 {strides = array<i32>} : memref<3x16x1024xf32, #tpu.memory_space<vmem>>, vector<1x1x16xf32>,
      %parallel_loop3A_395 = arith.addf %parallel_loop3A_376, %parallel_loop3A_252 : vector<16xf32>
      %parallel_loop3A_396 = arith.constant 2 : i32
      %parallel_loop3A_397 = arith.constant 13 : i32
      %parallel_loop3A_398 = arith.index_cast %parallel_loop3A_396 : i32 to index
      %parallel_loop3A_399 = arith.index_cast %parallel_loop3A_397 : i32 to index
      %parallel_loop3A_400 = arith.index_cast %parallel_loop3A_237 : i32 to index
      %parallel_loop3A_401 = tpu.vector_load %arg11[%parallel_loop3A_398, %parallel_loop3A_399, %parallel_loop3A_400] {strides = array<i32>} : memref<3x16x1024xf32, #tpu.memory_space<vmem>>, vector<1x1x16xf32>,
      %parallel_loop3A_402 = vector.shape_cast %parallel_loop3A_401 : vector<1x1x16xf32> to vector<16xf32>
      %parallel_loop3A_403 = vector.shape_cast %parallel_loop3A_395 : vector<16xf32> to vector<1x1x16xf32>
      tpu.vector_store %arg11[%parallel_loop3A_398, %parallel_loop3A_399, %parallel_loop3A_400], %parallel_loop3A_403 {strides = array<i32>} : memref<3x16x1024xf32, #tpu.memory_space<vmem>>, vector<1x1x16xf32>,
      %parallel_loop3A_404 = arith.constant 31 : i32
      %parallel_loop3A_405 = arith.index_cast %parallel_loop3A_404 : i32 to index
      %parallel_loop3A_406 = arith.index_cast %parallel_loop3A_237 : i32 to index
      %parallel_loop3A_407 = tpu.vector_load %arg7[%parallel_loop3A_405, %parallel_loop3A_406] {strides = array<i32>} : memref<32x1024xf32, #tpu.memory_space<vmem>>, vector<1x16xf32>,
      %parallel_loop3A_408 = vector.shape_cast %parallel_loop3A_407 : vector<1x16xf32> to vector<16xf32>
      %parallel_loop3A_409 = arith.addf %parallel_loop3A_408, %parallel_loop3A_242 : vector<16xf32>
      %parallel_loop3A_410 = arith.constant 2 : i32
      %parallel_loop3A_411 = arith.constant 14 : i32
      %parallel_loop3A_412 = arith.index_cast %parallel_loop3A_410 : i32 to index
      %parallel_loop3A_413 = arith.index_cast %parallel_loop3A_411 : i32 to index
      %parallel_loop3A_414 = arith.index_cast %parallel_loop3A_237 : i32 to index
      %parallel_loop3A_415 = tpu.vector_load %arg11[%parallel_loop3A_412, %parallel_loop3A_413, %parallel_loop3A_414] {strides = array<i32>} : memref<3x16x1024xf32, #tpu.memory_space<vmem>>, vector<1x1x16xf32>,
      %parallel_loop3A_416 = vector.shape_cast %parallel_loop3A_415 : vector<1x1x16xf32> to vector<16xf32>
      %parallel_loop3A_417 = vector.shape_cast %parallel_loop3A_409 : vector<16xf32> to vector<1x1x16xf32>
      tpu.vector_store %arg11[%parallel_loop3A_412, %parallel_loop3A_413, %parallel_loop3A_414], %parallel_loop3A_417 {strides = array<i32>} : memref<3x16x1024xf32, #tpu.memory_space<vmem>>, vector<1x1x16xf32>,
      %parallel_loop3A_418 = arith.addf %parallel_loop3A_408, %parallel_loop3A_247 : vector<16xf32>
      %parallel_loop3A_419 = arith.constant 2 : i32
      %parallel_loop3A_420 = arith.constant 15 : i32
      %parallel_loop3A_421 = arith.index_cast %parallel_loop3A_419 : i32 to index
      %parallel_loop3A_422 = arith.index_cast %parallel_loop3A_420 : i32 to index
      %parallel_loop3A_423 = arith.index_cast %parallel_loop3A_237 : i32 to index
      %parallel_loop3A_424 = tpu.vector_load %arg11[%parallel_loop3A_421, %parallel_loop3A_422, %parallel_loop3A_423] {strides = array<i32>} : memref<3x16x1024xf32, #tpu.memory_space<vmem>>, vector<1x1x16xf32>,
      %parallel_loop3A_425 = vector.shape_cast %parallel_loop3A_424 : vector<1x1x16xf32> to vector<16xf32>
      %parallel_loop3A_426 = vector.shape_cast %parallel_loop3A_418 : vector<16xf32> to vector<1x1x16xf32>
      tpu.vector_store %arg11[%parallel_loop3A_421, %parallel_loop3A_422, %parallel_loop3A_423], %parallel_loop3A_426 {strides = array<i32>} : memref<3x16x1024xf32, #tpu.memory_space<vmem>>, vector<1x1x16xf32>,
    } {sc.loop_unroll_factor = 4 : i64, sc.parallel_access}
    %mul3A_176 = arith.constant 96 : i32
    %mul3A_177 = arith.muli %add3A, %mul3A_176 : i32
    %add3A_178 = arith.constant 80 : i32
    %add3A_179 = arith.addi %mul3A_177, %add3A_178 : i32
    %dma_start3A_180 = arith.constant 2 : i32
    %dma_start3A_181 = arith.constant 0 : i32
    %dma_start3A_182 = arith.constant 0 : i32
    %dma_start3A_183 = tpu.memref_slice %arg11[%dma_start3A_180, %dma_start3A_181, %dma_start3A_182] : memref<3x16x1024xf32, #tpu.memory_space<vmem>> -> memref<1x16x1024xf32, #tpu.memory_space<vmem>>
    %dma_start3A_184 = tpu.memref_squeeze %dma_start3A_183 : memref<1x16x1024xf32, #tpu.memory_space<vmem>> -> memref<16x1024xf32, #tpu.memory_space<vmem>>
    %dma_start3A_185 = arith.constant 0 : i32
    %dma_start3A_186 = tpu.memref_slice %arg5[%add3A_179, %dma_start3A_185] : memref<3073x1024xf32, #tpu.memory_space<hbm>> -> memref<16x1024xf32, #tpu.memory_space<hbm>>
    %dma_start3A_187 = arith.constant 0 : i32
    %dma_start3A_188 = tpu.memref_slice %arg5[%add3A_179, %dma_start3A_187] : memref<3073x1024xf32, #tpu.memory_space<hbm>> -> memref<16x1024xf32, #tpu.memory_space<hbm>>
    %dma_start3A_189 = arith.constant 0 : i32
    %dma_start3A_190 = arith.constant 0 : i32
    %dma_start3A_191 = tpu.memref_slice %arg11[%dma_start3A_180, %dma_start3A_189, %dma_start3A_190] : memref<3x16x1024xf32, #tpu.memory_space<vmem>> -> memref<1x16x1024xf32, #tpu.memory_space<vmem>>
    %dma_start3A_192 = tpu.memref_squeeze %dma_start3A_191 : memref<1x16x1024xf32, #tpu.memory_space<vmem>> -> memref<16x1024xf32, #tpu.memory_space<vmem>>
    tpu.enqueue_dma source(%dma_start3A_192 : memref<16x1024xf32, #tpu.memory_space<vmem>>) target(%dma_start3A_188 : memref<16x1024xf32, #tpu.memory_space<hbm>>) target_semaphore(%arg15 : memref<!tpu.dma_semaphore, #tpu.memory_space<semaphore_mem>>)
    %eq3A_193 = arith.constant 31 : i32
    %eq3A_194 = arith.cmpi eq, %add3A, %eq3A_193 : i32
    %convert_element_type3A = arith.extui %eq3A_194 : i1 to i32
    %cond3A = arith.constant 0 : i32
    %cond3A_195 = arith.cmpi ne, %convert_element_type3A, %cond3A : i32
    scf.if %cond3A_195 {
      %parallel_loop3A_235 = arith.constant 0 : i32
      %parallel_loop3A_236 = arith.constant 64 : i32
      %parallel_loop3A_237 = arith.constant 1 : i32
      scf.for %parallel_loop3A_238 = %parallel_loop3A_235 to %parallel_loop3A_236 step %parallel_loop3A_237  : i32 {
        %parallel_loop3A_239 = arith.constant 16 : i32
        %parallel_loop3A_240 = arith.muli %parallel_loop3A_238, %parallel_loop3A_239 : i32
        %parallel_loop3A_241 = arith.constant 31 : i32
        %parallel_loop3A_242 = arith.index_cast %parallel_loop3A_241 : i32 to index
        %parallel_loop3A_243 = arith.index_cast %parallel_loop3A_240 : i32 to index
        %parallel_loop3A_244 = tpu.vector_load %arg7[%parallel_loop3A_242, %parallel_loop3A_243] {strides = array<i32>} : memref<32x1024xf32, #tpu.memory_space<vmem>>, vector<1x16xf32>,
        %parallel_loop3A_245 = vector.shape_cast %parallel_loop3A_244 : vector<1x16xf32> to vector<16xf32>
        %parallel_loop3A_246 = arith.constant 2 : i32
        %parallel_loop3A_247 = arith.index_cast %parallel_loop3A_246 : i32 to index
        %parallel_loop3A_248 = arith.index_cast %parallel_loop3A_240 : i32 to index
        %parallel_loop3A_249 = tpu.vector_load %arg9[%parallel_loop3A_247, %parallel_loop3A_248] {strides = array<i32>} : memref<3x1024xf32, #tpu.memory_space<vmem>>, vector<1x16xf32>,
        %parallel_loop3A_250 = vector.shape_cast %parallel_loop3A_249 : vector<1x16xf32> to vector<16xf32>
        %parallel_loop3A_251 = arith.addf %parallel_loop3A_245, %parallel_loop3A_250 : vector<16xf32>
        %parallel_loop3A_252 = arith.constant 0 : i32
        %parallel_loop3A_253 = arith.index_cast %parallel_loop3A_252 : i32 to index
        %parallel_loop3A_254 = arith.index_cast %parallel_loop3A_240 : i32 to index
        %parallel_loop3A_255 = tpu.vector_load %arg10[%parallel_loop3A_253, %parallel_loop3A_254] {strides = array<i32>} : memref<1x1024xf32, #tpu.memory_space<vmem>>, vector<1x16xf32>,
        %parallel_loop3A_256 = vector.shape_cast %parallel_loop3A_255 : vector<1x16xf32> to vector<16xf32>
        %parallel_loop3A_257 = vector.shape_cast %parallel_loop3A_251 : vector<16xf32> to vector<1x16xf32>
        tpu.vector_store %arg10[%parallel_loop3A_253, %parallel_loop3A_254], %parallel_loop3A_257 {strides = array<i32>} : memref<1x1024xf32, #tpu.memory_space<vmem>>, vector<1x16xf32>,
      } {sc.loop_unroll_factor = 4 : i64, sc.parallel_access}
      "tpu.region"() ({
        %run_scoped3A = tpu.sem_alloc : memref<!tpu.dma_semaphore, #tpu.memory_space<semaphore_mem>>
        %dma_start3A_238 = arith.constant 3072 : i32
        %dma_start3A_239 = arith.constant 0 : i32
        %dma_start3A_240 = tpu.memref_slice %arg5[%dma_start3A_238, %dma_start3A_239] : memref<3073x1024xf32, #tpu.memory_space<hbm>> -> memref<1x1024xf32, #tpu.memory_space<hbm>>
        %dma_start3A_241 = arith.constant 3072 : i32
        %dma_start3A_242 = arith.constant 0 : i32
        %dma_start3A_243 = tpu.memref_slice %arg5[%dma_start3A_241, %dma_start3A_242] : memref<3073x1024xf32, #tpu.memory_space<hbm>> -> memref<1x1024xf32, #tpu.memory_space<hbm>>
        tpu.enqueue_dma source(%arg10 : memref<1x1024xf32, #tpu.memory_space<vmem>>) target(%dma_start3A_243 : memref<1x1024xf32, #tpu.memory_space<hbm>>) target_semaphore(%run_scoped3A : memref<!tpu.dma_semaphore, #tpu.memory_space<semaphore_mem>>)
        %dma_wait3A_244 = arith.constant 3072 : i32
        %dma_wait3A_245 = arith.constant 0 : i32
        %dma_wait3A_246 = tpu.memref_slice %arg5[%dma_wait3A_244, %dma_wait3A_245] : memref<3073x1024xf32, #tpu.memory_space<hbm>> -> memref<1x1024xf32, #tpu.memory_space<hbm>>
        %dma_wait3A_247 = arith.constant 3072 : i32
        %dma_wait3A_248 = arith.constant 0 : i32
        %dma_wait3A_249 = tpu.memref_slice %arg5[%dma_wait3A_247, %dma_wait3A_248] : memref<3073x1024xf32, #tpu.memory_space<hbm>> -> memref<1x1024xf32, #tpu.memory_space<hbm>>
        tpu.wait_dma2 semaphore(%run_scoped3A : memref<!tpu.dma_semaphore, #tpu.memory_space<semaphore_mem>>) src(%arg10 : memref<1x1024xf32, #tpu.memory_space<vmem>>) dst(%dma_wait3A_249 : memref<1x1024xf32, #tpu.memory_space<hbm>>)
        tpu.yield
      }) : () -> ()
    } else {
    }
    %dma_wait3A_196 = arith.constant 0 : i32
    %dma_wait3A_197 = arith.constant 0 : i32
    %dma_wait3A_198 = arith.constant 0 : i32
    %dma_wait3A_199 = tpu.memref_slice %arg11[%dma_wait3A_196, %dma_wait3A_197, %dma_wait3A_198] : memref<3x16x1024xf32, #tpu.memory_space<vmem>> -> memref<1x16x1024xf32, #tpu.memory_space<vmem>>
    %dma_wait3A_200 = tpu.memref_squeeze %dma_wait3A_199 : memref<1x16x1024xf32, #tpu.memory_space<vmem>> -> memref<16x1024xf32, #tpu.memory_space<vmem>>
    %dma_wait3A_201 = arith.constant 0 : i32
    %dma_wait3A_202 = tpu.memref_slice %arg5[%add3A_113, %dma_wait3A_201] : memref<3073x1024xf32, #tpu.memory_space<hbm>> -> memref<16x1024xf32, #tpu.memory_space<hbm>>
    %dma_wait3A_203 = arith.constant 0 : i32
    %dma_wait3A_204 = tpu.memref_slice %arg5[%add3A_113, %dma_wait3A_203] : memref<3073x1024xf32, #tpu.memory_space<hbm>> -> memref<16x1024xf32, #tpu.memory_space<hbm>>
    %dma_wait3A_205 = arith.constant 0 : i32
    %dma_wait3A_206 = arith.constant 0 : i32
    %dma_wait3A_207 = tpu.memref_slice %arg11[%dma_wait3A_196, %dma_wait3A_205, %dma_wait3A_206] : memref<3x16x1024xf32, #tpu.memory_space<vmem>> -> memref<1x16x1024xf32, #tpu.memory_space<vmem>>
    %dma_wait3A_208 = tpu.memref_squeeze %dma_wait3A_207 : memref<1x16x1024xf32, #tpu.memory_space<vmem>> -> memref<16x1024xf32, #tpu.memory_space<vmem>>
    tpu.wait_dma2 semaphore(%arg13 : memref<!tpu.dma_semaphore, #tpu.memory_space<semaphore_mem>>) src(%dma_wait3A_208 : memref<16x1024xf32, #tpu.memory_space<vmem>>) dst(%dma_wait3A_204 : memref<16x1024xf32, #tpu.memory_space<hbm>>)
    %dma_wait3A_209 = arith.constant 1 : i32
    %dma_wait3A_210 = arith.constant 0 : i32
    %dma_wait3A_211 = arith.constant 0 : i32
    %dma_wait3A_212 = tpu.memref_slice %arg11[%dma_wait3A_209, %dma_wait3A_210, %dma_wait3A_211] : memref<3x16x1024xf32, #tpu.memory_space<vmem>> -> memref<1x16x1024xf32, #tpu.memory_space<vmem>>
    %dma_wait3A_213 = tpu.memref_squeeze %dma_wait3A_212 : memref<1x16x1024xf32, #tpu.memory_space<vmem>> -> memref<16x1024xf32, #tpu.memory_space<vmem>>
    %dma_wait3A_214 = arith.constant 0 : i32
    %dma_wait3A_215 = tpu.memref_slice %arg5[%add3A_146, %dma_wait3A_214] : memref<3073x1024xf32, #tpu.memory_space<hbm>> -> memref<16x1024xf32, #tpu.memory_space<hbm>>
    %dma_wait3A_216 = arith.constant 0 : i32
    %dma_wait3A_217 = tpu.memref_slice %arg5[%add3A_146, %dma_wait3A_216] : memref<3073x1024xf32, #tpu.memory_space<hbm>> -> memref<16x1024xf32, #tpu.memory_space<hbm>>
    %dma_wait3A_218 = arith.constant 0 : i32
    %dma_wait3A_219 = arith.constant 0 : i32
    %dma_wait3A_220 = tpu.memref_slice %arg11[%dma_wait3A_209, %dma_wait3A_218, %dma_wait3A_219] : memref<3x16x1024xf32, #tpu.memory_space<vmem>> -> memref<1x16x1024xf32, #tpu.memory_space<vmem>>
    %dma_wait3A_221 = tpu.memref_squeeze %dma_wait3A_220 : memref<1x16x1024xf32, #tpu.memory_space<vmem>> -> memref<16x1024xf32, #tpu.memory_space<vmem>>
    tpu.wait_dma2 semaphore(%arg14 : memref<!tpu.dma_semaphore, #tpu.memory_space<semaphore_mem>>) src(%dma_wait3A_221 : memref<16x1024xf32, #tpu.memory_space<vmem>>) dst(%dma_wait3A_217 : memref<16x1024xf32, #tpu.memory_space<hbm>>)
    %dma_wait3A_222 = arith.constant 2 : i32
    %dma_wait3A_223 = arith.constant 0 : i32
    %dma_wait3A_224 = arith.constant 0 : i32
    %dma_wait3A_225 = tpu.memref_slice %arg11[%dma_wait3A_222, %dma_wait3A_223, %dma_wait3A_224] : memref<3x16x1024xf32, #tpu.memory_space<vmem>> -> memref<1x16x1024xf32, #tpu.memory_space<vmem>>
    %dma_wait3A_226 = tpu.memref_squeeze %dma_wait3A_225 : memref<1x16x1024xf32, #tpu.memory_space<vmem>> -> memref<16x1024xf32, #tpu.memory_space<vmem>>
    %dma_wait3A_227 = arith.constant 0 : i32
    %dma_wait3A_228 = tpu.memref_slice %arg5[%add3A_179, %dma_wait3A_227] : memref<3073x1024xf32, #tpu.memory_space<hbm>> -> memref<16x1024xf32, #tpu.memory_space<hbm>>
    %dma_wait3A_229 = arith.constant 0 : i32
    %dma_wait3A_230 = tpu.memref_slice %arg5[%add3A_179, %dma_wait3A_229] : memref<3073x1024xf32, #tpu.memory_space<hbm>> -> memref<16x1024xf32, #tpu.memory_space<hbm>>
    %dma_wait3A_231 = arith.constant 0 : i32
    %dma_wait3A_232 = arith.constant 0 : i32
    %dma_wait3A_233 = tpu.memref_slice %arg11[%dma_wait3A_222, %dma_wait3A_231, %dma_wait3A_232] : memref<3x16x1024xf32, #tpu.memory_space<vmem>> -> memref<1x16x1024xf32, #tpu.memory_space<vmem>>
    %dma_wait3A_234 = tpu.memref_squeeze %dma_wait3A_233 : memref<1x16x1024xf32, #tpu.memory_space<vmem>> -> memref<16x1024xf32, #tpu.memory_space<vmem>>
    tpu.wait_dma2 semaphore(%arg15 : memref<!tpu.dma_semaphore, #tpu.memory_space<semaphore_mem>>) src(%dma_wait3A_234 : memref<16x1024xf32, #tpu.memory_space<vmem>>) dst(%dma_wait3A_230 : memref<16x1024xf32, #tpu.memory_space<hbm>>)
    return
  }
}

</mosaic_0001>

<sc_bundles>
// kernel: kernel.3.cloned.1.call-start
scs
__scs_entry_jumppad:
0x0: {  	(pc) =	sbr.rel $0x88, $3  }
0x1: {  	(tag) =	ssettag $0x0;
	lr =	simm.s32 $0x1  }
0x2: {  	[smem:$0x3F9E] =	sst lr;
	_ =	strace $0xD0000000  }
0x3: {  	_ = 	snop  }
0x4: {  	_ = 	snop  }
0x5: {  	_ = 	snop  }
0x6: {  	_ = 	snop  }
0x7: {  	_ = 	snop  }
__scs_overlays_trampoline_lowered:
0x8: {  	[smem:$0x3FAD] =	sst s0  }
0x9: {  	[smem:$0x3FAE] =	sst s1  }
0xa: {  	[smem:$0x3FAF] =	sst s2  }
0xb: {  	[smem:$0x3FB0] =	sst s3  }
0xc: {  	[smem:$0x3FB1] =	sst s4  }
0xd: {  	[smem:$0x3FB2] =	sst s5  }
0xe: {  	[smem:$0x3FB3] =	sst s6  }
0xf: {  	[smem:$0x3FB4] =	sst s7  }
0x10: {  	[smem:$0x3FB5] =	sst s8  }
0x11: {  	[smem:$0x3FB6] =	sst s9;
	s0 =	simm.s32 @!p0 $0x0  }
0x12: {  	s1 =	sld [smem:$0x3F9C];
	s0 =	simm.s32 @p0 $0x1  }
0x13: {  	[smem:$0x3FB7] =	sst s0;
	s0 =	simm.s32 @!p1 $0x0  }
0x14: {  	s2 =	sld [smem:$0x3F9B];
	s0 =	simm.s32 @p1 $0x1  }
0x15: {  	[smem:$0x3FB8] =	sst s0;
	s0 =	simm.s32 @!p2 $0x0  }
0x16: {  	s3 =	sld [smem:$0x3FDB];
	s0 =	simm.s32 @p2 $0x1  }
0x17: {  	s4 =	simm.s32 $0x1BF5;
	[smem:$0x3FBA] =	sst s0  }
0x18: {  	s0 =	sld [smem:$0x3F9D];
	_ =	swait.ge [sflag:s4], $0x0  }
0x19: {  	s7 =	sld [smem:$0x3F9E]  }
0x1a: {  	s8 =	sadd.s32 $0xFFFFE003, lr  }
0x1b: {  	s9 =	sadd.s32 $0xFFFFFEF7, lr;
	s5 =	simm.s32 $0xFFFFFFFF;
	p2 =	slt.u32 s8, $0xFFFFF086  }
0x1c: {  	p1 =	slt.u32 s9, $0xF7A;
	s5 =	simm.s32 @!p2 $0x0  }
0x1d: {  	s5 =	simm.s32 @p1 $0x1;
	p0 =	seq.s32 s7, s2  }
0x1e: {  	s7 =	smul.u32 @!p0 $0xF7A, s2;
	p2 =	seq.s32 @!p0 s5, $0x0  }
0x1f: {  	s9 =	smul.u32 $0xF7A, s1;
	s8 =	simm.s32 @!p0 $0x1BF5;
	p2 =	por !p2, p0  }
0x20: {  	[sflag:s8] =	ssyncset.s32 @!p0 $0xFFFFF086;
	s6 =	sadd.s32 @!p0 s3, s7;
	s7 =	simm.s32 @!p0 $0x108  }
0x21: {  	s3 =	sadd.s32 s3, s9;
	s6 =	sadd.s32 @!p0 $0x88, s6;
	s7 =	simm.s32 @p2 $0x1082  }
0x22: {  	[simem:s7], [sflag:s8] =	dma.local @!p0 [hbm:s6], $0xF7A  }
0x23: {  	s9 =	sor.u32 $0xD0000000, s2;
	s6 =	simm.s32 $0x108;
	_ =	swait.ge @!p0 [sflag:s8], $0x0  }
0x24: {  	s3 =	sadd.s32 $0x88, s3;
	s6 =	simm.s32 @!p1 $0x1082;
	[sflag:s4] =	ssyncset.s32 $0xFFFFF086  }
0x25: {  	[simem:s6], [sflag:s4] =	dma.local [hbm:s3], $0xF7A  }
0x26: {  	[smem:$0x3F9E] =	sst s1;
	(tag) =	ssettag s2;
	_ =	strace s9  }
0x27: {  	s1 =	sld [smem:$0x3FAE]  }
0x28: {  	s2 =	sld [smem:$0x3FAF]  }
0x29: {  	s4 =	sld [smem:$0x3FB1]  }
0x2a: {  	p0 =	seq.s32 s5, $0x0;
	s5 =	sld [smem:$0x3FB2]  }
0x2b: {  	s6 =	sld [smem:$0x3FB3]  }
0x2c: {  	s7 =	sld [smem:$0x3FB4]  }
0x2d: {  	s3 =	simm.s32 $0x108;
	s8 =	sld [smem:$0x3FB5]  }
0x2e: {  	s3 =	simm.s32 @!p0 $0x1082;
	s9 =	sld [smem:$0x3FB6]  }
0x2f: {  	lr =	sadd.s32 s0, s3;
	s0 =	sld [smem:$0x3FAD]  }
0x30: {  	s3 =	sld [smem:$0x3FB0]  }
0x31: {  	[smem:$0x3FB9] =	sst s10  }
0x32: {  	s10 =	sld [smem:$0x3FB7];
	_ =	sdelay $0x3  }
0x33: {  	p0 =	seq.s32 s10, $0x1;
	s10 =	sld [smem:$0x3FB9];
	_ =	sdelay $0x3  }
0x34: {  	[smem:$0x3FB9] =	sst s10  }
0x35: {  	s10 =	sld [smem:$0x3FB8];
	_ =	sdelay $0x3  }
0x36: {  	p1 =	seq.s32 s10, $0x1;
	s10 =	sld [smem:$0x3FB9];
	_ =	sdelay $0x3  }
0x37: {  	[smem:$0x3FB9] =	sst s10  }
0x38: {  	s10 =	sld [smem:$0x3FBA]  }
0x39: {  	_ = 	snop;
	(pc) =	sbr.ind lr, $3  }
0x3a: {  	_ = 	snop  }
0x3b: {  	_ = 	snop  }
0x3c: {  	p2 =	seq.s32 s10, $0x1;
	s10 =	sld [smem:$0x3FB9]  }
0x3d: {  	_ =	shalt  }
0x3e: {  	_ =	shalt  }
0x3f: {  	_ =	shalt  }
0x40: {  	_ =	shalt  }
0x41: {  	_ =	shalt  }
0x42: {  	_ =	shalt  }
0x43: {  	_ =	shalt  }
0x44: {  	_ =	shalt  }
0x45: {  	_ =	shalt  }
0x46: {  	_ =	shalt  }
0x47: {  	_ =	shalt  }
0x48: {  	_ =	shalt  }
0x49: {  	_ =	shalt  }
0x4a: {  	_ =	shalt  }
0x4b: {  	_ =	shalt  }
0x4c: {  	_ =	shalt  }
0x4d: {  	_ =	shalt  }
0x4e: {  	_ =	shalt  }
0x4f: {  	_ =	shalt  }
0x50: {  	_ =	shalt  }
0x51: {  	_ =	shalt  }
0x52: {  	_ =	shalt  }
0x53: {  	_ =	shalt  }
0x54: {  	_ =	shalt  }
0x55: {  	_ =	shalt  }
0x56: {  	_ =	shalt  }
0x57: {  	_ =	shalt  }
0x58: {  	_ =	shalt  }
0x59: {  	_ =	shalt  }
0x5a: {  	_ =	shalt  }
0x5b: {  	_ =	shalt  }
0x5c: {  	_ =	shalt  }
0x5d: {  	_ =	shalt  }
0x5e: {  	_ =	shalt  }
0x5f: {  	_ =	shalt  }
0x60: {  	_ =	shalt  }
0x61: {  	_ =	shalt  }
0x62: {  	_ =	shalt  }
0x63: {  	_ =	shalt  }
0x64: {  	_ =	shalt  }
0x65: {  	_ =	shalt  }
0x66: {  	_ =	shalt  }
0x67: {  	_ =	shalt  }
0x68: {  	_ =	shalt  }
0x69: {  	_ =	shalt  }
0x6a: {  	_ =	shalt  }
0x6b: {  	_ =	shalt  }
0x6c: {  	_ =	shalt  }
0x6d: {  	_ =	shalt  }
0x6e: {  	_ =	shalt  }
0x6f: {  	_ =	shalt  }
0x70: {  	_ =	shalt  }
0x71: {  	_ =	shalt  }
0x72: {  	_ =	shalt  }
0x73: {  	_ =	shalt  }
0x74: {  	_ =	shalt  }
0x75: {  	_ =	shalt  }
0x76: {  	_ =	shalt  }
0x77: {  	_ =	shalt  }
0x78: {  	_ =	shalt  }
0x79: {  	_ =	shalt  }
0x7a: {  	_ =	shalt  }
0x7b: {  	_ =	shalt  }
0x7c: {  	_ =	shalt  }
0x7d: {  	_ =	shalt  }
0x7e: {  	_ =	shalt  }
0x7f: {  	_ =	shalt  }
0x80: {  	_ =	shalt  }
0x81: {  	_ =	shalt  }
0x82: {  	_ =	shalt  }
0x83: {  	_ =	shalt  }
0x84: {  	_ =	shalt  }
0x85: {  	_ =	shalt  }
0x86: {  	_ =	shalt  }
0x87: {  	_ =	shalt  }
.Lfunc_end0:
.L_simem_size_0:
called_computation_lowered:
.L_overlay_start_0:
0x88: {  	s2 =	sld [smem:$0x3FD9]  }
0x89: {  	s3 =	sld [smem:$0x3FFE];
	_ =	sdelay $0x1  }
0x8a: {  	s1 =	srdreg.scid  }
0x8b: {  	s0 =	sand.u32 $0x1, s1  }
0x8c: {  	s18 =	sshll.u32 s0, $0xA;
	s2 =	sadd.s32 s3, s2  }
0x8d: {  	s2 =	sadd.s32 s2, s18  }
0x8e: {  	[smem:$0x3FC5] =	sst s2  }
0x8f: {  	_ = 	snop  }
0x90: {  	s2 =	sld [smem:$0x3FC9]  }
0x91: {  	s19 =	sld [smem:$0x3FC8]  }
0x92: {  	s4 =	sld [smem:$0x3FC7]  }
0x93: {  	s5 =	sld [smem:$0x3FD0];
	(tm) =	ssettm $0x1  }
0x94: {  	s6 =	sld [smem:$0x3FFB];
	_ =	sdelay $0x3  }
0x95: {  	_ =	strace s6  }
0x96: {  	s6 =	sld [smem:$0x3FFC];
	_ =	sdelay $0x3  }
0x97: {  	_ =	strace s6  }
0x98: {  	s6 =	sld [smem:$0x3FFD];
	_ =	sdelay $0x3  }
0x99: {  	_ =	strace s6  }
0x9a: {  	_ =	strace $0x8FFFFFFF  }
0x9b: {  	s20 =	sld [smem:$0x3FDB];
	_ =	sdelay $0x1  }
0x9c: {  	s7 =	simm.s32 $_scs_section_size  }
0x9d: {  	s8 =	simm.s32 $_size__tile_overlayer_lowered;
	s9 =	simm.s32 $_tile_overlayer_lowered  }
0x9e: {  	s23 =	simm.s32 $0x1BFF;
	s22 =	sshll.u32 s9, $0x1;
	s6 =	sadd.s32 s7, s20  }
0x9f: {  	s10 =	simm.s32 $0x0;
	s21 =	sshll.u32 s8, $0x1;
	s8 =	sadd.s32 s22, s6  }
0xa0: {  	[timem:s10], [sflag:s23] =	dma.local [hbm:s8], s21  }
0xa1: {  	_ =	swait.ge [sflag:s23], s21  }
0xa2: {  	s7 =	ssub.s32 $0x0, s21;
	[sflag:s23] =	ssyncset.done $0x0  }
0xa3: {  	[sflag:s23] =	ssyncadd.s32 s7;
	_ =	sdelay $0x1  }
0xa4: {  	s24 =	simm.s32 $0x1B8B  }
0xa5: {  	_ =	swait.ge [sflag:s24], $0x1  }
0xa6: {  	[sflag:s24] =	ssyncset.done $0x0  }
0xa7: {  	s25 =	simm.s32 $0x1B8E;
	[sflag:s24] =	ssyncadd.s32 $0xFFFFFFFF  }
0xa8: {  	s26 =	simm.s32 $execute0_lowered;
	[smem:$0x3FD2] =	sst s25  }
0xa9: {  	s7 =	sshll.u32 s26, $0x1;
	_ =	strace $0x80000046;
	[dreg:$0x1] =	wrdreg $0xFFFFFFFF  }
0xaa: {  	s28 =	simm.s32 $_size_execute0_lowered;
	s6 =	sadd.s32 s6, s7;
	[dreg:$0x0] =	wrdreg $0x0  }
0xab: {  	s7 =	sshll.u32 s28, $0x1;
	[dreg:$0x2] =	wrdreg s6  }
0xac: {  	[dreg:$0x3] =	wrdreg s7  }
0xad: {  	[dreg:$0x4] =	wrdreg $0xC0  }
0xae: {  	_ =	task [dreg:s10], $0x5FFFF  }
0xaf: {  	[dreg:$0x1] =	wrdreg $0xFFFFFFFF  }
0xb0: {  	[dreg:$0x0] =	wrdreg $0x60  }
0xb1: {  	[dreg:$0x2] =	wrdreg s2  }
0xb2: {  	[dreg:$0x3] =	wrdreg s19  }
0xb3: {  	[dreg:$0x4] =	wrdreg s4  }
0xb4: {  	[dreg:$0x5] =	wrdreg s5  }
0xb5: {  	[dreg:$0x6] =	wrdreg $0x9  }
0xb6: {  	_ =	task.clear_ibuf [dreg:s10], $0x7FFFF;
	_ =	strace $0x90000046  }
0xb7: {  	s29 =	simm.s32 $0x9;
	_ =	strace $0x80000048  }
0xb8: {  	_ =	swait.ge [sflag:s29], $0x1  }
0xb9: {  	[sflag:s29] =	ssyncadd.s32 $0xFFFFFFFF  }
0xba: {  	_ =	strace $0x90000048  }
0xbb: {  	_ =	sfence  }
0xbc: {  	s30 =	sld [smem:$0x0];
	_ =	sdelay $0x2  }
0xbd: {  	s31 =	sshll.u32 s1, $0xD;
	s1 =	sshrl.u32 s1, $0x2  }
0xbe: {  	s3 =	sand.u32 $0x4000, s31;
	s1 =	sadd.s32 s1, s30  }
0xbf: {  	s0 =	sor.u32 s3, s0;
	s1 =	sshll.u32 s1, $0x11  }
0xc0: {  	s0 =	sor.u32 s1, s0  }
0xc1: {  	s0 =	sadd.s32 $0x8F2B, s0  }
0xc2: {  	[sflag:s0] =	ssyncadd.remote.s32 $0x1  }
0xc3: {  	_ =	sfence.sel $0xFFFF  }
0xc4: {  	[dreg:$0x0] =	wrdreg $0xFFFFFFFF;
	(pc) =	sbr.abs _section_cstart, $3  }
0xc5: {  	[dreg:$0x1] =	wrdreg $0xFFFFFFFF  }
0xc6: {  	_ =	task.clear_ibuf [dreg:s10], $0x2FFFF;
	_ =	strace $0x9FFFFFFF  }
0xc7: {  	(tm) =	ssettm $0x7FFFFFFF  }
tec
execute0_lowered:
.L_overlay_start_1:
0x0: {  	(tag) =	ssettag $0x1  }
0x1: {  	s0 =	srdreg.scid;
	s6 =	stileid.u32  }
0x2: {  	s0 =	sand.u32 $0x1, s0;
	s1 =	sshll.u32 s6, $0x1  }
0x3: {  	s4 =	rddreg [dreg:$0x0];
	s2 =	sor.u32 s0, s1  }
0x4: {  	s16 =	rddreg [dreg:$0x3];
	s7 =	simm.s32 $0x0;
	s3 =	smax.u32 s2, $0x1  }
0x5: {  	p0 =	seq.s32 s6, $0x0;
	s6 =	simm.s32 $0xFFFFFFFF;
	s3 =	sadd.s32 $0xFFFFFFFF, s3  }
0x6: {  	[smem:$0x7FF] =	sst s7;
	s31 =	sadd.s32 $0x60000, s16;
	s5 =	sand.u32 $0x7, s3  }
0x7: {  	s0 =	ssub.s32 $0x2, s0;
	_ =	strace $0x80000047;
	p1 =	sne.s32 s5, $0x0  }
0x8: {  	[smem:$0x7FB] =	sst s31;
	s19 =	smul.u32 $0x18000, s2;
	p0 =	por !p0, !p1  }
0x9: {  	s17 =	sshrl.u32 s0, $0x1;
	s21 =	smul.u32 $0x3000, s2;
	p0 =	por !p0, !p0  }
0xa: {  	s8 =	sshll.u32 s2, $0x7;
	s0 =	ssub.s32 s0, s17;
	s6 =	simm.s32 @!p0 $0x0  }
0xb: {  	s23 =	sshrl.u32 s19, $0x3;
	s24 =	sadd.s32 s16, s21;
	s6 =	sshll.u32 s6, $0x3  }
0xc: {  	s0 =	smax.u32 s0, $0x1;
	[smem:$0x7F5] =	sst s24;
	s6 =	sadd.s32 s3, s6  }
0xd: {  	s25 =	sadd.s32 $0x800, s24;
	[smem:$0x7FC] =	sst s0;
	s18 =	sand.u32 $0xFFFFFFF8, s6  }
0xe: {  	[smem:$0x7F6] =	sst s25;
	s6 =	sshll.u32 s6, $0x7;
	s1 =	ssub.s32 s1, s18  }
0xf: {  	s7 =	ssub.s32 s3, s18;
	s6 =	sand.u32 $0xFFFFC00, s6;
	s3 =	sshll.u32 s3, $0x7  }
0x10: {  	s1 =	sshll.u32 s1, $0xA;
	s4 =	sadd.s32 s4, s6;
	s20 =	sshll.u32 s7, $0xA  }
0x11: {  	[smem:$0x7F4] =	sst s4;
	s1 =	sor.u32 s8, s1;
	s22 =	sor.u32 s3, s20  }
0x12: {  	s3 =	sadd.s32 s16, s23;
	s14 =	sand.u32 $0xFFFFE380, s1;
	s1 =	sand.u32 $0xFFFFE380, s22  }
0x13: {  	s26 =	sadd.s32 $0x1000, s3;
	[dreg:$0x5] =	wrdreg s1  }
.Ltmp0:
0x14: {  	s28 =	sadd.s32 $0x1800, s3;
	[smem:$0x7F7] =	sst s26;
	(pc) =	sbr.rel .LBB2_1-.Ltmp0, $4  }
0x15: {  	s29 =	sadd.s32 $0x2000, s3;
	[smem:$0x7F8] =	sst s28  }
0x16: {  	s30 =	sadd.s32 $0x2800, s3;
	[smem:$0x7F9] =	sst s29  }
0x17: {  	s15 =	simm.s32 $0x1;
	p1 =	sne.s32 s2, $0x1F;
	[smem:$0x7FA] =	sst s30  }
0x18: {  	p0 =	seq.s32 s2, $0x0;
	s2 =	simm.s32 $0x0;
	[smem:$0x7FD] =	sst s14  }
.LBB2_18:
0x19: {  	v8 =	vld [tilespmem:s10+$0x100]  }
0x1a: {  	v9 =	vld [tilespmem:s5+$0x100]  }
0x1b: {  	v10 =	vld [tilespmem:s8+$0x0]  }
0x1c: {  	[tilespmem:s7+$0x0] =	vst v7  }
0x1d: {  	[tilespmem:s12+$0x0] =	vst v6;
	v3 =	vadd.f32 v5, v3  }
0x1e: {  	s0 =	sor.u32 s9, s6;
	[tilespmem:s11+$0x0] =	vst v4;
	v0 =	vadd.f32 v2, v0  }
0x1f: {  	[tilespmem:s0+$0x0] =	vst v3;
	v1 =	vadd.f32 v9, v1  }
0x20: {  	s26 =	sor.u32 s3, s6;
	[tilespmem:s4+$0x0] =	vst v0;
	v63 =	vadd.f32 v8, v10  }
0x21: {  	s1 =	sor.u32 s2, s6;
	[tilespmem:s26+$0x0] =	vst v1  }
0x22: {  	[tilespmem:s1+$0x0] =	vst v63  }
0x23: {  	s0 =	sld [smem:$0x7FB]  }
0x24: {  	s28 =	simm.s32 $0x80  }
0x25: {  	s29 =	simm.s32 $0x400;
	s30 =	simm.s32 $0xE000;
	s31 =	simm.s32 $0x5  }
0x26: {  	[hbm4b:s0+s28] =	stream.strided.scatter [tilespmem:s30], [sflag:$0x5], $0x400, s29, s28, $0x38;
	[tilespmem:$0x1A400] =	vst v63  }
0x27: {  	_ =	swait.ge [sflag:s31], $0x400  }
0x28: {  	[sflag:s31] =	ssyncset.done $0x0  }
0x29: {  	s2 =	sld [smem:$0x7F3];
	[sflag:s31] =	ssyncadd.s32 $0xFFFFFC00  }
.LBB2_19:
0x2a: {  	s0 =	simm.s32 $0x2  }
0x2b: {  	_ =	swait.ge [sflag:s0], $0x4000  }
0x2c: {  	[sflag:s0] =	ssyncset.done $0x0  }
0x2d: {  	s30 =	simm.s32 $0x3;
	[sflag:s0] =	ssyncadd.s32 $0xFFFFC000  }
0x2e: {  	_ =	swait.ge [sflag:s30], $0x4000  }
0x2f: {  	[sflag:s30] =	ssyncset.done $0x0  }
0x30: {  	s1 =	simm.s32 $0x4;
	[sflag:s30] =	ssyncadd.s32 $0xFFFFC000  }
0x31: {  	_ =	swait.ge [sflag:s1], $0x4000  }
0x32: {  	s31 =	sld [smem:$0x7FC];
	_ =	sdelay $0x1  }
0x33: {  	s2 =	sadd.s32 $0x1, s2  }
0x34: {  	p2 =	sne.s32 s2, s31  }
.Ltmp1:
0x35: {  	_ = 	snop;
	(pc) =	sbr.rel @!p2 .LBB2_20-.Ltmp1, $3  }
0x36: {  	_ =	sdelay $0x1  }
0x37: {  	[sflag:s1] =	ssyncset.done $0x0  }
0x38: {  	s15 =	simm.s32 $0x1;
	s14 =	sld [smem:$0x7FD];
	[sflag:s1] =	ssyncadd.s32 $0xFFFFC000  }
.LBB2_1:
0x39: {  	s0 =	sld [smem:$0x7F4];
	_ =	sdelay $0x1  }
0x3a: {  	[smem:$0x7F3] =	sst s2;
	s1 =	simm.s32 $0x0  }
0x3b: {  	[tilespmem:s1], [sflag:$0x1] =	stream.linear.gather [hbm4b:s0+s1], $0x4000, $0x38;
	[tilespmem:$0x1A400] =	vst v63  }
0x3c: {  	s22 =	rddreg [dreg:$0x2];
	s23 =	simm.s32 $0xC000  }
0x3d: {  	[tilespmem:s23], [sflag:$0x1] =	stream.linear.gather [hbm4b:s22+s1], $0x1000, $0x38;
	[tilespmem:$0x1A400] =	vst v63  }
0x3e: {  	s24 =	rddreg [dreg:$0x1];
	s25 =	simm.s32 $0x4000  }
0x3f: {  	[tilespmem:s25], [sflag:$0x1] =	stream.linear.gather [hbm4b:s24+s1], $0x8000, $0x38;
	[tilespmem:$0x1A400] =	vst v63  }
0x40: {  	_ =	swait.ge [sflag:s15], $0x4000  }
0x41: {  	[sflag:s15] =	ssyncset.done $0x0  }
0x42: {  	s26 =	simm.s32 $0x0;
	s28 =	simm.s32 $0x0;
	[sflag:s15] =	ssyncadd.s32 $0xFFFFC000  }
0x43: {  	s4 =	sand.u32 $0xFFFFFE00, s28;
	s1 =	sand.u32 $0x40, s1;
	_ =	swait.ge [sflag:s15], $0x1000  }
0x44: {  	s0 =	sand.u32 $0x3FFFFC00, s26;
	s29 =	sor.u32 $0x30, s1;
	[sflag:s15] =	ssyncset.done $0x0  }
0x45: {  	s3 =	sadd.s32 s0, s14;
	s0 =	sor.u32 s4, s29;
	[sflag:s15] =	ssyncadd.s32 $0xFFFFF000  }
0x46: {  	s2 =	sadd.s32 s29, s3;
	v4 =	vld [tilespmem:s0+$0xC100]  }
0x47: {  	s5 =	sor.u32 $0x10, s1;
	s6 =	sadd.s32 s1, s3;
	v0 =	vld [tilespmem:s2+$0x0]  }
0x48: {  	s7 =	sor.u32 $0x20, s1;
	s30 =	sadd.s32 s5, s3;
	v3 =	vld [tilespmem:s6+$0x0]  }
0x49: {  	s31 =	sadd.s32 s7, s3;
	v2 =	vld [tilespmem:s30+$0x0]  }
0x4a: {  	s3 =	sor.u32 s1, s4;
	v1 =	vld [tilespmem:s31+$0x0]  }
0x4b: {  	v9 =	vld [tilespmem:s3+$0xC000]  }
0x4c: {  	v11 =	vld [tilespmem:s3+$0xC080]  }
0x4d: {  	s2 =	sor.u32 s4, s5;
	v8 =	vld [tilespmem:s3+$0xC100]  }
0x4e: {  	v7 =	vld [tilespmem:s2+$0xC000]  }
0x4f: {  	v6 =	vld [tilespmem:s2+$0xC080];
	v4 =	vadd.f32 v4, v0  }
0x50: {  	s1 =	sor.u32 s4, s7;
	v5 =	vld [tilespmem:s2+$0xC100];
	v10 =	vadd.f32 v9, v3  }
0x51: {  	s4 =	simm.s32 $0x0;
	s5 =	simm.s32 $0x0;
	v9 =	vadd.f32 v11, v3;
	[tilespmem:s0+$0xD100] =	vst v4;
	v4 =	vld [tilespmem:s1+$0xC000]  }
.LBB2_2:
0x52: {  	s4 =	sadd.s32 $0x4, s4;
	[tilespmem:s3+$0xD000] =	vst v10;
	v3 =	vadd.f32 v8, v3;
	v8 =	vld [tilespmem:s1+$0xC080];
	s5 =	sadd.s32 $0x40, s5  }
0x53: {  	s6 =	sand.u32 $0x40, s5;
	s7 =	sshll.u32 s4, $0x7;
	s8 =	sshll.u32 s4, $0x6;
	[tilespmem:s3+$0xD080] =	vst v9;
	v7 =	vadd.f32 v7, v2;
	v9 =	vld [tilespmem:s1+$0xC100]  }
0x54: {  	s7 =	sand.u32 $0x3FFFFC00, s7;
	s8 =	sand.u32 $0xFFFFFE00, s8;
	s9 =	sor.u32 $0x30, s6;
	[tilespmem:s3+$0xD100] =	vst v3;
	v3 =	vadd.f32 v6, v2;
	v6 =	vld [tilespmem:s0+$0xC000]  }
0x55: {  	s10 =	sor.u32 $0x10, s6;
	s7 =	sadd.s32 s7, s14;
	s11 =	sor.u32 s8, s9;
	[tilespmem:s2+$0xD000] =	vst v7;
	v2 =	vadd.f32 v5, v2;
	v5 =	vld [tilespmem:s0+$0xC080]  }
0x56: {  	s13 =	sor.u32 $0x20, s6;
	s12 =	sadd.s32 s6, s7;
	s9 =	sadd.s32 s9, s7;
	v7 =	vld [tilespmem:s11+$0xC100];
	[tilespmem:s2+$0xD080] =	vst v3;
	v4 =	vadd.f32 v4, v1  }
0x57: {  	s3 =	sor.u32 s6, s8;
	s6 =	sadd.s32 s10, s7;
	s7 =	sadd.s32 s13, s7;
	v10 =	vld [tilespmem:s9+$0x0];
	[tilespmem:s2+$0xD100] =	vst v2;
	v8 =	vadd.f32 v8, v1  }
0x58: {  	p2 =	slt.u32 s4, $0x3C;
	s2 =	sor.u32 s8, s10;
	s8 =	sor.u32 s8, s13;
	v3 =	vld [tilespmem:s12+$0x0];
	[tilespmem:s1+$0xD000] =	vst v4;
	v4 =	vadd.f32 v9, v1  }
0x59: {  	v2 =	vld [tilespmem:s6+$0x0];
	[tilespmem:s1+$0xD080] =	vst v8;
	v6 =	vadd.f32 v6, v0  }
0x5a: {  	v1 =	vld [tilespmem:s7+$0x0];
	[tilespmem:s1+$0xD100] =	vst v4;
	v8 =	vadd.f32 v5, v0;
	s1 =	smov.u32 s8  }
0x5b: {  	v4 =	vld [tilespmem:s3+$0xC000];
	[tilespmem:s0+$0xD000] =	vst v6  }
0x5c: {  	v9 =	vld [tilespmem:s3+$0xC080];
	v5 =	vadd.f32 v7, v10;
	[tilespmem:s0+$0xD080] =	vst v8;
	v0 =	vmov v10;
	s0 =	smov.u32 s11  }
.Ltmp2:
0x5d: {  	v8 =	vld [tilespmem:s3+$0xC100];
	(pc) =	sbr.rel @p2 .LBB2_2-.Ltmp2, $4  }
0x5e: {  	v7 =	vld [tilespmem:s2+$0xC000];
	[tilespmem:s0+$0xD100] =	vst v5  }
0x5f: {  	v6 =	vld [tilespmem:s2+$0xC080]  }
0x60: {  	v10 =	vadd.f32 v4, v3;
	v5 =	vld [tilespmem:s2+$0xC100]  }
0x61: {  	v9 =	vadd.f32 v9, v3;
	v4 =	vld [tilespmem:s1+$0xC000]  }
0x62: {  	[tilespmem:s3+$0xD000] =	vst v10;
	v3 =	vadd.f32 v8, v3;
	v8 =	vld [tilespmem:s1+$0xC080]  }
0x63: {  	[tilespmem:s3+$0xD080] =	vst v9;
	v7 =	vadd.f32 v7, v2;
	v9 =	vld [tilespmem:s1+$0xC100]  }
0x64: {  	[tilespmem:s3+$0xD100] =	vst v3;
	v3 =	vadd.f32 v6, v2;
	v6 =	vld [tilespmem:s0+$0xC000]  }
0x65: {  	[tilespmem:s2+$0xD000] =	vst v7;
	v2 =	vadd.f32 v5, v2;
	v5 =	vld [tilespmem:s0+$0xC080]  }
0x66: {  	[tilespmem:s2+$0xD080] =	vst v3;
	v3 =	vadd.f32 v4, v1  }
0x67: {  	[tilespmem:s2+$0xD100] =	vst v2;
	v2 =	vadd.f32 v8, v1  }
0x68: {  	[tilespmem:s1+$0xD000] =	vst v3;
	v1 =	vadd.f32 v9, v1  }
0x69: {  	[tilespmem:s1+$0xD080] =	vst v2;
	v2 =	vadd.f32 v6, v0  }
0x6a: {  	[tilespmem:s1+$0xD100] =	vst v1;
	v0 =	vadd.f32 v5, v0  }
0x6b: {  	[tilespmem:s0+$0xD000] =	vst v2  }
0x6c: {  	[tilespmem:s0+$0xD080] =	vst v0  }
0x6d: {  	s1 =	simm.s32 $0x0;
	_ =	swait.ge [sflag:s15], $0x8000  }
0x6e: {  	s20 =	simm.s32 $0x0;
	s13 =	sand.u32 $0x40, s1;
	[sflag:s15] =	ssyncset.done $0x0  }
0x6f: {  	s5 =	simm.s32 $0xD000;
	s21 =	sor.u32 s13, s20;
	[sflag:s15] =	ssyncadd.s32 $0xFFFF8000  }
0x70: {  	s22 =	sor.u32 s13, s5;
	v10 =	vld [tilespmem:s21+$0xC100]  }
0x71: {  	s4 =	simm.s32 $0x0;
	v1 =	vld [tilespmem:s22+$0x80]  }
0x72: {  	s2 =	sor.u32 s13, s4;
	s12 =	sor.u32 $0x10, s13;
	v3 =	vld [tilespmem:s22+$0x0]  }
0x73: {  	s6 =	sor.u32 s12, s5;
	v12 =	vld [tilespmem:s2+$0x4080]  }
0x74: {  	s7 =	simm.s32 $0xA380;
	v0 =	vld [tilespmem:s6+$0x80]  }
0x75: {  	s8 =	sor.u32 s13, s7;
	v11 =	vld [tilespmem:s2+$0x4000]  }
0x76: {  	v9 =	vld [tilespmem:s8+$0x0]  }
0x77: {  	v4 =	vld [tilespmem:s6+$0x0]  }
0x78: {  	s23 =	sor.u32 s12, s20;
	v6 =	vld [tilespmem:s21+$0xD100]  }
0x79: {  	s16 =	sor.u32 $0x30, s13;
	s0 =	sor.u32 s4, s12;
	v2 =	vld [tilespmem:s23+$0xD100]  }
0x7a: {  	s10 =	sor.u32 s16, s20;
	v16 =	vld [tilespmem:s0+$0x4000]  }
0x7b: {  	s14 =	sor.u32 s16, s7;
	s15 =	sor.u32 $0x20, s13;
	v15 =	vld [tilespmem:s10+$0xC100]  }
0x7c: {  	s9 =	sor.u32 s15, s7;
	v19 =	vld [tilespmem:s14+$0x0]  }
0x7d: {  	s25 =	rddreg [dreg:$0x5];
	s3 =	sor.u32 s4, s15;
	v13 =	vld [tilespmem:s9+$0x0]  }
0x7e: {  	s26 =	sor.u32 s15, s5;
	s9 =	sadd.s32 $0x0, s25;
	v17 =	vld [tilespmem:s3+$0x4080]  }
0x7f: {  	v8 =	vld [tilespmem:s26+$0x0];
	s11 =	sadd.s32 s13, s9  }
0x80: {  	s14 =	sadd.s32 s15, s9;
	v18 =	vld [tilespmem:s11+$0x0]  }
0x81: {  	s17 =	sadd.s32 s16, s9;
	v22 =	vld [tilespmem:s14+$0x0]  }
0x82: {  	v23 =	vld [tilespmem:s17+$0x0];
	v7 =	vadd.f32 v12, v3  }
0x83: {  	s24 =	sor.u32 s15, s20;
	v20 =	vld [tilespmem:s3+$0x4000];
	v21 =	vadd.f32 v11, v6  }
0x84: {  	v14 =	vld [tilespmem:s24+$0xC100];
	v25 =	vadd.f32 v11, v3;
	[tilespmem:s2+$0xE600] =	vst v7  }
0x85: {  	v61 =	vld [tilespmem:s23+$0xC100];
	v11 =	vadd.f32 v11, v1;
	v24 =	vadd.f32 v17, v8;
	[tilespmem:s2+$0xE580] =	vst v21  }
0x86: {  	s7 =	sor.u32 s12, s7;
	v5 =	vld [tilespmem:s24+$0xD100];
	[tilespmem:s2+$0xE480] =	vst v25;
	v18 =	vadd.f32 v9, v18;
	v13 =	vadd.f32 v13, v22  }
0x87: {  	v62 =	vld [tilespmem:s7+$0x0];
	[tilespmem:s2+$0xE500] =	vst v11;
	v11 =	vadd.f32 v19, v23;
	v19 =	vadd.f32 v16, v4  }
0x88: {  	s18 =	sadd.s32 s12, s9;
	v7 =	vld [tilespmem:s26+$0x80];
	[tilespmem:s3+$0xE600] =	vst v24;
	v10 =	vadd.f32 v10, v18;
	v18 =	vadd.f32 v20, v8  }
0x89: {  	v63 =	vld [tilespmem:s18+$0x0];
	v13 =	vadd.f32 v14, v13;
	[tilespmem:s0+$0xE480] =	vst v19  }
0x8a: {  	v60 =	vld [tilespmem:s0+$0x4080];
	v10 =	vpsel p0, $0x0, v10;
	[tilespmem:s3+$0xE480] =	vst v18  }
0x8b: {  	s4 =	sor.u32 s4, s16;
	v9 =	vld [tilespmem:s10+$0xD100];
	v15 =	vadd.f32 v15, v11;
	v18 =	vadd.f32 v16, v0;
	v11 =	vpsel p0, $0x0, v13;
	[tilespmem:s2+$0xE400] =	vst v10  }
0x8c: {  	s19 =	simm.s32 $0x10400;
	v14 =	vld [tilespmem:s4+$0x4080];
	[tilespmem:s3+$0xE400] =	vst v11  }
0x8d: {  	s5 =	sor.u32 s16, s5;
	s20 =	simm.s32 $0x10480;
	s21 =	sor.u32 s13, s19;
	v13 =	vld [tilespmem:s4+$0x4000];
	[tilespmem:s0+$0xE500] =	vst v18  }
0x8e: {  	s22 =	sor.u32 s13, s20;
	v19 =	vadd.f32 v20, v7;
	v10 =	vld [tilespmem:s5+$0x0];
	[smem:$0x7E2] =	sst s21  }
0x8f: {  	[smem:$0x7E3] =	sst s22  }
0x90: {  	s23 =	sor.u32 s16, s19;
	[tilespmem:s3+$0xE500] =	vst v19  }
0x91: {  	s24 =	sor.u32 s16, s20;
	v11 =	vld [tilespmem:s5+$0x80];
	[smem:$0x7E4] =	sst s23  }
0x92: {  	v15 =	vpsel p0, $0x0, v15;
	[smem:$0x7E5] =	sst s24  }
0x93: {  	s25 =	sor.u32 s12, s19;
	[tilespmem:s4+$0xE400] =	vst v15  }
0x94: {  	s26 =	sor.u32 s15, s19;
	v18 =	vadd.f32 v20, v5;
	[smem:$0x7E6] =	sst s25  }
0x95: {  	[smem:$0x7E7] =	sst s26  }
0x96: {  	s6 =	sor.u32 s15, s20;
	s18 =	simm.s32 $0xE400;
	v19 =	vadd.f32 v12, v1;
	[tilespmem:s3+$0xE580] =	vst v18  }
0x97: {  	s17 =	sor.u32 s13, s18;
	[smem:$0x7E8] =	sst s6  }
0x98: {  	s7 =	simm.s32 $0x10500;
	s9 =	sor.u32 s12, s20;
	[tilespmem:s17+$0x280] =	vst v19  }
0x99: {  	s10 =	sor.u32 s13, s7;
	v15 =	vadd.f32 v60, v4;
	[smem:$0x7E9] =	sst s9  }
0x9a: {  	[smem:$0x7EA] =	sst s10  }
0x9b: {  	s8 =	simm.s32 $0x10580;
	s11 =	sor.u32 s16, s7;
	[tilespmem:s0+$0xE600] =	vst v15  }
0x9c: {  	s19 =	sor.u32 s13, s8;
	[smem:$0x7EB] =	sst s11  }
0x9d: {  	s20 =	sor.u32 s16, s8;
	v12 =	vadd.f32 v12, v6;
	[smem:$0x7EC] =	sst s19  }
0x9e: {  	v18 =	vadd.f32 v62, v63;
	v19 =	vadd.f32 v13, v9;
	[smem:$0x7ED] =	sst s20  }
0x9f: {  	[tilespmem:s17+$0x300] =	vst v12  }
0xa0: {  	s21 =	sor.u32 s15, s8;
	v15 =	vadd.f32 v61, v18;
	v18 =	vadd.f32 v13, v11;
	[tilespmem:s4+$0xE580] =	vst v19  }
0xa1: {  	s19 =	simm.s32 $0x10600;
	[smem:$0x7EE] =	sst s21  }
0xa2: {  	s23 =	sor.u32 s13, s19;
	[tilespmem:s4+$0xE500] =	vst v18  }
0xa3: {  	s24 =	sor.u32 s16, s19;
	[smem:$0x7EF] =	sst s23  }
0xa4: {  	v12 =	vadd.f32 v17, v7;
	v15 =	vpsel p0, $0x0, v15;
	[smem:$0x7F0] =	sst s24  }
0xa5: {  	s14 =	sor.u32 s15, s18;
	s22 =	sor.u32 s12, s7;
	v18 =	vadd.f32 v14, v10;
	[tilespmem:s0+$0xE400] =	vst v15  }
0xa6: {  	s5 =	sor.u32 s12, s8;
	s9 =	sor.u32 s15, s7;
	v13 =	vadd.f32 v13, v10;
	s20 =	simm.s32 $0x10680;
	[tilespmem:s14+$0x280] =	vst v12  }
0xa7: {  	s11 =	sor.u32 s12, s19;
	s6 =	sor.u32 s15, s19;
	s19 =	simm.s32 $0x10700;
	[tilespmem:s4+$0xE600] =	vst v18  }
0xa8: {  	s10 =	sor.u32 s13, s20;
	s28 =	sor.u32 s16, s20;
	s25 =	sor.u32 s13, s19;
	v15 =	vld [tilespmem:s2+$0x4100];
	[tilespmem:s4+$0xE480] =	vst v13  }
0xa9: {  	s29 =	sor.u32 s15, s20;
	s26 =	sor.u32 s15, s19;
	v12 =	vadd.f32 v14, v11;
	[smem:$0x7F1] =	sst s25  }
0xaa: {  	s23 =	sor.u32 s12, s20;
	s20 =	sor.u32 s16, s18;
	v14 =	vadd.f32 v14, v9;
	[smem:$0x7F2] =	sst s26  }
0xab: {  	v16 =	vadd.f32 v16, v2;
	s7 =	simm.s32 $0x0;
	s21 =	simm.s32 $0x10780;
	s31 =	sor.u32 s16, s19;
	[tilespmem:s20+$0x280] =	vst v12  }
0xac: {  	s30 =	sor.u32 s12, s19;
	s8 =	sor.u32 s16, s21;
	s24 =	sor.u32 s13, s21;
	v13 =	vadd.f32 v17, v5;
	v12 =	vadd.f32 v60, v0;
	[tilespmem:s20+$0x300] =	vst v14  }
0xad: {  	s16 =	sor.u32 s12, s18;
	s26 =	sor.u32 s15, s21;
	s25 =	sor.u32 s12, s21;
	v14 =	vadd.f32 v60, v2;
	[tilespmem:s0+$0xE580] =	vst v16;
	v16 =	vld [tilespmem:s4+$0x4100];
	v17 =	vadd.f32 v15, v3  }
.LBB2_4:
0xae: {  	[tilespmem:s14+$0x300] =	vst v13  }
0xaf: {  	s13 =	sld [smem:$0x7E2];
	[tilespmem:s16+$0x280] =	vst v12  }
0xb0: {  	v13 =	vadd.f32 v15, v1;
	[tilespmem:s16+$0x300] =	vst v14  }
0xb1: {  	[tilespmem:s17+$0x380] =	vst v17;
	v12 =	vld [tilespmem:s3+$0x4100]  }
0xb2: {  	v14 =	vadd.f32 v15, v6;
	v15 =	vld [tilespmem:s0+$0x4100];
	[tilespmem:s13+$0x0] =	vst v13;
	v13 =	vadd.f32 v16, v10  }
0xb3: {  	s13 =	sld [smem:$0x7E3]  }
0xb4: {  	[tilespmem:s20+$0x380] =	vst v13;
	s20 =	sld [smem:$0x7E4]  }
0xb5: {  	v17 =	vadd.f32 v16, v11  }
0xb6: {  	[tilespmem:s13+$0x0] =	vst v14;
	v18 =	vadd.f32 v12, v8  }
0xb7: {  	v14 =	vadd.f32 v16, v9;
	s13 =	sld [smem:$0x7E5];
	v16 =	vld [tilespmem:s2+$0x4180];
	v20 =	vadd.f32 v15, v4;
	[tilespmem:s20+$0x0] =	vst v17  }
0xb8: {  	[tilespmem:s14+$0x380] =	vst v18;
	s14 =	sld [smem:$0x7E7]  }
0xb9: {  	v19 =	vadd.f32 v12, v7;
	s20 =	sld [smem:$0x7E8];
	[tilespmem:s16+$0x380] =	vst v20  }
0xba: {  	v12 =	vadd.f32 v12, v5;
	[tilespmem:s13+$0x0] =	vst v14;
	s13 =	sld [smem:$0x7E6]  }
0xbb: {  	v21 =	vadd.f32 v15, v2;
	v13 =	vadd.f32 v15, v0;
	s16 =	sld [smem:$0x7EA];
	v15 =	vld [tilespmem:s4+$0x4180];
	[tilespmem:s14+$0x0] =	vst v19  }
0xbc: {  	v14 =	vadd.f32 v16, v3;
	s14 =	sld [smem:$0x7E9];
	[tilespmem:s20+$0x0] =	vst v12  }
0xbd: {  	[tilespmem:s13+$0x0] =	vst v13  }
0xbe: {  	s13 =	sld [smem:$0x7EC];
	[tilespmem:s16+$0x0] =	vst v14  }
0xbf: {  	s20 =	sld [smem:$0x7EB];
	v12 =	vld [tilespmem:s3+$0x4180];
	v14 =	vadd.f32 v16, v1;
	[tilespmem:s14+$0x0] =	vst v21  }
0xc0: {  	s14 =	sld [smem:$0x7ED];
	v13 =	vadd.f32 v15, v10;
	v18 =	vld [tilespmem:s0+$0x4180]  }
0xc1: {  	s16 =	sld [smem:$0x7EF];
	v17 =	vadd.f32 v15, v11;
	[tilespmem:s13+$0x0] =	vst v14  }
0xc2: {  	[tilespmem:s20+$0x0] =	vst v13;
	v13 =	vadd.f32 v16, v6;
	s20 =	sld [smem:$0x7F0]  }
0xc3: {  	v15 =	vadd.f32 v15, v9;
	[tilespmem:s14+$0x0] =	vst v17  }
0xc4: {  	v14 =	vadd.f32 v12, v8;
	v16 =	vadd.f32 v12, v7;
	[tilespmem:s16+$0x0] =	vst v13  }
0xc5: {  	v19 =	vadd.f32 v12, v5;
	v13 =	vld [tilespmem:s2+$0x4200];
	v12 =	vadd.f32 v18, v4;
	[tilespmem:s20+$0x0] =	vst v15  }
0xc6: {  	s7 =	sadd.s32 $0x4, s7;
	v17 =	vadd.f32 v18, v0;
	[tilespmem:s9+$0x0] =	vst v14;
	v14 =	vld [tilespmem:s4+$0x4200];
	s4 =	sld [smem:$0x7EE]  }
0xc7: {  	s1 =	sadd.s32 $0x40, s1;
	s15 =	sshrl.u32 s7, $0x3;
	[tilespmem:s22+$0x0] =	vst v12  }
0xc8: {  	s12 =	sand.u32 $0x40, s1;
	s19 =	sshll.u32 s15, $0x9;
	v15 =	vadd.f32 v18, v2;
	[tilespmem:s5+$0x0] =	vst v17  }
0xc9: {  	[smem:$0x7E0] =	sst s7;
	s18 =	sadd.s32 $0xD000, s19;
	s17 =	sor.u32 s12, s19;
	[tilespmem:s4+$0x0] =	vst v16  }
0xca: {  	p2 =	slt.u32 s7, $0x3C;
	s7 =	sld [smem:$0x7F1];
	s21 =	sor.u32 s12, s18;
	v12 =	vld [tilespmem:s17+$0xC100];
	[tilespmem:s11+$0x0] =	vst v15;
	v3 =	vadd.f32 v13, v3  }
0xcb: {  	s13 =	rddreg [dreg:$0x5];
	s14 =	sor.u32 $0x20, s12;
	s20 =	sshll.u32 s15, $0xA;
	v15 =	vadd.f32 v13, v1;
	v16 =	vld [tilespmem:s0+$0x4200];
	[tilespmem:s6+$0x0] =	vst v19  }
0xcc: {  	s16 =	sor.u32 $0x10, s12;
	s15 =	sor.u32 $0x30, s12;
	s9 =	sadd.s32 $0xA380, s20;
	v6 =	vadd.f32 v13, v6;
	v13 =	vld [tilespmem:s3+$0x4200];
	[tilespmem:s10+$0x0] =	vst v3  }
0xcd: {  	s2 =	sor.u32 s12, s20;
	s22 =	sor.u32 s16, s19;
	s11 =	sor.u32 s16, s18;
	v1 =	vld [tilespmem:s21+$0x80];
	[tilespmem:s7+$0x0] =	vst v15  }
0xce: {  	s0 =	sor.u32 s20, s16;
	s6 =	sadd.s32 s20, s13;
	v10 =	vadd.f32 v14, v10;
	s3 =	sor.u32 s16, s9;
	v3 =	vld [tilespmem:s21+$0x0];
	[tilespmem:s24+$0x0] =	vst v6  }
0xcf: {  	v17 =	vadd.f32 v14, v11;
	s10 =	sor.u32 s12, s9;
	[smem:$0x7E1] =	sst s3;
	s3 =	sor.u32 s20, s14;
	v11 =	vld [tilespmem:s2+$0x4080]  }
0xd0: {  	[tilespmem:s28+$0x0] =	vst v10;
	s28 =	sadd.s32 $0x10480, s20;
	s7 =	sor.u32 s15, s19;
	v15 =	vld [tilespmem:s10+$0x0];
	s10 =	sadd.s32 $0x10400, s20  }
0xd1: {  	s24 =	sor.u32 s15, s9;
	s21 =	sor.u32 s14, s9;
	v4 =	vadd.f32 v16, v4;
	v10 =	vadd.f32 v16, v0;
	v0 =	vld [tilespmem:s11+$0x80];
	s13 =	sor.u32 s12, s10  }
0xd2: {  	v9 =	vadd.f32 v14, v9;
	[tilespmem:s31+$0x0] =	vst v17;
	s31 =	smov.u32 s25;
	v14 =	vld [tilespmem:s2+$0x4000];
	s4 =	sor.u32 s14, s10;
	[smem:$0x7E2] =	sst s13  }
0xd3: {  	s9 =	sor.u32 s14, s19;
	s19 =	sadd.s32 s14, s6;
	v6 =	vadd.f32 v13, v8;
	v8 =	vadd.f32 v16, v2;
	v16 =	vld [tilespmem:s21+$0x0];
	[tilespmem:s23+$0x0] =	vst v4;
	[smem:$0x7E7] =	sst s4  }
0xd4: {  	[tilespmem:s8+$0x0] =	vst v9;
	s8 =	sadd.s32 s12, s6;
	s23 =	sor.u32 s15, s10;
	v4 =	vld [tilespmem:s11+$0x0];
	s11 =	sld [smem:$0x7F2]  }
0xd5: {  	s21 =	sadd.s32 s16, s6;
	[tilespmem:s29+$0x0] =	vst v6;
	v6 =	vld [tilespmem:s17+$0xD100];
	s17 =	sor.u32 s12, s28;
	[smem:$0x7E4] =	sst s23  }
0xd6: {  	v7 =	vadd.f32 v13, v7;
	v19 =	vld [tilespmem:s7+$0xC100];
	s29 =	sadd.s32 s15, s6;
	s6 =	sor.u32 s16, s10;
	[smem:$0x7E3] =	sst s17  }
0xd7: {  	s25 =	sor.u32 s14, s18;
	v2 =	vadd.f32 v13, v5;
	v51 =	vld [tilespmem:s24+$0x0];
	s10 =	sor.u32 s14, s28;
	[smem:$0x7E6] =	sst s6  }
0xd8: {  	v24 =	vld [tilespmem:s8+$0x0];
	s4 =	sor.u32 s20, s15;
	[smem:$0x7E8] =	sst s10;
	s17 =	sor.u32 s16, s28;
	[tilespmem:s11+$0x0] =	vst v7  }
0xd9: {  	[smem:$0x7E9] =	sst s17;
	s17 =	smov.u32 s1;
	s11 =	sadd.s32 $0x10500, s20;
	[tilespmem:s26+$0x0] =	vst v2;
	v2 =	vld [tilespmem:s22+$0xD100]  }
0xda: {  	s26 =	sor.u32 s15, s28;
	[tilespmem:s30+$0x0] =	vst v10;
	s30 =	sadd.s32 $0x10580, s20;
	s23 =	sor.u32 s12, s11;
	v17 =	vld [tilespmem:s9+$0xC100]  }
0xdb: {  	v28 =	vadd.f32 v14, v3;
	s1 =	sor.u32 s16, s11;
	s28 =	sadd.s32 $0x10600, s20;
	[smem:$0x7E5] =	sst s26;
	v5 =	vld [tilespmem:s9+$0xD100]  }
0xdc: {  	[smem:$0x7EA] =	sst s23;
	s26 =	sor.u32 s15, s11;
	s6 =	sor.u32 s12, s30;
	v50 =	vld [tilespmem:s3+$0x4080]  }
0xdd: {  	v15 =	vadd.f32 v15, v24;
	v10 =	vadd.f32 v11, v3;
	[tilespmem:s2+$0xE480] =	vst v28;
	s9 =	sor.u32 s15, s30;
	s13 =	sor.u32 s16, s30;
	s10 =	sor.u32 s12, s28;
	v7 =	vld [tilespmem:s25+$0x80]  }
0xde: {  	[tilespmem:s31+$0x0] =	vst v8;
	s23 =	sor.u32 s15, s28;
	v8 =	vld [tilespmem:s25+$0x0];
	s25 =	sadd.s32 $0x10780, s20;
	v26 =	vadd.f32 v14, v6;
	[smem:$0x7EC] =	sst s6  }
0xdf: {  	v23 =	vld [tilespmem:s3+$0x4000];
	v14 =	vadd.f32 v14, v1;
	v15 =	vadd.f32 v12, v15;
	[smem:$0x7ED] =	sst s9;
	s9 =	sor.u32 s14, s11;
	s11 =	sor.u32 s14, s30;
	[tilespmem:s2+$0xE600] =	vst v10  }
0xe0: {  	v27 =	vld [tilespmem:s19+$0x0];
	s30 =	sadd.s32 $0x10680, s20;
	s6 =	sor.u32 s14, s28;
	[smem:$0x7EE] =	sst s11;
	[tilespmem:s2+$0xE580] =	vst v26  }
0xe1: {  	v30 =	vadd.f32 v11, v1;
	v18 =	vld [tilespmem:s0+$0x4000];
	s11 =	sor.u32 s16, s28;
	s28 =	sadd.s32 $0x10700, s20;
	s20 =	sadd.s32 $0xE400, s20;
	[tilespmem:s2+$0xE500] =	vst v14;
	v14 =	vpsel p0, $0x0, v15  }
0xe2: {  	v55 =	vld [tilespmem:s22+$0xC100];
	s22 =	smov.u32 s1;
	s1 =	smov.u32 s17;
	v15 =	vadd.f32 v11, v6;
	s17 =	sor.u32 s12, s20;
	[tilespmem:s2+$0xE400] =	vst v14  }
0xe3: {  	v29 =	vld [tilespmem:s0+$0x4080];
	[tilespmem:s17+$0x280] =	vst v30;
	v10 =	vadd.f32 v50, v8  }
0xe4: {  	v22 =	vld [tilespmem:s29+$0x0];
	[tilespmem:s17+$0x300] =	vst v15;
	v58 =	vadd.f32 v23, v8  }
0xe5: {  	v9 =	vld [tilespmem:s7+$0xD100];
	s19 =	sld [smem:$0x7E1];
	v60 =	vadd.f32 v23, v5;
	[tilespmem:s3+$0xE600] =	vst v10  }
0xe6: {  	v59 =	vld [tilespmem:s4+$0x4000];
	v52 =	vadd.f32 v18, v4;
	[tilespmem:s3+$0xE480] =	vst v58  }
0xe7: {  	v57 =	vld [tilespmem:s21+$0x0];
	v53 =	vadd.f32 v18, v2;
	v18 =	vadd.f32 v18, v0;
	[tilespmem:s3+$0xE580] =	vst v60  }
0xe8: {  	v56 =	vld [tilespmem:s19+$0x0];
	v16 =	vadd.f32 v16, v27;
	v31 =	vadd.f32 v29, v4;
	[tilespmem:s0+$0xE480] =	vst v52  }
0xe9: {  	s18 =	sor.u32 s15, s18;
	v54 =	vld [tilespmem:s4+$0x4080];
	v21 =	vadd.f32 v51, v22;
	[tilespmem:s0+$0xE500] =	vst v18  }
0xea: {  	v11 =	vld [tilespmem:s18+$0x80];
	v16 =	vadd.f32 v17, v16;
	v17 =	vadd.f32 v23, v7;
	[tilespmem:s0+$0xE600] =	vst v31  }
0xeb: {  	v19 =	vadd.f32 v19, v21;
	v10 =	vld [tilespmem:s18+$0x0];
	[tilespmem:s0+$0xE580] =	vst v53  }
0xec: {  	[smem:$0x7EB] =	sst s26;
	v16 =	vpsel p0, $0x0, v16;
	[tilespmem:s3+$0xE500] =	vst v17  }
0xed: {  	[smem:$0x7EF] =	sst s10;
	v17 =	vadd.f32 v59, v9;
	[tilespmem:s3+$0xE400] =	vst v16;
	v16 =	vpsel p0, $0x0, v19  }
0xee: {  	[smem:$0x7F0] =	sst s23;
	s29 =	sor.u32 s14, s30;
	s26 =	sor.u32 s14, s28;
	v25 =	vadd.f32 v50, v7;
	[tilespmem:s4+$0xE400] =	vst v16  }
0xef: {  	[smem:$0x7F2] =	sst s26;
	s26 =	sor.u32 s14, s25;
	s14 =	sor.u32 s14, s20;
	v16 =	vadd.f32 v59, v11;
	[tilespmem:s4+$0xE580] =	vst v17  }
0xf0: {  	s8 =	sor.u32 s15, s25;
	s10 =	sor.u32 s12, s30;
	s5 =	sor.u32 s15, s30;
	[tilespmem:s14+$0x280] =	vst v25;
	v18 =	vadd.f32 v54, v10  }
0xf1: {  	s23 =	sor.u32 s16, s30;
	s24 =	sor.u32 s12, s28;
	s30 =	sor.u32 s16, s28;
	v15 =	vld [tilespmem:s2+$0x4100];
	v61 =	vadd.f32 v56, v57;
	v62 =	vadd.f32 v59, v10;
	[tilespmem:s4+$0xE500] =	vst v16  }
.Ltmp3:
0xf2: {  	[smem:$0x7F1] =	sst s24;
	s24 =	sor.u32 s12, s25;
	v63 =	vadd.f32 v54, v11;
	[tilespmem:s4+$0xE600] =	vst v18;
	(pc) =	sbr.rel @p2 .LBB2_4-.Ltmp3, $4  }
0xf3: {  	v21 =	vadd.f32 v54, v9;
	s25 =	sor.u32 s16, s25;
	s16 =	sor.u32 s16, s20;
	s20 =	sor.u32 s15, s20;
	v19 =	vadd.f32 v55, v61;
	[tilespmem:s4+$0xE480] =	vst v62  }
0xf4: {  	[tilespmem:s20+$0x280] =	vst v63  }
0xf5: {  	s7 =	sld [smem:$0x7E0];
	v13 =	vadd.f32 v50, v5;
	v12 =	vadd.f32 v29, v0;
	v19 =	vpsel p0, $0x0, v19;
	[tilespmem:s20+$0x300] =	vst v21  }
0xf6: {  	s31 =	sor.u32 s15, s28;
	s28 =	smov.u32 s5;
	s5 =	smov.u32 s13;
	v14 =	vadd.f32 v29, v2;
	v17 =	vadd.f32 v15, v3;
	[tilespmem:s0+$0xE400] =	vst v19;
	v16 =	vld [tilespmem:s4+$0x4100]  }
0xf7: {  	[tilespmem:s14+$0x300] =	vst v13  }
0xf8: {  	[tilespmem:s17+$0x380] =	vst v17  }
0xf9: {  	s1 =	sld [smem:$0x7E2]  }
0xfa: {  	v17 =	vadd.f32 v15, v1;
	[tilespmem:s16+$0x280] =	vst v12  }
0xfb: {  	[tilespmem:s16+$0x300] =	vst v14  }
0xfc: {  	[tilespmem:s1+$0x0] =	vst v17  }
0xfd: {  	v14 =	vadd.f32 v16, v10;
	s1 =	sld [smem:$0x7E3]  }
0xfe: {  	v12 =	vadd.f32 v15, v6  }
0xff: {  	[tilespmem:s20+$0x380] =	vst v14  }
0x100: {  	v13 =	vld [tilespmem:s3+$0x4100];
	[tilespmem:s1+$0x0] =	vst v12  }
0x101: {  	s1 =	sld [smem:$0x7E4]  }
0x102: {  	v15 =	vadd.f32 v16, v11;
	_ =	sdelay $0x1  }
0x103: {  	[tilespmem:s1+$0x0] =	vst v15  }
0x104: {  	v15 =	vadd.f32 v13, v8;
	s1 =	sld [smem:$0x7E5]  }
0x105: {  	v14 =	vadd.f32 v16, v9  }
0x106: {  	[tilespmem:s14+$0x380] =	vst v15  }
0x107: {  	v12 =	vld [tilespmem:s0+$0x4100];
	[tilespmem:s1+$0x0] =	vst v14  }
0x108: {  	s1 =	sld [smem:$0x7E7]  }
0x109: {  	v16 =	vadd.f32 v13, v7;
	_ =	sdelay $0x1  }
0x10a: {  	[tilespmem:s1+$0x0] =	vst v16  }
0x10b: {  	v16 =	vadd.f32 v12, v4;
	s1 =	sld [smem:$0x7E8]  }
0x10c: {  	v13 =	vadd.f32 v13, v5  }
0x10d: {  	[tilespmem:s16+$0x380] =	vst v16  }
0x10e: {  	[tilespmem:s1+$0x0] =	vst v13  }
0x10f: {  	s1 =	sld [smem:$0x7E6]  }
0x110: {  	v13 =	vadd.f32 v12, v0;
	_ =	sdelay $0x1  }
0x111: {  	[tilespmem:s1+$0x0] =	vst v13  }
0x112: {  	v14 =	vld [tilespmem:s2+$0x4180];
	s1 =	sld [smem:$0x7E9]  }
0x113: {  	v12 =	vadd.f32 v12, v2;
	_ =	sdelay $0x1  }
0x114: {  	[tilespmem:s1+$0x0] =	vst v12  }
0x115: {  	v15 =	vld [tilespmem:s4+$0x4180];
	s1 =	sld [smem:$0x7EA]  }
0x116: {  	v13 =	vadd.f32 v14, v3;
	_ =	sdelay $0x1  }
0x117: {  	[tilespmem:s1+$0x0] =	vst v13  }
0x118: {  	s1 =	sld [smem:$0x7EB]  }
0x119: {  	v16 =	vadd.f32 v15, v10;
	_ =	sdelay $0x1  }
0x11a: {  	[tilespmem:s1+$0x0] =	vst v16  }
0x11b: {  	s1 =	sld [smem:$0x7EC]  }
0x11c: {  	v13 =	vadd.f32 v14, v1;
	_ =	sdelay $0x1  }
0x11d: {  	[tilespmem:s1+$0x0] =	vst v13  }
0x11e: {  	s1 =	sld [smem:$0x7ED]  }
0x11f: {  	v16 =	vadd.f32 v15, v11;
	_ =	sdelay $0x1  }
0x120: {  	v12 =	vld [tilespmem:s3+$0x4180];
	[tilespmem:s1+$0x0] =	vst v16  }
0x121: {  	s1 =	sld [smem:$0x7EF]  }
0x122: {  	v13 =	vadd.f32 v14, v6  }
0x123: {  	v17 =	vld [tilespmem:s0+$0x4180]  }
0x124: {  	[tilespmem:s1+$0x0] =	vst v13  }
0x125: {  	v14 =	vadd.f32 v15, v9;
	v15 =	vadd.f32 v12, v8;
	s1 =	sld [smem:$0x7F0]  }
0x126: {  	v16 =	vld [tilespmem:s2+$0x4200]  }
0x127: {  	[tilespmem:s9+$0x0] =	vst v15  }
0x128: {  	[tilespmem:s1+$0x0] =	vst v14;
	v14 =	vadd.f32 v17, v4  }
0x129: {  	v15 =	vadd.f32 v17, v0;
	s1 =	sld [smem:$0x7EE]  }
0x12a: {  	v13 =	vadd.f32 v12, v7;
	[tilespmem:s22+$0x0] =	vst v14  }
0x12b: {  	v3 =	vadd.f32 v16, v3;
	[tilespmem:s5+$0x0] =	vst v15  }
0x12c: {  	v12 =	vadd.f32 v12, v5;
	[tilespmem:s1+$0x0] =	vst v13  }
0x12d: {  	v13 =	vadd.f32 v17, v2;
	[tilespmem:s10+$0x0] =	vst v3  }
0x12e: {  	v17 =	vld [tilespmem:s4+$0x4200];
	[tilespmem:s6+$0x0] =	vst v12  }
0x12f: {  	[tilespmem:s11+$0x0] =	vst v13  }
0x130: {  	s19 =	sld [smem:$0x7F1]  }
0x131: {  	v1 =	vadd.f32 v16, v1;
	v13 =	vld [tilespmem:s0+$0x4200]  }
0x132: {  	v3 =	vadd.f32 v16, v6;
	v6 =	vld [tilespmem:s3+$0x4200]  }
0x133: {  	v10 =	vadd.f32 v17, v10;
	[tilespmem:s19+$0x0] =	vst v1  }
0x134: {  	v1 =	vadd.f32 v17, v11;
	[tilespmem:s24+$0x0] =	vst v3  }
0x135: {  	v3 =	vadd.f32 v17, v9;
	[tilespmem:s28+$0x0] =	vst v10  }
0x136: {  	v4 =	vadd.f32 v13, v4;
	[tilespmem:s31+$0x0] =	vst v1  }
0x137: {  	v1 =	vadd.f32 v6, v8;
	[tilespmem:s8+$0x0] =	vst v3  }
0x138: {  	[tilespmem:s23+$0x0] =	vst v4  }
0x139: {  	v0 =	vadd.f32 v13, v0;
	[tilespmem:s29+$0x0] =	vst v1  }
0x13a: {  	v1 =	vadd.f32 v13, v2;
	s0 =	sld [smem:$0x7F2]  }
0x13b: {  	v3 =	vadd.f32 v6, v7;
	[tilespmem:s30+$0x0] =	vst v0  }
0x13c: {  	v4 =	vadd.f32 v6, v5;
	[tilespmem:s25+$0x0] =	vst v1  }
0x13d: {  	[tilespmem:s0+$0x0] =	vst v3  }
0x13e: {  	[tilespmem:s26+$0x0] =	vst v4  }
0x13f: {  	s1 =	sld [smem:$0x7F5];
	_ =	sdelay $0x1  }
0x140: {  	s21 =	simm.s32 $0xE400;
	s20 =	simm.s32 $0x0;
	s22 =	simm.s32 $0x0  }
0x141: {  	[hbm4b:s1+s20] =	stream.linear.scatter [tilespmem:s21], [sflag:$0x2], $0x4000, $0x38;
	[tilespmem:$0x1A400] =	vst v63  }
0x142: {  	s24 =	simm.s32 $0x0;
	s23 =	sand.u32 $0x3FFFFE00, s22;
	s1 =	sand.u32 $0x40, s20  }
0x143: {  	s4 =	sand.u32 $0xFFFFFC00, s24;
	s25 =	sadd.s32 $0xD000, s23;
	s9 =	sor.u32 $0x30, s1  }
0x144: {  	s7 =	sadd.s32 $0x4000, s4;
	s0 =	sor.u32 s9, s25  }
0x145: {  	s26 =	sor.u32 s9, s7;
	v8 =	vld [tilespmem:s0+$0x0]  }
0x146: {  	v0 =	vld [tilespmem:s26+$0x280]  }
0x147: {  	v11 =	vld [tilespmem:s0+$0x80]  }
0x148: {  	v10 =	vld [tilespmem:s0+$0x100];
	_ =	sdelay $0x2  }
0x149: {  	s12 =	sadd.s32 $0x12400, s4;
	s8 =	sor.u32 s1, s25;
	v1 =	vadd.f32 v0, v8  }
0x14a: {  	s13 =	sadd.s32 $0x12480, s4;
	s2 =	sor.u32 s1, s7;
	v3 =	vld [tilespmem:s8+$0x0];
	s10 =	sor.u32 s9, s12;
	v2 =	vadd.f32 v0, v11  }
0x14b: {  	s14 =	sadd.s32 $0x12500, s4;
	v5 =	vld [tilespmem:s2+$0x280];
	s15 =	sor.u32 s9, s13;
	v0 =	vadd.f32 v0, v10;
	[tilespmem:s10+$0x0] =	vst v1  }
0x14c: {  	v9 =	vld [tilespmem:s8+$0x80];
	s16 =	sor.u32 s9, s14;
	[tilespmem:s15+$0x0] =	vst v2  }
0x14d: {  	s3 =	sor.u32 $0x10, s1;
	v7 =	vld [tilespmem:s8+$0x100];
	[tilespmem:s16+$0x0] =	vst v0  }
0x14e: {  	s17 =	sor.u32 s3, s25;
	v12 =	vld [tilespmem:s26+$0x300]  }
0x14f: {  	s6 =	sor.u32 s3, s7;
	v4 =	vld [tilespmem:s17+$0x0];
	s0 =	sor.u32 $0x20, s1  }
0x150: {  	v13 =	vld [tilespmem:s6+$0x280];
	s5 =	sor.u32 s0, s7;
	v1 =	vadd.f32 v5, v3  }
0x151: {  	s18 =	sor.u32 s1, s12;
	v15 =	vld [tilespmem:s5+$0x280];
	v6 =	vadd.f32 v5, v9  }
0x152: {  	s19 =	sor.u32 s1, s13;
	v5 =	vadd.f32 v5, v7;
	v0 =	vld [tilespmem:s17+$0x80];
	[tilespmem:s18+$0x0] =	vst v1  }
0x153: {  	s20 =	sor.u32 s1, s14;
	s8 =	sadd.s32 $0x12580, s4;
	s15 =	sor.u32 s0, s25;
	v2 =	vld [tilespmem:s17+$0x100];
	[tilespmem:s19+$0x0] =	vst v6;
	v14 =	vadd.f32 v12, v8  }
0x154: {  	s21 =	sor.u32 s9, s8;
	s10 =	sadd.s32 $0x12600, s4;
	v1 =	vld [tilespmem:s15+$0x0];
	[tilespmem:s20+$0x0] =	vst v5;
	v16 =	vadd.f32 v12, v11  }
0x155: {  	s7 =	sadd.s32 $0x12680, s4;
	s22 =	sor.u32 s9, s10;
	v6 =	vld [tilespmem:s15+$0x80];
	v12 =	vadd.f32 v12, v10;
	[tilespmem:s21+$0x0] =	vst v14  }
0x156: {  	s23 =	sor.u32 s9, s7;
	v5 =	vld [tilespmem:s15+$0x100];
	v14 =	vadd.f32 v13, v4;
	[tilespmem:s22+$0x0] =	vst v16  }
0x157: {  	s24 =	sor.u32 s3, s12;
	v17 =	vadd.f32 v13, v0;
	v16 =	vld [tilespmem:s2+$0x300];
	[tilespmem:s23+$0x0] =	vst v12  }
0x158: {  	s25 =	sor.u32 s3, s13;
	v12 =	vadd.f32 v13, v2;
	[tilespmem:s24+$0x0] =	vst v14;
	v13 =	vld [tilespmem:s26+$0x380]  }
0x159: {  	v14 =	vadd.f32 v15, v1;
	s26 =	sor.u32 s3, s14;
	[tilespmem:s25+$0x0] =	vst v17  }
0x15a: {  	s12 =	sor.u32 s0, s12;
	v17 =	vadd.f32 v15, v6;
	[tilespmem:s26+$0x0] =	vst v12  }
0x15b: {  	s16 =	sor.u32 s0, s13;
	v12 =	vadd.f32 v15, v5;
	[tilespmem:s12+$0x0] =	vst v14  }
0x15c: {  	s17 =	sor.u32 s0, s14;
	[tilespmem:s16+$0x0] =	vst v17;
	v14 =	vadd.f32 v16, v3  }
0x15d: {  	s18 =	sor.u32 s1, s8;
	s13 =	sadd.s32 $0x12700, s4;
	v15 =	vld [tilespmem:s6+$0x300];
	[tilespmem:s17+$0x0] =	vst v12;
	v12 =	vadd.f32 v13, v8  }
0x15e: {  	s19 =	sor.u32 s9, s13;
	s12 =	sadd.s32 $0x12780, s4;
	[tilespmem:s18+$0x0] =	vst v14;
	v14 =	vadd.f32 v13, v11  }
0x15f: {  	s16 =	sadd.s32 $0x14400, s4;
	s20 =	sor.u32 s9, s12;
	[tilespmem:s19+$0x0] =	vst v12;
	v12 =	vadd.f32 v13, v10  }
0x160: {  	s17 =	sadd.s32 $0x6000, s4;
	s21 =	sor.u32 s9, s16;
	v17 =	vld [tilespmem:s5+$0x300];
	v13 =	vadd.f32 v16, v9;
	[tilespmem:s20+$0x0] =	vst v14  }
0x161: {  	s22 =	sor.u32 s1, s10;
	s23 =	sor.u32 s9, s17;
	v14 =	vadd.f32 v16, v7;
	[tilespmem:s21+$0x0] =	vst v12  }
0x162: {  	s24 =	sor.u32 s1, s7;
	v12 =	vadd.f32 v15, v4;
	[tilespmem:s22+$0x0] =	vst v13;
	v13 =	vld [tilespmem:s23+$0x0]  }
0x163: {  	s25 =	sor.u32 s3, s8;
	v16 =	vadd.f32 v15, v0;
	[tilespmem:s24+$0x0] =	vst v14  }
0x164: {  	s26 =	sor.u32 s3, s10;
	v14 =	vadd.f32 v15, v2;
	[tilespmem:s25+$0x0] =	vst v12  }
0x165: {  	s15 =	sor.u32 s3, s7;
	v12 =	vadd.f32 v17, v1;
	[tilespmem:s26+$0x0] =	vst v16  }
0x166: {  	s8 =	sor.u32 s0, s8;
	v15 =	vadd.f32 v17, v6;
	v16 =	vld [tilespmem:s2+$0x380];
	[tilespmem:s15+$0x0] =	vst v14  }
0x167: {  	s18 =	sor.u32 s0, s10;
	s15 =	sadd.s32 $0x14480, s4;
	[tilespmem:s8+$0x0] =	vst v12;
	v12 =	vadd.f32 v13, v8  }
0x168: {  	s10 =	sadd.s32 $0x14500, s4;
	[tilespmem:s18+$0x0] =	vst v15;
	s19 =	sor.u32 s9, s15;
	v14 =	vadd.f32 v13, v11  }
0x169: {  	s14 =	sadd.s32 $0x14580, s4;
	s20 =	sor.u32 s9, s10;
	v15 =	vld [tilespmem:s6+$0x380];
	[tilespmem:s19+$0x0] =	vst v12;
	v12 =	vadd.f32 v13, v10  }
0x16a: {  	s21 =	sor.u32 s9, s14;
	s2 =	sadd.s32 $0x6080, s4;
	v13 =	vadd.f32 v17, v5;
	[tilespmem:s20+$0x0] =	vst v14  }
0x16b: {  	s7 =	sor.u32 s0, s7;
	s22 =	sor.u32 s9, s2;
	v14 =	vadd.f32 v16, v3;
	[tilespmem:s21+$0x0] =	vst v12  }
0x16c: {  	s23 =	sor.u32 s1, s13;
	v12 =	vadd.f32 v16, v9;
	[tilespmem:s7+$0x0] =	vst v13;
	v13 =	vld [tilespmem:s22+$0x0]  }
0x16d: {  	s24 =	sor.u32 s1, s12;
	v16 =	vadd.f32 v16, v7;
	[tilespmem:s23+$0x0] =	vst v14  }
0x16e: {  	s25 =	sor.u32 s1, s16;
	v14 =	vadd.f32 v15, v4;
	[tilespmem:s24+$0x0] =	vst v12  }
0x16f: {  	s26 =	sor.u32 s3, s13;
	v17 =	vld [tilespmem:s5+$0x380];
	v12 =	vadd.f32 v15, v0;
	[tilespmem:s25+$0x0] =	vst v16  }
0x170: {  	s8 =	sor.u32 s3, s12;
	v15 =	vadd.f32 v15, v2;
	[tilespmem:s26+$0x0] =	vst v14  }
0x171: {  	s11 =	sadd.s32 $0x14600, s4;
	s18 =	sor.u32 s3, s16;
	s19 =	sor.u32 s1, s17;
	[tilespmem:s8+$0x0] =	vst v12;
	v12 =	vadd.f32 v13, v8  }
0x172: {  	s20 =	sor.u32 s9, s11;
	s7 =	sadd.s32 $0x14680, s4;
	v14 =	vld [tilespmem:s19+$0x0];
	[tilespmem:s18+$0x0] =	vst v15;
	v11 =	vadd.f32 v13, v11  }
0x173: {  	s21 =	sor.u32 s9, s7;
	s8 =	sadd.s32 $0x14700, s4;
	v10 =	vadd.f32 v13, v10;
	[tilespmem:s20+$0x0] =	vst v12  }
0x174: {  	s18 =	sor.u32 s3, s17;
	s22 =	sor.u32 s9, s8;
	v12 =	vadd.f32 v17, v1;
	[tilespmem:s21+$0x0] =	vst v11  }
0x175: {  	s13 =	sor.u32 s0, s13;
	s12 =	sor.u32 s0, s12;
	s5 =	sadd.s32 $0x6100, s4;
	v13 =	vadd.f32 v17, v6;
	v11 =	vld [tilespmem:s18+$0x0];
	[tilespmem:s22+$0x0] =	vst v10  }
0x176: {  	s16 =	sor.u32 s0, s16;
	s6 =	sadd.s32 $0x14780, s4;
	s23 =	sor.u32 s9, s5;
	v10 =	vadd.f32 v17, v5;
	[tilespmem:s13+$0x0] =	vst v12  }
0x177: {  	s24 =	sor.u32 s0, s17;
	s25 =	sor.u32 s1, s15;
	s26 =	sor.u32 s1, s10;
	v15 =	vadd.f32 v14, v3;
	v12 =	vld [tilespmem:s23+$0x0];
	[tilespmem:s12+$0x0] =	vst v13  }
0x178: {  	s19 =	sor.u32 s1, s2;
	s18 =	sor.u32 s1, s14;
	s21 =	simm.s32 $0x100;
	v13 =	vadd.f32 v14, v9;
	[tilespmem:s16+$0x0] =	vst v10  }
0x179: {  	s22 =	simm.s32 $0x40;
	s13 =	sand.u32 $0x3FFFFE00, s21;
	[tilespmem:s25+$0x0] =	vst v15;
	s23 =	simm.s32 $0x200;
	v10 =	vadd.f32 v14, v7;
	v14 =	vld [tilespmem:s24+$0x0]  }
0x17a: {  	s4 =	sand.u32 $0x40, s22;
	s16 =	sadd.s32 $0xD000, s13;
	s13 =	sand.u32 $0xFFFFFC00, s23;
	[tilespmem:s26+$0x0] =	vst v13;
	v15 =	vadd.f32 v11, v4  }
0x17b: {  	s20 =	sor.u32 s3, s15;
	s12 =	sor.u32 $0x30, s4;
	[tilespmem:s18+$0x0] =	vst v10;
	v10 =	vadd.f32 v11, v0;
	s18 =	sadd.s32 $0x4000, s13  }
0x17c: {  	s25 =	sor.u32 s3, s10;
	s17 =	sor.u32 s12, s18;
	v8 =	vadd.f32 v12, v8;
	v12 =	vld [tilespmem:s19+$0x0];
	[tilespmem:s20+$0x0] =	vst v15  }
0x17d: {  	s9 =	sor.u32 s9, s6;
	s24 =	sor.u32 s12, s16;
	v11 =	vadd.f32 v11, v2;
	v13 =	vld [tilespmem:s17+$0x280];
	[tilespmem:s25+$0x0] =	vst v10  }
0x17e: {  	s26 =	sor.u32 s3, s14;
	[tilespmem:s9+$0x0] =	vst v8;
	v8 =	vld [tilespmem:s24+$0x0];
	v10 =	vadd.f32 v14, v1  }
0x17f: {  	s15 =	sor.u32 s0, s15;
	v15 =	vld [tilespmem:s24+$0x80];
	v17 =	vadd.f32 v14, v6;
	[tilespmem:s26+$0x0] =	vst v11  }
0x180: {  	s10 =	sor.u32 s0, s10;
	v16 =	vld [tilespmem:s24+$0x100];
	v11 =	vadd.f32 v14, v5;
	[tilespmem:s15+$0x0] =	vst v10  }
0x181: {  	s14 =	sor.u32 s0, s14;
	s19 =	sor.u32 s3, s2;
	v10 =	vadd.f32 v12, v3;
	[tilespmem:s10+$0x0] =	vst v17  }
0x182: {  	s22 =	sor.u32 s4, s16;
	s20 =	sor.u32 s1, s11;
	v14 =	vld [tilespmem:s19+$0x0];
	v9 =	vadd.f32 v12, v9;
	[tilespmem:s14+$0x0] =	vst v11  }
0x183: {  	s21 =	sor.u32 s1, s7;
	s9 =	sor.u32 $0x10, s4;
	s19 =	sadd.s32 $0x12400, s13;
	v12 =	vadd.f32 v12, v7;
	v7 =	vld [tilespmem:s22+$0x80];
	[tilespmem:s20+$0x0] =	vst v10;
	v10 =	vadd.f32 v13, v8  }
0x184: {  	s23 =	sor.u32 s12, s19;
	s14 =	sor.u32 s4, s18;
	v11 =	vld [tilespmem:s22+$0x0];
	s20 =	sadd.s32 $0x12480, s13;
	[tilespmem:s21+$0x0] =	vst v9;
	v9 =	vadd.f32 v13, v15  }
0x185: {  	s15 =	sor.u32 s9, s18;
	v17 =	vld [tilespmem:s14+$0x280];
	s21 =	sadd.s32 $0x12500, s13;
	s24 =	sor.u32 s12, s20;
	[tilespmem:s23+$0x0] =	vst v10;
	v10 =	vadd.f32 v13, v16  }
0x186: {  	v19 =	vld [tilespmem:s15+$0x280];
	s25 =	sor.u32 s12, s21;
	[tilespmem:s24+$0x0] =	vst v9  }
0x187: {  	s26 =	sor.u32 s1, s8;
	v13 =	vadd.f32 v14, v4;
	v9 =	vld [tilespmem:s22+$0x100];
	[tilespmem:s25+$0x0] =	vst v10  }
0x188: {  	v0 =	vadd.f32 v14, v0;
	s23 =	sor.u32 s9, s16;
	[tilespmem:s26+$0x0] =	vst v12;
	s24 =	sor.u32 s3, s11;
	v18 =	vld [tilespmem:s17+$0x300]  }
0x189: {  	v12 =	vld [tilespmem:s23+$0x0];
	s25 =	sor.u32 s3, s7;
	v10 =	vadd.f32 v14, v2;
	[tilespmem:s24+$0x0] =	vst v13  }
0x18a: {  	s10 =	sor.u32 $0x20, s4;
	s26 =	sor.u32 s3, s8;
	v2 =	vld [tilespmem:s23+$0x80];
	[tilespmem:s25+$0x0] =	vst v0;
	v0 =	vadd.f32 v17, v11  }
0x18b: {  	s24 =	sor.u32 s10, s16;
	s25 =	sor.u32 s4, s19;
	v13 =	vadd.f32 v17, v7;
	[tilespmem:s26+$0x0] =	vst v10;
	v10 =	vld [tilespmem:s23+$0x100]  }
0x18c: {  	s16 =	sor.u32 s10, s18;
	s26 =	sor.u32 s4, s20;
	[tilespmem:s25+$0x0] =	vst v0;
	v0 =	vld [tilespmem:s24+$0x0];
	v14 =	vadd.f32 v17, v9  }
0x18d: {  	s22 =	sor.u32 s4, s21;
	s25 =	sadd.s32 $0x12580, s13;
	[tilespmem:s26+$0x0] =	vst v13;
	v17 =	vld [tilespmem:s16+$0x280];
	v13 =	vadd.f32 v18, v8  }
0x18e: {  	s26 =	sadd.s32 $0x12600, s13;
	s23 =	sor.u32 s12, s25;
	[tilespmem:s22+$0x0] =	vst v14;
	v20 =	vadd.f32 v18, v15  }
0x18f: {  	s18 =	sadd.s32 $0x12680, s13;
	v14 =	vld [tilespmem:s24+$0x80];
	v18 =	vadd.f32 v18, v16;
	[tilespmem:s23+$0x0] =	vst v13;
	s23 =	sor.u32 s12, s26  }
0x190: {  	v21 =	vadd.f32 v19, v12;
	v13 =	vld [tilespmem:s24+$0x100];
	[tilespmem:s23+$0x0] =	vst v20;
	s23 =	sor.u32 s12, s18  }
0x191: {  	v22 =	vadd.f32 v19, v2;
	s24 =	sor.u32 s9, s19;
	v20 =	vld [tilespmem:s14+$0x300];
	[tilespmem:s23+$0x0] =	vst v18  }
0x192: {  	s22 =	sor.u32 s9, s20;
	[tilespmem:s24+$0x0] =	vst v21;
	v44 =	vadd.f32 v17, v0;
	v18 =	vadd.f32 v19, v10;
	v19 =	vld [tilespmem:s17+$0x380]  }
0x193: {  	s19 =	sor.u32 s10, s19;
	[tilespmem:s22+$0x0] =	vst v22  }
0x194: {  	s24 =	sor.u32 s9, s21;
	v45 =	vadd.f32 v17, v14;
	[tilespmem:s19+$0x0] =	vst v44  }
0x195: {  	s20 =	sor.u32 s10, s20;
	[tilespmem:s24+$0x0] =	vst v18;
	v17 =	vadd.f32 v17, v13  }
0x196: {  	s22 =	sor.u32 s10, s21;
	[tilespmem:s20+$0x0] =	vst v45;
	v18 =	vadd.f32 v20, v11  }
0x197: {  	s23 =	sor.u32 s4, s25;
	v46 =	vld [tilespmem:s15+$0x300];
	s20 =	sadd.s32 $0x12700, s13;
	[tilespmem:s22+$0x0] =	vst v17;
	v17 =	vadd.f32 v19, v8  }
0x198: {  	s24 =	sor.u32 s12, s20;
	s22 =	sadd.s32 $0x12780, s13;
	[tilespmem:s23+$0x0] =	vst v18;
	v18 =	vadd.f32 v19, v15  }
0x199: {  	s23 =	sadd.s32 $0x14400, s13;
	s19 =	sor.u32 s12, s22;
	[tilespmem:s24+$0x0] =	vst v17;
	v17 =	vadd.f32 v19, v16  }
0x19a: {  	v22 =	vld [tilespmem:s16+$0x300];
	s21 =	sor.u32 s12, s23;
	v19 =	vadd.f32 v20, v7;
	s24 =	sadd.s32 $0x6000, s13;
	[tilespmem:s19+$0x0] =	vst v18  }
0x19b: {  	s19 =	sor.u32 s4, s26;
	v18 =	vadd.f32 v20, v9;
	[tilespmem:s21+$0x0] =	vst v17;
	s21 =	sor.u32 s12, s24  }
0x19c: {  	[tilespmem:s19+$0x0] =	vst v19;
	s19 =	sor.u32 s4, s18;
	v17 =	vadd.f32 v46, v12;
	v19 =	vld [tilespmem:s21+$0x0]  }
0x19d: {  	v20 =	vadd.f32 v46, v2;
	s21 =	sor.u32 s9, s25;
	[tilespmem:s19+$0x0] =	vst v18  }
0x19e: {  	s19 =	sor.u32 s9, s26;
	v18 =	vadd.f32 v46, v10;
	[tilespmem:s21+$0x0] =	vst v17  }
0x19f: {  	s21 =	sor.u32 s9, s18;
	v17 =	vadd.f32 v22, v0;
	[tilespmem:s19+$0x0] =	vst v20  }
0x1a0: {  	s25 =	sor.u32 s10, s25;
	v47 =	vld [tilespmem:s14+$0x380];
	v20 =	vadd.f32 v22, v14;
	[tilespmem:s21+$0x0] =	vst v18  }
0x1a1: {  	s14 =	sadd.s32 $0x14480, s13;
	s21 =	sor.u32 s10, s26;
	[tilespmem:s25+$0x0] =	vst v17;
	v17 =	vadd.f32 v19, v8  }
0x1a2: {  	s25 =	sadd.s32 $0x14500, s13;
	s26 =	sor.u32 s12, s14;
	[tilespmem:s21+$0x0] =	vst v20;
	v18 =	vadd.f32 v19, v15  }
0x1a3: {  	s19 =	sadd.s32 $0x14580, s13;
	v20 =	vld [tilespmem:s15+$0x380];
	s21 =	sor.u32 s12, s25;
	[tilespmem:s26+$0x0] =	vst v17;
	v17 =	vadd.f32 v19, v16  }
0x1a4: {  	s15 =	sadd.s32 $0x6080, s13;
	v19 =	vadd.f32 v22, v13;
	s26 =	sor.u32 s12, s19;
	[tilespmem:s21+$0x0] =	vst v18  }
0x1a5: {  	s18 =	sor.u32 s10, s18;
	v18 =	vadd.f32 v47, v11;
	s21 =	sor.u32 s12, s15;
	[tilespmem:s26+$0x0] =	vst v17  }
0x1a6: {  	s26 =	sor.u32 s4, s20;
	v17 =	vadd.f32 v47, v7;
	[tilespmem:s18+$0x0] =	vst v19;
	v19 =	vld [tilespmem:s21+$0x0]  }
0x1a7: {  	v21 =	vadd.f32 v47, v9;
	s18 =	sor.u32 s4, s22;
	[tilespmem:s26+$0x0] =	vst v18  }
0x1a8: {  	s21 =	sor.u32 s4, s23;
	v18 =	vadd.f32 v20, v12;
	[tilespmem:s18+$0x0] =	vst v17  }
0x1a9: {  	s26 =	sor.u32 s9, s20;
	v48 =	vld [tilespmem:s16+$0x380];
	v17 =	vadd.f32 v20, v2;
	[tilespmem:s21+$0x0] =	vst v21  }
0x1aa: {  	s18 =	sor.u32 s9, s22;
	v20 =	vadd.f32 v20, v10;
	[tilespmem:s26+$0x0] =	vst v18;
	s26 =	sor.u32 s4, s24  }
0x1ab: {  	s17 =	sor.u32 s9, s23;
	s21 =	sadd.s32 $0x14600, s13;
	[tilespmem:s18+$0x0] =	vst v17;
	v18 =	vld [tilespmem:s26+$0x0];
	v17 =	vadd.f32 v19, v8  }
0x1ac: {  	s18 =	sadd.s32 $0x14680, s13;
	s26 =	sor.u32 s12, s21;
	[tilespmem:s17+$0x0] =	vst v20;
	v15 =	vadd.f32 v19, v15  }
0x1ad: {  	s17 =	sadd.s32 $0x14700, s13;
	v16 =	vadd.f32 v19, v16;
	[tilespmem:s26+$0x0] =	vst v17;
	s26 =	sor.u32 s12, s18  }
0x1ae: {  	s16 =	sadd.s32 $0x6100, s13;
	s28 =	sor.u32 s12, s17;
	[tilespmem:s26+$0x0] =	vst v15;
	s26 =	sor.u32 s9, s24;
	v15 =	vadd.f32 v48, v0  }
0x1af: {  	s20 =	sor.u32 s10, s20;
	v17 =	vld [tilespmem:s26+$0x0];
	[tilespmem:s28+$0x0] =	vst v16;
	v16 =	vadd.f32 v48, v14;
	s26 =	sor.u32 s12, s16  }
0x1b0: {  	s22 =	sor.u32 s10, s22;
	v20 =	vadd.f32 v18, v11;
	[tilespmem:s20+$0x0] =	vst v15;
	v19 =	vld [tilespmem:s26+$0x0]  }
0x1b1: {  	v15 =	vadd.f32 v48, v13;
	s20 =	sor.u32 s10, s24;
	s24 =	sor.u32 s4, s14;
	[tilespmem:s22+$0x0] =	vst v16  }
0x1b2: {  	s23 =	sor.u32 s10, s23;
	v16 =	vadd.f32 v18, v7;
	[tilespmem:s24+$0x0] =	vst v20  }
0x1b3: {  	s26 =	sor.u32 s4, s25;
	[tilespmem:s23+$0x0] =	vst v15;
	v15 =	vadd.f32 v18, v9  }
0x1b4: {  	s23 =	sor.u32 s4, s19;
	v18 =	vld [tilespmem:s20+$0x0];
	[tilespmem:s26+$0x0] =	vst v16;
	v20 =	vadd.f32 v17, v12  }
0x1b5: {  	s26 =	sor.u32 s9, s14;
	s20 =	sadd.s32 $0x14780, s13;
	[tilespmem:s23+$0x0] =	vst v15;
	v8 =	vadd.f32 v19, v8  }
0x1b6: {  	s24 =	sor.u32 s4, s15;
	v15 =	vadd.f32 v17, v2;
	s12 =	sor.u32 s12, s20;
	[tilespmem:s26+$0x0] =	vst v20  }
0x1b7: {  	s2 =	sor.u32 s0, s2;
	s13 =	sor.u32 s9, s25;
	v17 =	vadd.f32 v17, v10;
	v16 =	vld [tilespmem:s24+$0x0];
	[tilespmem:s12+$0x0] =	vst v8  }
0x1b8: {  	s14 =	sor.u32 s10, s14;
	s23 =	sor.u32 s10, s25;
	v19 =	vld [tilespmem:s2+$0x0];
	s26 =	sor.u32 s9, s19;
	[tilespmem:s13+$0x0] =	vst v15  }
0x1b9: {  	s25 =	simm.s32 $0x80;
	s24 =	sor.u32 s9, s15;
	v8 =	vadd.f32 v18, v0;
	[tilespmem:s26+$0x0] =	vst v17;
	s26 =	simm.s32 $0x80  }
0x1ba: {  	s19 =	sor.u32 s10, s19;
	s13 =	simm.s32 $0x200;
	v15 =	vadd.f32 v18, v14;
	[dreg:$0x9] =	wrdreg s26  }
0x1bb: {  	s12 =	sand.u32 $0x40, s25;
	s25 =	simm.s32 $0x400;
	s22 =	sand.u32 $0x3FFFFE00, s13;
	v17 =	vadd.f32 v18, v13;
	[tilespmem:s14+$0x0] =	vst v8  }
0x1bc: {  	s13 =	sor.u32 $0x30, s12;
	s2 =	sadd.s32 $0xD000, s22;
	v18 =	vld [tilespmem:s24+$0x0];
	s14 =	sand.u32 $0xFFFFFC00, s25;
	v8 =	vadd.f32 v16, v11;
	[tilespmem:s23+$0x0] =	vst v15  }
0x1bd: {  	s26 =	sor.u32 s4, s21;
	s22 =	sor.u32 s13, s2;
	v20 =	vadd.f32 v19, v1;
	s24 =	sadd.s32 $0x4000, s14;
	[tilespmem:s19+$0x0] =	vst v17  }
0x1be: {  	s11 =	sor.u32 s0, s11;
	v7 =	vadd.f32 v16, v7;
	v17 =	vld [tilespmem:s22+$0x0];
	s23 =	sor.u32 s13, s24;
	[tilespmem:s26+$0x0] =	vst v8  }
0x1bf: {  	s25 =	sor.u32 s4, s18;
	v6 =	vadd.f32 v19, v6;
	v8 =	vadd.f32 v16, v9;
	[tilespmem:s11+$0x0] =	vst v20;
	v9 =	vld [tilespmem:s23+$0x280]  }
0x1c0: {  	s7 =	sor.u32 s0, s7;
	v16 =	vld [tilespmem:s22+$0x80];
	[tilespmem:s25+$0x0] =	vst v7  }
0x1c1: {  	v15 =	vld [tilespmem:s22+$0x100];
	s26 =	sor.u32 s4, s17;
	[tilespmem:s7+$0x0] =	vst v6;
	v7 =	vadd.f32 v18, v12  }
0x1c2: {  	s22 =	sor.u32 s9, s21;
	s25 =	sor.u32 s1, s5;
	[tilespmem:s26+$0x0] =	vst v8;
	v2 =	vadd.f32 v18, v2  }
0x1c3: {  	s26 =	sor.u32 s3, s5;
	v20 =	vld [tilespmem:s25+$0x0];
	s25 =	sor.u32 s9, s18;
	v8 =	vadd.f32 v18, v10;
	[tilespmem:s22+$0x0] =	vst v7  }
0x1c4: {  	s28 =	sor.u32 s12, s2;
	v10 =	vld [tilespmem:s26+$0x0];
	s26 =	sor.u32 s9, s17;
	[tilespmem:s25+$0x0] =	vst v2;
	s25 =	sadd.s32 $0x12400, s14;
	v7 =	vadd.f32 v9, v17  }
0x1c5: {  	s22 =	sor.u32 s12, s24;
	v2 =	vld [tilespmem:s28+$0x0];
	[tilespmem:s26+$0x0] =	vst v8;
	v8 =	vadd.f32 v9, v16;
	s26 =	sadd.s32 $0x12480, s14;
	s19 =	sor.u32 s13, s25  }
0x1c6: {  	s30 =	sadd.s32 $0x12500, s14;
	v18 =	vld [tilespmem:s22+$0x280];
	v9 =	vadd.f32 v9, v15;
	[tilespmem:s19+$0x0] =	vst v7;
	s19 =	sor.u32 s13, s26  }
0x1c7: {  	[tilespmem:s19+$0x0] =	vst v8;
	v8 =	vld [tilespmem:s28+$0x80];
	s19 =	sor.u32 s13, s30  }
0x1c8: {  	s11 =	sor.u32 $0x10, s12;
	v6 =	vadd.f32 v20, v3;
	v7 =	vld [tilespmem:s28+$0x100];
	[tilespmem:s19+$0x0] =	vst v9  }
0x1c9: {  	v5 =	vadd.f32 v19, v5;
	s1 =	sor.u32 s1, s6;
	s19 =	sor.u32 s0, s8;
	s8 =	sor.u32 s11, s2;
	v19 =	vld [tilespmem:s23+$0x300]  }
0x1ca: {  	v4 =	vadd.f32 v10, v4;
	[tilespmem:s1+$0x0] =	vst v6;
	v3 =	vld [tilespmem:s8+$0x0]  }
0x1cb: {  	[tilespmem:s19+$0x0] =	vst v5;
	s19 =	sor.u32 s3, s6;
	v9 =	vld [tilespmem:s8+$0x80];
	v5 =	vadd.f32 v18, v2;
	s3 =	sor.u32 s11, s24  }
0x1cc: {  	s7 =	sor.u32 s12, s25;
	[tilespmem:s19+$0x0] =	vst v4;
	v20 =	vld [tilespmem:s3+$0x280];
	s19 =	sor.u32 $0x20, s12;
	v4 =	vadd.f32 v18, v8  }
0x1cd: {  	v10 =	vld [tilespmem:s8+$0x100];
	s8 =	sor.u32 s12, s26;
	[tilespmem:s7+$0x0] =	vst v5;
	v5 =	vadd.f32 v18, v7;
	s1 =	sor.u32 s19, s24  }
0x1ce: {  	s28 =	sadd.s32 $0x12580, s14;
	s7 =	sor.u32 s19, s2;
	s24 =	sor.u32 s12, s30;
	v18 =	vld [tilespmem:s1+$0x280];
	[tilespmem:s8+$0x0] =	vst v4;
	v6 =	vadd.f32 v19, v17  }
0x1cf: {  	s29 =	sadd.s32 $0x12600, s14;
	v4 =	vld [tilespmem:s7+$0x0];
	v49 =	vadd.f32 v19, v16;
	s8 =	sor.u32 s13, s28;
	[tilespmem:s24+$0x0] =	vst v5  }
0x1d0: {  	s2 =	sadd.s32 $0x12680, s14;
	v19 =	vadd.f32 v19, v15;
	v5 =	vld [tilespmem:s7+$0x80];
	s24 =	sor.u32 s13, s29;
	[tilespmem:s8+$0x0] =	vst v6  }
0x1d1: {  	v50 =	vadd.f32 v20, v3;
	v6 =	vld [tilespmem:s7+$0x100];
	[tilespmem:s24+$0x0] =	vst v49;
	s24 =	sor.u32 s13, s2  }
0x1d2: {  	v51 =	vadd.f32 v20, v9;
	s8 =	sor.u32 s11, s25;
	[tilespmem:s24+$0x0] =	vst v19;
	v19 =	vld [tilespmem:s22+$0x300]  }
0x1d3: {  	v20 =	vadd.f32 v20, v10;
	[tilespmem:s8+$0x0] =	vst v50;
	s24 =	sor.u32 s11, s26;
	v52 =	vld [tilespmem:s23+$0x380]  }
0x1d4: {  	s8 =	sor.u32 s11, s30;
	[tilespmem:s24+$0x0] =	vst v51;
	v53 =	vadd.f32 v18, v4  }
0x1d5: {  	s23 =	sor.u32 s19, s25;
	[tilespmem:s8+$0x0] =	vst v20;
	v20 =	vadd.f32 v18, v5  }
0x1d6: {  	s24 =	sor.u32 s19, s26;
	[tilespmem:s23+$0x0] =	vst v53;
	v18 =	vadd.f32 v18, v6  }
0x1d7: {  	s25 =	sor.u32 s19, s30;
	[tilespmem:s24+$0x0] =	vst v20;
	v54 =	vadd.f32 v19, v2  }
0x1d8: {  	s26 =	sor.u32 s12, s28;
	v20 =	vld [tilespmem:s3+$0x300];
	s24 =	sadd.s32 $0x12700, s14;
	[tilespmem:s25+$0x0] =	vst v18;
	v18 =	vadd.f32 v52, v17  }
0x1d9: {  	s7 =	sadd.s32 $0x12780, s14;
	s23 =	sor.u32 s13, s24;
	v55 =	vadd.f32 v52, v16;
	[tilespmem:s26+$0x0] =	vst v54  }
0x1da: {  	s25 =	sor.u32 s13, s7;
	[tilespmem:s23+$0x0] =	vst v18;
	v18 =	vadd.f32 v52, v15;
	s23 =	sadd.s32 $0x14400, s14  }
0x1db: {  	s8 =	sadd.s32 $0x6000, s14;
	v56 =	vadd.f32 v19, v8;
	[tilespmem:s25+$0x0] =	vst v55;
	s26 =	sor.u32 s13, s23  }
0x1dc: {  	v57 =	vld [tilespmem:s1+$0x300];
	s25 =	sor.u32 s12, s29;
	[tilespmem:s26+$0x0] =	vst v18;
	v18 =	vadd.f32 v19, v7;
	s26 =	sor.u32 s13, s8  }
0x1dd: {  	v58 =	vadd.f32 v20, v3;
	[tilespmem:s25+$0x0] =	vst v56;
	v19 =	vld [tilespmem:s26+$0x0];
	s26 =	sor.u32 s12, s2  }
0x1de: {  	[tilespmem:s26+$0x0] =	vst v18;
	v18 =	vadd.f32 v20, v9;
	s26 =	sor.u32 s11, s28  }
0x1df: {  	[tilespmem:s26+$0x0] =	vst v58;
	s26 =	sor.u32 s11, s29  }
0x1e0: {  	s5 =	sor.u32 s0, s5;
	s0 =	sor.u32 s0, s6;
	v20 =	vadd.f32 v20, v10;
	[tilespmem:s26+$0x0] =	vst v18  }
0x1e1: {  	s26 =	sor.u32 s11, s2;
	[smem:$0x7D6] =	sst s0  }
0x1e2: {  	v18 =	vadd.f32 v57, v4;
	v59 =	vld [tilespmem:s22+$0x380];
	[tilespmem:s26+$0x0] =	vst v20;
	s22 =	sor.u32 s10, s15;
	s15 =	sor.u32 s10, s21  }
0x1e3: {  	s26 =	sor.u32 s19, s28;
	[smem:$0x7D7] =	sst s15  }
0x1e4: {  	s25 =	sor.u32 s10, s18;
	v20 =	vadd.f32 v57, v5;
	[tilespmem:s26+$0x0] =	vst v18  }
0x1e5: {  	s21 =	sor.u32 s19, s29;
	[smem:$0x7D8] =	sst s25  }
0x1e6: {  	s17 =	sor.u32 s10, s17;
	s15 =	sadd.s32 $0x14480, s14;
	v18 =	vadd.f32 v19, v17;
	[tilespmem:s21+$0x0] =	vst v20  }
0x1e7: {  	s6 =	sadd.s32 $0x14500, s14;
	s26 =	sor.u32 s13, s15;
	v20 =	vadd.f32 v19, v16;
	v23 =	vld [tilespmem:s3+$0x380];
	[smem:$0x7D9] =	sst s17  }
0x1e8: {  	s18 =	sor.u32 s13, s6;
	s0 =	sadd.s32 $0x14580, s14;
	[tilespmem:s26+$0x0] =	vst v18;
	v18 =	vadd.f32 v19, v15  }
0x1e9: {  	v19 =	vadd.f32 v57, v6;
	s26 =	sor.u32 s13, s0;
	[tilespmem:s18+$0x0] =	vst v20  }
0x1ea: {  	s21 =	sor.u32 s19, s2;
	s2 =	sadd.s32 $0x6080, s14;
	[tilespmem:s26+$0x0] =	vst v18  }
0x1eb: {  	s18 =	sor.u32 s13, s2;
	[tilespmem:s21+$0x0] =	vst v19;
	s26 =	sor.u32 s10, s16  }
0x1ec: {  	s17 =	sor.u32 s4, s16;
	s4 =	sor.u32 s4, s20;
	v19 =	vld [tilespmem:s18+$0x0];
	[smem:$0x7DA] =	sst s26  }
0x1ed: {  	[smem:$0x7DB] =	sst s4;
	s18 =	sor.u32 s9, s20  }
0x1ee: {  	v18 =	vadd.f32 v59, v2;
	s20 =	sor.u32 s10, s20;
	[smem:$0x7DC] =	sst s18  }
0x1ef: {  	s25 =	sor.u32 s9, s16;
	v20 =	vadd.f32 v59, v8;
	s16 =	sor.u32 s12, s24;
	[smem:$0x7DD] =	sst s20  }
0x1f0: {  	s21 =	sor.u32 s12, s7;
	[tilespmem:s16+$0x0] =	vst v18;
	v18 =	vadd.f32 v59, v7  }
0x1f1: {  	s28 =	sadd.s32 $0x14700, s14;
	s3 =	sor.u32 s19, s23;
	s10 =	sor.u32 s12, s23;
	[tilespmem:s21+$0x0] =	vst v20;
	v20 =	vadd.f32 v23, v3  }
0x1f2: {  	s26 =	sor.u32 s11, s24;
	s4 =	sor.u32 s19, s24;
	s9 =	sor.u32 s19, s7;
	v60 =	vld [tilespmem:s1+$0x380];
	[tilespmem:s10+$0x0] =	vst v18;
	v18 =	vadd.f32 v23, v9  }
0x1f3: {  	s24 =	sadd.s32 $0x14680, s14;
	s18 =	sor.u32 s11, s23;
	s16 =	sor.u32 s11, s7;
	[tilespmem:s26+$0x0] =	vst v20;
	v20 =	vadd.f32 v23, v10  }
0x1f4: {  	s20 =	sor.u32 s12, s8;
	s23 =	sadd.s32 $0x14600, s14;
	s7 =	sor.u32 s19, s8;
	[tilespmem:s16+$0x0] =	vst v18;
	v18 =	vadd.f32 v19, v17  }
0x1f5: {  	v61 =	vld [tilespmem:s22+$0x0];
	s21 =	sor.u32 s11, s8;
	s8 =	sor.u32 s12, s15;
	v16 =	vadd.f32 v19, v16;
	s26 =	sor.u32 s13, s23;
	[tilespmem:s18+$0x0] =	vst v20  }
0x1f6: {  	s10 =	sor.u32 s11, s15;
	v62 =	vld [tilespmem:s20+$0x0];
	v15 =	vadd.f32 v19, v15;
	s18 =	sor.u32 s19, s15;
	s15 =	sor.u32 s13, s24;
	[tilespmem:s26+$0x0] =	vst v18  }
0x1f7: {  	v63 =	vld [tilespmem:s5+$0x0];
	s16 =	sor.u32 s13, s28;
	[tilespmem:s15+$0x0] =	vst v16;
	v16 =	vadd.f32 v60, v4  }
0x1f8: {  	s29 =	sor.u32 s11, s6;
	v20 =	vld [tilespmem:s17+$0x0];
	[tilespmem:s16+$0x0] =	vst v15;
	v15 =	vadd.f32 v60, v5  }
0x1f9: {  	s22 =	sor.u32 s12, s0;
	s1 =	sor.u32 s12, s23;
	v18 =	vld [tilespmem:s25+$0x0];
	s26 =	sadd.s32 $0x6100, s14;
	[tilespmem:s4+$0x0] =	vst v16  }
0x1fa: {  	s30 =	sor.u32 s11, s23;
	v24 =	vld [tilespmem:s21+$0x0];
	s21 =	sor.u32 s13, s26;
	s15 =	sor.u32 s19, s2;
	v16 =	vadd.f32 v60, v6;
	[tilespmem:s9+$0x0] =	vst v15  }
0x1fb: {  	s31 =	sor.u32 s19, s23;
	s5 =	sor.u32 s12, s24;
	v19 =	vld [tilespmem:s21+$0x0];
	v15 =	vadd.f32 v62, v2;
	[smem:$0x7DE] =	sst s15  }
0x1fc: {  	s17 =	sor.u32 s12, s6;
	s25 =	sor.u32 s19, s6;
	s6 =	sor.u32 s12, s28;
	v25 =	vadd.f32 v62, v8;
	[tilespmem:s3+$0x0] =	vst v16  }
0x1fd: {  	s20 =	sor.u32 s12, s26;
	s16 =	sor.u32 s19, s0;
	s21 =	sor.u32 s11, s0;
	[tilespmem:s8+$0x0] =	vst v15;
	v15 =	vadd.f32 v61, v14;
	v14 =	vadd.f32 v62, v7  }
0x1fe: {  	v13 =	vadd.f32 v61, v13;
	s4 =	sor.u32 s11, s2;
	s0 =	sor.u32 s11, s24;
	s9 =	sor.u32 s12, s2;
	[tilespmem:s17+$0x0] =	vst v25  }
0x1ff: {  	v11 =	vadd.f32 v20, v11;
	s15 =	sor.u32 s19, s24;
	s24 =	sor.u32 s19, s28;
	v20 =	vadd.f32 v24, v3;
	[tilespmem:s22+$0x0] =	vst v14;
	s22 =	sor.u32 s11, s26  }
0x200: {  	v1 =	vadd.f32 v63, v1;
	s3 =	sor.u32 s11, s28;
	s17 =	sadd.s32 $0x14780, s14;
	v19 =	vadd.f32 v19, v17;
	[smem:$0x7DF] =	sst s22  }
0x201: {  	v12 =	vadd.f32 v18, v12;
	v18 =	vadd.f32 v24, v10;
	s28 =	sor.u32 s12, s17;
	s23 =	sor.u32 s13, s17;
	s22 =	sor.u32 s19, s26;
	v17 =	vld [tilespmem:s7+$0x0];
	[tilespmem:s10+$0x0] =	vst v20  }
0x202: {  	v16 =	vadd.f32 v61, v0;
	s26 =	sor.u32 s11, s17;
	s19 =	sor.u32 s19, s17;
	v14 =	vld [tilespmem:s9+$0x0];
	[tilespmem:s23+$0x0] =	vst v19;
	v19 =	vadd.f32 v24, v9;
	s9 =	simm.s32 $0x8  }
.LBB2_6:
0x203: {  	_ =	sdelay $0x2  }
0x204: {  	s9 =	sadd.s32 $0x4, s9;
	s7 =	rddreg [dreg:$0x9];
	[tilespmem:s29+$0x0] =	vst v19;
	v19 =	vadd.f32 v17, v4  }
0x205: {  	s2 =	sshll.u32 s9, $0x6;
	s7 =	sadd.s32 $0x40, s7;
	[tilespmem:s21+$0x0] =	vst v18;
	v18 =	vadd.f32 v14, v2  }
0x206: {  	s23 =	sshll.u32 s9, $0x7;
	s10 =	sand.u32 $0x40, s7;
	s2 =	sand.u32 $0x3FFFFE00, s2;
	v21 =	vld [tilespmem:s4+$0x0];
	v20 =	vadd.f32 v17, v5;
	[tilespmem:s18+$0x0] =	vst v19  }
0x207: {  	s12 =	sand.u32 $0xFFFFFC00, s23;
	s2 =	sadd.s32 $0xD000, s2;
	s11 =	sor.u32 $0x30, s10;
	v8 =	vadd.f32 v14, v8;
	[tilespmem:s1+$0x0] =	vst v18  }
0x208: {  	[dreg:$0x9] =	wrdreg s7;
	s7 =	sadd.s32 $0x4000, s12;
	v17 =	vadd.f32 v17, v6;
	s8 =	sor.u32 s11, s2;
	[tilespmem:s25+$0x0] =	vst v20  }
0x209: {  	s13 =	sor.u32 $0x10, s10;
	v7 =	vadd.f32 v14, v7;
	s4 =	sor.u32 s11, s7;
	v14 =	vld [tilespmem:s8+$0x0];
	[tilespmem:s5+$0x0] =	vst v8  }
0x20a: {  	s14 =	sor.u32 $0x20, s10;
	s21 =	sor.u32 s13, s7;
	s18 =	smov.u32 s22;
	v19 =	vld [tilespmem:s4+$0x280];
	[tilespmem:s16+$0x0] =	vst v17  }
0x20b: {  	s22 =	sor.u32 s10, s7;
	v18 =	vld [tilespmem:s8+$0x80];
	s16 =	sor.u32 s14, s7;
	[tilespmem:s6+$0x0] =	vst v7;
	v7 =	vadd.f32 v21, v3;
	s7 =	sld [smem:$0x7D7]  }
0x20c: {  	s17 =	sor.u32 s10, s2;
	v17 =	vld [tilespmem:s8+$0x100];
	s8 =	smov.u32 s31  }
0x20d: {  	s1 =	sor.u32 s14, s2;
	v9 =	vadd.f32 v21, v9;
	[smem:$0x7D7] =	sst s8;
	v20 =	vld [tilespmem:s17+$0x0];
	[tilespmem:s30+$0x0] =	vst v7  }
0x20e: {  	s25 =	sor.u32 s13, s2;
	s2 =	sadd.s32 $0x12400, s12;
	v10 =	vadd.f32 v21, v10;
	v8 =	vld [tilespmem:s17+$0x80];
	s8 =	sld [smem:$0x7D8];
	[tilespmem:s7+$0x0] =	vst v16  }
0x20f: {  	s5 =	sadd.s32 $0x12480, s12;
	s23 =	sor.u32 s11, s2;
	v7 =	vld [tilespmem:s17+$0x100];
	[tilespmem:s0+$0x0] =	vst v9  }
0x210: {  	s6 =	sor.u32 s10, s5;
	s17 =	sor.u32 s11, s5;
	v9 =	vadd.f32 v19, v14;
	v16 =	vld [tilespmem:s22+$0x280];
	s7 =	sadd.s32 $0x12500, s12;
	[tilespmem:s3+$0x0] =	vst v10  }
0x211: {  	v10 =	vadd.f32 v19, v18;
	[tilespmem:s8+$0x0] =	vst v15;
	s31 =	sor.u32 s10, s7;
	s30 =	sor.u32 s13, s7;
	s8 =	sor.u32 s14, s7;
	v41 =	vld [tilespmem:s25+$0x0]  }
0x212: {  	[tilespmem:s23+$0x0] =	vst v9;
	v9 =	vld [tilespmem:s25+$0x80];
	s23 =	sor.u32 s11, s7;
	s7 =	smov.u32 s15;
	s15 =	sld [smem:$0x7DB]  }
0x213: {  	v15 =	vadd.f32 v19, v17;
	[tilespmem:s17+$0x0] =	vst v10;
	v10 =	vld [tilespmem:s25+$0x100];
	s17 =	sor.u32 s13, s5;
	s25 =	sor.u32 s14, s5;
	s5 =	sld [smem:$0x7D9]  }
0x214: {  	[smem:$0x7D8] =	sst s7  }
0x215: {  	s7 =	sld [smem:$0x7DC];
	[tilespmem:s23+$0x0] =	vst v15  }
0x216: {  	[tilespmem:s15+$0x0] =	vst v11  }
0x217: {  	v15 =	vld [tilespmem:s4+$0x300];
	[tilespmem:s5+$0x0] =	vst v13;
	v13 =	vadd.f32 v16, v20  }
0x218: {  	s3 =	sor.u32 s10, s2;
	v22 =	vld [tilespmem:s21+$0x280];
	v19 =	vadd.f32 v16, v8;
	[tilespmem:s7+$0x0] =	vst v12  }
0x219: {  	v23 =	vld [tilespmem:s1+$0x0];
	[tilespmem:s3+$0x0] =	vst v13  }
0x21a: {  	v11 =	vadd.f32 v16, v7;
	s15 =	smov.u32 s26;
	v12 =	vld [tilespmem:s1+$0x80];
	[tilespmem:s6+$0x0] =	vst v19;
	s6 =	sld [smem:$0x7D6]  }
0x21b: {  	[smem:$0x7DC] =	sst s15;
	v19 =	vld [tilespmem:s1+$0x100]  }
0x21c: {  	s23 =	smov.u32 s24;
	s15 =	sld [smem:$0x7DE];
	s1 =	sadd.s32 $0x12580, s12;
	[tilespmem:s31+$0x0] =	vst v11;
	v11 =	vld [tilespmem:s16+$0x280];
	v13 =	vadd.f32 v15, v14  }
0x21d: {  	[smem:$0x7D9] =	sst s23;
	s3 =	sadd.s32 $0x12600, s12;
	s23 =	sor.u32 s11, s1;
	v25 =	vadd.f32 v15, v18;
	v16 =	vld [tilespmem:s22+$0x300];
	[tilespmem:s6+$0x0] =	vst v1  }
0x21e: {  	s26 =	sadd.s32 $0x12680, s12;
	s7 =	sor.u32 s11, s3;
	v42 =	vld [tilespmem:s20+$0x0];
	s20 =	sld [smem:$0x7DF];
	[tilespmem:s23+$0x0] =	vst v13;
	v13 =	vadd.f32 v15, v17  }
0x21f: {  	s5 =	smov.u32 s28;
	s28 =	sor.u32 s11, s26;
	v24 =	vadd.f32 v22, v41;
	v26 =	vld [tilespmem:s15+$0x0];
	[tilespmem:s7+$0x0] =	vst v25;
	s15 =	sor.u32 s14, s26  }
0x220: {  	s0 =	sor.u32 s13, s2;
	v1 =	vadd.f32 v22, v9;
	[tilespmem:s28+$0x0] =	vst v13;
	[smem:$0x7D3] =	sst s15  }
0x221: {  	v15 =	vadd.f32 v22, v10;
	v43 =	vld [tilespmem:s20+$0x0];
	[tilespmem:s0+$0x0] =	vst v24;
	s15 =	sld [smem:$0x7DA]  }
0x222: {  	v13 =	vadd.f32 v11, v23;
	v27 =	vld [tilespmem:s4+$0x380];
	[tilespmem:s17+$0x0] =	vst v1  }
0x223: {  	s29 =	sor.u32 s14, s2;
	v44 =	vadd.f32 v11, v12;
	[tilespmem:s30+$0x0] =	vst v15  }
0x224: {  	v28 =	vadd.f32 v16, v20;
	v29 =	vld [tilespmem:s15+$0x0];
	[tilespmem:s29+$0x0] =	vst v13  }
0x225: {  	s24 =	sor.u32 s10, s1;
	s20 =	sld [smem:$0x7DD];
	v1 =	vadd.f32 v11, v19;
	[tilespmem:s25+$0x0] =	vst v44  }
0x226: {  	s2 =	sor.u32 s10, s3;
	s23 =	sor.u32 s10, s26;
	v30 =	vadd.f32 v16, v8;
	v32 =	vld [tilespmem:s21+$0x300];
	[tilespmem:s24+$0x0] =	vst v28  }
0x227: {  	s6 =	sor.u32 s13, s26;
	s0 =	sadd.s32 $0x12700, s12;
	s17 =	smov.u32 s18;
	v13 =	vadd.f32 v26, v6;
	v6 =	vmov v19;
	[tilespmem:s8+$0x0] =	vst v1;
	v19 =	vadd.f32 v27, v14  }
0x228: {  	v31 =	vadd.f32 v16, v7;
	s26 =	smov.u32 s20;
	s20 =	sor.u32 s11, s0;
	s8 =	sadd.s32 $0x12780, s12;
	[tilespmem:s2+$0x0] =	vst v30;
	v45 =	vadd.f32 v27, v18  }
0x229: {  	s18 =	smov.u32 s19;
	s19 =	sadd.s32 $0x14400, s12;
	v11 =	vadd.f32 v42, v2;
	v2 =	vmov v20;
	v20 =	vld [tilespmem:s16+$0x300];
	s24 =	sor.u32 s11, s8;
	[tilespmem:s20+$0x0] =	vst v19;
	v19 =	vadd.f32 v27, v17  }
0x22a: {  	[smem:$0x7D6] =	sst s26;
	v15 =	vadd.f32 v26, v5;
	v5 =	vmovc v12;
	s25 =	sadd.s32 $0x6000, s12;
	s26 =	sor.u32 s11, s19;
	v12 =	vadd.f32 v43, v3;
	v3 =	vmov v41;
	[tilespmem:s24+$0x0] =	vst v45  }
0x22b: {  	[smem:$0x7DD] =	sst s18;
	s18 =	sor.u32 s11, s25;
	v46 =	vadd.f32 v32, v3;
	[tilespmem:s26+$0x0] =	vst v19  }
0x22c: {  	[smem:$0x7DB] =	sst s5;
	s5 =	sor.u32 s13, s1;
	v16 =	vadd.f32 v26, v4;
	[tilespmem:s23+$0x0] =	vst v31;
	v47 =	vadd.f32 v32, v9;
	v19 =	vld [tilespmem:s18+$0x0]  }
0x22d: {  	s1 =	sor.u32 s14, s1;
	s7 =	sor.u32 s13, s3;
	s4 =	sor.u32 s10, s0;
	v1 =	vadd.f32 v29, v0;
	v0 =	vmovc v4;
	v4 =	vmov v23;
	v48 =	vadd.f32 v32, v10;
	[tilespmem:s5+$0x0] =	vst v46  }
0x22e: {  	s31 =	sor.u32 s13, s0;
	s23 =	sor.u32 s13, s25;
	s26 =	sor.u32 s14, s0;
	v49 =	vadd.f32 v20, v4;
	[tilespmem:s7+$0x0] =	vst v47  }
0x22f: {  	v51 =	vld [tilespmem:s22+$0x380];
	s0 =	sor.u32 s10, s25;
	s5 =	sor.u32 s14, s25;
	s25 =	sld [smem:$0x7D3];
	v50 =	vadd.f32 v20, v5;
	[tilespmem:s6+$0x0] =	vst v48  }
0x230: {  	s3 =	sor.u32 s14, s3;
	s2 =	sor.u32 s14, s8;
	v20 =	vadd.f32 v20, v6;
	[tilespmem:s1+$0x0] =	vst v49  }
0x231: {  	s15 =	sor.u32 s10, s8;
	[smem:$0x7D4] =	sst s2;
	s2 =	sadd.s32 $0x14480, s12;
	v21 =	vld [tilespmem:s21+$0x380];
	[tilespmem:s3+$0x0] =	vst v50;
	v52 =	vadd.f32 v19, v14  }
0x232: {  	s24 =	sor.u32 s13, s8;
	s8 =	sor.u32 s11, s2;
	s1 =	sadd.s32 $0x14500, s12;
	[tilespmem:s25+$0x0] =	vst v20;
	v53 =	vadd.f32 v19, v18  }
0x233: {  	[smem:$0x7D5] =	sst s5;
	s5 =	sadd.s32 $0x14580, s12;
	s18 =	sor.u32 s11, s1;
	v19 =	vadd.f32 v19, v17;
	[tilespmem:s8+$0x0] =	vst v52  }
0x234: {  	v54 =	vadd.f32 v51, v2;
	s6 =	sadd.s32 $0x6080, s12;
	s21 =	sor.u32 s11, s5;
	[tilespmem:s18+$0x0] =	vst v53  }
0x235: {  	v55 =	vadd.f32 v51, v8;
	s22 =	sor.u32 s11, s6;
	v58 =	vld [tilespmem:s16+$0x380];
	[tilespmem:s21+$0x0] =	vst v19  }
0x236: {  	[tilespmem:s4+$0x0] =	vst v54;
	v19 =	vadd.f32 v21, v3;
	v20 =	vld [tilespmem:s22+$0x0]  }
0x237: {  	[tilespmem:s15+$0x0] =	vst v55;
	v57 =	vadd.f32 v21, v9  }
0x238: {  	p2 =	slt.u32 s9, $0x3C;
	[smem:$0x7DA] =	sst s17;
	v21 =	vadd.f32 v21, v10;
	[tilespmem:s31+$0x0] =	vst v19  }
0x239: {  	s30 =	sor.u32 s13, s19;
	s20 =	sor.u32 s10, s19;
	s19 =	sor.u32 s14, s19;
	v56 =	vadd.f32 v51, v7;
	[tilespmem:s24+$0x0] =	vst v57  }
0x23a: {  	s28 =	sor.u32 s10, s2;
	s7 =	sor.u32 s10, s5;
	s15 =	sor.u32 s14, s6;
	v59 =	vadd.f32 v58, v4;
	[tilespmem:s30+$0x0] =	vst v21  }
0x23b: {  	[smem:$0x7DE] =	sst s15;
	[tilespmem:s20+$0x0] =	vst v56;
	s15 =	sadd.s32 $0x14600, s12;
	v23 =	vld [tilespmem:s23+$0x0];
	s23 =	sadd.s32 $0x6100, s12;
	v19 =	vadd.f32 v20, v14  }
0x23c: {  	s20 =	sadd.s32 $0x14680, s12;
	v22 =	vld [tilespmem:s0+$0x0];
	s22 =	sor.u32 s11, s15;
	[tilespmem:s26+$0x0] =	vst v59;
	v18 =	vadd.f32 v20, v18;
	s26 =	sor.u32 s13, s23  }
0x23d: {  	s3 =	sor.u32 s11, s20;
	s24 =	sadd.s32 $0x14700, s12;
	v17 =	vadd.f32 v20, v17;
	[smem:$0x7DF] =	sst s26;
	[tilespmem:s22+$0x0] =	vst v19  }
0x23e: {  	s17 =	sor.u32 s10, s1;
	s26 =	sld [smem:$0x7D4];
	s22 =	sor.u32 s11, s24;
	[tilespmem:s3+$0x0] =	vst v18  }
0x23f: {  	s29 =	sor.u32 s13, s1;
	s4 =	sor.u32 s13, s6;
	v60 =	vadd.f32 v58, v5;
	[tilespmem:s22+$0x0] =	vst v17;
	s22 =	sor.u32 s11, s23  }
0x240: {  	s25 =	sor.u32 s14, s1;
	s16 =	sor.u32 s14, s5;
	s1 =	sor.u32 s10, s15;
	v20 =	vadd.f32 v58, v6;
	v62 =	vld [tilespmem:s22+$0x0]  }
0x241: {  	s0 =	sor.u32 s13, s20;
	s8 =	sor.u32 s13, s2;
	s18 =	sor.u32 s14, s2;
	v18 =	vadd.f32 v22, v2;
	[tilespmem:s26+$0x0] =	vst v60  }
0x242: {  	s2 =	sor.u32 s10, s6;
	s21 =	sor.u32 s13, s5;
	s5 =	sor.u32 s10, s20;
	v61 =	vadd.f32 v22, v8;
	[tilespmem:s19+$0x0] =	vst v20  }
.Ltmp4:
0x243: {  	s31 =	sor.u32 s14, s15;
	v63 =	vadd.f32 v23, v3;
	s26 =	sld [smem:$0x7D5];
	[tilespmem:s28+$0x0] =	vst v18;
	(pc) =	sbr.rel @p2 .LBB2_6-.Ltmp4, $4  }
0x244: {  	s6 =	sor.u32 s10, s24;
	s30 =	sor.u32 s13, s15;
	s15 =	sor.u32 s14, s20;
	v22 =	vadd.f32 v22, v7;
	[tilespmem:s17+$0x0] =	vst v61  }
0x245: {  	s20 =	sor.u32 s10, s23;
	s3 =	sor.u32 s13, s24;
	s19 =	sadd.s32 $0x14780, s12;
	[tilespmem:s8+$0x0] =	vst v63;
	v20 =	vadd.f32 v62, v14  }
0x246: {  	s24 =	sor.u32 s14, s24;
	s22 =	sor.u32 s14, s23;
	s23 =	sor.u32 s11, s19;
	v17 =	vld [tilespmem:s26+$0x0];
	[tilespmem:s7+$0x0] =	vst v22  }
0x247: {  	v19 =	vadd.f32 v23, v9;
	v18 =	vadd.f32 v23, v10;
	s28 =	sor.u32 s10, s19;
	s26 =	sor.u32 s13, s19;
	s19 =	sor.u32 s14, s19;
	v14 =	vld [tilespmem:s2+$0x0];
	[tilespmem:s23+$0x0] =	vst v20  }
0x248: {  	_ =	sdelay $0x2  }
0x249: {  	[tilespmem:s29+$0x0] =	vst v19;
	v19 =	vadd.f32 v17, v4  }
0x24a: {  	[tilespmem:s21+$0x0] =	vst v18;
	v18 =	vadd.f32 v17, v5  }
0x24b: {  	v20 =	vld [tilespmem:s4+$0x0];
	v17 =	vadd.f32 v17, v6;
	[tilespmem:s18+$0x0] =	vst v19  }
0x24c: {  	v19 =	vadd.f32 v14, v2;
	[tilespmem:s25+$0x0] =	vst v18  }
0x24d: {  	v8 =	vadd.f32 v14, v8;
	[tilespmem:s16+$0x0] =	vst v17  }
0x24e: {  	v7 =	vadd.f32 v14, v7;
	[tilespmem:s1+$0x0] =	vst v19  }
0x24f: {  	[tilespmem:s5+$0x0] =	vst v8  }
0x250: {  	[tilespmem:s6+$0x0] =	vst v7;
	v7 =	vadd.f32 v20, v3  }
0x251: {  	v9 =	vadd.f32 v20, v9;
	s13 =	sld [smem:$0x7D7]  }
0x252: {  	s1 =	sld [smem:$0x7DE];
	[tilespmem:s30+$0x0] =	vst v7  }
0x253: {  	v10 =	vadd.f32 v20, v10;
	[tilespmem:s0+$0x0] =	vst v9  }
0x254: {  	[tilespmem:s13+$0x0] =	vst v16  }
0x255: {  	v8 =	vld [tilespmem:s1+$0x0];
	[tilespmem:s3+$0x0] =	vst v10  }
0x256: {  	s0 =	sld [smem:$0x7D8];
	_ =	sdelay $0x2  }
0x257: {  	[tilespmem:s0+$0x0] =	vst v15  }
0x258: {  	v7 =	vadd.f32 v8, v4;
	s0 =	sld [smem:$0x7D9];
	_ =	sdelay $0x1  }
0x259: {  	v5 =	vadd.f32 v8, v5;
	[tilespmem:s31+$0x0] =	vst v7  }
0x25a: {  	v6 =	vadd.f32 v8, v6;
	[tilespmem:s0+$0x0] =	vst v13  }
0x25b: {  	s0 =	sld [smem:$0x7DF];
	[tilespmem:s15+$0x0] =	vst v5  }
0x25c: {  	s14 =	sld [smem:$0x7DA];
	[tilespmem:s24+$0x0] =	vst v6  }
0x25d: {  	s15 =	sld [smem:$0x7DB];
	_ =	sdelay $0x2  }
0x25e: {  	[tilespmem:s15+$0x0] =	vst v11  }
0x25f: {  	v7 =	vld [tilespmem:s0+$0x0];
	s0 =	sld [smem:$0x7DC]  }
0x260: {  	v9 =	vld [tilespmem:s20+$0x0];
	_ =	sdelay $0x1  }
0x261: {  	[tilespmem:s0+$0x0] =	vst v12  }
0x262: {  	s0 =	sld [smem:$0x7D6]  }
0x263: {  	v6 =	vld [tilespmem:s22+$0x0]  }
0x264: {  	v2 =	vadd.f32 v9, v2;
	v5 =	vld [tilespmem:s14+$0x0]  }
0x265: {  	[tilespmem:s0+$0x0] =	vst v1;
	v1 =	vadd.f32 v7, v3  }
0x266: {  	[tilespmem:s28+$0x0] =	vst v2  }
0x267: {  	[tilespmem:s26+$0x0] =	vst v1  }
0x268: {  	v1 =	vadd.f32 v6, v4;
	s0 =	sld [smem:$0x7DD]  }
0x269: {  	v0 =	vadd.f32 v5, v0  }
0x26a: {  	[tilespmem:s19+$0x0] =	vst v1  }
0x26b: {  	s17 =	simm.s32 $0x0;
	s16 =	simm.s32 $0x0;
	[tilespmem:s0+$0x0] =	vst v0  }
0x26c: {  	s22 =	sand.u32 $0x40, s16;
	s19 =	sand.u32 $0x3FFFFE00, s17;
	s1 =	sld [smem:$0x7F6]  }
0x26d: {  	s6 =	sor.u32 $0x10, s22;
	s0 =	sadd.s32 $0xD000, s19  }
0x26e: {  	s2 =	simm.s32 $0x12400;
	s29 =	sor.u32 $0x20, s22;
	s3 =	sor.u32 s6, s0  }
0x26f: {  	[hbm4b:s1+s16] =	stream.linear.scatter [tilespmem:s2], [sflag:$0x3], $0x4000, $0x38;
	[tilespmem:$0x1A400] =	vst v63  }
0x270: {  	s18 =	simm.s32 $0x0;
	s7 =	sor.u32 s29, s0;
	v5 =	vld [tilespmem:s3+$0x100]  }
0x271: {  	s2 =	sand.u32 $0xFFFFFC00, s18;
	v0 =	vld [tilespmem:s7+$0x80]  }
0x272: {  	s20 =	sadd.s32 $0x6100, s2;
	v2 =	vld [tilespmem:s7+$0x100];
	s9 =	sadd.s32 $0x6300, s2  }
0x273: {  	v1 =	vld [tilespmem:s3+$0x80];
	s11 =	sadd.s32 $0x18600, s2;
	s21 =	sor.u32 s29, s20;
	s10 =	sor.u32 s6, s9  }
0x274: {  	s23 =	sor.u32 s22, s20;
	s24 =	sor.u32 s29, s9;
	v4 =	vld [tilespmem:s21+$0x0];
	[smem:$0x7C8] =	sst s10  }
0x275: {  	s26 =	sor.u32 s6, s11;
	s10 =	sadd.s32 $0x18580, s2;
	v10 =	vld [tilespmem:s23+$0x0];
	[smem:$0x7C9] =	sst s24  }
0x276: {  	s25 =	sor.u32 s6, s10;
	[dreg:$0xf] =	wrdreg s26  }
0x277: {  	s8 =	sor.u32 s6, s20;
	[dreg:$0x14] =	wrdreg s25  }
0x278: {  	s17 =	sor.u32 $0x30, s22;
	v7 =	vld [tilespmem:s8+$0x0]  }
0x279: {  	s5 =	sor.u32 s22, s0;
	s13 =	sadd.s32 $0x16400, s2;
	s12 =	sor.u32 s17, s9;
	v8 =	vadd.f32 v4, v0  }
0x27a: {  	s16 =	sadd.s32 $0x16480, s2;
	s14 =	sor.u32 s29, s13;
	v3 =	vld [tilespmem:s5+$0x80];
	[smem:$0x7CA] =	sst s12;
	v9 =	vadd.f32 v4, v2  }
0x27b: {  	s24 =	sor.u32 s29, s16;
	v4 =	vld [tilespmem:s7+$0x0];
	[tilespmem:s14+$0x0] =	vst v8  }
0x27c: {  	s1 =	sor.u32 s17, s20;
	s26 =	sor.u32 s17, s11;
	s12 =	sadd.s32 $0x6180, s2;
	v6 =	vld [tilespmem:s5+$0x100];
	[tilespmem:s24+$0x0] =	vst v9  }
0x27d: {  	v12 =	vld [tilespmem:s1+$0x0];
	s25 =	sor.u32 s29, s12;
	v8 =	vadd.f32 v7, v1;
	[dreg:$0xe] =	wrdreg s26  }
0x27e: {  	s0 =	sor.u32 s17, s0;
	s15 =	sor.u32 s29, s11;
	s21 =	sor.u32 s6, s13;
	v7 =	vadd.f32 v7, v5;
	v11 =	vld [tilespmem:s25+$0x0]  }
0x27f: {  	s19 =	sor.u32 s22, s11;
	s11 =	sor.u32 s6, s16;
	s14 =	sadd.s32 $0x18680, s2;
	v9 =	vld [tilespmem:s3+$0x0];
	[tilespmem:s21+$0x0] =	vst v8  }
0x280: {  	s4 =	sor.u32 s22, s13;
	s23 =	sor.u32 s22, s9;
	v8 =	vld [tilespmem:s5+$0x0];
	s21 =	sor.u32 s6, s14;
	[tilespmem:s11+$0x0] =	vst v7  }
0x281: {  	s18 =	sor.u32 s29, s10;
	v13 =	vadd.f32 v10, v3;
	s24 =	sor.u32 s22, s14;
	v7 =	vld [tilespmem:s0+$0x80];
	[smem:$0x7CB] =	sst s21  }
0x282: {  	s20 =	sor.u32 s22, s10;
	s3 =	sor.u32 s22, s16;
	[dreg:$0xc] =	wrdreg s24  }
0x283: {  	s5 =	sor.u32 s17, s16;
	s16 =	sadd.s32 $0x6380, s2;
	s25 =	sor.u32 s17, s14;
	[tilespmem:s4+$0x0] =	vst v13  }
0x284: {  	s28 =	sor.u32 s17, s10;
	v14 =	vadd.f32 v10, v6;
	s26 =	sor.u32 s6, s16;
	[dreg:$0x15] =	wrdreg s25  }
0x285: {  	s8 =	sadd.s32 $0x16580, s2;
	s1 =	sor.u32 s17, s13;
	v10 =	vld [tilespmem:s0+$0x100];
	[smem:$0x7CC] =	sst s26  }
0x286: {  	s10 =	sor.u32 s22, s12;
	s13 =	sor.u32 s6, s12;
	s9 =	sor.u32 s22, s16;
	[tilespmem:s3+$0x0] =	vst v14  }
0x287: {  	s11 =	sor.u32 s17, s16;
	v13 =	vld [tilespmem:s13+$0x0];
	v14 =	vadd.f32 v11, v4;
	s3 =	sadd.s32 $0x16500, s2;
	[dreg:$0x12] =	wrdreg s9  }
0x288: {  	s7 =	sor.u32 s17, s12;
	v16 =	vadd.f32 v11, v0;
	[dreg:$0x16] =	wrdreg s11;
	s12 =	sor.u32 s29, s3  }
0x289: {  	s21 =	sor.u32 s29, s14;
	s14 =	sor.u32 s29, s8;
	s9 =	sadd.s32 $0x16600, s2;
	[tilespmem:s12+$0x0] =	vst v14;
	v14 =	vadd.f32 v11, v2  }
0x28a: {  	s31 =	sor.u32 s29, s16;
	s13 =	sadd.s32 $0x18700, s2;
	s16 =	sor.u32 s29, s9;
	[tilespmem:s14+$0x0] =	vst v16  }
0x28b: {  	s24 =	sor.u32 s22, s13;
	v15 =	vld [tilespmem:s10+$0x0];
	[tilespmem:s16+$0x0] =	vst v14  }
0x28c: {  	s25 =	sor.u32 s6, s13;
	v11 =	vld [tilespmem:s0+$0x0];
	v16 =	vadd.f32 v12, v7;
	[dreg:$0x1e] =	wrdreg s24  }
0x28d: {  	s11 =	sadd.s32 $0x6200, s2;
	[smem:$0x7CD] =	sst s25  }
0x28e: {  	s26 =	sor.u32 s29, s11;
	s12 =	sor.u32 s17, s13;
	[tilespmem:s1+$0x0] =	vst v16  }
0x28f: {  	s10 =	sadd.s32 $0x18780, s2;
	s13 =	sor.u32 s29, s13;
	v14 =	vld [tilespmem:s26+$0x0];
	[dreg:$0x1c] =	wrdreg s12  }
0x290: {  	s14 =	sor.u32 s22, s10;
	v12 =	vadd.f32 v12, v10;
	[dreg:$0x17] =	wrdreg s13  }
0x291: {  	[smem:$0x7CE] =	sst s14  }
0x292: {  	s16 =	sor.u32 s6, s10;
	[tilespmem:s5+$0x0] =	vst v12  }
0x293: {  	s24 =	sor.u32 s29, s10;
	v16 =	vadd.f32 v13, v9;
	[smem:$0x7CF] =	sst s16  }
0x294: {  	s25 =	sor.u32 s6, s3;
	[smem:$0x7D0] =	sst s24  }
0x295: {  	s26 =	sor.u32 s17, s10;
	v12 =	vadd.f32 v15, v8;
	[tilespmem:s25+$0x0] =	vst v16  }
0x296: {  	v17 =	vadd.f32 v13, v1;
	s1 =	sor.u32 s22, s3;
	v16 =	vld [tilespmem:s7+$0x0];
	[smem:$0x7D1] =	sst s26  }
0x297: {  	s30 =	simm.s32 $0x0;
	s4 =	sor.u32 s6, s8;
	v13 =	vadd.f32 v13, v5;
	[tilespmem:s1+$0x0] =	vst v12  }
0x298: {  	s3 =	sor.u32 s17, s3;
	s10 =	sor.u32 s6, s9;
	s12 =	sor.u32 s6, s11;
	v12 =	vadd.f32 v15, v3;
	[tilespmem:s4+$0x0] =	vst v17  }
0x299: {  	s13 =	sadd.s32 $0x16680, s2;
	s14 =	sadd.s32 $0x16700, s2;
	s5 =	sor.u32 s22, s8;
	v17 =	vadd.f32 v14, v4;
	[tilespmem:s10+$0x0] =	vst v13  }
0x29a: {  	s0 =	sor.u32 s17, s13;
	s24 =	sor.u32 s22, s11;
	s16 =	sor.u32 s29, s13;
	[tilespmem:s5+$0x0] =	vst v12  }
0x29b: {  	s7 =	sor.u32 s17, s8;
	s8 =	sor.u32 s17, s9;
	s25 =	sor.u32 s22, s13;
	v13 =	vadd.f32 v14, v0;
	[tilespmem:s16+$0x0] =	vst v17  }
0x29c: {  	s26 =	sor.u32 s29, s14;
	s1 =	sor.u32 s22, s9;
	v12 =	vld [tilespmem:s12+$0x0];
	v17 =	vadd.f32 v16, v11;
	[smem:$0x7D2] =	sst s25  }
0x29d: {  	s9 =	sor.u32 s17, s11;
	s11 =	sor.u32 s6, s13;
	s4 =	sor.u32 s17, s14;
	[tilespmem:s26+$0x0] =	vst v13;
	v13 =	vadd.f32 v16, v7  }
0x29e: {  	s10 =	sadd.s32 $0x6280, s2;
	s12 =	sor.u32 s6, s14;
	s5 =	sadd.s32 $0x18400, s2;
	v16 =	vadd.f32 v16, v10;
	[tilespmem:s3+$0x0] =	vst v17  }
0x29f: {  	s25 =	simm.s32 $0x40;
	s26 =	sor.u32 s22, s14;
	s3 =	sadd.s32 $0x16780, s2;
	[tilespmem:s7+$0x0] =	vst v13;
	v13 =	vadd.f32 v14, v2  }
0x2a0: {  	v15 =	vadd.f32 v15, v6;
	s14 =	sor.u32 s6, s10;
	s7 =	sor.u32 s29, s5;
	s13 =	sor.u32 s29, s3;
	[tilespmem:s8+$0x0] =	vst v16  }
0x2a1: {  	s16 =	sor.u32 s6, s3;
	s8 =	sor.u32 s17, s3;
	v16 =	vadd.f32 v12, v9;
	v14 =	vadd.f32 v12, v5;
	[tilespmem:s13+$0x0] =	vst v13;
	v13 =	vld [tilespmem:s9+$0x0];
	s13 =	sor.u32 s29, s10  }
.LBB2_8:
0x2a2: {  	[smem:$0x7AC] =	sst s23  }
0x2a3: {  	[smem:$0x7B4] =	sst s19  }
0x2a4: {  	[smem:$0x7AF] =	sst s18  }
0x2a5: {  	[smem:$0x7B2] =	sst s20  }
0x2a6: {  	[smem:$0x7B0] =	sst s15  }
0x2a7: {  	[smem:$0x7B6] =	sst s28  }
0x2a8: {  	[smem:$0x7BA] =	sst s21  }
0x2a9: {  	[smem:$0x7BE] =	sst s31;
	s30 =	sadd.s32 $0x4, s30  }
0x2aa: {  	s19 =	sor.u32 s22, s3;
	[smem:$0x7C7] =	sst s25;
	s3 =	sand.u32 $0x40, s25  }
0x2ab: {  	v12 =	vadd.f32 v12, v1;
	[tilespmem:s1+$0x0] =	vst v15;
	[smem:$0x7A8] =	sst s19;
	v15 =	vld [tilespmem:s13+$0x0];
	s13 =	sor.u32 s17, s10;
	s20 =	sshll.u32 s30, $0x6  }
0x2ac: {  	s9 =	sshll.u32 s30, $0x7;
	[tilespmem:s11+$0x0] =	vst v16;
	s15 =	sor.u32 $0x10, s3;
	s21 =	sand.u32 $0x3FFFFE00, s20  }
0x2ad: {  	s28 =	sor.u32 $0x20, s3;
	s1 =	sand.u32 $0xFFFFFC00, s9;
	[tilespmem:s12+$0x0] =	vst v12;
	s23 =	sadd.s32 $0xD000, s21  }
0x2ae: {  	v17 =	vld [tilespmem:s24+$0x0];
	s25 =	sadd.s32 $0x6100, s1;
	[tilespmem:s16+$0x0] =	vst v14;
	s16 =	sor.u32 $0x30, s3;
	s24 =	sor.u32 s3, s23  }
0x2af: {  	s18 =	sor.u32 s3, s25;
	s31 =	sor.u32 s15, s23;
	s12 =	sor.u32 s15, s25  }
0x2b0: {  	s21 =	sor.u32 s28, s23;
	s19 =	sor.u32 s28, s25;
	s20 =	sor.u32 s16, s23  }
0x2b1: {  	v21 =	vadd.f32 v13, v11;
	s11 =	sor.u32 s16, s25;
	s23 =	sadd.s32 $0x6300, s1;
	s25 =	sor.u32 s22, s5  }
0x2b2: {  	s9 =	sor.u32 s22, s10;
	v14 =	vld [tilespmem:s14+$0x0];
	v12 =	vadd.f32 v13, v7;
	[smem:$0x7A9] =	sst s25;
	s14 =	sor.u32 s15, s23  }
0x2b3: {  	s10 =	sor.u32 s6, s5;
	v59 =	vld [tilespmem:s18+$0x0];
	s18 =	sor.u32 s28, s23;
	v18 =	vadd.f32 v15, v4;
	[tilespmem:s0+$0x0] =	vst v21;
	[smem:$0x7AA] =	sst s14  }
0x2b4: {  	v13 =	vadd.f32 v13, v10;
	v22 =	vld [tilespmem:s21+$0x100];
	s25 =	sadd.s32 $0x18580, s1;
	s0 =	sor.u32 s17, s5;
	[smem:$0x7AB] =	sst s18;
	[tilespmem:s4+$0x0] =	vst v12  }
0x2b5: {  	s5 =	sadd.s32 $0x18600, s1;
	s14 =	sor.u32 s15, s25;
	[tilespmem:s7+$0x0] =	vst v18;
	s7 =	sadd.s32 $0x18480, s2;
	v12 =	vld [tilespmem:s20+$0x80]  }
0x2b6: {  	v19 =	vadd.f32 v15, v0;
	[smem:$0x7AD] =	sst s14;
	[tilespmem:s8+$0x0] =	vst v13;
	s8 =	sor.u32 s15, s5;
	v23 =	vld [tilespmem:s19+$0x0];
	s18 =	sor.u32 s22, s7  }
0x2b7: {  	v18 =	vadd.f32 v14, v9;
	s4 =	sor.u32 s6, s7;
	s19 =	sor.u32 s29, s7;
	v27 =	vld [tilespmem:s13+$0x0];
	s13 =	sadd.s32 $0x18500, s2  }
0x2b8: {  	v20 =	vld [tilespmem:s31+$0x100];
	v25 =	vadd.f32 v14, v1;
	[smem:$0x7AE] =	sst s8;
	[tilespmem:s19+$0x0] =	vst v19;
	s19 =	sor.u32 s17, s7;
	s7 =	sor.u32 s22, s13  }
0x2b9: {  	v16 =	vld [tilespmem:s31+$0x80];
	v15 =	vadd.f32 v15, v2;
	s14 =	sor.u32 s17, s13;
	s17 =	sld [smem:$0x7C8];
	s22 =	sor.u32 s3, s25;
	[tilespmem:s10+$0x0] =	vst v18  }
0x2ba: {  	v14 =	vadd.f32 v14, v5;
	v13 =	vld [tilespmem:s21+$0x80];
	s10 =	sor.u32 s29, s13;
	[smem:$0x7B3] =	sst s22;
	[tilespmem:s4+$0x0] =	vst v25  }
0x2bb: {  	s8 =	sor.u32 s6, s13;
	v18 =	vld [tilespmem:s11+$0x0];
	s22 =	sld [smem:$0x7D2];
	[tilespmem:s10+$0x0] =	vst v15  }
0x2bc: {  	s11 =	sor.u32 s3, s23;
	s10 =	sor.u32 s16, s23;
	s23 =	sor.u32 s3, s5;
	v25 =	vld [tilespmem:s12+$0x0];
	[tilespmem:s8+$0x0] =	vst v14;
	v14 =	vadd.f32 v17, v8  }
0x2bd: {  	v24 =	vadd.f32 v17, v3;
	[smem:$0x7B5] =	sst s23  }
0x2be: {  	s6 =	sadd.s32 $0x18680, s1;
	s13 =	sor.u32 s28, s5;
	v15 =	vld [tilespmem:s24+$0x80];
	s23 =	sld [smem:$0x7C9];
	v29 =	vadd.f32 v27, v11;
	[tilespmem:s22+$0x0] =	vst v14  }
0x2bf: {  	s2 =	sadd.s32 $0x6380, s1;
	[smem:$0x7B1] =	sst s13;
	v30 =	vadd.f32 v27, v7;
	v19 =	vld [tilespmem:s24+$0x100];
	[tilespmem:s26+$0x0] =	vst v24;
	s26 =	sor.u32 s3, s6  }
0x2c0: {  	s13 =	sadd.s32 $0x16400, s1;
	v14 =	vld [tilespmem:s21+$0x0];
	[tilespmem:s0+$0x0] =	vst v29;
	[smem:$0x7B7] =	sst s26;
	s26 =	sor.u32 s3, s2  }
0x2c1: {  	s8 =	sor.u32 s28, s25;
	v28 =	vadd.f32 v23, v22;
	s22 =	sor.u32 s28, s13;
	v31 =	vld [tilespmem:s23+$0x0];
	v23 =	vadd.f32 v23, v13;
	[tilespmem:s19+$0x0] =	vst v30;
	[smem:$0x7B8] =	sst s26  }
0x2c2: {  	s21 =	sor.u32 s16, s25;
	v37 =	vadd.f32 v18, v12;
	s26 =	sor.u32 s16, s5;
	s5 =	sld [smem:$0x7A8];
	v43 =	vld [tilespmem:s20+$0x100]  }
0x2c3: {  	s25 =	sadd.s32 $0x16480, s1;
	s23 =	sor.u32 s16, s13;
	[tilespmem:s22+$0x0] =	vst v23;
	v45 =	vld [tilespmem:s20+$0x0];
	s20 =	sld [smem:$0x7AD]  }
0x2c4: {  	s4 =	sor.u32 s15, s2;
	v60 =	vadd.f32 v27, v10;
	s22 =	sor.u32 s28, s25;
	[tilespmem:s23+$0x0] =	vst v37;
	[smem:$0x7B9] =	sst s26  }
0x2c5: {  	v26 =	vadd.f32 v17, v6;
	s12 =	sor.u32 s15, s6;
	v17 =	vld [tilespmem:s17+$0x0];
	s17 =	sor.u32 s15, s13;
	v61 =	vadd.f32 v25, v16;
	[tilespmem:s22+$0x0] =	vst v28;
	s22 =	sld [smem:$0x7CC]  }
0x2c6: {  	s0 =	sor.u32 s15, s25;
	s26 =	sadd.s32 $0x6180, s1;
	[tilespmem:s14+$0x0] =	vst v60;
	s14 =	sld [smem:$0x7AF]  }
0x2c7: {  	v62 =	vld [tilespmem:s31+$0x0];
	s29 =	sor.u32 s28, s26;
	[tilespmem:s17+$0x0] =	vst v61;
	s19 =	sor.u32 s15, s26;
	s17 =	rddreg [dreg:$0x14]  }
0x2c8: {  	[tilespmem:s5+$0x0] =	vst v26;
	s5 =	sor.u32 s3, s25;
	s25 =	sor.u32 s16, s25;
	s23 =	smov.u32 s20  }
0x2c9: {  	v36 =	vld [tilespmem:s9+$0x0];
	s9 =	sor.u32 s3, s26;
	[smem:$0x7C2] =	sst s25;
	s25 =	sor.u32 s16, s26  }
0x2ca: {  	s26 =	sor.u32 s28, s6;
	[dreg:$0x14] =	wrdreg s23;
	s23 =	smov.u32 s11  }
0x2cb: {  	s11 =	smov.u32 s12;
	s12 =	smov.u32 s4;
	s4 =	sld [smem:$0x7B0]  }
0x2cc: {  	s6 =	sor.u32 s16, s6;
	[smem:$0x7BB] =	sst s26  }
0x2cd: {  	[smem:$0x7BC] =	sst s6  }
0x2ce: {  	v38 =	vadd.f32 v31, v4;
	[smem:$0x7CC] =	sst s12  }
0x2cf: {  	s12 =	sld [smem:$0x7B4]  }
0x2d0: {  	v44 =	vld [tilespmem:s29+$0x0];
	s26 =	sor.u32 s16, s2;
	[tilespmem:s14+$0x0] =	vst v38;
	s14 =	sld [smem:$0x7B6]  }
0x2d1: {  	v63 =	vadd.f32 v17, v9;
	s2 =	sor.u32 s28, s2;
	[smem:$0x7BD] =	sst s26  }
0x2d2: {  	v32 =	vadd.f32 v17, v1;
	[smem:$0x7BF] =	sst s2  }
0x2d3: {  	[tilespmem:s17+$0x0] =	vst v63;
	s17 =	sadd.s32 $0x18780, s1;
	s6 =	sadd.s32 $0x18700, s1;
	s26 =	rddreg [dreg:$0xf]  }
0x2d4: {  	s2 =	smov.u32 s1;
	s1 =	sld [smem:$0x7AA];
	[tilespmem:s26+$0x0] =	vst v32;
	s26 =	sor.u32 s3, s6  }
0x2d5: {  	[smem:$0x7C0] =	sst s26;
	s26 =	sor.u32 s16, s6  }
0x2d6: {  	[smem:$0x7C3] =	sst s26  }
0x2d7: {  	s31 =	sor.u32 s15, s6;
	s6 =	sor.u32 s28, s6;
	s26 =	sld [smem:$0x7CB]  }
0x2d8: {  	[smem:$0x7C5] =	sst s6  }
0x2d9: {  	[smem:$0x7CB] =	sst s11  }
0x2da: {  	v34 =	vadd.f32 v17, v5;
	s29 =	smov.u32 s28;
	s11 =	sld [smem:$0x7B3]  }
0x2db: {  	s6 =	sor.u32 s28, s17;
	s28 =	smov.u32 s21;
	s21 =	sld [smem:$0x7B7]  }
0x2dc: {  	[smem:$0x7C6] =	sst s6;
	[tilespmem:s26+$0x0] =	vst v34;
	s26 =	sor.u32 s3, s17  }
0x2dd: {  	[smem:$0x7C1] =	sst s26  }
0x2de: {  	s6 =	smov.u32 s15;
	s26 =	sor.u32 s15, s17;
	s15 =	sld [smem:$0x7AB]  }
0x2df: {  	v42 =	vld [tilespmem:s22+$0x0];
	s17 =	sor.u32 s16, s17;
	s22 =	sld [smem:$0x7A9]  }
0x2e0: {  	v40 =	vadd.f32 v36, v8;
	[smem:$0x7C4] =	sst s17  }
0x2e1: {  	v41 =	vadd.f32 v36, v3;
	s17 =	smov.u32 s16;
	s16 =	smov.u32 s15;
	s15 =	sld [smem:$0x7CA]  }
0x2e2: {  	[tilespmem:s22+$0x0] =	vst v40;
	[smem:$0x7C9] =	sst s16  }
0x2e3: {  	v23 =	vadd.f32 v36, v6;
	[tilespmem:s18+$0x0] =	vst v41;
	s18 =	sld [smem:$0x7AC]  }
0x2e4: {  	v39 =	vadd.f32 v31, v0;
	s16 =	smov.u32 s10;
	s10 =	sld [smem:$0x7B2]  }
0x2e5: {  	[tilespmem:s7+$0x0] =	vst v23;
	s7 =	smov.u32 s1;
	s1 =	sld [smem:$0x7AE];
	v47 =	vadd.f32 v42, v1;
	v1 =	vmov v16;
	v16 =	vadd.f32 v18, v43;
	v18 =	vld [tilespmem:s15+$0x0]  }
0x2e6: {  	v17 =	vadd.f32 v31, v2;
	v2 =	vmov v22;
	s20 =	sadd.s32 $0x16500, s2;
	v48 =	vadd.f32 v44, v14;
	[smem:$0x7CA] =	sst s16;
	v22 =	vld [tilespmem:s18+$0x0]  }
0x2e7: {  	v25 =	vadd.f32 v25, v20;
	[tilespmem:s4+$0x0] =	vst v39;
	s16 =	rddreg [dreg:$0xc];
	s18 =	smov.u32 s8;
	s8 =	sor.u32 s29, s20  }
0x2e8: {  	s13 =	sor.u32 s3, s13;
	v33 =	vadd.f32 v59, v15;
	[tilespmem:s8+$0x0] =	vst v48;
	s8 =	sld [smem:$0x7CD]  }
0x2e9: {  	[tilespmem:s0+$0x0] =	vst v25;
	s0 =	sor.u32 s6, s20;
	s22 =	smov.u32 s3;
	v46 =	vadd.f32 v42, v9;
	[smem:$0x7C8] =	sst s7  }
0x2ea: {  	s3 =	sor.u32 s17, s20;
	v50 =	vld [tilespmem:s24+$0x0];
	[tilespmem:s13+$0x0] =	vst v33;
	s13 =	sld [smem:$0x7B5];
	s7 =	smov.u32 s1;
	v54 =	vadd.f32 v18, v11  }
0x2eb: {  	v25 =	vld [tilespmem:s19+$0x0];
	s4 =	sor.u32 s22, s20;
	s24 =	smov.u32 s21;
	[dreg:$0xf] =	wrdreg s7;
	[tilespmem:s8+$0x0] =	vst v46;
	v52 =	vadd.f32 v22, v8  }
0x2ec: {  	v49 =	vadd.f32 v44, v13;
	s21 =	sadd.s32 $0x6200, s2;
	s1 =	sadd.s32 $0x16580, s2;
	s7 =	sld [smem:$0x7B1];
	[tilespmem:s14+$0x0] =	vst v54  }
0x2ed: {  	s20 =	smov.u32 s11;
	[dreg:$0xc] =	wrdreg s24;
	v53 =	vadd.f32 v22, v3;
	s14 =	sor.u32 s29, s1;
	[tilespmem:s10+$0x0] =	vst v52  }
0x2ee: {  	v21 =	vadd.f32 v59, v19;
	s19 =	smov.u32 s13;
	s13 =	sadd.s32 $0x16600, s2;
	s10 =	sld [smem:$0x7B8];
	[tilespmem:s14+$0x0] =	vst v49  }
0x2ef: {  	s15 =	smov.u32 s7;
	v22 =	vadd.f32 v22, v6;
	s7 =	rddreg [dreg:$0x12];
	[tilespmem:s12+$0x0] =	vst v53;
	s12 =	smov.u32 s31  }
0x2f0: {  	s24 =	sor.u32 s22, s21;
	s8 =	sor.u32 s17, s13;
	[tilespmem:s5+$0x0] =	vst v21;
	[smem:$0x7CD] =	sst s12  }
0x2f1: {  	v6 =	vmov v19;
	v19 =	vadd.f32 v18, v7;
	s14 =	sor.u32 s29, s21;
	[tilespmem:s16+$0x0] =	vst v22;
	s11 =	smov.u32 s10;
	s16 =	rddreg [dreg:$0xe]  }
0x2f2: {  	s12 =	sor.u32 s6, s1;
	s5 =	sor.u32 s22, s1;
	[dreg:$0x12] =	wrdreg s11  }
0x2f3: {  	v51 =	vadd.f32 v44, v2;
	s10 =	sor.u32 s29, s13;
	v58 =	vld [tilespmem:s7+$0x0];
	[tilespmem:s16+$0x0] =	vst v19;
	s11 =	sor.u32 s6, s13;
	s16 =	rddreg [dreg:$0x15]  }
0x2f4: {  	v18 =	vadd.f32 v18, v10;
	v59 =	vld [tilespmem:s9+$0x0];
	s7 =	sor.u32 s6, s21;
	s9 =	sor.u32 s17, s21;
	s21 =	sld [smem:$0x7CF]  }
0x2f5: {  	[tilespmem:s10+$0x0] =	vst v51;
	s10 =	sor.u32 s17, s1;
	s1 =	sor.u32 s22, s13;
	s13 =	sld [smem:$0x7BC]  }
0x2f6: {  	[tilespmem:s16+$0x0] =	vst v18;
	s16 =	sld [smem:$0x7B9]  }
0x2f7: {  	v9 =	vmov v62;
	v19 =	vld [tilespmem:s14+$0x0];
	s14 =	rddreg [dreg:$0x16]  }
0x2f8: {  	v56 =	vadd.f32 v25, v9;
	v60 =	vld [tilespmem:s14+$0x0];
	s14 =	sld [smem:$0x7BA]  }
0x2f9: {  	[tilespmem:s21+$0x0] =	vst v47;
	s21 =	smov.u32 s16;
	s16 =	sld [smem:$0x7BB]  }
0x2fa: {  	[tilespmem:s0+$0x0] =	vst v56;
	s0 =	sld [smem:$0x7C5]  }
0x2fb: {  	[dreg:$0xe] =	wrdreg s21  }
0x2fc: {  	s21 =	smov.u32 s16;
	s16 =	smov.u32 s13;
	s13 =	sld [smem:$0x7BD]  }
0x2fd: {  	[tilespmem:s14+$0x0] =	vst v17;
	s14 =	sld [smem:$0x7BE]  }
0x2fe: {  	[dreg:$0x15] =	wrdreg s16  }
0x2ff: {  	s16 =	smov.u32 s13;
	s13 =	sld [smem:$0x7C0]  }
0x300: {  	v18 =	vadd.f32 v58, v8;
	[dreg:$0x16] =	wrdreg s16  }
0x301: {  	v55 =	vadd.f32 v25, v1;
	s16 =	rddreg [dreg:$0x1e]  }
0x302: {  	[tilespmem:s16+$0x0] =	vst v18;
	s16 =	sld [smem:$0x7BF]  }
0x303: {  	[tilespmem:s12+$0x0] =	vst v55;
	s12 =	sld [smem:$0x7C3]  }
0x304: {  	v18 =	vld [tilespmem:s14+$0x0];
	s14 =	sld [smem:$0x7D1]  }
0x305: {  	s31 =	smov.u32 s16;
	s16 =	smov.u32 s13;
	s13 =	sld [smem:$0x7C1]  }
0x306: {  	[dreg:$0x1e] =	wrdreg s16  }
0x307: {  	v5 =	vmov v20;
	s16 =	smov.u32 s26;
	s26 =	sld [smem:$0x7CE]  }
0x308: {  	v57 =	vadd.f32 v25, v5;
	v25 =	vadd.f32 v58, v3;
	[smem:$0x7CF] =	sst s16;
	s16 =	smov.u32 s13  }
0x309: {  	v8 =	vmov v50;
	[smem:$0x7CE] =	sst s16  }
0x30a: {  	v26 =	vadd.f32 v59, v8;
	[tilespmem:s26+$0x0] =	vst v25;
	s26 =	sld [smem:$0x7C2]  }
0x30b: {  	s16 =	sld [smem:$0x7C4]  }
0x30c: {  	v63 =	vadd.f32 v60, v11;
	s13 =	smov.u32 s12;
	[tilespmem:s4+$0x0] =	vst v26;
	s4 =	rddreg [dreg:$0x1c]  }
0x30d: {  	v3 =	vmov v15;
	[dreg:$0x1c] =	wrdreg s13;
	[tilespmem:s26+$0x0] =	vst v16;
	v16 =	vadd.f32 v60, v7  }
0x30e: {  	v17 =	vadd.f32 v59, v3;
	v61 =	vadd.f32 v19, v13;
	s13 =	sld [smem:$0x7D0];
	[tilespmem:s4+$0x0] =	vst v63  }
0x30f: {  	p2 =	slt.u32 s30, $0x3C;
	v7 =	vmovc v12;
	v12 =	vadd.f32 v18, v4;
	v18 =	vadd.f32 v18, v0;
	v0 =	vmov v13;
	v13 =	vld [tilespmem:s25+$0x0];
	[tilespmem:s14+$0x0] =	vst v16;
	s14 =	sld [smem:$0x7C6]  }
0x310: {  	[tilespmem:s11+$0x0] =	vst v57;
	s12 =	smov.u32 s0;
	s0 =	sadd.s32 $0x16680, s2;
	s26 =	rddreg [dreg:$0x17]  }
0x311: {  	s11 =	sor.u32 s6, s0;
	[tilespmem:s5+$0x0] =	vst v17;
	[dreg:$0x17] =	wrdreg s12;
	s25 =	smov.u32 s16  }
0x312: {  	v62 =	vadd.f32 v19, v14;
	s5 =	sadd.s32 $0x18400, s2;
	[tilespmem:s26+$0x0] =	vst v12;
	[smem:$0x7D1] =	sst s25;
	s16 =	smov.u32 s14  }
0x313: {  	v11 =	vmov v45;
	s26 =	sor.u32 s29, s0;
	[tilespmem:s13+$0x0] =	vst v18;
	s25 =	sadd.s32 $0x16700, s2;
	[smem:$0x7D0] =	sst s16  }
0x314: {  	v4 =	vmov v14;
	v12 =	vld [tilespmem:s7+$0x0];
	s7 =	sor.u32 s29, s5;
	[tilespmem:s26+$0x0] =	vst v62;
	s14 =	sor.u32 s29, s25;
	s16 =	sld [smem:$0x7C7];
	v14 =	vadd.f32 v13, v11  }
.Ltmp5:
0x315: {  	v10 =	vmov v43;
	s13 =	sor.u32 s22, s0;
	s0 =	sor.u32 s17, s0;
	[tilespmem:s14+$0x0] =	vst v61;
	v16 =	vadd.f32 v13, v7;
	(pc) =	sbr.rel @p2 .LBB2_8-.Ltmp5, $4  }
0x316: {  	[smem:$0x7D2] =	sst s13;
	s12 =	sor.u32 s6, s25;
	s4 =	sor.u32 s17, s25;
	v13 =	vadd.f32 v13, v10;
	[tilespmem:s3+$0x0] =	vst v14  }
0x317: {  	v19 =	vadd.f32 v19, v2;
	s26 =	sor.u32 s22, s25;
	s3 =	sadd.s32 $0x16780, s2;
	s25 =	sadd.s32 $0x40, s16;
	[tilespmem:s10+$0x0] =	vst v16  }
0x318: {  	v15 =	vadd.f32 v59, v6;
	s10 =	sadd.s32 $0x6280, s2;
	s13 =	sor.u32 s29, s3;
	s16 =	sor.u32 s6, s3;
	[tilespmem:s8+$0x0] =	vst v13  }
0x319: {  	v14 =	vadd.f32 v12, v5;
	v16 =	vadd.f32 v12, v9;
	s8 =	sor.u32 s17, s3;
	s14 =	sor.u32 s6, s10;
	[tilespmem:s13+$0x0] =	vst v19;
	s13 =	sor.u32 s29, s10;
	v13 =	vld [tilespmem:s9+$0x0]  }
0x31a: {  	_ =	sdelay $0x1  }
0x31b: {  	[tilespmem:s1+$0x0] =	vst v15;
	v12 =	vadd.f32 v12, v1  }
0x31c: {  	[tilespmem:s11+$0x0] =	vst v16  }
0x31d: {  	[tilespmem:s12+$0x0] =	vst v12;
	v12 =	vadd.f32 v13, v11  }
0x31e: {  	v15 =	vld [tilespmem:s24+$0x0];
	[tilespmem:s16+$0x0] =	vst v14;
	v14 =	vadd.f32 v13, v7  }
0x31f: {  	[tilespmem:s0+$0x0] =	vst v12;
	v12 =	vadd.f32 v13, v10  }
0x320: {  	[tilespmem:s4+$0x0] =	vst v14  }
0x321: {  	v16 =	vld [tilespmem:s13+$0x0];
	[tilespmem:s8+$0x0] =	vst v12  }
0x322: {  	s0 =	sld [smem:$0x7D2]  }
0x323: {  	v13 =	vld [tilespmem:s14+$0x0];
	v14 =	vadd.f32 v15, v8  }
0x324: {  	v12 =	vadd.f32 v15, v3  }
0x325: {  	[tilespmem:s0+$0x0] =	vst v14;
	v14 =	vadd.f32 v15, v6  }
0x326: {  	s11 =	sor.u32 s22, s3;
	[tilespmem:s26+$0x0] =	vst v12;
	v12 =	vadd.f32 v16, v4  }
0x327: {  	s14 =	sadd.s32 $0x18480, s2;
	[tilespmem:s11+$0x0] =	vst v14;
	v14 =	vadd.f32 v16, v0  }
0x328: {  	s12 =	sor.u32 s17, s10;
	s16 =	sor.u32 s29, s14;
	v17 =	vadd.f32 v13, v9;
	[tilespmem:s7+$0x0] =	vst v12  }
0x329: {  	s13 =	sor.u32 s22, s10;
	s24 =	sor.u32 s6, s5;
	v15 =	vld [tilespmem:s12+$0x0];
	[tilespmem:s16+$0x0] =	vst v14;
	v14 =	vadd.f32 v13, v1  }
0x32a: {  	s25 =	sadd.s32 $0x18500, s2;
	[tilespmem:s24+$0x0] =	vst v17;
	s26 =	sor.u32 s6, s14;
	v12 =	vld [tilespmem:s13+$0x0];
	v13 =	vadd.f32 v13, v5  }
0x32b: {  	s3 =	sor.u32 s6, s25;
	[tilespmem:s26+$0x0] =	vst v14;
	v14 =	vadd.f32 v16, v2  }
0x32c: {  	s4 =	sor.u32 s29, s25;
	[tilespmem:s3+$0x0] =	vst v13  }
0x32d: {  	[tilespmem:s4+$0x0] =	vst v14  }
0x32e: {  	v13 =	vadd.f32 v15, v11;
	s7 =	sld [smem:$0x7C8]  }
0x32f: {  	s6 =	sor.u32 s17, s5;
	v14 =	vadd.f32 v12, v8  }
0x330: {  	s8 =	sor.u32 s22, s5;
	[tilespmem:s6+$0x0] =	vst v13;
	v13 =	vadd.f32 v12, v3  }
0x331: {  	s9 =	sor.u32 s22, s14;
	v12 =	vadd.f32 v12, v6;
	[tilespmem:s8+$0x0] =	vst v14;
	v16 =	vld [tilespmem:s7+$0x0]  }
0x332: {  	s10 =	sor.u32 s22, s25;
	[tilespmem:s9+$0x0] =	vst v13;
	v13 =	vadd.f32 v15, v7  }
0x333: {  	s1 =	sor.u32 s17, s14;
	s11 =	sld [smem:$0x7C9];
	[tilespmem:s10+$0x0] =	vst v12;
	v12 =	vadd.f32 v15, v10  }
0x334: {  	s0 =	sor.u32 s17, s25;
	[tilespmem:s1+$0x0] =	vst v13  }
0x335: {  	[tilespmem:s0+$0x0] =	vst v12  }
0x336: {  	s0 =	sld [smem:$0x7CA];
	v15 =	vadd.f32 v16, v9  }
0x337: {  	v13 =	vld [tilespmem:s23+$0x0];
	s12 =	rddreg [dreg:$0x14]  }
0x338: {  	v14 =	vld [tilespmem:s11+$0x0];
	v12 =	vadd.f32 v16, v1;
	[tilespmem:s12+$0x0] =	vst v15  }
0x339: {  	v17 =	vld [tilespmem:s0+$0x0];
	s0 =	rddreg [dreg:$0xf]  }
0x33a: {  	[tilespmem:s0+$0x0] =	vst v12  }
0x33b: {  	s0 =	sld [smem:$0x7CB]  }
0x33c: {  	v5 =	vadd.f32 v16, v5  }
0x33d: {  	v15 =	vadd.f32 v14, v4  }
0x33e: {  	[tilespmem:s0+$0x0] =	vst v5;
	v5 =	vadd.f32 v13, v8  }
0x33f: {  	v12 =	vadd.f32 v13, v3;
	[tilespmem:s18+$0x0] =	vst v15  }
0x340: {  	[tilespmem:s20+$0x0] =	vst v5;
	v5 =	vadd.f32 v17, v11  }
0x341: {  	[tilespmem:s19+$0x0] =	vst v12  }
0x342: {  	v6 =	vadd.f32 v13, v6;
	s0 =	sld [smem:$0x7CC];
	[tilespmem:s28+$0x0] =	vst v5  }
0x343: {  	s13 =	rddreg [dreg:$0xc]  }
0x344: {  	v13 =	vadd.f32 v17, v7;
	[tilespmem:s13+$0x0] =	vst v6  }
0x345: {  	v6 =	vadd.f32 v14, v0;
	s14 =	rddreg [dreg:$0xe]  }
0x346: {  	v5 =	vadd.f32 v17, v10;
	v12 =	vld [tilespmem:s0+$0x0];
	s0 =	rddreg [dreg:$0x12];
	[tilespmem:s14+$0x0] =	vst v13  }
0x347: {  	v2 =	vadd.f32 v14, v2;
	v10 =	vld [tilespmem:s0+$0x0];
	s0 =	rddreg [dreg:$0x15];
	[tilespmem:s15+$0x0] =	vst v6  }
0x348: {  	[tilespmem:s0+$0x0] =	vst v5  }
0x349: {  	s0 =	rddreg [dreg:$0x16];
	[tilespmem:s21+$0x0] =	vst v2  }
0x34a: {  	s15 =	sld [smem:$0x7CD]  }
0x34b: {  	v6 =	vadd.f32 v12, v9;
	_ =	sdelay $0x1  }
0x34c: {  	[tilespmem:s15+$0x0] =	vst v6  }
0x34d: {  	v5 =	vld [tilespmem:s0+$0x0];
	s0 =	sld [smem:$0x7CF]  }
0x34e: {  	v1 =	vadd.f32 v12, v1;
	_ =	sdelay $0x1  }
0x34f: {  	v6 =	vadd.f32 v10, v8;
	[tilespmem:s0+$0x0] =	vst v1  }
0x350: {  	s0 =	rddreg [dreg:$0x1e]  }
0x351: {  	[tilespmem:s0+$0x0] =	vst v6  }
0x352: {  	s0 =	sld [smem:$0x7CE]  }
0x353: {  	v1 =	vadd.f32 v10, v3;
	_ =	sdelay $0x1  }
0x354: {  	v3 =	vadd.f32 v5, v11;
	[tilespmem:s0+$0x0] =	vst v1  }
0x355: {  	v2 =	vld [tilespmem:s31+$0x0];
	s0 =	rddreg [dreg:$0x1c]  }
0x356: {  	[tilespmem:s0+$0x0] =	vst v3  }
0x357: {  	s0 =	sld [smem:$0x7D1]  }
0x358: {  	v1 =	vadd.f32 v5, v7;
	_ =	sdelay $0x1  }
0x359: {  	v4 =	vadd.f32 v2, v4;
	[tilespmem:s0+$0x0] =	vst v1  }
0x35a: {  	s0 =	rddreg [dreg:$0x17]  }
0x35b: {  	[tilespmem:s0+$0x0] =	vst v4  }
0x35c: {  	s0 =	sld [smem:$0x7D0]  }
0x35d: {  	v0 =	vadd.f32 v2, v0;
	_ =	sdelay $0x1  }
0x35e: {  	[tilespmem:s0+$0x0] =	vst v0  }
0x35f: {  	s16 =	simm.s32 $0x0;
	s1 =	sld [smem:$0x7F7]  }
0x360: {  	s4 =	sand.u32 $0x40, s16  }
0x361: {  	s17 =	simm.s32 $0x16400;
	s3 =	sor.u32 $0x30, s4;
	s18 =	simm.s32 $0x2  }
0x362: {  	[hbm4b:s1+s16] =	stream.linear.scatter [tilespmem:s17], [sflag:$0x4], $0x4000, $0x38;
	[tilespmem:$0x1A400] =	vst v63  }
0x363: {  	s20 =	simm.s32 $0x0;
	s19 =	simm.s32 $0x0;
	_ =	swait.ge [sflag:s18], $0x4000  }
0x364: {  	s9 =	sand.u32 $0xFFFFFC00, s20;
	s1 =	sand.u32 $0x3FFFFE00, s19;
	[sflag:s18] =	ssyncset.done $0x0  }
0x365: {  	s21 =	sadd.s32 $0xD000, s1;
	s1 =	sor.u32 s3, s9;
	[sflag:s18] =	ssyncadd.s32 $0xFFFFC000  }
0x366: {  	s22 =	sor.u32 s3, s21;
	v1 =	vld [tilespmem:s1+$0x6380]  }
0x367: {  	v0 =	vld [tilespmem:s22+$0x100];
	_ =	sdelay $0x1  }
0x368: {  	s23 =	sor.u32 s4, s21  }
0x369: {  	s0 =	sor.u32 s16, s9;
	v11 =	vld [tilespmem:s23+$0x100]  }
0x36a: {  	s25 =	sor.u32 $0x2380, s0;
	v2 =	vld [tilespmem:s22+$0x0]  }
0x36b: {  	s24 =	sadd.s32 $0xE400, s9;
	v3 =	vadd.f32 v1, v0;
	v1 =	vld [tilespmem:s22+$0x80];
	[dreg:$0x6] =	wrdreg s25  }
0x36c: {  	s26 =	sadd.s32 $0x8000, s9;
	s0 =	sor.u32 s3, s24;
	v4 =	vld [tilespmem:s25+$0x4000]  }
0x36d: {  	s14 =	sor.u32 s3, s26;
	[tilespmem:s0+$0x0] =	vst v3  }
0x36e: {  	v3 =	vld [tilespmem:s14+$0x0]  }
0x36f: {  	s6 =	sor.u32 $0x10, s4  }
0x370: {  	s15 =	sor.u32 s6, s21  }
0x371: {  	v10 =	vld [tilespmem:s15+$0x100];
	v4 =	vadd.f32 v4, v11  }
0x372: {  	s8 =	sor.u32 $0x20, s4;
	s5 =	sor.u32 s4, s24;
	v16 =	vld [tilespmem:s23+$0x0]  }
0x373: {  	s17 =	sor.u32 s6, s9;
	s16 =	sor.u32 s8, s21;
	v14 =	vld [tilespmem:s23+$0x80];
	v5 =	vadd.f32 v3, v2;
	[tilespmem:s5+$0x0] =	vst v4  }
0x374: {  	v9 =	vld [tilespmem:s16+$0x100];
	[dreg:$0x8] =	wrdreg s17  }
0x375: {  	s18 =	sor.u32 s8, s9;
	v4 =	vadd.f32 v3, v1;
	[tilespmem:s0+$0x80] =	vst v5  }
0x376: {  	v3 =	vadd.f32 v3, v0;
	v6 =	vld [tilespmem:s17+$0x6380];
	[dreg:$0x7] =	wrdreg s18  }
0x377: {  	s20 =	sadd.s32 $0x8080, s9;
	s19 =	sor.u32 s4, s26;
	v5 =	vld [tilespmem:s18+$0x6380];
	[tilespmem:s0+$0x100] =	vst v4  }
0x378: {  	s21 =	sor.u32 s3, s20;
	v4 =	vld [tilespmem:s19+$0x0];
	[tilespmem:s0+$0x180] =	vst v3  }
0x379: {  	v3 =	vld [tilespmem:s21+$0x0]  }
0x37a: {  	v17 =	vld [tilespmem:s15+$0x0]  }
0x37b: {  	v15 =	vld [tilespmem:s15+$0x80];
	v6 =	vadd.f32 v6, v10  }
0x37c: {  	s7 =	sor.u32 s6, s24;
	v13 =	vld [tilespmem:s16+$0x0];
	v5 =	vadd.f32 v5, v9  }
0x37d: {  	s22 =	sor.u32 s6, s26;
	s15 =	sor.u32 s8, s24;
	v12 =	vld [tilespmem:s16+$0x80];
	[tilespmem:s7+$0x0] =	vst v6;
	v6 =	vadd.f32 v4, v16  }
0x37e: {  	v7 =	vld [tilespmem:s22+$0x0];
	[tilespmem:s15+$0x0] =	vst v5;
	v5 =	vadd.f32 v3, v2  }
0x37f: {  	[tilespmem:s5+$0x80] =	vst v6;
	v6 =	vadd.f32 v3, v1  }
0x380: {  	s23 =	sor.u32 s8, s26;
	v3 =	vadd.f32 v3, v0;
	[tilespmem:s0+$0x200] =	vst v5  }
0x381: {  	s17 =	sadd.s32 $0x8100, s9;
	v8 =	vadd.f32 v4, v14;
	v5 =	vld [tilespmem:s23+$0x0];
	[tilespmem:s0+$0x280] =	vst v6  }
0x382: {  	s24 =	sor.u32 s3, s17;
	v4 =	vadd.f32 v4, v11;
	[tilespmem:s0+$0x300] =	vst v3  }
0x383: {  	[tilespmem:s5+$0x100] =	vst v8;
	v6 =	vld [tilespmem:s24+$0x0];
	v3 =	vadd.f32 v7, v17  }
0x384: {  	[tilespmem:s5+$0x180] =	vst v4;
	v8 =	vadd.f32 v7, v15  }
0x385: {  	s25 =	sor.u32 s4, s20;
	v4 =	vadd.f32 v7, v10;
	[tilespmem:s7+$0x80] =	vst v3  }
0x386: {  	v7 =	vld [tilespmem:s25+$0x0];
	[tilespmem:s7+$0x100] =	vst v8;
	v3 =	vadd.f32 v5, v13  }
0x387: {  	[tilespmem:s7+$0x180] =	vst v4;
	v8 =	vadd.f32 v5, v12  }
0x388: {  	[tilespmem:s15+$0x80] =	vst v3;
	v3 =	vadd.f32 v6, v2  }
0x389: {  	s26 =	sor.u32 s6, s20;
	s23 =	sadd.s32 $0x10400, s9;
	v4 =	vadd.f32 v6, v1;
	[tilespmem:s15+$0x100] =	vst v8  }
0x38a: {  	s16 =	sadd.s32 $0x10480, s9;
	s10 =	sor.u32 s3, s23;
	v8 =	vld [tilespmem:s26+$0x0];
	[tilespmem:s0+$0x380] =	vst v3;
	v3 =	vadd.f32 v6, v0  }
0x38b: {  	s12 =	sadd.s32 $0x8180, s9;
	s11 =	sor.u32 s3, s16;
	v6 =	vadd.f32 v7, v16;
	[tilespmem:s10+$0x0] =	vst v4  }
0x38c: {  	s13 =	sor.u32 s3, s12;
	v4 =	vadd.f32 v7, v14;
	[tilespmem:s11+$0x0] =	vst v3  }
0x38d: {  	v3 =	vadd.f32 v7, v11;
	[tilespmem:s5+$0x200] =	vst v6;
	v6 =	vld [tilespmem:s13+$0x0]  }
0x38e: {  	v5 =	vadd.f32 v5, v9;
	[tilespmem:s5+$0x280] =	vst v4  }
0x38f: {  	s14 =	sor.u32 s4, s17;
	v4 =	vadd.f32 v8, v17;
	[tilespmem:s5+$0x300] =	vst v3  }
0x390: {  	s2 =	sadd.s32 $0x10500, s9;
	s18 =	sor.u32 s8, s20;
	[tilespmem:s15+$0x180] =	vst v5;
	v3 =	vadd.f32 v8, v15;
	v5 =	vld [tilespmem:s14+$0x0]  }
0x391: {  	s19 =	sor.u32 s6, s17;
	s20 =	sor.u32 s3, s2;
	s22 =	simm.s32 $0x100;
	v7 =	vld [tilespmem:s18+$0x0];
	v8 =	vadd.f32 v8, v10;
	[tilespmem:s7+$0x200] =	vst v4  }
0x392: {  	s24 =	simm.s32 $0x200;
	s25 =	simm.s32 $0x40;
	s26 =	sand.u32 $0x3FFFFE00, s22;
	[tilespmem:s7+$0x280] =	vst v3;
	v3 =	vadd.f32 v6, v2  }
0x393: {  	s0 =	sadd.s32 $0xD000, s26;
	s18 =	sadd.s32 $0x10580, s9;
	s11 =	sand.u32 $0x40, s25;
	[tilespmem:s7+$0x300] =	vst v8;
	v4 =	vadd.f32 v6, v1  }
0x394: {  	s10 =	sadd.s32 $0x10600, s9;
	s21 =	sor.u32 s3, s18;
	s13 =	sor.u32 $0x30, s11;
	[tilespmem:s20+$0x0] =	vst v3;
	v3 =	vadd.f32 v6, v0  }
0x395: {  	s22 =	sor.u32 s3, s10;
	s14 =	sand.u32 $0xFFFFFC00, s24;
	v6 =	vld [tilespmem:s19+$0x0];
	v8 =	vadd.f32 v5, v16;
	s20 =	sor.u32 s13, s0;
	[tilespmem:s21+$0x0] =	vst v4  }
0x396: {  	v18 =	vadd.f32 v7, v12;
	s19 =	sor.u32 s13, s14;
	v20 =	vld [tilespmem:s20+$0x100];
	[tilespmem:s22+$0x0] =	vst v3  }
0x397: {  	v4 =	vadd.f32 v7, v13;
	v3 =	vld [tilespmem:s19+$0x6380];
	[tilespmem:s5+$0x380] =	vst v8;
	s5 =	sadd.s32 $0x8200, s9  }
0x398: {  	[tilespmem:s15+$0x280] =	vst v18;
	v7 =	vadd.f32 v7, v9;
	s24 =	sor.u32 s3, s5  }
0x399: {  	v8 =	vadd.f32 v5, v14;
	[tilespmem:s15+$0x200] =	vst v4;
	v4 =	vld [tilespmem:s24+$0x0]  }
0x39a: {  	s26 =	sor.u32 s4, s23;
	v5 =	vadd.f32 v5, v11;
	[tilespmem:s15+$0x300] =	vst v7  }
0x39b: {  	v22 =	vld [tilespmem:s20+$0x0];
	s22 =	sor.u32 s4, s16;
	[tilespmem:s26+$0x0] =	vst v8;
	v8 =	vadd.f32 v6, v17  }
0x39c: {  	s17 =	sor.u32 s8, s17;
	v21 =	vld [tilespmem:s20+$0x80];
	[tilespmem:s22+$0x0] =	vst v5;
	s22 =	sadd.s32 $0xE400, s14;
	v3 =	vadd.f32 v3, v20  }
0x39d: {  	s21 =	sadd.s32 $0x8000, s14;
	v7 =	vld [tilespmem:s17+$0x0];
	v5 =	vadd.f32 v6, v15;
	s20 =	sor.u32 s13, s22;
	[tilespmem:s7+$0x380] =	vst v8  }
0x39e: {  	s24 =	sor.u32 s6, s23;
	s26 =	sor.u32 s13, s21;
	s7 =	sadd.s32 $0x10680, s9;
	v2 =	vadd.f32 v4, v2;
	[tilespmem:s20+$0x0] =	vst v3  }
0x39f: {  	s17 =	sadd.s32 $0x10700, s9;
	[tilespmem:s24+$0x0] =	vst v5;
	v1 =	vadd.f32 v4, v1;
	v3 =	vld [tilespmem:s26+$0x0];
	s26 =	sor.u32 s3, s7  }
0x3a0: {  	v0 =	vadd.f32 v4, v0;
	s3 =	sor.u32 s3, s17;
	[tilespmem:s26+$0x0] =	vst v2  }
0x3a1: {  	[tilespmem:s3+$0x0] =	vst v1;
	v1 =	vadd.f32 v6, v10  }
0x3a2: {  	s24 =	sor.u32 s6, s16;
	[tilespmem:s1+$0x10780] =	vst v0;
	v0 =	vadd.f32 v7, v13  }
0x3a3: {  	v4 =	vadd.f32 v7, v12;
	[tilespmem:s24+$0x0] =	vst v1  }
0x3a4: {  	s26 =	sor.u32 s4, s12;
	s3 =	sor.u32 s8, s23;
	[tilespmem:s15+$0x380] =	vst v0  }
0x3a5: {  	s9 =	sor.u32 s6, s12;
	v2 =	vld [tilespmem:s26+$0x0];
	v0 =	vadd.f32 v3, v22;
	s15 =	simm.s32 $0x40;
	[tilespmem:s3+$0x0] =	vst v4  }
0x3a6: {  	v1 =	vadd.f32 v3, v21;
	v5 =	vld [tilespmem:s9+$0x0];
	[dreg:$0xa] =	wrdreg s15  }
0x3a7: {  	s23 =	sor.u32 s25, s14;
	[tilespmem:s20+$0x80] =	vst v0  }
0x3a8: {  	s24 =	sor.u32 $0x2380, s23;
	v3 =	vadd.f32 v3, v20;
	s3 =	sor.u32 s11, s0;
	[tilespmem:s20+$0x100] =	vst v1  }
0x3a9: {  	v4 =	vadd.f32 v7, v9;
	v0 =	vld [tilespmem:s3+$0x100];
	[dreg:$0xb] =	wrdreg s24  }
0x3aa: {  	s25 =	sor.u32 s8, s16;
	s9 =	sadd.s32 $0x8080, s14;
	v1 =	vadd.f32 v2, v16;
	v6 =	vld [tilespmem:s24+$0x4000];
	[tilespmem:s20+$0x180] =	vst v3  }
0x3ab: {  	s26 =	sor.u32 s13, s9;
	s15 =	sor.u32 s4, s2;
	[tilespmem:s25+$0x0] =	vst v4;
	v3 =	vadd.f32 v2, v14  }
0x3ac: {  	s16 =	sor.u32 s4, s18;
	[tilespmem:s15+$0x0] =	vst v1;
	v1 =	vadd.f32 v2, v11;
	v7 =	vld [tilespmem:s26+$0x0]  }
0x3ad: {  	s23 =	sor.u32 s4, s10;
	v2 =	vadd.f32 v5, v17;
	[tilespmem:s16+$0x0] =	vst v3  }
0x3ae: {  	s12 =	sor.u32 s8, s12;
	s24 =	sor.u32 s6, s2;
	v4 =	vld [tilespmem:s3+$0x80];
	[tilespmem:s23+$0x0] =	vst v1;
	v1 =	vadd.f32 v5, v15  }
0x3af: {  	s15 =	sor.u32 $0x10, s11;
	s25 =	sor.u32 s6, s18;
	v8 =	vld [tilespmem:s12+$0x0];
	[tilespmem:s24+$0x0] =	vst v2;
	v6 =	vadd.f32 v6, v0  }
0x3b0: {  	v3 =	vld [tilespmem:s3+$0x0];
	s16 =	sor.u32 $0x20, s11;
	s3 =	sor.u32 s11, s22;
	s23 =	sor.u32 s15, s0;
	[tilespmem:s25+$0x0] =	vst v1  }
0x3b1: {  	s26 =	sor.u32 s15, s14;
	s0 =	sor.u32 s16, s0;
	v2 =	vld [tilespmem:s23+$0x100];
	v18 =	vadd.f32 v7, v22;
	[tilespmem:s3+$0x0] =	vst v6  }
0x3b2: {  	v1 =	vld [tilespmem:s0+$0x100];
	[smem:$0x7A0] =	sst s26  }
0x3b3: {  	s12 =	sor.u32 s16, s14;
	v6 =	vadd.f32 v7, v21;
	[tilespmem:s20+$0x200] =	vst v18  }
0x3b4: {  	v7 =	vadd.f32 v7, v20;
	v19 =	vld [tilespmem:s26+$0x6380];
	[smem:$0x7A1] =	sst s12  }
0x3b5: {  	s24 =	sor.u32 s11, s21;
	v5 =	vadd.f32 v5, v10;
	v18 =	vld [tilespmem:s12+$0x6380];
	[tilespmem:s20+$0x280] =	vst v6  }
0x3b6: {  	s25 =	sor.u32 s6, s10;
	s12 =	sadd.s32 $0x8100, s14;
	v23 =	vld [tilespmem:s24+$0x0];
	v6 =	vadd.f32 v8, v13;
	[tilespmem:s20+$0x300] =	vst v7  }
0x3b7: {  	[tilespmem:s25+$0x0] =	vst v5;
	s24 =	sor.u32 s8, s2;
	v7 =	vadd.f32 v8, v12;
	v5 =	vld [tilespmem:s23+$0x0];
	s26 =	sor.u32 s13, s12  }
0x3b8: {  	s25 =	sor.u32 s8, s18;
	v24 =	vld [tilespmem:s26+$0x0];
	[tilespmem:s24+$0x0] =	vst v6;
	v6 =	vadd.f32 v8, v9  }
0x3b9: {  	s26 =	sor.u32 s8, s10;
	v8 =	vld [tilespmem:s0+$0x80];
	[tilespmem:s25+$0x0] =	vst v7;
	v19 =	vadd.f32 v19, v2  }
0x3ba: {  	s1 =	sor.u32 s15, s22;
	v7 =	vld [tilespmem:s23+$0x80];
	[tilespmem:s26+$0x0] =	vst v6;
	v18 =	vadd.f32 v18, v1  }
0x3bb: {  	s2 =	sor.u32 s15, s21;
	s10 =	sor.u32 s16, s22;
	v6 =	vld [tilespmem:s0+$0x0];
	[tilespmem:s1+$0x0] =	vst v19;
	v19 =	vadd.f32 v23, v3  }
0x3bc: {  	v25 =	vld [tilespmem:s2+$0x0];
	[tilespmem:s10+$0x0] =	vst v18;
	v18 =	vadd.f32 v23, v4  }
0x3bd: {  	[tilespmem:s3+$0x80] =	vst v19;
	v19 =	vadd.f32 v24, v22  }
0x3be: {  	s18 =	sor.u32 s16, s21;
	v23 =	vadd.f32 v23, v0;
	[tilespmem:s3+$0x100] =	vst v18  }
0x3bf: {  	s0 =	sadd.s32 $0x10400, s14;
	v26 =	vadd.f32 v24, v21;
	v18 =	vld [tilespmem:s18+$0x0];
	[tilespmem:s20+$0x380] =	vst v19  }
0x3c0: {  	s21 =	sor.u32 s13, s0;
	s2 =	sadd.s32 $0x10480, s14;
	[tilespmem:s3+$0x180] =	vst v23;
	v19 =	vadd.f32 v24, v20  }
0x3c1: {  	s22 =	sor.u32 s13, s2;
	s20 =	sor.u32 s11, s9;
	[tilespmem:s21+$0x0] =	vst v26;
	v57 =	vadd.f32 v25, v5  }
0x3c2: {  	v23 =	vld [tilespmem:s20+$0x0];
	[tilespmem:s22+$0x0] =	vst v19;
	v19 =	vadd.f32 v25, v7  }
0x3c3: {  	s18 =	sadd.s32 $0x8180, s14;
	v25 =	vadd.f32 v25, v2;
	[tilespmem:s1+$0x80] =	vst v57  }
0x3c4: {  	s23 =	sor.u32 s13, s18;
	[tilespmem:s1+$0x100] =	vst v19;
	v58 =	vadd.f32 v18, v6  }
0x3c5: {  	v19 =	vld [tilespmem:s23+$0x0];
	[tilespmem:s1+$0x180] =	vst v25;
	v59 =	vadd.f32 v18, v8  }
0x3c6: {  	s24 =	sor.u32 s15, s9;
	v18 =	vadd.f32 v18, v1;
	[tilespmem:s10+$0x80] =	vst v58  }
0x3c7: {  	v25 =	vld [tilespmem:s24+$0x0];
	v60 =	vadd.f32 v23, v3;
	[tilespmem:s10+$0x100] =	vst v59  }
0x3c8: {  	v61 =	vadd.f32 v23, v4;
	v23 =	vadd.f32 v23, v0;
	[tilespmem:s10+$0x180] =	vst v18  }
0x3c9: {  	[tilespmem:s3+$0x200] =	vst v60  }
0x3ca: {  	s21 =	sadd.s32 $0x10500, s14;
	[tilespmem:s3+$0x300] =	vst v23;
	v23 =	vadd.f32 v19, v22  }
0x3cb: {  	s20 =	sadd.s32 $0x10580, s14;
	s26 =	sor.u32 s13, s21;
	[tilespmem:s3+$0x280] =	vst v61;
	v18 =	vadd.f32 v19, v21  }
0x3cc: {  	s24 =	sor.u32 s13, s20;
	[tilespmem:s26+$0x0] =	vst v23;
	v23 =	vadd.f32 v25, v5  }
0x3cd: {  	s23 =	sor.u32 s4, s5;
	[tilespmem:s24+$0x0] =	vst v18;
	v18 =	vadd.f32 v25, v7  }
0x3ce: {  	s9 =	sor.u32 s16, s9;
	v27 =	vld [tilespmem:s23+$0x0];
	[tilespmem:s1+$0x200] =	vst v23  }
0x3cf: {  	s25 =	sor.u32 s11, s12;
	v62 =	vld [tilespmem:s9+$0x0];
	s26 =	sor.u32 s4, s7;
	[tilespmem:s1+$0x280] =	vst v18  }
0x3d0: {  	v24 =	vld [tilespmem:s25+$0x0];
	s25 =	sor.u32 s6, s5;
	s4 =	sor.u32 s4, s17;
	v25 =	vadd.f32 v25, v2;
	[smem:$0x7A2] =	sst s26  }
0x3d1: {  	s22 =	sor.u32 s8, s5;
	s5 =	sadd.s32 $0x10600, s14;
	v18 =	vadd.f32 v19, v20;
	v23 =	vld [tilespmem:s25+$0x0];
	[smem:$0x7A3] =	sst s4  }
0x3d2: {  	s24 =	sor.u32 s13, s5;
	[tilespmem:s1+$0x300] =	vst v25  }
0x3d3: {  	s23 =	sor.u32 s15, s12;
	s25 =	sor.u32 s6, s7;
	[tilespmem:s24+$0x0] =	vst v18  }
0x3d4: {  	s26 =	sor.u32 s6, s17;
	v25 =	vld [tilespmem:s23+$0x0];
	[smem:$0x7A4] =	sst s25  }
0x3d5: {  	s6 =	sor.u32 s8, s7;
	[smem:$0x7A5] =	sst s26  }
0x3d6: {  	v19 =	vadd.f32 v24, v3;
	s7 =	sor.u32 s8, s17;
	[smem:$0x7A6] =	sst s6  }
0x3d7: {  	v18 =	vadd.f32 v62, v6;
	s23 =	sadd.s32 $0x8200, s14;
	[smem:$0x7A7] =	sst s7  }
0x3d8: {  	v14 =	vadd.f32 v27, v14;
	v26 =	vadd.f32 v62, v1;
	v28 =	vld [tilespmem:s22+$0x0];
	[tilespmem:s3+$0x380] =	vst v19;
	s8 =	sor.u32 s13, s23  }
0x3d9: {  	s28 =	sor.u32 s16, s2;
	s30 =	sor.u32 s16, s21;
	s31 =	sor.u32 s16, s20;
	v19 =	vadd.f32 v27, v16;
	v16 =	vadd.f32 v62, v8;
	[tilespmem:s10+$0x200] =	vst v18;
	v29 =	vld [tilespmem:s8+$0x0]  }
0x3da: {  	s9 =	sor.u32 s16, s12;
	s12 =	sor.u32 s11, s2;
	s17 =	sor.u32 s15, s2;
	v18 =	vadd.f32 v27, v11;
	v11 =	vadd.f32 v24, v4;
	[tilespmem:s10+$0x300] =	vst v26  }
0x3db: {  	s2 =	sor.u32 s16, s18;
	s4 =	sor.u32 s15, s20;
	s24 =	sor.u32 s11, s0;
	[tilespmem:s10+$0x280] =	vst v16;
	v16 =	vadd.f32 v23, v17;
	v17 =	vadd.f32 v24, v0  }
0x3dc: {  	s25 =	sor.u32 s15, s0;
	s26 =	sor.u32 s16, s0;
	s6 =	sor.u32 s15, s18;
	[tilespmem:s24+$0x0] =	vst v11;
	v15 =	vadd.f32 v23, v15;
	v63 =	vld [tilespmem:s9+$0x0];
	v11 =	vadd.f32 v25, v5  }
0x3dd: {  	s0 =	sadd.s32 $0x10680, s14;
	s14 =	sadd.s32 $0x10700, s14;
	s22 =	sor.u32 s11, s18;
	v10 =	vadd.f32 v23, v10;
	[tilespmem:s12+$0x0] =	vst v17;
	v17 =	vadd.f32 v25, v7  }
0x3de: {  	s7 =	sor.u32 s15, s5;
	s3 =	sor.u32 s15, s21;
	s18 =	sor.u32 s11, s0;
	v23 =	vld [tilespmem:s22+$0x0];
	[tilespmem:s1+$0x380] =	vst v11;
	v11 =	vadd.f32 v28, v13;
	v13 =	vadd.f32 v29, v22  }
0x3df: {  	s29 =	sor.u32 s15, s14;
	s8 =	sor.u32 s11, s21;
	s24 =	sor.u32 s13, s0;
	v12 =	vadd.f32 v28, v12;
	v22 =	vadd.f32 v25, v2;
	[tilespmem:s25+$0x0] =	vst v17  }
0x3e0: {  	s21 =	sor.u32 s11, s23;
	s9 =	sor.u32 s11, s20;
	s20 =	sor.u32 s15, s23;
	v9 =	vadd.f32 v28, v9;
	v17 =	vadd.f32 v29, v21;
	[tilespmem:s24+$0x0] =	vst v13  }
0x3e1: {  	s12 =	sor.u32 s11, s5;
	s22 =	sor.u32 s16, s23;
	s25 =	sor.u32 s13, s14;
	v13 =	vadd.f32 v29, v20;
	v21 =	vadd.f32 v63, v8;
	[tilespmem:s17+$0x0] =	vst v22  }
0x3e2: {  	s23 =	sor.u32 s16, s14;
	s1 =	sor.u32 s16, s5;
	s5 =	sor.u32 s11, s14;
	v20 =	vadd.f32 v63, v1;
	[tilespmem:s25+$0x0] =	vst v17;
	v17 =	vadd.f32 v63, v6  }
0x3e3: {  	s11 =	simm.s32 $0x4;
	s24 =	sor.u32 s15, s0;
	s25 =	sor.u32 s16, s0;
	[tilespmem:s19+$0x10780] =	vst v13;
	v22 =	vadd.f32 v23, v3;
	v13 =	vadd.f32 v23, v4  }
.LBB2_10:
0x3e4: {  	s16 =	rddreg [dreg:$0xa]  }
0x3e5: {  	s11 =	sadd.s32 $0x4, s11;
	[tilespmem:s10+$0x380] =	vst v17;
	s10 =	sadd.s32 $0x40, s16  }
0x3e6: {  	v24 =	vld [tilespmem:s6+$0x0];
	s0 =	sshll.u32 s11, $0x6;
	s17 =	sshll.u32 s11, $0x7;
	s13 =	sand.u32 $0x40, s10;
	[tilespmem:s26+$0x0] =	vst v21  }
0x3e7: {  	s0 =	sand.u32 $0x3FFFFE00, s0;
	s17 =	sand.u32 $0xFFFFFC00, s17;
	s14 =	sor.u32 $0x30, s13;
	[tilespmem:s28+$0x0] =	vst v20  }
0x3e8: {  	s19 =	sadd.s32 $0xD000, s0;
	s26 =	sor.u32 s14, s17;
	v17 =	vld [tilespmem:s2+$0x0]  }
0x3e9: {  	v23 =	vadd.f32 v23, v0;
	[tilespmem:s8+$0x0] =	vst v22;
	s16 =	sor.u32 $0x10, s13;
	s28 =	sor.u32 s14, s19;
	v20 =	vld [tilespmem:s26+$0x6380]  }
0x3ea: {  	[tilespmem:s9+$0x0] =	vst v13;
	s15 =	sor.u32 $0x20, s13;
	s9 =	sor.u32 s16, s19;
	[smem:$0x79E] =	sst s26;
	v13 =	vld [tilespmem:s28+$0x100]  }
0x3eb: {  	[tilespmem:s12+$0x0] =	vst v23;
	s8 =	sor.u32 s15, s19;
	s26 =	sor.u32 s13, s19;
	v21 =	vadd.f32 v24, v5;
	s19 =	sld [smem:$0x7A2]  }
0x3ec: {  	v22 =	vld [tilespmem:s26+$0x100]  }
0x3ed: {  	[smem:$0x79D] =	sst s20;
	s20 =	sor.u32 s10, s17;
	v25 =	vadd.f32 v24, v7;
	[tilespmem:s3+$0x0] =	vst v21;
	v21 =	vld [tilespmem:s8+$0x100]  }
0x3ee: {  	s20 =	sor.u32 $0x2380, s20;
	v24 =	vadd.f32 v24, v2;
	[tilespmem:s19+$0x0] =	vst v19;
	v23 =	vld [tilespmem:s9+$0x100]  }
0x3ef: {  	s12 =	sadd.s32 $0xE400, s17;
	[tilespmem:s4+$0x0] =	vst v25;
	v19 =	vld [tilespmem:s20+$0x4000];
	v40 =	vadd.f32 v17, v6;
	v28 =	vadd.f32 v20, v13  }
0x3f0: {  	s2 =	sor.u32 s14, s12;
	s4 =	sadd.s32 $0x8000, s17;
	v26 =	vadd.f32 v17, v8;
	[tilespmem:s7+$0x0] =	vst v24;
	v41 =	vadd.f32 v17, v1;
	v17 =	vld [tilespmem:s28+$0x0]  }
0x3f1: {  	s3 =	sor.u32 s14, s4;
	v20 =	vld [tilespmem:s28+$0x80];
	[tilespmem:s2+$0x0] =	vst v28  }
0x3f2: {  	[tilespmem:s30+$0x0] =	vst v40;
	v42 =	vld [tilespmem:s3+$0x0];
	s3 =	sld [smem:$0x7A3]  }
0x3f3: {  	[tilespmem:s31+$0x0] =	vst v26  }
0x3f4: {  	s0 =	sor.u32 s16, s17;
	[tilespmem:s1+$0x0] =	vst v41;
	s1 =	rddreg [dreg:$0xb]  }
0x3f5: {  	v27 =	vld [tilespmem:s0+$0x6380];
	[tilespmem:s3+$0x0] =	vst v14;
	s3 =	smov.u32 s5;
	s5 =	rddreg [dreg:$0x6]  }
0x3f6: {  	s6 =	sor.u32 s15, s17;
	v19 =	vadd.f32 v19, v22;
	v43 =	vld [tilespmem:s26+$0x0];
	[tilespmem:s5+$0xE400] =	vst v18;
	s5 =	smov.u32 s1  }
0x3f7: {  	s19 =	sor.u32 s13, s12;
	v24 =	vld [tilespmem:s6+$0x6380];
	[dreg:$0x6] =	wrdreg s5  }
0x3f8: {  	v18 =	vld [tilespmem:s26+$0x80];
	[tilespmem:s19+$0x0] =	vst v19;
	s5 =	sld [smem:$0x7A4];
	v19 =	vadd.f32 v42, v20;
	_ =	sdelay $0x1  }
0x3f9: {  	v44 =	vld [tilespmem:s9+$0x0];
	v14 =	vadd.f32 v27, v23;
	s26 =	sld [smem:$0x7A5];
	[tilespmem:s2+$0x100] =	vst v19  }
0x3fa: {  	[dreg:$0xa] =	wrdreg s10;
	s10 =	smov.u32 s18;
	s18 =	sor.u32 s16, s12;
	v29 =	vld [tilespmem:s8+$0x0];
	[tilespmem:s5+$0x0] =	vst v16  }
0x3fb: {  	v16 =	vadd.f32 v24, v21;
	v45 =	vld [tilespmem:s9+$0x80];
	[tilespmem:s18+$0x0] =	vst v14  }
0x3fc: {  	[smem:$0x7A2] =	sst s10;
	s10 =	sor.u32 s15, s12;
	s7 =	sor.u32 s13, s4;
	v46 =	vld [tilespmem:s8+$0x80];
	v14 =	vadd.f32 v42, v17;
	[tilespmem:s26+$0x0] =	vst v15  }
0x3fd: {  	s12 =	sor.u32 s16, s4;
	v15 =	vld [tilespmem:s7+$0x0];
	[tilespmem:s10+$0x0] =	vst v16  }
0x3fe: {  	s4 =	sor.u32 s15, s4;
	[tilespmem:s2+$0x80] =	vst v14;
	v14 =	vadd.f32 v42, v13;
	v19 =	vld [tilespmem:s12+$0x0];
	s12 =	rddreg [dreg:$0x8]  }
0x3ff: {  	s5 =	sadd.s32 $0x8080, s17;
	v16 =	vld [tilespmem:s4+$0x0];
	s4 =	sld [smem:$0x7A6];
	[tilespmem:s12+$0x10780] =	vst v10  }
0x400: {  	s9 =	sor.u32 s14, s5;
	s12 =	sld [smem:$0x7A7];
	[tilespmem:s2+$0x180] =	vst v14  }
0x401: {  	[smem:$0x7A3] =	sst s3;
	s3 =	smov.u32 s20;
	v14 =	vld [tilespmem:s9+$0x0]  }
0x402: {  	[dreg:$0xb] =	wrdreg s3;
	[tilespmem:s4+$0x0] =	vst v11  }
0x403: {  	s20 =	smov.u32 s24;
	v10 =	vld [tilespmem:s21+$0x0];
	s21 =	rddreg [dreg:$0x7];
	v11 =	vadd.f32 v15, v43;
	[tilespmem:s12+$0x0] =	vst v12  }
0x404: {  	[smem:$0x7A4] =	sst s20;
	v47 =	vadd.f32 v15, v18;
	v31 =	vld [tilespmem:s22+$0x0];
	[tilespmem:s21+$0x10780] =	vst v9  }
0x405: {  	s20 =	sld [smem:$0x7A0];
	v12 =	vadd.f32 v15, v22;
	v15 =	vadd.f32 v19, v44;
	[tilespmem:s19+$0x80] =	vst v11  }
0x406: {  	s3 =	smov.u32 s29;
	s9 =	sld [smem:$0x79D];
	v9 =	vadd.f32 v19, v45;
	[tilespmem:s19+$0x100] =	vst v47;
	v11 =	vadd.f32 v14, v17  }
0x407: {  	[smem:$0x7A5] =	sst s3;
	v48 =	vadd.f32 v19, v23;
	[tilespmem:s19+$0x180] =	vst v12;
	v19 =	vadd.f32 v14, v20  }
0x408: {  	s8 =	sor.u32 s13, s5;
	s3 =	sor.u32 s15, s5;
	s7 =	sor.u32 s16, s5;
	[tilespmem:s2+$0x200] =	vst v11;
	v11 =	vadd.f32 v14, v13  }
0x409: {  	s26 =	smov.u32 s0;
	s5 =	smov.u32 s25;
	s25 =	sadd.s32 $0x8100, s17;
	v30 =	vld [tilespmem:s9+$0x0];
	[tilespmem:s2+$0x280] =	vst v19  }
0x40a: {  	[smem:$0x7A0] =	sst s26;
	s26 =	sor.u32 s14, s25;
	v14 =	vadd.f32 v10, v4;
	v4 =	vmovc v18;
	v18 =	vadd.f32 v10, v0;
	v0 =	vmov v22;
	v22 =	vld [tilespmem:s8+$0x0];
	[tilespmem:s2+$0x300] =	vst v11  }
0x40b: {  	[tilespmem:s18+$0x80] =	vst v15;
	v49 =	vld [tilespmem:s26+$0x0]  }
0x40c: {  	v32 =	vadd.f32 v16, v29;
	[tilespmem:s18+$0x100] =	vst v9  }
0x40d: {  	v33 =	vadd.f32 v16, v46;
	[tilespmem:s18+$0x180] =	vst v48  }
0x40e: {  	v34 =	vadd.f32 v16, v21;
	[tilespmem:s10+$0x80] =	vst v32;
	v19 =	vadd.f32 v10, v3;
	v3 =	vmov v43  }
0x40f: {  	[tilespmem:s10+$0x100] =	vst v33;
	v9 =	vadd.f32 v31, v1;
	v1 =	vmov v21;
	v21 =	vld [tilespmem:s7+$0x0];
	v50 =	vadd.f32 v22, v3  }
0x410: {  	s22 =	sld [smem:$0x7A1];
	[tilespmem:s10+$0x180] =	vst v34;
	v10 =	vadd.f32 v30, v2;
	v2 =	vmov v23;
	v23 =	vadd.f32 v49, v17  }
0x411: {  	s24 =	smov.u32 s20;
	s20 =	smov.u32 s23;
	s9 =	sadd.s32 $0x10400, s17;
	[tilespmem:s19+$0x200] =	vst v50;
	v51 =	vadd.f32 v49, v20  }
0x412: {  	[smem:$0x7A7] =	sst s20;
	s12 =	sadd.s32 $0x10480, s17;
	s20 =	sor.u32 s14, s9;
	[tilespmem:s2+$0x380] =	vst v23;
	v23 =	vadd.f32 v49, v13  }
0x413: {  	s21 =	sadd.s32 $0x8180, s17;
	s23 =	smov.u32 s22;
	v53 =	vld [tilespmem:s3+$0x0];
	s22 =	sor.u32 s14, s12;
	v16 =	vadd.f32 v30, v5;
	v5 =	vmov v44;
	v52 =	vadd.f32 v22, v4;
	[tilespmem:s20+$0x0] =	vst v51  }
0x414: {  	s0 =	sor.u32 s14, s21;
	v15 =	vadd.f32 v30, v7;
	v7 =	vmov v45;
	v54 =	vadd.f32 v21, v5;
	[tilespmem:s22+$0x0] =	vst v23  }
0x415: {  	v55 =	vadd.f32 v21, v7;
	[tilespmem:s19+$0x280] =	vst v52;
	v23 =	vld [tilespmem:s0+$0x0]  }
0x416: {  	v21 =	vadd.f32 v21, v2;
	[tilespmem:s18+$0x200] =	vst v54  }
0x417: {  	v12 =	vadd.f32 v31, v8;
	v8 =	vmov v46;
	v22 =	vadd.f32 v22, v0;
	[tilespmem:s18+$0x280] =	vst v55  }
0x418: {  	s1 =	sor.u32 s16, s25;
	v11 =	vadd.f32 v31, v6;
	v6 =	vmov v29;
	v56 =	vadd.f32 v53, v8;
	[tilespmem:s18+$0x300] =	vst v21  }
0x419: {  	[dreg:$0x8] =	wrdreg s24;
	s24 =	smov.u32 s6;
	s4 =	sor.u32 s13, s25;
	[tilespmem:s19+$0x300] =	vst v22;
	v22 =	vadd.f32 v53, v6;
	v26 =	vld [tilespmem:s1+$0x0]  }
0x41a: {  	s29 =	sor.u32 s13, s21;
	s6 =	sor.u32 s16, s21;
	[tilespmem:s10+$0x280] =	vst v56;
	v27 =	vld [tilespmem:s4+$0x0];
	s20 =	sadd.s32 $0x10500, s17;
	v21 =	vadd.f32 v23, v17  }
0x41b: {  	[tilespmem:s10+$0x200] =	vst v22;
	s2 =	sor.u32 s15, s21;
	s21 =	sadd.s32 $0x10580, s17;
	s3 =	sor.u32 s14, s20;
	v22 =	vadd.f32 v23, v20  }
0x41c: {  	p2 =	slt.u32 s11, $0x3C;
	s4 =	sor.u32 s14, s21;
	s0 =	sadd.s32 $0x10600, s17;
	[tilespmem:s3+$0x0] =	vst v21;
	v21 =	vadd.f32 v23, v13  }
0x41d: {  	[smem:$0x7A6] =	sst s5;
	v57 =	vadd.f32 v53, v1;
	s22 =	sadd.s32 $0x8200, s17;
	s7 =	sor.u32 s14, s0;
	[tilespmem:s4+$0x0] =	vst v22  }
0x41e: {  	s5 =	sor.u32 s15, s25;
	[smem:$0x7A1] =	sst s24;
	s1 =	sor.u32 s14, s22;
	v59 =	vadd.f32 v26, v5;
	[tilespmem:s7+$0x0] =	vst v21  }
0x41f: {  	s25 =	sor.u32 s13, s12;
	s28 =	sor.u32 s15, s12;
	s24 =	sor.u32 s16, s9;
	[tilespmem:s10+$0x300] =	vst v57;
	v23 =	vadd.f32 v27, v3;
	v21 =	vld [tilespmem:s1+$0x0]  }
0x420: {  	[dreg:$0x7] =	wrdreg s23;
	s23 =	sor.u32 s13, s9;
	s26 =	sor.u32 s16, s12;
	v58 =	vadd.f32 v27, v4;
	[tilespmem:s18+$0x380] =	vst v59  }
0x421: {  	[smem:$0x79F] =	sst s26;
	s26 =	sor.u32 s15, s9;
	s9 =	sor.u32 s13, s21;
	v22 =	vadd.f32 v27, v0;
	[tilespmem:s19+$0x380] =	vst v23  }
0x422: {  	v62 =	vld [tilespmem:s5+$0x0];
	s31 =	sor.u32 s15, s21;
	s8 =	sor.u32 s13, s20;
	v60 =	vadd.f32 v26, v7;
	[tilespmem:s23+$0x0] =	vst v58;
	s23 =	sadd.s32 $0x10680, s17  }
0x423: {  	s19 =	sld [smem:$0x79F];
	s17 =	sadd.s32 $0x10700, s17;
	[tilespmem:s25+$0x0] =	vst v22;
	s18 =	sor.u32 s13, s23  }
0x424: {  	[tilespmem:s24+$0x0] =	vst v60;
	s25 =	sor.u32 s14, s23;
	s5 =	sor.u32 s13, s17;
	s24 =	sor.u32 s16, s23;
	v23 =	vld [tilespmem:s29+$0x0];
	v22 =	vadd.f32 v21, v17  }
.Ltmp6:
0x425: {  	v61 =	vadd.f32 v26, v2;
	s14 =	sor.u32 s14, s17;
	s29 =	sor.u32 s16, s17;
	(pc) =	sbr.rel @p2 .LBB2_10-.Ltmp6, $4  }
0x426: {  	v63 =	vadd.f32 v21, v20;
	[tilespmem:s25+$0x0] =	vst v22;
	s25 =	sor.u32 s15, s23;
	s23 =	sor.u32 s15, s17;
	s17 =	sld [smem:$0x79E]  }
0x427: {  	s30 =	sor.u32 s15, s20;
	s12 =	sor.u32 s13, s0;
	s3 =	sor.u32 s16, s20;
	[tilespmem:s19+$0x0] =	vst v61;
	v17 =	vadd.f32 v62, v6;
	v13 =	vadd.f32 v21, v13  }
0x428: {  	s20 =	sor.u32 s16, s22;
	s4 =	sor.u32 s16, s21;
	s21 =	sor.u32 s13, s22;
	v21 =	vadd.f32 v62, v8;
	v20 =	vadd.f32 v62, v1;
	[tilespmem:s14+$0x0] =	vst v63  }
0x429: {  	s22 =	sor.u32 s15, s22;
	s7 =	sor.u32 s16, s0;
	s1 =	sor.u32 s15, s0;
	v22 =	vadd.f32 v23, v3;
	[tilespmem:s17+$0x10780] =	vst v13;
	v13 =	vadd.f32 v23, v4  }
0x42a: {  	[tilespmem:s10+$0x380] =	vst v17  }
0x42b: {  	[tilespmem:s26+$0x0] =	vst v21  }
0x42c: {  	[tilespmem:s8+$0x0] =	vst v22  }
0x42d: {  	v24 =	vld [tilespmem:s6+$0x0];
	[tilespmem:s28+$0x0] =	vst v20;
	v20 =	vadd.f32 v23, v0  }
0x42e: {  	[tilespmem:s9+$0x0] =	vst v13  }
0x42f: {  	v17 =	vld [tilespmem:s2+$0x0];
	[tilespmem:s12+$0x0] =	vst v20  }
0x430: {  	s0 =	sld [smem:$0x7A2];
	_ =	sdelay $0x1  }
0x431: {  	v13 =	vadd.f32 v24, v5  }
0x432: {  	[tilespmem:s0+$0x0] =	vst v19;
	v19 =	vadd.f32 v24, v7  }
0x433: {  	[tilespmem:s3+$0x0] =	vst v13;
	v13 =	vadd.f32 v17, v6  }
0x434: {  	v20 =	vadd.f32 v24, v2;
	[tilespmem:s4+$0x0] =	vst v19  }
0x435: {  	v19 =	vadd.f32 v17, v8;
	[tilespmem:s30+$0x0] =	vst v13  }
0x436: {  	v17 =	vadd.f32 v17, v1;
	[tilespmem:s7+$0x0] =	vst v20  }
0x437: {  	[tilespmem:s31+$0x0] =	vst v19  }
0x438: {  	[tilespmem:s1+$0x0] =	vst v17  }
0x439: {  	s0 =	sld [smem:$0x7A3];
	_ =	sdelay $0x2  }
0x43a: {  	[tilespmem:s0+$0x0] =	vst v14  }
0x43b: {  	s0 =	rddreg [dreg:$0x6]  }
0x43c: {  	[tilespmem:s0+$0xE400] =	vst v18  }
0x43d: {  	s0 =	sld [smem:$0x7A4];
	_ =	sdelay $0x2  }
0x43e: {  	[tilespmem:s0+$0x0] =	vst v16  }
0x43f: {  	s0 =	sld [smem:$0x7A5];
	_ =	sdelay $0x2  }
0x440: {  	[tilespmem:s0+$0x0] =	vst v15  }
0x441: {  	s0 =	rddreg [dreg:$0x8]  }
0x442: {  	[tilespmem:s0+$0x10780] =	vst v10  }
0x443: {  	s0 =	sld [smem:$0x7A6]  }
0x444: {  	v13 =	vld [tilespmem:s21+$0x0];
	_ =	sdelay $0x1  }
0x445: {  	[tilespmem:s0+$0x0] =	vst v11  }
0x446: {  	v10 =	vld [tilespmem:s20+$0x0];
	s0 =	sld [smem:$0x7A7];
	_ =	sdelay $0x1  }
0x447: {  	v3 =	vadd.f32 v13, v3  }
0x448: {  	[tilespmem:s0+$0x0] =	vst v12  }
0x449: {  	v4 =	vadd.f32 v13, v4;
	v11 =	vld [tilespmem:s22+$0x0];
	s0 =	rddreg [dreg:$0x7];
	[tilespmem:s18+$0x0] =	vst v3  }
0x44a: {  	v3 =	vadd.f32 v10, v5;
	[tilespmem:s0+$0x10780] =	vst v9  }
0x44b: {  	v0 =	vadd.f32 v13, v0;
	[tilespmem:s5+$0x0] =	vst v4  }
0x44c: {  	v4 =	vadd.f32 v10, v7;
	s0 =	rddreg [dreg:$0xb];
	[tilespmem:s24+$0x0] =	vst v3  }
0x44d: {  	[tilespmem:s0+$0xE400] =	vst v0  }
0x44e: {  	v0 =	vadd.f32 v10, v2;
	v2 =	vadd.f32 v11, v6;
	[tilespmem:s29+$0x0] =	vst v4  }
0x44f: {  	v3 =	vadd.f32 v11, v8;
	s0 =	sld [smem:$0x7A0]  }
0x450: {  	[tilespmem:s25+$0x0] =	vst v2  }
0x451: {  	[tilespmem:s23+$0x0] =	vst v3  }
0x452: {  	[tilespmem:s0+$0x10780] =	vst v0  }
0x453: {  	s0 =	sld [smem:$0x7A1]  }
0x454: {  	v0 =	vadd.f32 v11, v1;
	_ =	sdelay $0x1  }
0x455: {  	[tilespmem:s0+$0x10780] =	vst v0  }
0x456: {  	s0 =	sld [smem:$0x7F8]  }
0x457: {  	s6 =	simm.s32 $0x0  }
0x458: {  	s21 =	simm.s32 $0x3;
	s20 =	simm.s32 $0xE400;
	s22 =	simm.s32 $0x0  }
0x459: {  	[hbm4b:s0+s6] =	stream.linear.scatter [tilespmem:s20], [sflag:$0x2], $0x4000, $0x38;
	[tilespmem:$0x1A400] =	vst v63  }
0x45a: {  	s14 =	sand.u32 $0x40, s6;
	s0 =	sand.u32 $0x3FFFFE00, s22;
	_ =	swait.ge [sflag:s21], $0x4000  }
0x45b: {  	s17 =	sor.u32 $0x20, s14;
	s0 =	sadd.s32 $0xD000, s0;
	[sflag:s21] =	ssyncset.done $0x0  }
0x45c: {  	s23 =	simm.s32 $0x0;
	s24 =	sor.u32 s14, s0;
	[sflag:s21] =	ssyncadd.s32 $0xFFFFC000  }
0x45d: {  	s16 =	sand.u32 $0xFFFFFC00, s23;
	s25 =	sor.u32 s17, s0;
	v0 =	vld [tilespmem:s24+$0x0]  }
0x45e: {  	s7 =	sor.u32 s16, s17;
	v2 =	vld [tilespmem:s25+$0x0]  }
0x45f: {  	v4 =	vld [tilespmem:s7+$0x8280]  }
0x460: {  	s15 =	sor.u32 $0x10, s14;
	v5 =	vld [tilespmem:s25+$0x80]  }
0x461: {  	s26 =	sor.u32 s15, s0;
	v3 =	vld [tilespmem:s25+$0x100]  }
0x462: {  	v1 =	vld [tilespmem:s26+$0x0]  }
0x463: {  	s18 =	sor.u32 $0x30, s14;
	s10 =	sor.u32 s14, s16;
	v8 =	vld [tilespmem:s24+$0x80]  }
0x464: {  	s8 =	sor.u32 s16, s18;
	s28 =	sadd.s32 $0x12400, s16;
	v9 =	vld [tilespmem:s10+$0x8280];
	v6 =	vadd.f32 v4, v2  }
0x465: {  	s11 =	sadd.s32 $0x12480, s16;
	s30 =	sor.u32 s17, s28;
	v12 =	vld [tilespmem:s8+$0x8280];
	v7 =	vadd.f32 v4, v5  }
0x466: {  	s2 =	sadd.s32 $0x12500, s16;
	s9 =	sor.u32 s16, s15;
	s31 =	sor.u32 s17, s11;
	v11 =	vld [tilespmem:s24+$0x100];
	v10 =	vadd.f32 v4, v3;
	[tilespmem:s30+$0x0] =	vst v6  }
0x467: {  	s5 =	sor.u32 s17, s2;
	s0 =	sor.u32 s18, s0;
	v13 =	vld [tilespmem:s9+$0x8280];
	[tilespmem:s31+$0x0] =	vst v7  }
0x468: {  	v4 =	vld [tilespmem:s0+$0x0];
	[tilespmem:s5+$0x0] =	vst v10  }
0x469: {  	v10 =	vadd.f32 v9, v0;
	v14 =	vld [tilespmem:s7+$0x8300]  }
0x46a: {  	s12 =	sor.u32 s14, s28;
	v15 =	vadd.f32 v9, v8  }
0x46b: {  	s13 =	sor.u32 s14, s11;
	v16 =	vadd.f32 v9, v11;
	v7 =	vld [tilespmem:s0+$0x80];
	[tilespmem:s12+$0x0] =	vst v10  }
0x46c: {  	s19 =	sor.u32 s14, s2;
	v17 =	vadd.f32 v13, v1;
	v9 =	vld [tilespmem:s26+$0x80];
	[tilespmem:s13+$0x0] =	vst v15  }
0x46d: {  	s20 =	sor.u32 s15, s28;
	v10 =	vld [tilespmem:s26+$0x100];
	v15 =	vadd.f32 v12, v4;
	[tilespmem:s19+$0x0] =	vst v16  }
0x46e: {  	s1 =	sadd.s32 $0x12580, s16;
	s21 =	sor.u32 s18, s28;
	[tilespmem:s20+$0x0] =	vst v17;
	v17 =	vld [tilespmem:s10+$0x8300];
	v16 =	vadd.f32 v14, v2  }
0x46f: {  	s22 =	sor.u32 s17, s1;
	v6 =	vld [tilespmem:s0+$0x100];
	s0 =	sadd.s32 $0x12600, s16;
	[tilespmem:s21+$0x0] =	vst v15;
	v15 =	vadd.f32 v14, v5  }
0x470: {  	s23 =	sor.u32 s17, s0;
	v14 =	vadd.f32 v14, v3;
	[tilespmem:s22+$0x0] =	vst v16  }
0x471: {  	v16 =	vadd.f32 v12, v7;
	[tilespmem:s23+$0x0] =	vst v15  }
0x472: {  	s24 =	sor.u32 s18, s11;
	v15 =	vadd.f32 v13, v9;
	[tilespmem:s7+$0x12680] =	vst v14  }
0x473: {  	s25 =	sor.u32 s15, s11;
	[tilespmem:s24+$0x0] =	vst v16;
	v14 =	vadd.f32 v17, v0;
	v16 =	vld [tilespmem:s7+$0x8380]  }
0x474: {  	s26 =	sor.u32 s14, s1;
	v18 =	vld [tilespmem:s7+$0xA000];
	[tilespmem:s25+$0x0] =	vst v15;
	v15 =	vadd.f32 v17, v8  }
0x475: {  	s28 =	sor.u32 s14, s0;
	v17 =	vadd.f32 v17, v11;
	[tilespmem:s26+$0x0] =	vst v14  }
0x476: {  	s30 =	sor.u32 s16, s6;
	v13 =	vadd.f32 v13, v10;
	[tilespmem:s28+$0x0] =	vst v15  }
0x477: {  	s31 =	sor.u32 s15, s2;
	s3 =	sor.u32 $0x4380, s30;
	v12 =	vadd.f32 v12, v6;
	[tilespmem:s10+$0x12680] =	vst v17  }
0x478: {  	s2 =	sor.u32 s18, s2;
	[tilespmem:s31+$0x0] =	vst v13;
	v13 =	vld [tilespmem:s3+$0x4000];
	v14 =	vadd.f32 v16, v2  }
0x479: {  	[tilespmem:s2+$0x0] =	vst v12;
	v12 =	vadd.f32 v18, v2  }
0x47a: {  	v17 =	vadd.f32 v16, v5;
	[tilespmem:s7+$0x12700] =	vst v14  }
0x47b: {  	v14 =	vadd.f32 v18, v5;
	[tilespmem:s7+$0x14480] =	vst v12  }
0x47c: {  	v12 =	vadd.f32 v16, v3;
	[tilespmem:s7+$0x12780] =	vst v17  }
0x47d: {  	v15 =	vld [tilespmem:s9+$0x8300];
	[tilespmem:s7+$0x14500] =	vst v14;
	v16 =	vadd.f32 v13, v0  }
0x47e: {  	s4 =	sadd.s32 $0x14580, s16;
	[tilespmem:s7+$0x14400] =	vst v12  }
0x47f: {  	s20 =	sor.u32 s17, s4;
	v17 =	vadd.f32 v13, v8;
	[tilespmem:s10+$0x12700] =	vst v16  }
0x480: {  	s5 =	sadd.s32 $0x14600, s16;
	v14 =	vld [tilespmem:s8+$0x8300];
	[smem:$0x796] =	sst s20  }
0x481: {  	s13 =	sadd.s32 $0x14680, s16;
	s22 =	sor.u32 s14, s5;
	[tilespmem:s3+$0xE400] =	vst v17  }
0x482: {  	s23 =	sor.u32 s14, s13;
	v12 =	vadd.f32 v15, v1;
	[smem:$0x797] =	sst s22  }
0x483: {  	s21 =	sor.u32 s15, s1;
	[smem:$0x798] =	sst s23  }
0x484: {  	s2 =	sor.u32 s18, s4;
	v19 =	vadd.f32 v15, v9;
	[tilespmem:s21+$0x0] =	vst v12  }
0x485: {  	s24 =	sor.u32 s15, s0;
	v16 =	vld [tilespmem:s10+$0xA000];
	[smem:$0x799] =	sst s2  }
0x486: {  	s28 =	sor.u32 s17, s13;
	v12 =	vadd.f32 v14, v4;
	[tilespmem:s24+$0x0] =	vst v19  }
0x487: {  	s1 =	sor.u32 s18, s1;
	s25 =	sadd.s32 $0x14700, s16;
	[smem:$0x79A] =	sst s28  }
0x488: {  	s30 =	sor.u32 s14, s25;
	[tilespmem:s1+$0x0] =	vst v12  }
0x489: {  	s31 =	sor.u32 s17, s5;
	v17 =	vadd.f32 v14, v7;
	[smem:$0x79B] =	sst s30  }
0x48a: {  	s12 =	sor.u32 s14, s4;
	s0 =	sor.u32 s18, s0;
	v19 =	vadd.f32 v13, v11;
	[smem:$0x79C] =	sst s31  }
0x48b: {  	s19 =	sor.u32 s15, s4;
	s29 =	sor.u32 s18, s13;
	s26 =	sor.u32 s15, s13;
	v15 =	vadd.f32 v15, v10;
	v12 =	vld [tilespmem:s9+$0x8380];
	[tilespmem:s0+$0x0] =	vst v17  }
0x48c: {  	s20 =	sor.u32 s18, s5;
	s22 =	sor.u32 s15, s5;
	s23 =	sor.u32 s18, s25;
	v13 =	vadd.f32 v18, v3;
	v18 =	vadd.f32 v14, v6;
	[tilespmem:s10+$0x14400] =	vst v19;
	v14 =	vld [tilespmem:s9+$0xA000]  }
0x48d: {  	s21 =	sor.u32 s17, s25;
	s25 =	sor.u32 s15, s25;
	s24 =	simm.s32 $0x0;
	v19 =	vadd.f32 v16, v0;
	v17 =	vadd.f32 v16, v8;
	[tilespmem:s9+$0x12680] =	vst v15;
	v15 =	vld [tilespmem:s8+$0x8380]  }
.LBB2_12:
0x48e: {  	[smem:$0x77E] =	sst s22  }
0x48f: {  	[smem:$0x783] =	sst s14  }
0x490: {  	[smem:$0x786] =	sst s15  }
0x491: {  	[smem:$0x78B] =	sst s26  }
0x492: {  	[smem:$0x790] =	sst s10  }
0x493: {  	[smem:$0x78C] =	sst s25  }
0x494: {  	[smem:$0x781] =	sst s16  }
0x495: {  	[smem:$0x77B] =	sst s23  }
0x496: {  	[smem:$0x785] =	sst s18  }
0x497: {  	[smem:$0x784] =	sst s17;
	s24 =	sadd.s32 $0x4, s24  }
0x498: {  	v16 =	vadd.f32 v16, v11;
	s5 =	sld [smem:$0x796];
	s0 =	sshll.u32 s24, $0x6;
	s1 =	sshll.u32 s24, $0x7;
	[tilespmem:s10+$0x14480] =	vst v19  }
0x499: {  	[tilespmem:s10+$0x14500] =	vst v17;
	s6 =	sadd.s32 $0x40, s6;
	s0 =	sand.u32 $0x3FFFFE00, s0;
	s13 =	sand.u32 $0xFFFFFC00, s1  }
0x49a: {  	[tilespmem:s12+$0x0] =	vst v16;
	[smem:$0x795] =	sst s6;
	s30 =	sand.u32 $0x40, s6;
	s0 =	sadd.s32 $0xD000, s0  }
0x49b: {  	v21 =	vld [tilespmem:s10+$0xA080];
	s10 =	sadd.s32 $0x12400, s13;
	s16 =	sadd.s32 $0x12500, s13;
	s3 =	sor.u32 s30, s13  }
0x49c: {  	s23 =	sor.u32 s30, s0;
	s15 =	sor.u32 s30, s10;
	[smem:$0x78A] =	sst s3  }
0x49d: {  	s12 =	sor.u32 $0x30, s30;
	s22 =	sor.u32 s30, s16;
	[smem:$0x77F] =	sst s15  }
0x49e: {  	s11 =	sor.u32 $0x10, s30;
	s18 =	sor.u32 s13, s12;
	[smem:$0x789] =	sst s22  }
0x49f: {  	s31 =	sor.u32 $0x20, s30;
	s4 =	sor.u32 s13, s11;
	[smem:$0x788] =	sst s18  }
0x4a0: {  	[tilespmem:s5+$0x0] =	vst v13;
	s17 =	sor.u32 s11, s0;
	s5 =	sor.u32 s11, s10;
	[smem:$0x792] =	sst s4  }
0x4a1: {  	s2 =	sor.u32 s31, s0;
	s14 =	sor.u32 s31, s10;
	[smem:$0x77D] =	sst s5  }
0x4a2: {  	s1 =	sor.u32 s12, s0;
	s0 =	sor.u32 s12, s10;
	[smem:$0x779] =	sst s14  }
0x4a3: {  	s26 =	sor.u32 s11, s16;
	[smem:$0x780] =	sst s0  }
0x4a4: {  	[tilespmem:s8+$0x12680] =	vst v18;
	s25 =	sadd.s32 $0x12480, s13;
	v18 =	vadd.f32 v12, v1;
	s10 =	sor.u32 s31, s16;
	[smem:$0x791] =	sst s26  }
0x4a5: {  	v17 =	vadd.f32 v12, v10;
	s15 =	sor.u32 s31, s25;
	[smem:$0x77C] =	sst s10  }
0x4a6: {  	v22 =	vadd.f32 v15, v4;
	s22 =	sor.u32 s12, s25;
	[tilespmem:s9+$0x12700] =	vst v18;
	[smem:$0x77A] =	sst s15  }
0x4a7: {  	v20 =	vld [tilespmem:s8+$0xA000];
	v16 =	vadd.f32 v14, v1;
	[tilespmem:s9+$0x14400] =	vst v17;
	[smem:$0x782] =	sst s22  }
0x4a8: {  	v19 =	vadd.f32 v12, v9;
	v24 =	vld [tilespmem:s7+$0xA080];
	[tilespmem:s8+$0x12700] =	vst v22;
	s14 =	sor.u32 s11, s25;
	s15 =	sld [smem:$0x799]  }
0x4a9: {  	v17 =	vadd.f32 v15, v6;
	s0 =	sor.u32 s30, s25;
	v13 =	vld [tilespmem:s17+$0x0];
	[tilespmem:s9+$0x14480] =	vst v16;
	[smem:$0x78E] =	sst s14  }
0x4aa: {  	v12 =	vld [tilespmem:s23+$0x0];
	v18 =	vadd.f32 v14, v9;
	s25 =	sor.u32 s13, s6;
	[smem:$0x787] =	sst s0;
	[tilespmem:s9+$0x12780] =	vst v19  }
0x4ab: {  	v14 =	vadd.f32 v14, v10;
	v50 =	vld [tilespmem:s2+$0x80];
	s26 =	sor.u32 s12, s16;
	s5 =	sadd.s32 $0x14580, s13;
	[smem:$0x793] =	sst s25;
	[tilespmem:s8+$0x14400] =	vst v17  }
0x4ac: {  	s28 =	sor.u32 s13, s31;
	v51 =	vld [tilespmem:s2+$0x0];
	[smem:$0x794] =	sst s26;
	s6 =	sor.u32 s30, s5;
	v17 =	vadd.f32 v20, v7;
	[tilespmem:s9+$0x14500] =	vst v18  }
0x4ad: {  	v23 =	vadd.f32 v20, v4;
	v26 =	vld [tilespmem:s28+$0x8280];
	s10 =	sor.u32 s31, s5;
	[smem:$0x78F] =	sst s6;
	[tilespmem:s19+$0x0] =	vst v14  }
0x4ae: {  	v15 =	vadd.f32 v15, v7;
	v16 =	vadd.f32 v20, v6;
	v20 =	vld [tilespmem:s23+$0x80];
	[smem:$0x796] =	sst s10;
	[tilespmem:s8+$0x14500] =	vst v17  }
0x4af: {  	s14 =	sor.u32 s11, s5;
	v17 =	vld [tilespmem:s18+$0x8280];
	[tilespmem:s8+$0x14480] =	vst v23;
	s18 =	sld [smem:$0x797]  }
0x4b0: {  	v25 =	vadd.f32 v21, v0;
	[smem:$0x78D] =	sst s14;
	v27 =	vld [tilespmem:s4+$0x8280];
	[tilespmem:s8+$0x12780] =	vst v15  }
0x4b1: {  	s4 =	sld [smem:$0x79C];
	v15 =	vld [tilespmem:s1+$0x80];
	[tilespmem:s15+$0x0] =	vst v16  }
0x4b2: {  	s25 =	sadd.s32 $0x14680, s13;
	v18 =	vadd.f32 v24, v2;
	v14 =	vld [tilespmem:s3+$0x8280];
	s19 =	sadd.s32 $0x14700, s13;
	[tilespmem:s18+$0x0] =	vst v25;
	s18 =	sld [smem:$0x798]  }
0x4b3: {  	v11 =	vadd.f32 v21, v11;
	v21 =	vadd.f32 v21, v8;
	s10 =	smov.u32 s29;
	s14 =	sor.u32 s12, s25;
	s29 =	sor.u32 s30, s19;
	v16 =	vld [tilespmem:s8+$0xA080]  }
0x4b4: {  	v19 =	vadd.f32 v24, v5;
	v24 =	vadd.f32 v24, v3;
	v3 =	vld [tilespmem:s2+$0x100];
	[tilespmem:s4+$0x0] =	vst v18;
	s4 =	smov.u32 s29;
	s29 =	smov.u32 s14;
	s14 =	sld [smem:$0x782]  }
0x4b5: {  	[tilespmem:s18+$0x0] =	vst v21;
	s18 =	sld [smem:$0x79B]  }
0x4b6: {  	s16 =	sadd.s32 $0x14600, s13;
	[smem:$0x79B] =	sst s4  }
0x4b7: {  	s26 =	sor.u32 s30, s16;
	v53 =	vld [tilespmem:s1+$0x100];
	s4 =	sld [smem:$0x77E]  }
0x4b8: {  	s0 =	sor.u32 s12, s5;
	v55 =	vadd.f32 v16, v7;
	v7 =	vmov v15;
	v15 =	vld [tilespmem:s1+$0x0];
	s1 =	sld [smem:$0x77B];
	[tilespmem:s18+$0x0] =	vst v11;
	s18 =	smov.u32 s26  }
0x4b9: {  	s26 =	smov.u32 s0;
	[smem:$0x797] =	sst s18  }
0x4ba: {  	s6 =	sor.u32 s30, s25;
	[smem:$0x799] =	sst s26  }
0x4bb: {  	s18 =	smov.u32 s6;
	s6 =	sld [smem:$0x79A]  }
0x4bc: {  	v11 =	vld [tilespmem:s23+$0x100];
	s23 =	sld [smem:$0x779]  }
0x4bd: {  	s5 =	smov.u32 s20;
	s20 =	sor.u32 s31, s25;
	s26 =	sld [smem:$0x77A]  }
0x4be: {  	s22 =	sor.u32 s31, s16;
	[smem:$0x798] =	sst s18;
	s18 =	smov.u32 s20  }
0x4bf: {  	s3 =	smov.u32 s21;
	v8 =	vmov v20;
	v20 =	vld [tilespmem:s9+$0xA080];
	s20 =	smov.u32 s22;
	[smem:$0x79A] =	sst s18  }
0x4c0: {  	s21 =	sor.u32 s12, s16;
	v5 =	vmov v50;
	v28 =	vadd.f32 v26, v51;
	s15 =	sor.u32 s31, s19;
	[smem:$0x79C] =	sst s20  }
0x4c1: {  	v52 =	vadd.f32 v26, v5;
	s20 =	smov.u32 s21;
	s21 =	smov.u32 s15;
	s15 =	sld [smem:$0x783];
	[tilespmem:s6+$0x0] =	vst v19  }
0x4c2: {  	s2 =	sor.u32 s12, s19;
	v19 =	vadd.f32 v16, v4;
	s6 =	sld [smem:$0x780];
	[tilespmem:s23+$0x0] =	vst v28  }
0x4c3: {  	s23 =	smov.u32 s2;
	s2 =	sld [smem:$0x77C];
	[tilespmem:s26+$0x0] =	vst v52  }
0x4c4: {  	v59 =	vadd.f32 v20, v9;
	v9 =	vld [tilespmem:s17+$0x80];
	[tilespmem:s5+$0x0] =	vst v19;
	s5 =	sld [smem:$0x77F]  }
0x4c5: {  	v16 =	vadd.f32 v16, v6;
	v19 =	vld [tilespmem:s17+$0x100];
	s17 =	sld [smem:$0x784];
	[tilespmem:s10+$0x0] =	vst v55  }
0x4c6: {  	v18 =	vadd.f32 v26, v3;
	s26 =	sld [smem:$0x785];
	[tilespmem:s3+$0x0] =	vst v24  }
0x4c7: {  	v58 =	vadd.f32 v14, v12;
	s3 =	sld [smem:$0x77D];
	[tilespmem:s1+$0x0] =	vst v16  }
0x4c8: {  	v30 =	vadd.f32 v27, v13;
	s10 =	sld [smem:$0x781];
	v24 =	vld [tilespmem:s7+$0xA100];
	[tilespmem:s2+$0x0] =	vst v18  }
0x4c9: {  	s25 =	sor.u32 s11, s25;
	v57 =	vadd.f32 v20, v1;
	s7 =	smov.u32 s28;
	v16 =	vadd.f32 v17, v15;
	s28 =	sld [smem:$0x786];
	[tilespmem:s5+$0x0] =	vst v58  }
0x4ca: {  	s16 =	sor.u32 s11, s16;
	s19 =	sor.u32 s11, s19;
	v29 =	vadd.f32 v17, v53;
	v56 =	vadd.f32 v17, v7;
	v17 =	vld [tilespmem:s7+$0x8300];
	s5 =	sld [smem:$0x787];
	[tilespmem:s3+$0x0] =	vst v30  }
0x4cb: {  	s22 =	smov.u32 s16;
	[tilespmem:s6+$0x0] =	vst v16;
	s0 =	sadd.s32 $0x14780, s10;
	s6 =	sld [smem:$0x788]  }
0x4cc: {  	v54 =	vadd.f32 v14, v8;
	s16 =	smov.u32 s13;
	s10 =	sld [smem:$0x789];
	[tilespmem:s4+$0x0] =	vst v57;
	s4 =	sor.u32 s15, s0  }
0x4cd: {  	v14 =	vadd.f32 v14, v11;
	[tilespmem:s14+$0x0] =	vst v56;
	s18 =	sor.u32 s17, s0;
	s14 =	smov.u32 s30;
	s30 =	sld [smem:$0x78A]  }
0x4ce: {  	s3 =	sor.u32 s26, s0;
	s1 =	sor.u32 s28, s0;
	s15 =	smov.u32 s11;
	[tilespmem:s5+$0x0] =	vst v54;
	v16 =	vadd.f32 v24, v2;
	v2 =	vmov v51  }
0x4cf: {  	v20 =	vadd.f32 v20, v10;
	v10 =	vmov v19;
	s17 =	smov.u32 s31;
	s11 =	sadd.s32 $0x12580, s16;
	s28 =	sadd.s32 $0x12600, s16;
	[tilespmem:s10+$0x0] =	vst v14;
	v19 =	vadd.f32 v17, v2  }
0x4d0: {  	s13 =	sor.u32 s17, s11;
	v60 =	vadd.f32 v17, v5;
	v14 =	vld [tilespmem:s30+$0x8300];
	[tilespmem:s18+$0x0] =	vst v16;
	s18 =	smov.u32 s12;
	s12 =	sld [smem:$0x78B]  }
0x4d1: {  	s26 =	smov.u32 s25;
	s25 =	sld [smem:$0x78C];
	s10 =	sor.u32 s17, s28;
	[tilespmem:s13+$0x0] =	vst v19  }
0x4d2: {  	s31 =	sld [smem:$0x78E];
	v61 =	vld [tilespmem:s8+$0xA100];
	s5 =	sor.u32 s15, s11;
	s8 =	smov.u32 s6;
	v17 =	vadd.f32 v17, v3;
	[tilespmem:s10+$0x0] =	vst v60  }
0x4d3: {  	s6 =	sor.u32 s14, s11;
	s2 =	sor.u32 s18, s11;
	s13 =	sor.u32 s14, s28;
	[tilespmem:s12+$0x0] =	vst v59  }
0x4d4: {  	v18 =	vadd.f32 v27, v9;
	s11 =	sor.u32 s15, s28;
	s0 =	sor.u32 s18, s28;
	s28 =	sld [smem:$0x790];
	[tilespmem:s7+$0x12680] =	vst v17;
	v17 =	vld [tilespmem:s7+$0x8380]  }
0x4d5: {  	[tilespmem:s25+$0x0] =	vst v20;
	v19 =	vadd.f32 v14, v12  }
0x4d6: {  	v20 =	vadd.f32 v14, v8;
	[tilespmem:s31+$0x0] =	vst v18;
	s31 =	sld [smem:$0x791]  }
0x4d7: {  	v16 =	vadd.f32 v27, v10;
	v18 =	vadd.f32 v61, v4;
	v4 =	vmov v15;
	v15 =	vld [tilespmem:s28+$0xA100];
	[tilespmem:s6+$0x0] =	vst v19  }
0x4d8: {  	v14 =	vadd.f32 v14, v11;
	[tilespmem:s13+$0x0] =	vst v20  }
0x4d9: {  	s10 =	smov.u32 s30;
	s30 =	sld [smem:$0x793];
	[tilespmem:s31+$0x0] =	vst v16;
	v20 =	vadd.f32 v17, v2  }
0x4da: {  	s28 =	sld [smem:$0x792];
	v16 =	vld [tilespmem:s7+$0xA000];
	[tilespmem:s10+$0x12680] =	vst v14;
	v62 =	vadd.f32 v17, v5  }
0x4db: {  	s31 =	sld [smem:$0x794];
	v17 =	vadd.f32 v17, v3;
	[tilespmem:s7+$0x12700] =	vst v20  }
0x4dc: {  	s6 =	sor.u32 $0x4380, s30;
	v19 =	vld [tilespmem:s9+$0xA100];
	[tilespmem:s7+$0x12780] =	vst v62  }
0x4dd: {  	v15 =	vadd.f32 v15, v0;
	v0 =	vmov v12;
	v12 =	vld [tilespmem:s6+$0x4000];
	[tilespmem:s7+$0x14400] =	vst v17  }
0x4de: {  	s9 =	smov.u32 s28;
	[tilespmem:s31+$0x0] =	vst v29  }
0x4df: {  	v14 =	vld [tilespmem:s9+$0x8300];
	[tilespmem:s4+$0x0] =	vst v15;
	v63 =	vadd.f32 v16, v2  }
0x4e0: {  	[tilespmem:s3+$0x0] =	vst v18;
	v15 =	vadd.f32 v16, v5  }
0x4e1: {  	v19 =	vadd.f32 v19, v1;
	[tilespmem:s7+$0x14480] =	vst v63  }
0x4e2: {  	v17 =	vld [tilespmem:s8+$0x8300];
	v1 =	vmov v13;
	v13 =	vadd.f32 v16, v3;
	v16 =	vadd.f32 v12, v0;
	[tilespmem:s7+$0x14500] =	vst v15  }
0x4e3: {  	v15 =	vadd.f32 v12, v8;
	[tilespmem:s1+$0x0] =	vst v19  }
0x4e4: {  	v18 =	vadd.f32 v14, v1;
	[tilespmem:s10+$0x12700] =	vst v16  }
0x4e5: {  	v20 =	vadd.f32 v14, v10;
	v14 =	vadd.f32 v14, v9;
	[tilespmem:s6+$0xE400] =	vst v15  }
0x4e6: {  	p2 =	slt.u32 s24, $0x3C;
	v12 =	vadd.f32 v12, v11;
	[tilespmem:s5+$0x0] =	vst v18;
	v16 =	vld [tilespmem:s10+$0xA000]  }
.Ltmp7:
0x4e7: {  	[tilespmem:s11+$0x0] =	vst v14;
	v14 =	vadd.f32 v17, v4;
	(pc) =	sbr.rel @p2 .LBB2_12-.Ltmp7, $4  }
0x4e8: {  	v15 =	vadd.f32 v17, v7;
	[tilespmem:s10+$0x14400] =	vst v12  }
0x4e9: {  	v6 =	vmov v53;
	s12 =	sld [smem:$0x78F];
	v12 =	vld [tilespmem:s9+$0x8380];
	[tilespmem:s2+$0x0] =	vst v14  }
0x4ea: {  	s25 =	smov.u32 s19;
	s19 =	sld [smem:$0x78D];
	v18 =	vadd.f32 v17, v6;
	v14 =	vld [tilespmem:s9+$0xA000];
	[tilespmem:s0+$0x0] =	vst v15  }
0x4eb: {  	s6 =	sld [smem:$0x795];
	[tilespmem:s9+$0x12680] =	vst v20;
	v15 =	vld [tilespmem:s8+$0x8380];
	v19 =	vadd.f32 v16, v0;
	v17 =	vadd.f32 v16, v8  }
0x4ec: {  	_ = 	snop  }
0x4ed: {  	[tilespmem:s8+$0x12680] =	vst v18  }
0x4ee: {  	[tilespmem:s10+$0x14500] =	vst v17;
	v17 =	vld [tilespmem:s8+$0xA000];
	v18 =	vadd.f32 v12, v1  }
0x4ef: {  	v16 =	vadd.f32 v16, v11;
	[tilespmem:s10+$0x14480] =	vst v19  }
0x4f0: {  	[tilespmem:s9+$0x12700] =	vst v18;
	v18 =	vadd.f32 v12, v10  }
0x4f1: {  	[tilespmem:s12+$0x0] =	vst v16;
	v16 =	vadd.f32 v15, v6  }
0x4f2: {  	[tilespmem:s9+$0x14400] =	vst v18;
	v18 =	vadd.f32 v14, v1  }
0x4f3: {  	s0 =	sld [smem:$0x796];
	[tilespmem:s8+$0x14400] =	vst v16;
	v16 =	vadd.f32 v17, v7  }
0x4f4: {  	[tilespmem:s9+$0x14480] =	vst v18  }
0x4f5: {  	v18 =	vadd.f32 v17, v4;
	[tilespmem:s8+$0x14500] =	vst v16  }
0x4f6: {  	[tilespmem:s0+$0x0] =	vst v13;
	v13 =	vadd.f32 v15, v4  }
0x4f7: {  	v15 =	vadd.f32 v15, v7;
	[tilespmem:s8+$0x14480] =	vst v18  }
0x4f8: {  	[tilespmem:s8+$0x12700] =	vst v13;
	v13 =	vadd.f32 v14, v9  }
0x4f9: {  	[tilespmem:s8+$0x12780] =	vst v15  }
0x4fa: {  	v12 =	vadd.f32 v12, v9;
	[tilespmem:s9+$0x14500] =	vst v13  }
0x4fb: {  	v19 =	vld [tilespmem:s10+$0xA080];
	v14 =	vadd.f32 v14, v10;
	s0 =	sld [smem:$0x799]  }
0x4fc: {  	v16 =	vadd.f32 v17, v6;
	[tilespmem:s9+$0x12780] =	vst v12  }
0x4fd: {  	[tilespmem:s19+$0x0] =	vst v14  }
0x4fe: {  	[tilespmem:s0+$0x0] =	vst v16  }
0x4ff: {  	s0 =	sld [smem:$0x797]  }
0x500: {  	v15 =	vadd.f32 v19, v0;
	_ =	sdelay $0x1  }
0x501: {  	[tilespmem:s0+$0x0] =	vst v15  }
0x502: {  	s0 =	sld [smem:$0x798]  }
0x503: {  	v8 =	vadd.f32 v19, v8;
	_ =	sdelay $0x1  }
0x504: {  	[tilespmem:s0+$0x0] =	vst v8  }
0x505: {  	v13 =	vld [tilespmem:s7+$0xA080];
	s0 =	sld [smem:$0x79B]  }
0x506: {  	v11 =	vadd.f32 v19, v11;
	_ =	sdelay $0x1  }
0x507: {  	[tilespmem:s0+$0x0] =	vst v11  }
0x508: {  	s0 =	sld [smem:$0x79C]  }
0x509: {  	v12 =	vld [tilespmem:s8+$0xA080];
	v14 =	vadd.f32 v13, v2;
	_ =	sdelay $0x1  }
0x50a: {  	[tilespmem:s0+$0x0] =	vst v14  }
0x50b: {  	s0 =	sld [smem:$0x79A]  }
0x50c: {  	v5 =	vadd.f32 v13, v5;
	v8 =	vld [tilespmem:s9+$0xA080]  }
0x50d: {  	v11 =	vadd.f32 v12, v4  }
0x50e: {  	[tilespmem:s0+$0x0] =	vst v5;
	v5 =	vadd.f32 v12, v7  }
0x50f: {  	v3 =	vadd.f32 v13, v3;
	[tilespmem:s20+$0x0] =	vst v11  }
0x510: {  	[tilespmem:s29+$0x0] =	vst v5;
	v5 =	vadd.f32 v12, v6  }
0x511: {  	[tilespmem:s21+$0x0] =	vst v3;
	v6 =	vadd.f32 v8, v1  }
0x512: {  	v3 =	vadd.f32 v8, v9;
	[tilespmem:s23+$0x0] =	vst v5  }
0x513: {  	v7 =	vld [tilespmem:s7+$0xA100];
	v5 =	vadd.f32 v8, v10;
	[tilespmem:s22+$0x0] =	vst v6  }
0x514: {  	[tilespmem:s26+$0x0] =	vst v3;
	v3 =	vld [tilespmem:s10+$0xA100]  }
0x515: {  	v6 =	vld [tilespmem:s8+$0xA100];
	[tilespmem:s25+$0x0] =	vst v5  }
0x516: {  	v5 =	vld [tilespmem:s9+$0xA100];
	_ =	sdelay $0x1  }
0x517: {  	s7 =	sadd.s32 $0x14780, s16;
	v2 =	vadd.f32 v7, v2  }
0x518: {  	s1 =	sor.u32 s17, s7;
	v0 =	vadd.f32 v3, v0  }
0x519: {  	s2 =	sor.u32 s14, s7;
	[tilespmem:s1+$0x0] =	vst v2;
	v2 =	vadd.f32 v6, v4  }
0x51a: {  	s8 =	sor.u32 s18, s7;
	[tilespmem:s2+$0x0] =	vst v0;
	v0 =	vadd.f32 v5, v1  }
0x51b: {  	s0 =	sor.u32 s15, s7;
	[tilespmem:s8+$0x0] =	vst v2  }
0x51c: {  	[tilespmem:s0+$0x0] =	vst v0  }
0x51d: {  	s11 =	simm.s32 $0x4;
	s1 =	sld [smem:$0x7F9]  }
0x51e: {  	s13 =	simm.s32 $0x0;
	s12 =	simm.s32 $0x0;
	s9 =	simm.s32 $0x0  }
0x51f: {  	s14 =	sand.u32 $0x3FFFFE00, s12;
	s10 =	simm.s32 $0x12400;
	s22 =	sand.u32 $0x40, s9  }
0x520: {  	[hbm4b:s1+s9] =	stream.linear.scatter [tilespmem:s10], [sflag:$0x3], $0x4000, $0x38;
	[tilespmem:$0x1A400] =	vst v63  }
0x521: {  	s6 =	sor.u32 $0x10, s22;
	s29 =	sor.u32 $0x20, s22;
	_ =	swait.ge [sflag:s11], $0x4000  }
0x522: {  	s2 =	sand.u32 $0xFFFFFC00, s13;
	s0 =	sadd.s32 $0xD000, s14;
	[sflag:s11] =	ssyncset.done $0x0  }
0x523: {  	s15 =	sadd.s32 $0xA100, s2;
	s3 =	sor.u32 s6, s0;
	[sflag:s11] =	ssyncadd.s32 $0xFFFFC000  }
0x524: {  	s4 =	sor.u32 s29, s15;
	v5 =	vld [tilespmem:s3+$0x100]  }
0x525: {  	s16 =	sor.u32 s29, s0;
	v4 =	vld [tilespmem:s4+$0x0]  }
0x526: {  	s21 =	sadd.s32 $0xA300, s2;
	v0 =	vld [tilespmem:s16+$0x80]  }
0x527: {  	s19 =	sor.u32 s22, s15;
	s23 =	sor.u32 s6, s21;
	v2 =	vld [tilespmem:s16+$0x100]  }
0x528: {  	s24 =	sor.u32 s29, s21;
	s10 =	sadd.s32 $0x18580, s2;
	v1 =	vld [tilespmem:s3+$0x80];
	[smem:$0x76E] =	sst s23  }
0x529: {  	s25 =	sor.u32 s6, s10;
	s11 =	sadd.s32 $0x18600, s2;
	v10 =	vld [tilespmem:s19+$0x0];
	[smem:$0x76F] =	sst s24  }
0x52a: {  	s17 =	sor.u32 $0x30, s22;
	s26 =	sor.u32 s6, s11;
	[dreg:$0x1a] =	wrdreg s25  }
0x52b: {  	s12 =	sadd.s32 $0x16400, s2;
	s20 =	sor.u32 s6, s15;
	[dreg:$0x11] =	wrdreg s26  }
0x52c: {  	s13 =	sor.u32 s29, s12;
	s14 =	sadd.s32 $0x16480, s2;
	s5 =	sor.u32 s22, s0;
	v7 =	vld [tilespmem:s20+$0x0]  }
0x52d: {  	s0 =	sor.u32 s17, s0;
	s1 =	sor.u32 s17, s15;
	s9 =	sor.u32 s17, s21;
	v8 =	vadd.f32 v4, v0  }
0x52e: {  	s18 =	sor.u32 s29, s10;
	s28 =	sor.u32 s17, s10;
	v3 =	vld [tilespmem:s5+$0x80];
	[smem:$0x770] =	sst s9;
	v9 =	vadd.f32 v4, v2  }
0x52f: {  	s23 =	sor.u32 s22, s21;
	s15 =	sor.u32 s29, s11;
	s24 =	sor.u32 s29, s14;
	v4 =	vld [tilespmem:s16+$0x0];
	[tilespmem:s13+$0x0] =	vst v8  }
0x530: {  	s21 =	sadd.s32 $0xA180, s2;
	s19 =	sor.u32 s22, s11;
	s26 =	sor.u32 s17, s11;
	v6 =	vld [tilespmem:s5+$0x100];
	[tilespmem:s24+$0x0] =	vst v9  }
0x531: {  	s25 =	sor.u32 s29, s21;
	s11 =	sor.u32 s6, s14;
	v12 =	vld [tilespmem:s1+$0x0];
	v9 =	vadd.f32 v7, v1;
	[dreg:$0x10] =	wrdreg s26  }
0x532: {  	s7 =	sor.u32 s17, s21;
	s20 =	sor.u32 s22, s10;
	s16 =	sor.u32 s6, s12;
	v7 =	vadd.f32 v7, v5;
	v8 =	vld [tilespmem:s3+$0x0]  }
0x533: {  	s3 =	sor.u32 s22, s14;
	[tilespmem:s16+$0x0] =	vst v9;
	v9 =	vld [tilespmem:s5+$0x0];
	s5 =	sor.u32 s17, s14;
	s14 =	sadd.s32 $0x18680, s2  }
0x534: {  	s10 =	sor.u32 s22, s21;
	s13 =	sor.u32 s6, s21;
	v11 =	vld [tilespmem:s25+$0x0];
	[tilespmem:s11+$0x0] =	vst v7;
	s21 =	sor.u32 s6, s14  }
0x535: {  	v13 =	vadd.f32 v10, v3;
	v7 =	vld [tilespmem:s0+$0x80];
	s24 =	sor.u32 s22, s14;
	[smem:$0x771] =	sst s21  }
0x536: {  	s4 =	sor.u32 s22, s12;
	[dreg:$0xd] =	wrdreg s24  }
0x537: {  	s16 =	sadd.s32 $0xA380, s2;
	s25 =	sor.u32 s17, s14;
	[tilespmem:s4+$0x0] =	vst v13  }
0x538: {  	v14 =	vadd.f32 v10, v6;
	s26 =	sor.u32 s6, s16;
	[dreg:$0x1b] =	wrdreg s25  }
0x539: {  	v10 =	vld [tilespmem:s0+$0x100];
	[smem:$0x772] =	sst s26  }
0x53a: {  	s8 =	sadd.s32 $0x16580, s2;
	s9 =	sor.u32 s22, s16;
	[tilespmem:s3+$0x0] =	vst v14  }
0x53b: {  	s11 =	sor.u32 s17, s16;
	v13 =	vld [tilespmem:s13+$0x0];
	v14 =	vadd.f32 v11, v4;
	s3 =	sadd.s32 $0x16500, s2;
	[dreg:$0x13] =	wrdreg s9  }
0x53c: {  	s1 =	sor.u32 s17, s12;
	v16 =	vadd.f32 v11, v0;
	[dreg:$0x18] =	wrdreg s11;
	s12 =	sor.u32 s29, s3  }
0x53d: {  	s21 =	sor.u32 s29, s14;
	s14 =	sor.u32 s29, s8;
	s9 =	sadd.s32 $0x16600, s2;
	[tilespmem:s12+$0x0] =	vst v14;
	v14 =	vadd.f32 v11, v2  }
0x53e: {  	s31 =	sor.u32 s29, s16;
	s13 =	sadd.s32 $0x18700, s2;
	s16 =	sor.u32 s29, s9;
	[tilespmem:s14+$0x0] =	vst v16  }
0x53f: {  	s24 =	sor.u32 s22, s13;
	v15 =	vld [tilespmem:s10+$0x0];
	[tilespmem:s16+$0x0] =	vst v14  }
0x540: {  	s25 =	sor.u32 s6, s13;
	v11 =	vld [tilespmem:s0+$0x0];
	v16 =	vadd.f32 v12, v7;
	[dreg:$0x1f] =	wrdreg s24  }
0x541: {  	s11 =	sadd.s32 $0xA200, s2;
	[smem:$0x773] =	sst s25  }
0x542: {  	s26 =	sor.u32 s29, s11;
	s12 =	sor.u32 s17, s13;
	[tilespmem:s1+$0x0] =	vst v16  }
0x543: {  	s10 =	sadd.s32 $0x18780, s2;
	s13 =	sor.u32 s29, s13;
	v14 =	vld [tilespmem:s26+$0x0];
	[dreg:$0x1d] =	wrdreg s12  }
0x544: {  	s14 =	sor.u32 s22, s10;
	v12 =	vadd.f32 v12, v10;
	[dreg:$0x19] =	wrdreg s13  }
0x545: {  	[smem:$0x774] =	sst s14  }
0x546: {  	s16 =	sor.u32 s6, s10;
	[tilespmem:s5+$0x0] =	vst v12  }
0x547: {  	s24 =	sor.u32 s29, s10;
	v16 =	vadd.f32 v13, v8;
	[smem:$0x775] =	sst s16  }
0x548: {  	s25 =	sor.u32 s6, s3;
	[smem:$0x776] =	sst s24  }
0x549: {  	s26 =	sor.u32 s17, s10;
	v12 =	vadd.f32 v15, v9;
	[tilespmem:s25+$0x0] =	vst v16  }
0x54a: {  	v17 =	vadd.f32 v13, v1;
	s1 =	sor.u32 s22, s3;
	v16 =	vld [tilespmem:s7+$0x0];
	[smem:$0x777] =	sst s26  }
0x54b: {  	s30 =	simm.s32 $0x0;
	s4 =	sor.u32 s6, s8;
	v13 =	vadd.f32 v13, v5;
	[tilespmem:s1+$0x0] =	vst v12  }
0x54c: {  	s3 =	sor.u32 s17, s3;
	s10 =	sor.u32 s6, s9;
	s12 =	sor.u32 s6, s11;
	v12 =	vadd.f32 v15, v3;
	[tilespmem:s4+$0x0] =	vst v17  }
0x54d: {  	s13 =	sadd.s32 $0x16680, s2;
	s14 =	sadd.s32 $0x16700, s2;
	s5 =	sor.u32 s22, s8;
	v17 =	vadd.f32 v14, v4;
	[tilespmem:s10+$0x0] =	vst v13  }
0x54e: {  	s0 =	sor.u32 s17, s13;
	s24 =	sor.u32 s22, s11;
	s16 =	sor.u32 s29, s13;
	[tilespmem:s5+$0x0] =	vst v12  }
0x54f: {  	s7 =	sor.u32 s17, s8;
	s8 =	sor.u32 s17, s9;
	s25 =	sor.u32 s22, s13;
	v13 =	vadd.f32 v14, v0;
	[tilespmem:s16+$0x0] =	vst v17  }
0x550: {  	s26 =	sor.u32 s29, s14;
	s1 =	sor.u32 s22, s9;
	v12 =	vld [tilespmem:s12+$0x0];
	v17 =	vadd.f32 v16, v11;
	[smem:$0x778] =	sst s25  }
0x551: {  	s9 =	sor.u32 s17, s11;
	s11 =	sor.u32 s6, s13;
	s4 =	sor.u32 s17, s14;
	[tilespmem:s26+$0x0] =	vst v13;
	v13 =	vadd.f32 v16, v7  }
0x552: {  	s10 =	sadd.s32 $0xA280, s2;
	s12 =	sor.u32 s6, s14;
	s5 =	sadd.s32 $0x18400, s2;
	v16 =	vadd.f32 v16, v10;
	[tilespmem:s3+$0x0] =	vst v17  }
0x553: {  	s25 =	simm.s32 $0x40;
	s26 =	sor.u32 s22, s14;
	s3 =	sadd.s32 $0x16780, s2;
	[tilespmem:s7+$0x0] =	vst v13;
	v13 =	vadd.f32 v14, v2  }
0x554: {  	v15 =	vadd.f32 v15, v6;
	s14 =	sor.u32 s29, s10;
	s7 =	sor.u32 s29, s5;
	s13 =	sor.u32 s29, s3;
	[tilespmem:s8+$0x0] =	vst v16  }
0x555: {  	s16 =	sor.u32 s6, s3;
	s8 =	sor.u32 s17, s3;
	v16 =	vadd.f32 v12, v8;
	v14 =	vadd.f32 v12, v5;
	[tilespmem:s13+$0x0] =	vst v13;
	v13 =	vld [tilespmem:s9+$0x0];
	s13 =	sor.u32 s6, s10  }
.LBB2_14:
0x556: {  	[smem:$0x752] =	sst s23  }
0x557: {  	[smem:$0x75A] =	sst s19  }
0x558: {  	[smem:$0x755] =	sst s18  }
0x559: {  	[smem:$0x758] =	sst s20  }
0x55a: {  	[smem:$0x756] =	sst s15  }
0x55b: {  	[smem:$0x75C] =	sst s28  }
0x55c: {  	[smem:$0x760] =	sst s21  }
0x55d: {  	[smem:$0x764] =	sst s31;
	s30 =	sadd.s32 $0x4, s30  }
0x55e: {  	s21 =	sor.u32 s22, s3;
	[smem:$0x76D] =	sst s25;
	s3 =	sand.u32 $0x40, s25  }
0x55f: {  	[tilespmem:s1+$0x0] =	vst v15;
	[smem:$0x74E] =	sst s21;
	v15 =	vld [tilespmem:s14+$0x0];
	s14 =	sor.u32 s17, s10;
	s23 =	sshll.u32 s30, $0x6  }
0x560: {  	s9 =	sshll.u32 s30, $0x7;
	s15 =	sor.u32 $0x10, s3;
	s28 =	sor.u32 $0x20, s3  }
0x561: {  	v12 =	vadd.f32 v12, v1;
	s25 =	sand.u32 $0x3FFFFE00, s23;
	s1 =	sand.u32 $0xFFFFFC00, s9;
	s9 =	sor.u32 s22, s10  }
0x562: {  	[tilespmem:s11+$0x0] =	vst v16;
	s10 =	sor.u32 s6, s5;
	s11 =	sadd.s32 $0xD000, s25;
	s18 =	sadd.s32 $0xA100, s1  }
0x563: {  	[tilespmem:s12+$0x0] =	vst v12;
	v17 =	vld [tilespmem:s24+$0x0];
	s23 =	sadd.s32 $0xA300, s1;
	s25 =	sor.u32 s22, s5;
	s24 =	sor.u32 s3, s11  }
0x564: {  	[tilespmem:s16+$0x0] =	vst v14;
	s16 =	sor.u32 s3, s18;
	s31 =	sor.u32 s15, s11;
	s12 =	sor.u32 s15, s18  }
0x565: {  	v14 =	vld [tilespmem:s13+$0x0];
	s13 =	sor.u32 $0x30, s3;
	s21 =	sor.u32 s28, s11;
	s19 =	sor.u32 s28, s18;
	v21 =	vadd.f32 v13, v11  }
0x566: {  	v12 =	vadd.f32 v13, v7;
	[smem:$0x74F] =	sst s25;
	s20 =	sor.u32 s13, s11;
	v59 =	vld [tilespmem:s16+$0x0];
	s16 =	sor.u32 s15, s23  }
0x567: {  	s11 =	sor.u32 s13, s18;
	s18 =	sor.u32 s28, s23;
	v18 =	vadd.f32 v15, v4;
	[tilespmem:s0+$0x0] =	vst v21;
	[smem:$0x750] =	sst s16  }
0x568: {  	v13 =	vadd.f32 v13, v10;
	s25 =	sadd.s32 $0x18580, s1;
	v22 =	vld [tilespmem:s21+$0x100];
	s0 =	sor.u32 s17, s5;
	[smem:$0x751] =	sst s18;
	[tilespmem:s4+$0x0] =	vst v12  }
0x569: {  	s5 =	sadd.s32 $0x18600, s1;
	s16 =	sor.u32 s15, s25;
	[tilespmem:s7+$0x0] =	vst v18;
	s7 =	sadd.s32 $0x18480, s2;
	v12 =	vld [tilespmem:s20+$0x80]  }
0x56a: {  	v19 =	vadd.f32 v15, v0;
	[smem:$0x753] =	sst s16;
	[tilespmem:s8+$0x0] =	vst v13;
	s8 =	sor.u32 s15, s5;
	v23 =	vld [tilespmem:s19+$0x0];
	s18 =	sor.u32 s22, s7  }
0x56b: {  	v18 =	vadd.f32 v14, v8;
	s4 =	sor.u32 s6, s7;
	s19 =	sor.u32 s29, s7;
	v27 =	vld [tilespmem:s14+$0x0];
	s14 =	sadd.s32 $0x18500, s2  }
0x56c: {  	v20 =	vld [tilespmem:s31+$0x100];
	v25 =	vadd.f32 v14, v1;
	[smem:$0x754] =	sst s8;
	[tilespmem:s19+$0x0] =	vst v19;
	s19 =	sor.u32 s17, s7;
	s7 =	sor.u32 s22, s14  }
0x56d: {  	v16 =	vld [tilespmem:s31+$0x80];
	v15 =	vadd.f32 v15, v2;
	s16 =	sor.u32 s17, s14;
	s17 =	sld [smem:$0x76E];
	s22 =	sor.u32 s3, s25;
	[tilespmem:s10+$0x0] =	vst v18  }
0x56e: {  	v14 =	vadd.f32 v14, v5;
	v13 =	vld [tilespmem:s21+$0x80];
	s10 =	sor.u32 s29, s14;
	[smem:$0x759] =	sst s22;
	[tilespmem:s4+$0x0] =	vst v25  }
0x56f: {  	s8 =	sor.u32 s6, s14;
	v18 =	vld [tilespmem:s11+$0x0];
	s22 =	sld [smem:$0x778];
	[tilespmem:s10+$0x0] =	vst v15  }
0x570: {  	s11 =	sor.u32 s3, s23;
	s10 =	sor.u32 s13, s23;
	s23 =	sor.u32 s3, s5;
	v25 =	vld [tilespmem:s12+$0x0];
	[tilespmem:s8+$0x0] =	vst v14;
	v14 =	vadd.f32 v17, v9  }
0x571: {  	v24 =	vadd.f32 v17, v3;
	s2 =	sadd.s32 $0xA380, s1;
	[smem:$0x75B] =	sst s23  }
0x572: {  	s6 =	sadd.s32 $0x18680, s1;
	s14 =	sor.u32 s28, s5;
	v15 =	vld [tilespmem:s24+$0x80];
	s23 =	sld [smem:$0x76F];
	v29 =	vadd.f32 v27, v11;
	[tilespmem:s22+$0x0] =	vst v14  }
0x573: {  	[smem:$0x757] =	sst s14;
	s4 =	sor.u32 s15, s2;
	v30 =	vadd.f32 v27, v7;
	v19 =	vld [tilespmem:s24+$0x100];
	[tilespmem:s26+$0x0] =	vst v24;
	s26 =	sor.u32 s3, s6  }
0x574: {  	s14 =	sadd.s32 $0x16400, s1;
	v14 =	vld [tilespmem:s21+$0x0];
	[tilespmem:s0+$0x0] =	vst v29;
	[smem:$0x75D] =	sst s26;
	s26 =	sor.u32 s3, s2  }
0x575: {  	s8 =	sor.u32 s28, s25;
	v28 =	vadd.f32 v23, v22;
	s22 =	sor.u32 s28, s14;
	v31 =	vld [tilespmem:s23+$0x0];
	v23 =	vadd.f32 v23, v13;
	[tilespmem:s19+$0x0] =	vst v30;
	[smem:$0x75E] =	sst s26  }
0x576: {  	s21 =	sor.u32 s13, s25;
	v37 =	vadd.f32 v18, v12;
	s26 =	sor.u32 s13, s5;
	s5 =	sld [smem:$0x74E];
	v43 =	vld [tilespmem:s20+$0x100]  }
0x577: {  	s25 =	sadd.s32 $0x16480, s1;
	s23 =	sor.u32 s13, s14;
	[tilespmem:s22+$0x0] =	vst v23;
	v45 =	vld [tilespmem:s20+$0x0];
	s20 =	sld [smem:$0x753]  }
0x578: {  	s12 =	sor.u32 s15, s6;
	v60 =	vadd.f32 v27, v10;
	s22 =	sor.u32 s28, s25;
	[tilespmem:s23+$0x0] =	vst v37;
	[smem:$0x75F] =	sst s26  }
0x579: {  	v26 =	vadd.f32 v17, v6;
	v17 =	vld [tilespmem:s17+$0x0];
	s17 =	sor.u32 s15, s14;
	s0 =	sor.u32 s15, s25;
	v61 =	vadd.f32 v25, v16;
	[tilespmem:s22+$0x0] =	vst v28;
	s22 =	sld [smem:$0x772]  }
0x57a: {  	s26 =	sadd.s32 $0xA180, s1;
	[tilespmem:s16+$0x0] =	vst v60;
	s16 =	smov.u32 s10;
	s10 =	sld [smem:$0x758]  }
0x57b: {  	v62 =	vld [tilespmem:s31+$0x0];
	s29 =	sor.u32 s28, s26;
	[tilespmem:s17+$0x0] =	vst v61;
	s19 =	sor.u32 s15, s26;
	s17 =	rddreg [dreg:$0x1a]  }
0x57c: {  	[tilespmem:s5+$0x0] =	vst v26;
	s5 =	sor.u32 s3, s25;
	s25 =	sor.u32 s13, s25;
	s23 =	smov.u32 s20  }
0x57d: {  	v36 =	vld [tilespmem:s9+$0x0];
	s9 =	sor.u32 s3, s26;
	[smem:$0x768] =	sst s25;
	s25 =	sor.u32 s13, s26  }
0x57e: {  	s26 =	sor.u32 s28, s6;
	[dreg:$0x1a] =	wrdreg s23;
	s23 =	smov.u32 s11  }
0x57f: {  	s11 =	smov.u32 s12;
	s12 =	smov.u32 s4;
	s4 =	sld [smem:$0x756]  }
0x580: {  	s6 =	sor.u32 s13, s6;
	[smem:$0x761] =	sst s26  }
0x581: {  	[smem:$0x762] =	sst s6  }
0x582: {  	[smem:$0x772] =	sst s12  }
0x583: {  	s26 =	sor.u32 s13, s2;
	s12 =	sld [smem:$0x75A]  }
0x584: {  	v63 =	vadd.f32 v17, v8;
	s2 =	sor.u32 s28, s2;
	[smem:$0x763] =	sst s26  }
0x585: {  	v32 =	vadd.f32 v17, v1;
	[smem:$0x765] =	sst s2  }
0x586: {  	[tilespmem:s17+$0x0] =	vst v63;
	s17 =	sadd.s32 $0x18780, s1;
	s6 =	sadd.s32 $0x18700, s1;
	s26 =	rddreg [dreg:$0x11]  }
0x587: {  	s2 =	smov.u32 s1;
	s1 =	sld [smem:$0x750];
	[tilespmem:s26+$0x0] =	vst v32;
	s26 =	sor.u32 s3, s6  }
0x588: {  	[smem:$0x766] =	sst s26;
	s26 =	sor.u32 s13, s6  }
0x589: {  	[smem:$0x769] =	sst s26  }
0x58a: {  	s31 =	sor.u32 s15, s6;
	s6 =	sor.u32 s28, s6;
	s26 =	sld [smem:$0x771]  }
0x58b: {  	[smem:$0x76B] =	sst s6  }
0x58c: {  	v34 =	vadd.f32 v17, v5;
	[smem:$0x771] =	sst s11  }
0x58d: {  	v44 =	vld [tilespmem:s29+$0x0];
	s29 =	smov.u32 s28;
	s6 =	sor.u32 s28, s17;
	s11 =	sld [smem:$0x759]  }
0x58e: {  	s28 =	smov.u32 s21;
	s21 =	sld [smem:$0x75D];
	[tilespmem:s26+$0x0] =	vst v34;
	s26 =	sor.u32 s3, s17  }
0x58f: {  	[smem:$0x767] =	sst s26  }
0x590: {  	s26 =	sor.u32 s15, s17;
	v42 =	vld [tilespmem:s22+$0x0];
	s17 =	sor.u32 s13, s17;
	s22 =	sld [smem:$0x74F]  }
0x591: {  	v40 =	vadd.f32 v36, v9;
	[smem:$0x76A] =	sst s17  }
0x592: {  	v41 =	vadd.f32 v36, v3;
	s17 =	smov.u32 s13;
	s13 =	sld [smem:$0x751]  }
0x593: {  	[smem:$0x76C] =	sst s6;
	[tilespmem:s22+$0x0] =	vst v40  }
0x594: {  	[tilespmem:s18+$0x0] =	vst v41;
	s18 =	sld [smem:$0x752]  }
0x595: {  	v23 =	vadd.f32 v36, v6;
	s6 =	smov.u32 s15;
	s15 =	smov.u32 s13;
	s13 =	sld [smem:$0x755]  }
0x596: {  	[smem:$0x76F] =	sst s15  }
0x597: {  	[tilespmem:s7+$0x0] =	vst v23;
	s7 =	smov.u32 s1;
	s1 =	sld [smem:$0x754]  }
0x598: {  	s15 =	sld [smem:$0x770]  }
0x599: {  	v38 =	vadd.f32 v31, v4;
	[smem:$0x770] =	sst s16  }
0x59a: {  	v33 =	vadd.f32 v59, v15;
	s16 =	rddreg [dreg:$0xd]  }
0x59b: {  	s14 =	sor.u32 s3, s14;
	v39 =	vadd.f32 v31, v0;
	v17 =	vadd.f32 v31, v2;
	v2 =	vmov v22;
	[smem:$0x76E] =	sst s7;
	v22 =	vld [tilespmem:s18+$0x0];
	[tilespmem:s13+$0x0] =	vst v38  }
0x59c: {  	v25 =	vadd.f32 v25, v20;
	s20 =	sadd.s32 $0x16500, s2;
	v48 =	vadd.f32 v44, v14;
	v50 =	vld [tilespmem:s24+$0x0];
	[tilespmem:s14+$0x0] =	vst v33;
	s13 =	sld [smem:$0x75B]  }
0x59d: {  	v47 =	vadd.f32 v42, v1;
	v1 =	vmov v16;
	v16 =	vadd.f32 v18, v43;
	s18 =	smov.u32 s8;
	s8 =	sor.u32 s29, s20;
	s14 =	sld [smem:$0x75C];
	v18 =	vld [tilespmem:s15+$0x0];
	[tilespmem:s4+$0x0] =	vst v39  }
0x59e: {  	s24 =	smov.u32 s21;
	[tilespmem:s8+$0x0] =	vst v48;
	s8 =	sld [smem:$0x773]  }
0x59f: {  	[tilespmem:s0+$0x0] =	vst v25;
	s0 =	sor.u32 s6, s20;
	v46 =	vadd.f32 v42, v8;
	[dreg:$0xd] =	wrdreg s24;
	s7 =	smov.u32 s1  }
0x5a0: {  	s22 =	smov.u32 s3;
	s21 =	sadd.s32 $0xA200, s2;
	[dreg:$0x11] =	wrdreg s7;
	v52 =	vadd.f32 v22, v9  }
0x5a1: {  	v25 =	vld [tilespmem:s19+$0x0];
	s3 =	sor.u32 s17, s20;
	s24 =	sor.u32 s22, s21;
	s7 =	sld [smem:$0x757];
	v53 =	vadd.f32 v22, v3;
	[tilespmem:s8+$0x0] =	vst v46  }
0x5a2: {  	s4 =	sor.u32 s22, s20;
	s20 =	smov.u32 s11;
	s1 =	sadd.s32 $0x16580, s2;
	v54 =	vadd.f32 v18, v11;
	[tilespmem:s10+$0x0] =	vst v52  }
0x5a3: {  	v21 =	vadd.f32 v59, v19;
	s19 =	smov.u32 s13;
	s13 =	sadd.s32 $0x16600, s2;
	s10 =	sld [smem:$0x75E];
	[tilespmem:s12+$0x0] =	vst v53  }
0x5a4: {  	s15 =	smov.u32 s7;
	v22 =	vadd.f32 v22, v6;
	s7 =	rddreg [dreg:$0x13];
	[tilespmem:s14+$0x0] =	vst v54;
	s12 =	smov.u32 s31  }
0x5a5: {  	v49 =	vadd.f32 v44, v13;
	s8 =	sor.u32 s17, s13;
	s14 =	sor.u32 s29, s1;
	[tilespmem:s5+$0x0] =	vst v21;
	[smem:$0x773] =	sst s12  }
0x5a6: {  	v6 =	vmov v19;
	v19 =	vadd.f32 v18, v7;
	s12 =	sor.u32 s6, s1;
	[tilespmem:s16+$0x0] =	vst v22;
	s11 =	smov.u32 s10;
	s16 =	rddreg [dreg:$0x10]  }
0x5a7: {  	s5 =	sor.u32 s22, s1;
	[tilespmem:s14+$0x0] =	vst v49;
	s14 =	sor.u32 s29, s21;
	[dreg:$0x13] =	wrdreg s11  }
0x5a8: {  	v51 =	vadd.f32 v44, v2;
	s10 =	sor.u32 s29, s13;
	v58 =	vld [tilespmem:s7+$0x0];
	[tilespmem:s16+$0x0] =	vst v19;
	s11 =	sor.u32 s6, s13;
	s16 =	rddreg [dreg:$0x1b]  }
0x5a9: {  	v18 =	vadd.f32 v18, v10;
	v59 =	vld [tilespmem:s9+$0x0];
	s7 =	sor.u32 s6, s21;
	s9 =	sor.u32 s17, s21;
	s21 =	sld [smem:$0x775]  }
0x5aa: {  	[tilespmem:s10+$0x0] =	vst v51;
	s10 =	sor.u32 s17, s1;
	s1 =	sor.u32 s22, s13;
	s13 =	sld [smem:$0x762]  }
0x5ab: {  	[tilespmem:s16+$0x0] =	vst v18;
	s16 =	sld [smem:$0x75F]  }
0x5ac: {  	v8 =	vmov v62;
	v19 =	vld [tilespmem:s14+$0x0];
	s14 =	rddreg [dreg:$0x18]  }
0x5ad: {  	v56 =	vadd.f32 v25, v8;
	v60 =	vld [tilespmem:s14+$0x0];
	s14 =	sld [smem:$0x760]  }
0x5ae: {  	[tilespmem:s21+$0x0] =	vst v47;
	s21 =	smov.u32 s16;
	s16 =	sld [smem:$0x761]  }
0x5af: {  	[tilespmem:s0+$0x0] =	vst v56;
	s0 =	sld [smem:$0x76B]  }
0x5b0: {  	[dreg:$0x10] =	wrdreg s21  }
0x5b1: {  	s21 =	smov.u32 s16;
	s16 =	smov.u32 s13;
	s13 =	sld [smem:$0x763]  }
0x5b2: {  	[tilespmem:s14+$0x0] =	vst v17;
	s14 =	sld [smem:$0x764]  }
0x5b3: {  	[dreg:$0x1b] =	wrdreg s16  }
0x5b4: {  	s16 =	smov.u32 s13;
	s13 =	sld [smem:$0x766]  }
0x5b5: {  	v18 =	vadd.f32 v58, v9;
	[dreg:$0x18] =	wrdreg s16  }
0x5b6: {  	v55 =	vadd.f32 v25, v1;
	s16 =	rddreg [dreg:$0x1f]  }
0x5b7: {  	[tilespmem:s16+$0x0] =	vst v18;
	s16 =	sld [smem:$0x765]  }
0x5b8: {  	[tilespmem:s12+$0x0] =	vst v55;
	s12 =	sld [smem:$0x769]  }
0x5b9: {  	v18 =	vld [tilespmem:s14+$0x0];
	s14 =	sld [smem:$0x777]  }
0x5ba: {  	s31 =	smov.u32 s16;
	s16 =	smov.u32 s13;
	s13 =	sld [smem:$0x767]  }
0x5bb: {  	[dreg:$0x1f] =	wrdreg s16  }
0x5bc: {  	v5 =	vmov v20;
	s16 =	smov.u32 s26;
	s26 =	sld [smem:$0x774]  }
0x5bd: {  	v57 =	vadd.f32 v25, v5;
	v25 =	vadd.f32 v58, v3;
	[smem:$0x775] =	sst s16;
	s16 =	smov.u32 s13  }
0x5be: {  	v9 =	vmov v50;
	[smem:$0x774] =	sst s16  }
0x5bf: {  	v26 =	vadd.f32 v59, v9;
	[tilespmem:s26+$0x0] =	vst v25;
	s26 =	sld [smem:$0x768]  }
0x5c0: {  	s16 =	sld [smem:$0x76A]  }
0x5c1: {  	v63 =	vadd.f32 v60, v11;
	s13 =	smov.u32 s12;
	[tilespmem:s4+$0x0] =	vst v26;
	s4 =	rddreg [dreg:$0x1d]  }
0x5c2: {  	v3 =	vmov v15;
	[dreg:$0x1d] =	wrdreg s13;
	[tilespmem:s26+$0x0] =	vst v16;
	v16 =	vadd.f32 v60, v7  }
0x5c3: {  	v17 =	vadd.f32 v59, v3;
	v61 =	vadd.f32 v19, v13;
	s13 =	sld [smem:$0x776];
	[tilespmem:s4+$0x0] =	vst v63  }
0x5c4: {  	p2 =	slt.u32 s30, $0x3C;
	v7 =	vmovc v12;
	v12 =	vadd.f32 v18, v4;
	v18 =	vadd.f32 v18, v0;
	v0 =	vmov v13;
	v13 =	vld [tilespmem:s25+$0x0];
	[tilespmem:s14+$0x0] =	vst v16;
	s14 =	sld [smem:$0x76C]  }
0x5c5: {  	[tilespmem:s11+$0x0] =	vst v57;
	s12 =	smov.u32 s0;
	s0 =	sadd.s32 $0x16680, s2;
	s26 =	rddreg [dreg:$0x19]  }
0x5c6: {  	s11 =	sor.u32 s6, s0;
	[tilespmem:s5+$0x0] =	vst v17;
	[dreg:$0x19] =	wrdreg s12;
	s25 =	smov.u32 s16  }
0x5c7: {  	v62 =	vadd.f32 v19, v14;
	s5 =	sadd.s32 $0x18400, s2;
	[tilespmem:s26+$0x0] =	vst v12;
	[smem:$0x777] =	sst s25;
	s16 =	smov.u32 s14  }
0x5c8: {  	v11 =	vmov v45;
	s26 =	sor.u32 s29, s0;
	[tilespmem:s13+$0x0] =	vst v18;
	s25 =	sadd.s32 $0x16700, s2;
	[smem:$0x776] =	sst s16  }
0x5c9: {  	v4 =	vmov v14;
	v12 =	vld [tilespmem:s7+$0x0];
	s7 =	sor.u32 s29, s5;
	[tilespmem:s26+$0x0] =	vst v62;
	s14 =	sor.u32 s29, s25;
	s16 =	sld [smem:$0x76D];
	v14 =	vadd.f32 v13, v11  }
.Ltmp8:
0x5ca: {  	v10 =	vmov v43;
	s13 =	sor.u32 s22, s0;
	s0 =	sor.u32 s17, s0;
	[tilespmem:s14+$0x0] =	vst v61;
	v16 =	vadd.f32 v13, v7;
	(pc) =	sbr.rel @p2 .LBB2_14-.Ltmp8, $4  }
0x5cb: {  	[smem:$0x778] =	sst s13;
	s12 =	sor.u32 s6, s25;
	s4 =	sor.u32 s17, s25;
	v13 =	vadd.f32 v13, v10;
	[tilespmem:s3+$0x0] =	vst v14  }
0x5cc: {  	v19 =	vadd.f32 v19, v2;
	s26 =	sor.u32 s22, s25;
	s3 =	sadd.s32 $0x16780, s2;
	s25 =	sadd.s32 $0x40, s16;
	[tilespmem:s10+$0x0] =	vst v16  }
0x5cd: {  	v15 =	vadd.f32 v59, v6;
	s10 =	sadd.s32 $0xA280, s2;
	s14 =	sor.u32 s29, s3;
	s16 =	sor.u32 s6, s3;
	[tilespmem:s8+$0x0] =	vst v13  }
0x5ce: {  	v14 =	vadd.f32 v12, v5;
	v16 =	vadd.f32 v12, v8;
	s8 =	sor.u32 s17, s3;
	s13 =	sor.u32 s6, s10;
	[tilespmem:s14+$0x0] =	vst v19;
	s14 =	sor.u32 s29, s10;
	v13 =	vld [tilespmem:s9+$0x0]  }
0x5cf: {  	_ =	sdelay $0x1  }
0x5d0: {  	[tilespmem:s1+$0x0] =	vst v15;
	v12 =	vadd.f32 v12, v1  }
0x5d1: {  	v63 =	vld [tilespmem:s14+$0x0];
	[tilespmem:s11+$0x0] =	vst v16  }
0x5d2: {  	[tilespmem:s12+$0x0] =	vst v12;
	v62 =	vadd.f32 v13, v11  }
0x5d3: {  	v15 =	vld [tilespmem:s24+$0x0];
	[tilespmem:s16+$0x0] =	vst v14;
	v19 =	vadd.f32 v13, v7  }
0x5d4: {  	v20 =	vadd.f32 v13, v10;
	[tilespmem:s0+$0x0] =	vst v62  }
0x5d5: {  	[tilespmem:s4+$0x0] =	vst v19  }
0x5d6: {  	v21 =	vld [tilespmem:s13+$0x0];
	v25 =	vadd.f32 v63, v4;
	[tilespmem:s8+$0x0] =	vst v20  }
0x5d7: {  	s30 =	sadd.s32 $0x18480, s2;
	v27 =	vadd.f32 v63, v0;
	s0 =	sld [smem:$0x778]  }
0x5d8: {  	v22 =	vadd.f32 v15, v9;
	s4 =	sor.u32 s29, s30;
	[tilespmem:s7+$0x0] =	vst v25  }
0x5d9: {  	v23 =	vadd.f32 v15, v3;
	[tilespmem:s4+$0x0] =	vst v27  }
0x5da: {  	v24 =	vadd.f32 v15, v6;
	[tilespmem:s0+$0x0] =	vst v22  }
0x5db: {  	s25 =	sor.u32 s17, s10;
	s24 =	sor.u32 s22, s3;
	v17 =	vadd.f32 v21, v8;
	[tilespmem:s26+$0x0] =	vst v23  }
0x5dc: {  	v30 =	vadd.f32 v63, v2;
	s8 =	sadd.s32 $0x18500, s2;
	v26 =	vld [tilespmem:s25+$0x0];
	s7 =	sor.u32 s6, s5;
	s26 =	sor.u32 s22, s10;
	[tilespmem:s24+$0x0] =	vst v24  }
0x5dd: {  	v29 =	vadd.f32 v21, v1;
	s11 =	sor.u32 s29, s8;
	[tilespmem:s7+$0x0] =	vst v17;
	v28 =	vld [tilespmem:s26+$0x0]  }
0x5de: {  	s9 =	sor.u32 s6, s30;
	v13 =	vadd.f32 v21, v5;
	[tilespmem:s11+$0x0] =	vst v30  }
0x5df: {  	[tilespmem:s9+$0x0] =	vst v29;
	s10 =	sor.u32 s6, s8  }
0x5e0: {  	[tilespmem:s10+$0x0] =	vst v13  }
0x5e1: {  	v31 =	vadd.f32 v26, v11;
	s13 =	sld [smem:$0x76E]  }
0x5e2: {  	s12 =	sor.u32 s17, s5;
	v32 =	vadd.f32 v28, v9  }
0x5e3: {  	s14 =	sor.u32 s22, s5;
	[tilespmem:s12+$0x0] =	vst v31;
	v34 =	vadd.f32 v28, v3  }
0x5e4: {  	s16 =	sor.u32 s22, s30;
	v33 =	vld [tilespmem:s13+$0x0];
	v12 =	vadd.f32 v28, v6;
	[tilespmem:s14+$0x0] =	vst v32  }
0x5e5: {  	s24 =	sor.u32 s22, s8;
	v35 =	vadd.f32 v26, v7;
	[tilespmem:s16+$0x0] =	vst v34  }
0x5e6: {  	s1 =	sor.u32 s17, s30;
	v37 =	vadd.f32 v26, v10;
	s25 =	sld [smem:$0x76F];
	[tilespmem:s24+$0x0] =	vst v12  }
0x5e7: {  	s0 =	sor.u32 s17, s8;
	[tilespmem:s1+$0x0] =	vst v35  }
0x5e8: {  	v38 =	vld [tilespmem:s23+$0x0];
	[tilespmem:s0+$0x0] =	vst v37  }
0x5e9: {  	v39 =	vadd.f32 v33, v8;
	s0 =	sld [smem:$0x770]  }
0x5ea: {  	s26 =	rddreg [dreg:$0x1a]  }
0x5eb: {  	v41 =	vadd.f32 v33, v1;
	v36 =	vld [tilespmem:s25+$0x0];
	[tilespmem:s26+$0x0] =	vst v39  }
0x5ec: {  	v40 =	vld [tilespmem:s0+$0x0];
	s0 =	rddreg [dreg:$0x11]  }
0x5ed: {  	[tilespmem:s0+$0x0] =	vst v41;
	v44 =	vadd.f32 v38, v9  }
0x5ee: {  	v45 =	vadd.f32 v38, v3;
	s0 =	sld [smem:$0x771]  }
0x5ef: {  	v42 =	vadd.f32 v33, v5;
	[tilespmem:s20+$0x0] =	vst v44  }
0x5f0: {  	v43 =	vadd.f32 v36, v4;
	[tilespmem:s19+$0x0] =	vst v45  }
0x5f1: {  	[tilespmem:s0+$0x0] =	vst v42;
	v46 =	vadd.f32 v40, v11  }
0x5f2: {  	[tilespmem:s18+$0x0] =	vst v43  }
0x5f3: {  	v47 =	vadd.f32 v38, v6;
	s0 =	sld [smem:$0x772];
	[tilespmem:s28+$0x0] =	vst v46  }
0x5f4: {  	s28 =	rddreg [dreg:$0xd]  }
0x5f5: {  	v49 =	vadd.f32 v40, v7;
	[tilespmem:s28+$0x0] =	vst v47  }
0x5f6: {  	v52 =	vadd.f32 v36, v0;
	s29 =	rddreg [dreg:$0x10]  }
0x5f7: {  	v50 =	vadd.f32 v40, v10;
	v48 =	vld [tilespmem:s0+$0x0];
	s0 =	rddreg [dreg:$0x13];
	[tilespmem:s29+$0x0] =	vst v49  }
0x5f8: {  	v53 =	vadd.f32 v36, v2;
	v51 =	vld [tilespmem:s0+$0x0];
	s0 =	rddreg [dreg:$0x1b];
	[tilespmem:s15+$0x0] =	vst v52  }
0x5f9: {  	[tilespmem:s0+$0x0] =	vst v50  }
0x5fa: {  	s0 =	rddreg [dreg:$0x18];
	[tilespmem:s21+$0x0] =	vst v53  }
0x5fb: {  	s30 =	sld [smem:$0x773]  }
0x5fc: {  	v55 =	vadd.f32 v48, v8;
	_ =	sdelay $0x1  }
0x5fd: {  	[tilespmem:s30+$0x0] =	vst v55  }
0x5fe: {  	v54 =	vld [tilespmem:s0+$0x0];
	s0 =	sld [smem:$0x775]  }
0x5ff: {  	v57 =	vadd.f32 v48, v1;
	_ =	sdelay $0x1  }
0x600: {  	v58 =	vadd.f32 v51, v9;
	[tilespmem:s0+$0x0] =	vst v57  }
0x601: {  	s0 =	rddreg [dreg:$0x1f]  }
0x602: {  	[tilespmem:s0+$0x0] =	vst v58  }
0x603: {  	s0 =	sld [smem:$0x774]  }
0x604: {  	v59 =	vadd.f32 v51, v3;
	_ =	sdelay $0x1  }
0x605: {  	v60 =	vadd.f32 v54, v11;
	[tilespmem:s0+$0x0] =	vst v59  }
0x606: {  	v56 =	vld [tilespmem:s31+$0x0];
	s0 =	rddreg [dreg:$0x1d]  }
0x607: {  	[tilespmem:s0+$0x0] =	vst v60  }
0x608: {  	s0 =	sld [smem:$0x777]  }
0x609: {  	v61 =	vadd.f32 v54, v7;
	_ =	sdelay $0x1  }
0x60a: {  	v62 =	vadd.f32 v56, v4;
	[tilespmem:s0+$0x0] =	vst v61  }
0x60b: {  	s0 =	rddreg [dreg:$0x19]  }
0x60c: {  	[tilespmem:s0+$0x0] =	vst v62  }
0x60d: {  	s0 =	sld [smem:$0x776]  }
0x60e: {  	v63 =	vadd.f32 v56, v0;
	_ =	sdelay $0x1  }
.Ltmp9:
0x60f: {  	[tilespmem:s0+$0x0] =	vst v63;
	(pc) =	sbr.rel @p1 .LBB2_19-.Ltmp9, $3  }
0x610: {  	s1 =	sld [smem:$0x7FA];
	_ =	sdelay $0x1  }
0x611: {  	s31 =	simm.s32 $0x16400;
	s0 =	simm.s32 $0x0;
	s2 =	sld [smem:$0x7F3]  }
0x612: {  	[hbm4b:s1+s0] =	stream.linear.scatter [tilespmem:s31], [sflag:$0x4], $0x4000, $0x38;
	[tilespmem:$0x1A400] =	vst v63  }
0x613: {  	s1 =	simm.s32 $0x0  }
0x614: {  	s2 =	simm.s32 $0x0;
	s1 =	sand.u32 $0x3FFFFC00, s1  }
0x615: {  	s3 =	sand.u32 $0x40, s0;
	s2 =	sand.u32 $0x3FFFFE00, s2;
	s1 =	sadd.s32 $0xA380, s1  }
0x616: {  	s2 =	sadd.s32 $0xD000, s2;
	s4 =	sor.u32 s3, s1  }
0x617: {  	s7 =	simm.s32 $0xE000;
	s6 =	sor.u32 $0x30, s3;
	s5 =	sor.u32 s3, s2;
	v6 =	vld [tilespmem:s4+$0x0]  }
0x618: {  	s24 =	sand.u32 $0x380, s0;
	s0 =	simm.s32 $0x4;
	s21 =	sor.u32 s6, s1;
	v7 =	vld [tilespmem:s5+$0x100]  }
0x619: {  	s11 =	sor.u32 $0x10, s3;
	s13 =	sor.u32 $0x20, s3;
	s8 =	sor.u32 s6, s2;
	v1 =	vld [tilespmem:s21+$0x0]  }
0x61a: {  	s25 =	simm.s32 $0x200;
	s23 =	sor.u32 s13, s1;
	s1 =	sor.u32 s11, s1;
	v3 =	vld [tilespmem:s8+$0x100]  }
0x61b: {  	s26 =	simm.s32 $0x100;
	s22 =	sor.u32 s11, s2;
	s2 =	sor.u32 s13, s2;
	v8 =	vld [tilespmem:s1+$0x0]  }
0x61c: {  	s14 =	sor.u32 $0xE000, s24;
	s3 =	sand.u32 $0x3FFFFC00, s25;
	s1 =	simm.s32 $0x40;
	v4 =	vld [tilespmem:s2+$0x100]  }
0x61d: {  	s8 =	sand.u32 $0x3FFFFE00, s26;
	s12 =	sadd.s32 $0xA380, s3;
	v5 =	vld [tilespmem:s23+$0x0];
	s28 =	sand.u32 $0x40, s1  }
0x61e: {  	s6 =	sor.u32 s6, s14;
	v9 =	vld [tilespmem:s22+$0x100];
	s15 =	sadd.s32 $0xD000, s8;
	s29 =	sor.u32 s28, s12  }
0x61f: {  	s4 =	simm.s32 $0xE040;
	s30 =	sor.u32 s28, s15;
	s9 =	sor.u32 $0x30, s28;
	v0 =	vld [tilespmem:s29+$0x0]  }
0x620: {  	s3 =	sor.u32 $0x10, s28;
	s2 =	sor.u32 $0x20, s28;
	v2 =	vld [tilespmem:s30+$0x100];
	s31 =	sor.u32 s9, s12  }
0x621: {  	s5 =	sor.u32 s3, s15;
	s10 =	sor.u32 s2, s15;
	s15 =	sor.u32 s9, s15;
	v1 =	vadd.f32 v3, v1;
	v3 =	vld [tilespmem:s31+$0x0]  }
0x622: {  	s16 =	sand.u32 $0x380, s1;
	s8 =	sor.u32 s2, s12;
	s12 =	sor.u32 s3, s12;
	v4 =	vadd.f32 v4, v5;
	v5 =	vld [tilespmem:s15+$0x100]  }
0x623: {  	v7 =	vadd.f32 v7, v6;
	v6 =	vadd.f32 v9, v8;
	[tilespmem:s6+$0x0] =	vst v1;
	v1 =	vld [tilespmem:s12+$0x0];
	s6 =	sor.u32 $0xE000, s16;
	s12 =	sor.u32 s11, s14;
	s11 =	sor.u32 s13, s14  }
.LBB2_17:
0x624: {  	s0 =	sadd.s32 $0x4, s0;
	s1 =	sadd.s32 $0x40, s1  }
0x625: {  	s13 =	sor.u32 s9, s6;
	[tilespmem:s7+$0x0] =	vst v7;
	v7 =	vmov v2;
	s7 =	sand.u32 $0x40, s1;
	s9 =	sshll.u32 s0, $0x7  }
0x626: {  	s14 =	sshll.u32 s0, $0x6;
	[tilespmem:s12+$0x0] =	vst v6;
	p2 =	slt.u32 s0, $0x3C;
	s9 =	sand.u32 $0x3FFFFC00, s9  }
0x627: {  	v2 =	vadd.f32 v5, v3;
	s12 =	sand.u32 $0x3FFFFE00, s14;
	s14 =	sor.u32 $0x10, s7;
	v6 =	vld [tilespmem:s10+$0x100];
	[tilespmem:s11+$0x0] =	vst v4;
	s15 =	sor.u32 $0x20, s7  }
0x628: {  	s11 =	sadd.s32 $0xA380, s9;
	s12 =	sadd.s32 $0xD000, s12;
	v4 =	vld [tilespmem:s8+$0x0];
	s9 =	sor.u32 $0x30, s7  }
0x629: {  	s8 =	sor.u32 s7, s11;
	s16 =	sor.u32 s7, s12;
	v8 =	vld [tilespmem:s5+$0x100];
	[tilespmem:s13+$0x0] =	vst v2;
	s5 =	sor.u32 s14, s12  }
0x62a: {  	s10 =	sor.u32 s15, s12;
	s7 =	sor.u32 s14, s11;
	v9 =	vld [tilespmem:s8+$0x0];
	s8 =	sor.u32 s15, s11  }
.Ltmp10:
0x62b: {  	s12 =	sor.u32 s9, s12;
	s11 =	sor.u32 s9, s11;
	v2 =	vld [tilespmem:s16+$0x100];
	(pc) =	sbr.rel @p2 .LBB2_17-.Ltmp10, $4  }
0x62c: {  	s13 =	sand.u32 $0x380, s1;
	v3 =	vld [tilespmem:s11+$0x0];
	s11 =	smov.u32 s3  }
0x62d: {  	s3 =	smov.u32 s14;
	s14 =	smov.u32 s2;
	s2 =	smov.u32 s15;
	v5 =	vld [tilespmem:s12+$0x100];
	v4 =	vadd.f32 v6, v4  }
0x62e: {  	v7 =	vadd.f32 v7, v0;
	v6 =	vadd.f32 v8, v1;
	v1 =	vld [tilespmem:s7+$0x0];
	s7 =	smov.u32 s4;
	s4 =	sadd.s32 $0x40, s4  }
0x62f: {  	s12 =	sor.u32 s11, s6;
	s11 =	sor.u32 s14, s6;
	s6 =	sor.u32 $0xE000, s13;
	v0 =	vmov v9  }
.Ltmp11:
0x630: {  	_ = 	snop;
	(pc) =	sbr.rel .LBB2_18-.Ltmp11, $1  }
0x631: {  	_ =	sdelay $0x3  }
.LBB2_20:
0x632: {  	_ =	sfence.sel $0x180000  }
0x633: {  	[bflag:$0x0] =	sbarrier.arrive $0xFFFF  }
0x634: {  	_ =	strace $0x90000047  }
0x635: {  	s0 =	stileid.u32;
	[bflag:$0x2] =	sbarrier.arrive $0xFFFF  }
0x636: {  	p0 =	sne.s32 s0, $0x0;
	s0 =	rddreg [dreg:$0x4]  }
0x637: {  	s0 =	sadd.s32 @!p0 $0x100000, s0  }
0x638: {  	[sflag:s0] =	ssyncadd.tile.s32 @!p0 $0x1;
	_ =	shalt  }
.Lfunc_end2:
_tile_overlayer_lowered:
.L_overlay_start_2:
0x639: {  	(tag) =	ssettag $0x2  }
0x63a: {  	s0 =	rddreg [dreg:$0x0];
	s2 =	stileid.u32  }
0x63b: {  	s1 =	rddreg [dreg:$0x1];
	p0 =	sne.s32 s2, $0x0  }
0x63c: {  	s3 =	rddreg [dreg:$0x2];
	[bflag:$0x3] =	sbarrier.arrive $0xFFFF;
	s2 =	simm.s32 @!p0 $0x1C05  }
0x63d: {  	[timem:s3], [sflag:s2] =	dma.local @!p0 [hbm:s0], s1  }
0x63e: {  	s0 =	simm.s32 @!p0 $0x5  }
0x63f: {  	_ =	swait.ge @!p0 [sflag:s0], s1  }
0x640: {  	s1 =	ssub.s32 @!p0 $0x0, s1;
	[sflag:s0] =	ssyncset.done @!p0 $0x0  }
0x641: {  	[sflag:s0] =	ssyncadd.s32 @!p0 s1  }
0x642: {  	[bflag:$0x3] =	sbarrier.arrive $0xFFFF  }
0x643: {  	_ =	shalt  }

</sc_bundles>
